<compile_context>
chip_gen: v7x
topology: tpu7x:2x2x1
jax: 0.10.2.dev20260603
libtpu: 0.0.44.dev20260713+nightly
codegen_flags: <defaults>
</compile_context>

<pallas_src>
import functools

import jax
import jax.numpy as jnp
from jax import lax
from jax.experimental import pallas as pl
from jax.experimental.pallas import tpu as pltpu
from jax.experimental.pallas import tpu_sc as plsc

N = 10000
E = 320000
DF = 128
NH = 256
G = 16
NC = 2
NS = 16
EK = 128
NCHP = 2560
Q = 64
RW = 632
WCH = 40


@functools.cache
def _get_mesh():
    return plsc.VectorSubcoreMesh(
        core_axis_name="c", subcore_axis_name="s",
        num_cores=NC, num_subcores=NS)


def _row_base(sid):
    return jnp.minimum(sid * RW, N - RW)


@functools.cache
def _get_sc_deg():
    nch = NCHP // (NC * NS)

    @functools.partial(
        pl.kernel,
        out_type=jax.ShapeDtypeStruct((2 * N, Q), jnp.float32),
        mesh=_get_mesh(),
        scratch_types=[
            pltpu.VMEM_SHARED((N + 8, Q), jnp.float32),
            pltpu.VMEM((nch, EK), jnp.int32),
            pltpu.VMEM((EK, Q), jnp.float32),
            pltpu.SemaphoreType.DMA,
            pltpu.SemaphoreType.DMA,
        ],
    )
    def _sc_deg(dst_hbm, z_hbm, o_hbm, deg_hbm, acc, didx, ones_v, s0, s1):
        cid = lax.axis_index("c")
        sid = lax.axis_index("s")
        r0 = _row_base(sid)
        pltpu.sync_copy(z_hbm, acc.at[pl.ds(r0, RW)])
        pltpu.sync_copy(o_hbm, ones_v)
        base = (cid * NS + sid) * nch
        pltpu.sync_copy(dst_hbm.at[pl.ds(base, nch)], didx)
        plsc.subcore_barrier()
        sems = (s0, s1)

        def issue(c, b):
            pltpu.async_copy(ones_v, acc.at[didx.at[c]], sems[b], add=True)

        def drain(b):
            pltpu.make_async_copy(ones_v, acc.at[didx.at[0]],
                                  sems[b]).wait()

        issue(0, 0)
        issue(1, 1)

        def pair(k, carry):
            drain(0)
            issue(2 * k + 2, 0)
            drain(1)
            issue(2 * k + 3, 1)
            return carry

        lax.fori_loop(0, nch // 2 - 1, pair, 0)
        drain(0)
        drain(1)
        plsc.subcore_barrier()
        pltpu.sync_copy(acc.at[pl.ds(r0, RW)],
                        deg_hbm.at[pl.ds(cid * N + r0, RW)])

    return _sc_deg


@functools.cache
def _get_sc_scatter(nq):
    nch = NCHP // NS
    nwin = nch // WCH

    @functools.partial(
        pl.kernel,
        out_type=jax.ShapeDtypeStruct((2 * nq * N, Q), jnp.float32),
        mesh=_get_mesh(),
        scratch_types=[
            pltpu.VMEM_SHARED((N + 8, Q), jnp.float32),
            pltpu.VMEM_SHARED((N + 8, Q), jnp.float32),
            pltpu.VMEM((WCH, EK), jnp.int32),
            pltpu.VMEM((WCH, EK), jnp.int32),
            pltpu.VMEM((EK, Q), jnp.float32),
            pltpu.VMEM((EK, Q), jnp.float32),
            pltpu.SemaphoreType.DMA,
            pltpu.SemaphoreType.DMA,
            pltpu.SemaphoreType.DMA,
            pltpu.SemaphoreType.DMA,
        ],
    )
    def _sc_scatter(src_hbm, dst_hbm, y_hbm, z_hbm, s_hbm,
                    acc, ysp, sidx, didx, rows0, rows1, g0, g1, p0, p1):
        cid = lax.axis_index("c")
        sid = lax.axis_index("s")
        r0 = _row_base(sid)
        base = sid * nch
        rows = (rows0, rows1)
        gsem = (g0, g1)
        psem = (p0, p1)

        def gather(c, b):
            pltpu.async_copy(ysp.at[sidx.at[c]], rows[b], gsem[b])

        def gather_wait(b):
            pltpu.make_async_copy(ysp.at[sidx.at[0]], rows[b],
                                  gsem[b]).wait()

        def scat(c, b):
            pltpu.async_copy(rows[b], acc.at[didx.at[c]], psem[b], add=True)

        def scat_wait(b):
            pltpu.make_async_copy(rows[b], acc.at[didx.at[0]],
                                  psem[b]).wait()

        def window(w, carry):
            wb = base + w * WCH
            pltpu.sync_copy(src_hbm.at[pl.ds(wb, WCH)], sidx)
            pltpu.sync_copy(dst_hbm.at[pl.ds(wb, WCH)], didx)
            gather(0, 0)
            gather(1, 1)

            def pair(k, carry2):
                c0 = 2 * k
                gather_wait(0)
                scat(c0, 0)

                @pl.when(c0 + 2 < WCH)
                def _():
                    scat_wait(0)
                    gather(c0 + 2, 0)

                gather_wait(1)
                scat(c0 + 1, 1)

                @pl.when(c0 + 3 < WCH)
                def _():
                    scat_wait(1)
                    gather(c0 + 3, 1)
                return carry2

            lax.fori_loop(0, WCH // 2, pair, 0)
            scat_wait(0)
            scat_wait(1)
            return carry

        for qi in range(nq):
            qrow = (cid * nq + qi) * N
            pltpu.sync_copy(z_hbm, acc.at[pl.ds(r0, RW)])
            pltpu.sync_copy(y_hbm.at[pl.ds(qrow + r0, RW)],
                            ysp.at[pl.ds(r0, RW)])
            plsc.subcore_barrier()
            lax.fori_loop(0, nwin, window, 0)
            plsc.subcore_barrier()
            pltpu.sync_copy(acc.at[pl.ds(r0, RW)],
                            s_hbm.at[pl.ds(qrow + r0, RW)])
            if qi + 1 < nq:
                plsc.subcore_barrier()

    return _sc_scatter


R = 1000
GRID = N // R


def _tc_prep_body(deg0, deg1, xb, batchb, dinv_ref, y_ref, cnt_ref):
    i = pl.program_id(0)
    deg = deg0[:, 0:1] + deg1[:, 0:1] + 1.0
    dinv = lax.rsqrt(deg)
    dinv_ref[...] = dinv
    y = dinv * xb[...]
    for q in range(DF // Q):
        y_ref[q] = y[:, q * Q:(q + 1) * Q]
    b = batchb[...]
    oh = (b == lax.broadcasted_iota(jnp.int32, (1, G), 1)).astype(jnp.float32)

    @pl.when(i == 0)
    def _():
        cnt_ref[...] = jnp.zeros_like(cnt_ref)

    cnt_ref[...] += lax.dot_general(
        oh, jnp.ones((R, 128), jnp.float32),
        (((0,), (0,)), ((), ())), preferred_element_type=jnp.float32)


_tc_prep = pl.pallas_call(
    _tc_prep_body,
    grid=(GRID,),
    in_specs=[
        pl.BlockSpec((R, Q), lambda i: (i, 0)),
        pl.BlockSpec((R, Q), lambda i: (GRID + i, 0)),
        pl.BlockSpec((R, DF), lambda i: (i, 0)),
        pl.BlockSpec((R, 1), lambda i: (i, 0)),
    ],
    out_specs=[
        pl.BlockSpec((R, 1), lambda i: (i, 0)),
        pl.BlockSpec((DF // Q, R, Q), lambda i: (0, i, 0)),
        pl.BlockSpec((G, 128), lambda i: (0, 0)),
    ],
    out_shape=[
        jax.ShapeDtypeStruct((N, 1), jnp.float32),
        jax.ShapeDtypeStruct((DF // Q, N, Q), jnp.float32),
        jax.ShapeDtypeStruct((G, 128), jnp.float32),
    ],
)


def _pool_update(i, b, hb, gmax_ref, gsum_ref):
    oh = (b == lax.broadcasted_iota(jnp.int32, (1, G), 1)).astype(jnp.float32)
    gs = lax.dot_general(oh, hb, (((0,), (0,)), ((), ())),
                         preferred_element_type=jnp.float32)

    @pl.when(i == 0)
    def _():
        gmax_ref[...] = jnp.zeros_like(gmax_ref)
        gsum_ref[...] = jnp.zeros_like(gsum_ref)

    gsum_ref[...] += gs
    for g in range(G):
        vals = jnp.where(b == g, hb, 0.0)
        bm = jnp.max(vals, axis=0, keepdims=True)
        gmax_ref[pl.ds(g, 1), :] = jnp.maximum(gmax_ref[pl.ds(g, 1), :], bm)


def _concat_s(s_refs):
    return jnp.concatenate([r[...] for r in s_refs], axis=1)


def _make_tc_layer(din):
    nsq = din // Q

    def body(*refs):
        s_refs = refs[:nsq]
        hp, dinv, batchb, W, bb, h_ref, yn_ref, gmax_ref, gsum_ref = refs[nsq:]
        i = pl.program_id(0)
        dv = dinv[...]
        agg = dv * _concat_s(s_refs) + (dv * dv) * hp[...]
        hb = jnp.maximum(
            jnp.dot(agg, W[...], preferred_element_type=jnp.float32)
            + bb[...], 0.0)
        h_ref[...] = hb
        yn = dv * hb
        for q in range(NH // Q):
            yn_ref[q] = yn[:, q * Q:(q + 1) * Q]
        _pool_update(i, batchb[...], hb, gmax_ref, gsum_ref)

    def s_spec(q):
        return pl.BlockSpec((R, Q), lambda i, q=q: (q * GRID + i, 0))

    return pl.pallas_call(
        body,
        grid=(GRID,),
        in_specs=[s_spec(q) for q in range(nsq)] + [
            pl.BlockSpec((R, din), lambda i: (i, 0)),
            pl.BlockSpec((R, 1), lambda i: (i, 0)),
            pl.BlockSpec((R, 1), lambda i: (i, 0)),
            pl.BlockSpec((din, NH), lambda i: (0, 0)),
            pl.BlockSpec((1, NH), lambda i: (0, 0)),
        ],
        out_specs=[
            pl.BlockSpec((R, NH), lambda i: (i, 0)),
            pl.BlockSpec((NH // Q, R, Q), lambda i: (0, i, 0)),
            pl.BlockSpec((G, NH), lambda i: (0, 0)),
            pl.BlockSpec((G, NH), lambda i: (0, 0)),
        ],
        out_shape=[
            jax.ShapeDtypeStruct((N, NH), jnp.float32),
            jax.ShapeDtypeStruct((NH // Q, N, Q), jnp.float32),
            jax.ShapeDtypeStruct((G, NH), jnp.float32),
            jax.ShapeDtypeStruct((G, NH), jnp.float32),
        ],
    )


_tc_layer1 = _make_tc_layer(DF)
_tc_layer2 = _make_tc_layer(NH)


def _tc_final_body(*refs):
    nsq = NH // Q
    s_refs = refs[:nsq]
    (hp, dinv, batchb, W, bb, gmax1, gsum1, gmax2, gsum2, cnt,
     lw1, lb1, lw2, lb2, lw3, lb3, out_ref, gmax_ref, gsum_ref) = refs[nsq:]
    i = pl.program_id(0)
    dv = dinv[...]
    agg = dv * _concat_s(s_refs) + (dv * dv) * hp[...]
    hb = jnp.maximum(
        jnp.dot(agg, W[...], preferred_element_type=jnp.float32) + bb[...],
        0.0)
    _pool_update(i, batchb[...], hb, gmax_ref, gsum_ref)

    @pl.when(i == GRID - 1)
    def _():
        c = jnp.maximum(cnt[...][:, 0:1], 1.0)
        xo = (jnp.maximum(jnp.concatenate(
                  [gmax1[...], gsum1[...] / c], axis=1), 0.0)
              + jnp.maximum(jnp.concatenate(
                  [gmax2[...], gsum2[...] / c], axis=1), 0.0)
              + jnp.maximum(jnp.concatenate(
                  [gmax_ref[...], gsum_ref[...] / c], axis=1), 0.0))
        o = jnp.maximum(
            jnp.dot(xo, lw1[...], preferred_element_type=jnp.float32)
            + lb1[...], 0.0)
        o = jnp.maximum(
            jnp.dot(o, lw2[...], preferred_element_type=jnp.float32)
            + lb2[...], 0.0)
        o = (jnp.dot(o, lw3[...], preferred_element_type=jnp.float32)
             + lb3[...])
        m = jnp.max(o, axis=-1, keepdims=True)
        z = o - m
        out_ref[...] = z - jnp.log(jnp.sum(jnp.exp(z), axis=-1,
                                           keepdims=True))


def _s_spec_final(q):
    return pl.BlockSpec((R, Q), lambda i, q=q: (q * GRID + i, 0))


_tc_final = pl.pallas_call(
    _tc_final_body,
    grid=(GRID,),
    in_specs=[_s_spec_final(q) for q in range(NH // Q)] + [
        pl.BlockSpec((R, NH), lambda i: (i, 0)),
        pl.BlockSpec((R, 1), lambda i: (i, 0)),
        pl.BlockSpec((R, 1), lambda i: (i, 0)),
        pl.BlockSpec((NH, NH), lambda i: (0, 0)),
        pl.BlockSpec((1, NH), lambda i: (0, 0)),
        pl.BlockSpec((G, NH), lambda i: (0, 0)),
        pl.BlockSpec((G, NH), lambda i: (0, 0)),
        pl.BlockSpec((G, NH), lambda i: (0, 0)),
        pl.BlockSpec((G, NH), lambda i: (0, 0)),
        pl.BlockSpec((G, 128), lambda i: (0, 0)),
        pl.BlockSpec((2 * NH, NH), lambda i: (0, 0)),
        pl.BlockSpec((1, NH), lambda i: (0, 0)),
        pl.BlockSpec((NH, NH // 2), lambda i: (0, 0)),
        pl.BlockSpec((1, NH // 2), lambda i: (0, 0)),
        pl.BlockSpec((NH // 2, 10), lambda i: (0, 0)),
        pl.BlockSpec((1, 10), lambda i: (0, 0)),
    ],
    out_specs=[
        pl.BlockSpec((G, 10), lambda i: (0, 0)),
        pl.BlockSpec((G, NH), lambda i: (0, 0)),
        pl.BlockSpec((G, NH), lambda i: (0, 0)),
    ],
    out_shape=[
        jax.ShapeDtypeStruct((G, 10), jnp.float32),
        jax.ShapeDtypeStruct((G, NH), jnp.float32),
        jax.ShapeDtypeStruct((G, NH), jnp.float32),
    ],
)


def kernel(x, edge_index, batch, W1, b1, W2, b2, W3, b3,
           lw1, lb1, lw2, lb2, lw3, lb3):
    src = edge_index[0].astype(jnp.int32)
    dst = edge_index[1].astype(jnp.int32)
    pad = NCHP * EK - E
    src = jnp.concatenate([src, jnp.zeros((pad,), jnp.int32)]).reshape(NCHP, EK)
    dst = jnp.concatenate([dst, jnp.full((pad,), N, jnp.int32)]).reshape(NCHP, EK)
    batch2 = batch.astype(jnp.int32)[:, None]
    z64 = jnp.zeros((RW, Q), jnp.float32)
    o64 = jnp.ones((EK, Q), jnp.float32)

    degp = _get_sc_deg()(dst, z64, o64)
    dinv, y, cnt = _tc_prep(degp, degp, x, batch2)
    y = y.reshape(2 * N, Q)

    s = _get_sc_scatter(1)(src, dst, y, z64)
    h1, y, gmax1, gsum1 = _tc_layer1(
        s, s, x, dinv, batch2, W1, b1[None, :])
    y = y.reshape(4 * N, Q)

    s = _get_sc_scatter(2)(src, dst, y, z64)
    h2, y, gmax2, gsum2 = _tc_layer2(
        s, s, s, s, h1, dinv, batch2, W2, b2[None, :])
    y = y.reshape(4 * N, Q)

    s = _get_sc_scatter(2)(src, dst, y, z64)
    out, _, _ = _tc_final(
        s, s, s, s, h2, dinv, batch2, W3, b3[None, :],
        gmax1, gsum1, gmax2, gsum2, cnt,
        lw1, lb1[None, :], lw2, lb2[None, :], lw3, lb3[None, :])
    return out

# --- scband reference (transcript-rebuilt; emitter-appended) ---
"""Pipeline reference for scband-model-38268158608096 (READ-ONLY COPY).

The authoritative reference and input builder live on the scoring server;
editing this copy changes nothing except your own understanding.
"""

import jax, jax.numpy as jnp
import numpy as np

N_NODES = 10000
N_EDGES = 320000
D_FEAT = 128
NHID = 256
NUM_GRAPHS = 16
NUM_CLASSES = 10


def setup_inputs(seed: int = 0) -> dict:
    key = jax.random.key(seed)
    ks = jax.random.split(key, 16)
    x = jax.random.normal(ks[0], (N_NODES, D_FEAT), dtype=jnp.float32)
    edge_index = jax.random.randint(ks[1], (2, N_EDGES), 0, N_NODES, dtype=jnp.int64 if jax.config.jax_enable_x64 else jnp.int32)
    batch = jnp.sort(jax.random.randint(ks[2], (N_NODES,), 0, NUM_GRAPHS, dtype=jnp.int64 if jax.config.jax_enable_x64 else jnp.int32))
    s = 0.05
    W1 = jax.random.normal(ks[3], (D_FEAT, NHID), dtype=jnp.float32) * s
    b1 = jnp.zeros((NHID,), dtype=jnp.float32)
    W2 = jax.random.normal(ks[4], (NHID, NHID), dtype=jnp.float32) * s
    b2 = jnp.zeros((NHID,), dtype=jnp.float32)
    W3 = jax.random.normal(ks[5], (NHID, NHID), dtype=jnp.float32) * s
    b3 = jnp.zeros((NHID,), dtype=jnp.float32)
    lw1 = jax.random.normal(ks[6], (NHID * 2, NHID), dtype=jnp.float32) * s
    lb1 = jnp.zeros((NHID,), dtype=jnp.float32)
    lw2 = jax.random.normal(ks[7], (NHID, NHID // 2), dtype=jnp.float32) * s
    lb2 = jnp.zeros((NHID // 2,), dtype=jnp.float32)
    lw3 = jax.random.normal(ks[8], (NHID // 2, NUM_CLASSES), dtype=jnp.float32) * s
    lb3 = jnp.zeros((NUM_CLASSES,), dtype=jnp.float32)
    return {"x": x, "edge_index": edge_index, "batch": batch,
            "W1": W1, "b1": b1, "W2": W2, "b2": b2, "W3": W3, "b3": b3,
            "lw1": lw1, "lb1": lb1, "lw2": lw2, "lb2": lb2, "lw3": lw3, "lb3": lb3}


def _gcn_conv(x, W, b, src, dst, n):
    # GCNConv with self-loops and symmetric normalization (PyG-style)
    xw = x @ W
    loop = jnp.arange(n, dtype=src.dtype)
    src_f = jnp.concatenate([src, loop])
    dst_f = jnp.concatenate([dst, loop])
    deg = jnp.zeros((n,), dtype=xw.dtype).at[dst_f].add(1.0)
    dinv = jax.lax.rsqrt(jnp.maximum(deg, 1.0))
    norm = dinv[src_f] * dinv[dst_f]
    out = jnp.zeros((n, xw.shape[1]), dtype=xw.dtype).at[dst_f].add(norm[:, None] * xw[src_f])
    out = out + b
    # x_score: per-node scalar score (unused by NoPool)
    score = out.sum(axis=-1)
    return out, score


def _gmp(x, batch, num_graphs):
    m = jax.ops.segment_max(x, batch, num_segments=num_graphs)
    return jnp.where(jnp.isfinite(m), m, 0.0)


def _gap(x, batch, num_graphs):
    s = jax.ops.segment_sum(x, batch, num_segments=num_graphs)
    c = jax.ops.segment_sum(jnp.ones((x.shape[0],), dtype=x.dtype), batch, num_segments=num_graphs)
    return s / jnp.maximum(c, 1.0)[:, None]


def reference(x, edge_index, batch, W1, b1, W2, b2, W3, b3, lw1, lb1, lw2, lb2, lw3, lb3):
    n = x.shape[0]
    src, dst = edge_index[0], edge_index[1]
    convs = [(W1, b1), (W2, b2), (W3, b3)]
    num_layers = len(convs)
    x_out = jnp.zeros((NUM_GRAPHS, NHID * 2), dtype=jnp.float32)
    h = x
    for idx in range(num_layers - 1):
        h, _ = _gcn_conv(h, convs[idx][0], convs[idx][1], src, dst, n)
        h = jax.nn.relu(h)
        # NoPool: identity on (x, edge_index, edge_weight, batch)
        x_ = jnp.concatenate([_gmp(h, batch, NUM_GRAPHS), _gap(h, batch, NUM_GRAPHS)], axis=1)
        x_out = x_out + jax.nn.relu(x_)
    h, _ = _gcn_conv(h, convs[-1][0], convs[-1][1], src, dst, n)
    h = jax.nn.relu(h)
    x_ = jnp.concatenate([_gmp(h, batch, NUM_GRAPHS), _gap(h, batch, NUM_GRAPHS)], axis=1)
    x_out = x_out + jax.nn.relu(x_)
    out = jax.nn.relu(x_out @ lw1 + lb1)
    out = jax.nn.relu(out @ lw2 + lb2)
    out = jax.nn.log_softmax(out @ lw3 + lb3, axis=-1)
    return out

if __name__ == "__main__":
    import jax
    _d = setup_inputs()
    print(jax.jit(kernel)(*tuple(_d.values())))

</pallas_src>

<mosaic_0001>
#map = affine_map<(d0, d1) -> (0, 0)>
module attributes {stable_mosaic.version = 14 : i64} {
  func.func @_sc_deg(%arg0: i32, %arg1: i32, %arg2: memref<2560x128xi32, #tpu.memory_space<hbm>>, %arg3: memref<632x64xf32, #tpu.memory_space<hbm>>, %arg4: memref<128x64xf32, #tpu.memory_space<hbm>>, %arg5: memref<20000x64xf32, #tpu.memory_space<hbm>>, %arg6: memref<10008x64xf32, #tpu.memory_space<vmem_shared>>, %arg7: memref<80x128xi32, #tpu.memory_space<vmem>>, %arg8: memref<128x64xf32, #tpu.memory_space<vmem>>, %arg9: memref<!tpu.dma_semaphore, #tpu.memory_space<semaphore_mem>>, %arg10: memref<!tpu.dma_semaphore, #tpu.memory_space<semaphore_mem>>) attributes {dimension_semantics = [#tpu.dimension_semantics<core_parallel>, #tpu.dimension_semantics<subcore_parallel>], iteration_bounds = array<i64: 2, 16>, scalar_prefetch = 0 : i64, scratch_operands = 5 : i64, tpu.core_type = #tpu.core_type<sc_vector_subcore>, window_params = [{transform_indices = #map}, {transform_indices = #map}, {transform_indices = #map}, {transform_indices = #map}]} {
    %mul3A = arith.constant 632 : i32
    %mul3A_0 = arith.muli %arg1, %mul3A : i32
    %min3A = arith.constant 9368 : i32
    %min3A_1 = arith.minsi %mul3A_0, %min3A : i32
    "tpu.region"() ({
      %run_scoped3A = tpu.sem_alloc : memref<!tpu.dma_semaphore, #tpu.memory_space<semaphore_mem>>
      %dma_start3A_41 = arith.constant 0 : i32
      %dma_start3A_42 = tpu.memref_slice %arg6[%min3A_1, %dma_start3A_41] : memref<10008x64xf32, #tpu.memory_space<vmem_shared>> -> memref<632x64xf32, #tpu.memory_space<vmem_shared>>
      tpu.enqueue_dma source(%arg3 : memref<632x64xf32, #tpu.memory_space<hbm>>) target(%dma_start3A_42 : memref<632x64xf32, #tpu.memory_space<vmem_shared>>) target_semaphore(%run_scoped3A : memref<!tpu.dma_semaphore, #tpu.memory_space<semaphore_mem>>)
      %dma_wait3A_43 = arith.constant 0 : i32
      %dma_wait3A_44 = tpu.memref_slice %arg6[%min3A_1, %dma_wait3A_43] : memref<10008x64xf32, #tpu.memory_space<vmem_shared>> -> memref<632x64xf32, #tpu.memory_space<vmem_shared>>
      tpu.wait_dma2 semaphore(%run_scoped3A : memref<!tpu.dma_semaphore, #tpu.memory_space<semaphore_mem>>) src(%arg3 : memref<632x64xf32, #tpu.memory_space<hbm>>) dst(%dma_wait3A_44 : memref<632x64xf32, #tpu.memory_space<vmem_shared>>)
      tpu.yield
    }) : () -> ()
    "tpu.region"() ({
      %run_scoped3A = tpu.sem_alloc : memref<!tpu.dma_semaphore, #tpu.memory_space<semaphore_mem>>
      tpu.enqueue_dma source(%arg4 : memref<128x64xf32, #tpu.memory_space<hbm>>) target(%arg8 : memref<128x64xf32, #tpu.memory_space<vmem>>) target_semaphore(%run_scoped3A : memref<!tpu.dma_semaphore, #tpu.memory_space<semaphore_mem>>)
      tpu.wait_dma2 semaphore(%run_scoped3A : memref<!tpu.dma_semaphore, #tpu.memory_space<semaphore_mem>>) src(%arg4 : memref<128x64xf32, #tpu.memory_space<hbm>>) dst(%arg8 : memref<128x64xf32, #tpu.memory_space<vmem>>)
      tpu.yield
    }) : () -> ()
    %mul3A_2 = arith.constant 16 : i32
    %mul3A_3 = arith.muli %arg0, %mul3A_2 : i32
    %add3A = arith.addi %mul3A_3, %arg1 : i32
    %mul3A_4 = arith.constant 80 : i32
    %mul3A_5 = arith.muli %add3A, %mul3A_4 : i32
    "tpu.region"() ({
      %run_scoped3A = tpu.sem_alloc : memref<!tpu.dma_semaphore, #tpu.memory_space<semaphore_mem>>
      %dma_start3A_41 = arith.constant 0 : i32
      %dma_start3A_42 = tpu.memref_slice %arg2[%mul3A_5, %dma_start3A_41] : memref<2560x128xi32, #tpu.memory_space<hbm>> -> memref<80x128xi32, #tpu.memory_space<hbm>>
      %dma_start3A_43 = arith.constant 0 : i32
      %dma_start3A_44 = tpu.memref_slice %arg2[%mul3A_5, %dma_start3A_43] : memref<2560x128xi32, #tpu.memory_space<hbm>> -> memref<80x128xi32, #tpu.memory_space<hbm>>
      tpu.enqueue_dma source(%dma_start3A_44 : memref<80x128xi32, #tpu.memory_space<hbm>>) target(%arg7 : memref<80x128xi32, #tpu.memory_space<vmem>>) target_semaphore(%run_scoped3A : memref<!tpu.dma_semaphore, #tpu.memory_space<semaphore_mem>>)
      %dma_wait3A_45 = arith.constant 0 : i32
      %dma_wait3A_46 = tpu.memref_slice %arg2[%mul3A_5, %dma_wait3A_45] : memref<2560x128xi32, #tpu.memory_space<hbm>> -> memref<80x128xi32, #tpu.memory_space<hbm>>
      %dma_wait3A_47 = arith.constant 0 : i32
      %dma_wait3A_48 = tpu.memref_slice %arg2[%mul3A_5, %dma_wait3A_47] : memref<2560x128xi32, #tpu.memory_space<hbm>> -> memref<80x128xi32, #tpu.memory_space<hbm>>
      tpu.wait_dma2 semaphore(%run_scoped3A : memref<!tpu.dma_semaphore, #tpu.memory_space<semaphore_mem>>) src(%dma_wait3A_48 : memref<80x128xi32, #tpu.memory_space<hbm>>) dst(%arg7 : memref<80x128xi32, #tpu.memory_space<vmem>>)
      tpu.yield
    }) : () -> ()
    %barrier3A = arith.constant 0 : index
    tpu.barrier barrier_id(%barrier3A)
    %dma_start3A = arith.constant 0 : i32
    %dma_start3A_6 = arith.constant 0 : i32
    %dma_start3A_7 = tpu.memref_slice %arg7[%dma_start3A, %dma_start3A_6] : memref<80x128xi32, #tpu.memory_space<vmem>> -> memref<1x128xi32, #tpu.memory_space<vmem>>
    %dma_start3A_8 = tpu.memref_squeeze %dma_start3A_7 : memref<1x128xi32, #tpu.memory_space<vmem>> -> memref<128xi32, #tpu.memory_space<vmem>>
    %dma_start3A_9 = arith.constant 0 : i32
    %dma_start3A_10 = arith.constant 0 : i32
    %dma_start3A_11 = tpu.memref_slice %arg6[%dma_start3A_9, %dma_start3A_10] : memref<10008x64xf32, #tpu.memory_space<vmem_shared>> -> memref<10008x64xf32, #tpu.memory_space<vmem_shared>>
    tpu.enqueue_indirect_dma source(%arg8 : memref<128x64xf32, #tpu.memory_space<vmem>>) target(%dma_start3A_11 : memref<10008x64xf32, #tpu.memory_space<vmem_shared>>) offsets(%dma_start3A_8 : memref<128xi32, #tpu.memory_space<vmem>>) semaphore(%arg9 : memref<!tpu.dma_semaphore, #tpu.memory_space<semaphore_mem>>) {add = true}
    %dma_start3A_12 = arith.constant 1 : i32
    %dma_start3A_13 = arith.constant 0 : i32
    %dma_start3A_14 = tpu.memref_slice %arg7[%dma_start3A_12, %dma_start3A_13] : memref<80x128xi32, #tpu.memory_space<vmem>> -> memref<1x128xi32, #tpu.memory_space<vmem>>
    %dma_start3A_15 = tpu.memref_squeeze %dma_start3A_14 : memref<1x128xi32, #tpu.memory_space<vmem>> -> memref<128xi32, #tpu.memory_space<vmem>>
    %dma_start3A_16 = arith.constant 0 : i32
    %dma_start3A_17 = arith.constant 0 : i32
    %dma_start3A_18 = tpu.memref_slice %arg6[%dma_start3A_16, %dma_start3A_17] : memref<10008x64xf32, #tpu.memory_space<vmem_shared>> -> memref<10008x64xf32, #tpu.memory_space<vmem_shared>>
    tpu.enqueue_indirect_dma source(%arg8 : memref<128x64xf32, #tpu.memory_space<vmem>>) target(%dma_start3A_18 : memref<10008x64xf32, #tpu.memory_space<vmem_shared>>) offsets(%dma_start3A_15 : memref<128xi32, #tpu.memory_space<vmem>>) semaphore(%arg10 : memref<!tpu.dma_semaphore, #tpu.memory_space<semaphore_mem>>) {add = true}
    %scan3A = arith.constant 0 : i32
    %scan3A_19 = arith.constant 0 : i32
    %scan3A_20 = arith.constant 39 : i32
    %scan3A_21 = arith.addi %scan3A_19, %scan3A_20 : i32
    %scan3A_22 = arith.constant 1 : i32
    scf.for %scan3A_41 = %scan3A_19 to %scan3A_21 step %scan3A_22  : i32 {
      %dma_wait3A_42 = arith.constant 0 : i32
      %dma_wait3A_43 = arith.constant 0 : i32
      %dma_wait3A_44 = tpu.memref_slice %arg7[%dma_wait3A_42, %dma_wait3A_43] : memref<80x128xi32, #tpu.memory_space<vmem>> -> memref<1x128xi32, #tpu.memory_space<vmem>>
      %dma_wait3A_45 = tpu.memref_squeeze %dma_wait3A_44 : memref<1x128xi32, #tpu.memory_space<vmem>> -> memref<128xi32, #tpu.memory_space<vmem>>
      %dma_wait3A_46 = arith.constant 0 : i32
      %dma_wait3A_47 = arith.constant 0 : i32
      %dma_wait3A_48 = tpu.memref_slice %arg6[%dma_wait3A_46, %dma_wait3A_47] : memref<10008x64xf32, #tpu.memory_space<vmem_shared>> -> memref<10008x64xf32, #tpu.memory_space<vmem_shared>>
      tpu.wait_indirect_dma semaphore(%arg9 : memref<!tpu.dma_semaphore, #tpu.memory_space<semaphore_mem>>) src(%arg8 : memref<128x64xf32, #tpu.memory_space<vmem>>) dst(%dma_wait3A_48 : memref<10008x64xf32, #tpu.memory_space<vmem_shared>>)
      %mul3A_49 = arith.constant 2 : i32
      %mul3A_50 = arith.muli %mul3A_49, %scan3A_41 : i32
      %add3A_51 = arith.constant 2 : i32
      %add3A_52 = arith.addi %mul3A_50, %add3A_51 : i32
      %dma_start3A_53 = arith.constant 0 : i32
      %dma_start3A_54 = tpu.memref_slice %arg7[%add3A_52, %dma_start3A_53] : memref<80x128xi32, #tpu.memory_space<vmem>> -> memref<1x128xi32, #tpu.memory_space<vmem>>
      %dma_start3A_55 = tpu.memref_squeeze %dma_start3A_54 : memref<1x128xi32, #tpu.memory_space<vmem>> -> memref<128xi32, #tpu.memory_space<vmem>>
      %dma_start3A_56 = arith.constant 0 : i32
      %dma_start3A_57 = arith.constant 0 : i32
      %dma_start3A_58 = tpu.memref_slice %arg6[%dma_start3A_56, %dma_start3A_57] : memref<10008x64xf32, #tpu.memory_space<vmem_shared>> -> memref<10008x64xf32, #tpu.memory_space<vmem_shared>>
      tpu.enqueue_indirect_dma source(%arg8 : memref<128x64xf32, #tpu.memory_space<vmem>>) target(%dma_start3A_58 : memref<10008x64xf32, #tpu.memory_space<vmem_shared>>) offsets(%dma_start3A_55 : memref<128xi32, #tpu.memory_space<vmem>>) semaphore(%arg9 : memref<!tpu.dma_semaphore, #tpu.memory_space<semaphore_mem>>) {add = true}
      %dma_wait3A_59 = arith.constant 0 : i32
      %dma_wait3A_60 = arith.constant 0 : i32
      %dma_wait3A_61 = tpu.memref_slice %arg7[%dma_wait3A_59, %dma_wait3A_60] : memref<80x128xi32, #tpu.memory_space<vmem>> -> memref<1x128xi32, #tpu.memory_space<vmem>>
      %dma_wait3A_62 = tpu.memref_squeeze %dma_wait3A_61 : memref<1x128xi32, #tpu.memory_space<vmem>> -> memref<128xi32, #tpu.memory_space<vmem>>
      %dma_wait3A_63 = arith.constant 0 : i32
      %dma_wait3A_64 = arith.constant 0 : i32
      %dma_wait3A_65 = tpu.memref_slice %arg6[%dma_wait3A_63, %dma_wait3A_64] : memref<10008x64xf32, #tpu.memory_space<vmem_shared>> -> memref<10008x64xf32, #tpu.memory_space<vmem_shared>>
      tpu.wait_indirect_dma semaphore(%arg10 : memref<!tpu.dma_semaphore, #tpu.memory_space<semaphore_mem>>) src(%arg8 : memref<128x64xf32, #tpu.memory_space<vmem>>) dst(%dma_wait3A_65 : memref<10008x64xf32, #tpu.memory_space<vmem_shared>>)
      %mul3A_66 = arith.constant 2 : i32
      %mul3A_67 = arith.muli %mul3A_66, %scan3A_41 : i32
      %add3A_68 = arith.constant 3 : i32
      %add3A_69 = arith.addi %mul3A_67, %add3A_68 : i32
      %dma_start3A_70 = arith.constant 0 : i32
      %dma_start3A_71 = tpu.memref_slice %arg7[%add3A_69, %dma_start3A_70] : memref<80x128xi32, #tpu.memory_space<vmem>> -> memref<1x128xi32, #tpu.memory_space<vmem>>
      %dma_start3A_72 = tpu.memref_squeeze %dma_start3A_71 : memref<1x128xi32, #tpu.memory_space<vmem>> -> memref<128xi32, #tpu.memory_space<vmem>>
      %dma_start3A_73 = arith.constant 0 : i32
      %dma_start3A_74 = arith.constant 0 : i32
      %dma_start3A_75 = tpu.memref_slice %arg6[%dma_start3A_73, %dma_start3A_74] : memref<10008x64xf32, #tpu.memory_space<vmem_shared>> -> memref<10008x64xf32, #tpu.memory_space<vmem_shared>>
      tpu.enqueue_indirect_dma source(%arg8 : memref<128x64xf32, #tpu.memory_space<vmem>>) target(%dma_start3A_75 : memref<10008x64xf32, #tpu.memory_space<vmem_shared>>) offsets(%dma_start3A_72 : memref<128xi32, #tpu.memory_space<vmem>>) semaphore(%arg10 : memref<!tpu.dma_semaphore, #tpu.memory_space<semaphore_mem>>) {add = true}
    }
    %scan3A_23 = arith.constant 39 : i32
    %dma_wait3A = arith.constant 0 : i32
    %dma_wait3A_24 = arith.constant 0 : i32
    %dma_wait3A_25 = tpu.memref_slice %arg7[%dma_wait3A, %dma_wait3A_24] : memref<80x128xi32, #tpu.memory_space<vmem>> -> memref<1x128xi32, #tpu.memory_space<vmem>>
    %dma_wait3A_26 = tpu.memref_squeeze %dma_wait3A_25 : memref<1x128xi32, #tpu.memory_space<vmem>> -> memref<128xi32, #tpu.memory_space<vmem>>
    %dma_wait3A_27 = arith.constant 0 : i32
    %dma_wait3A_28 = arith.constant 0 : i32
    %dma_wait3A_29 = tpu.memref_slice %arg6[%dma_wait3A_27, %dma_wait3A_28] : memref<10008x64xf32, #tpu.memory_space<vmem_shared>> -> memref<10008x64xf32, #tpu.memory_space<vmem_shared>>
    tpu.wait_indirect_dma semaphore(%arg9 : memref<!tpu.dma_semaphore, #tpu.memory_space<semaphore_mem>>) src(%arg8 : memref<128x64xf32, #tpu.memory_space<vmem>>) dst(%dma_wait3A_29 : memref<10008x64xf32, #tpu.memory_space<vmem_shared>>)
    %dma_wait3A_30 = arith.constant 0 : i32
    %dma_wait3A_31 = arith.constant 0 : i32
    %dma_wait3A_32 = tpu.memref_slice %arg7[%dma_wait3A_30, %dma_wait3A_31] : memref<80x128xi32, #tpu.memory_space<vmem>> -> memref<1x128xi32, #tpu.memory_space<vmem>>
    %dma_wait3A_33 = tpu.memref_squeeze %dma_wait3A_32 : memref<1x128xi32, #tpu.memory_space<vmem>> -> memref<128xi32, #tpu.memory_space<vmem>>
    %dma_wait3A_34 = arith.constant 0 : i32
    %dma_wait3A_35 = arith.constant 0 : i32
    %dma_wait3A_36 = tpu.memref_slice %arg6[%dma_wait3A_34, %dma_wait3A_35] : memref<10008x64xf32, #tpu.memory_space<vmem_shared>> -> memref<10008x64xf32, #tpu.memory_space<vmem_shared>>
    tpu.wait_indirect_dma semaphore(%arg10 : memref<!tpu.dma_semaphore, #tpu.memory_space<semaphore_mem>>) src(%arg8 : memref<128x64xf32, #tpu.memory_space<vmem>>) dst(%dma_wait3A_36 : memref<10008x64xf32, #tpu.memory_space<vmem_shared>>)
    %barrier3A_37 = arith.constant 0 : index
    tpu.barrier barrier_id(%barrier3A_37)
    %mul3A_38 = arith.constant 10000 : i32
    %mul3A_39 = arith.muli %arg0, %mul3A_38 : i32
    %add3A_40 = arith.addi %mul3A_39, %min3A_1 : i32
    "tpu.region"() ({
      %run_scoped3A = tpu.sem_alloc : memref<!tpu.dma_semaphore, #tpu.memory_space<semaphore_mem>>
      %dma_start3A_41 = arith.constant 0 : i32
      %dma_start3A_42 = tpu.memref_slice %arg5[%add3A_40, %dma_start3A_41] : memref<20000x64xf32, #tpu.memory_space<hbm>> -> memref<632x64xf32, #tpu.memory_space<hbm>>
      %dma_start3A_43 = arith.constant 0 : i32
      %dma_start3A_44 = tpu.memref_slice %arg6[%min3A_1, %dma_start3A_43] : memref<10008x64xf32, #tpu.memory_space<vmem_shared>> -> memref<632x64xf32, #tpu.memory_space<vmem_shared>>
      tpu.enqueue_dma source(%dma_start3A_44 : memref<632x64xf32, #tpu.memory_space<vmem_shared>>) target(%dma_start3A_42 : memref<632x64xf32, #tpu.memory_space<hbm>>) target_semaphore(%run_scoped3A : memref<!tpu.dma_semaphore, #tpu.memory_space<semaphore_mem>>)
      %dma_wait3A_45 = arith.constant 0 : i32
      %dma_wait3A_46 = tpu.memref_slice %arg5[%add3A_40, %dma_wait3A_45] : memref<20000x64xf32, #tpu.memory_space<hbm>> -> memref<632x64xf32, #tpu.memory_space<hbm>>
      %dma_wait3A_47 = arith.constant 0 : i32
      %dma_wait3A_48 = tpu.memref_slice %arg6[%min3A_1, %dma_wait3A_47] : memref<10008x64xf32, #tpu.memory_space<vmem_shared>> -> memref<632x64xf32, #tpu.memory_space<vmem_shared>>
      tpu.wait_dma2 semaphore(%run_scoped3A : memref<!tpu.dma_semaphore, #tpu.memory_space<semaphore_mem>>) src(%dma_wait3A_48 : memref<632x64xf32, #tpu.memory_space<vmem_shared>>) dst(%dma_wait3A_46 : memref<632x64xf32, #tpu.memory_space<hbm>>)
      tpu.yield
    }) : () -> ()
    return
  }
}

#map = affine_map<(d0, d1) -> (0, 0)>
module attributes {stable_mosaic.version = 14 : i64} {
  func.func @_sc_scatter(%arg0: i32, %arg1: i32, %arg2: memref<2560x128xi32, #tpu.memory_space<hbm>>, %arg3: memref<2560x128xi32, #tpu.memory_space<hbm>>, %arg4: memref<20000x64xf32, #tpu.memory_space<hbm>>, %arg5: memref<632x64xf32, #tpu.memory_space<hbm>>, %arg6: memref<20000x64xf32, #tpu.memory_space<hbm>>, %arg7: memref<10008x64xf32, #tpu.memory_space<vmem_shared>>, %arg8: memref<10008x64xf32, #tpu.memory_space<vmem_shared>>, %arg9: memref<40x128xi32, #tpu.memory_space<vmem>>, %arg10: memref<40x128xi32, #tpu.memory_space<vmem>>, %arg11: memref<128x64xf32, #tpu.memory_space<vmem>>, %arg12: memref<128x64xf32, #tpu.memory_space<vmem>>, %arg13: memref<!tpu.dma_semaphore, #tpu.memory_space<semaphore_mem>>, %arg14: memref<!tpu.dma_semaphore, #tpu.memory_space<semaphore_mem>>, %arg15: memref<!tpu.dma_semaphore, #tpu.memory_space<semaphore_mem>>, %arg16: memref<!tpu.dma_semaphore, #tpu.memory_space<semaphore_mem>>) attributes {dimension_semantics = [#tpu.dimension_semantics<core_parallel>, #tpu.dimension_semantics<subcore_parallel>], iteration_bounds = array<i64: 2, 16>, scalar_prefetch = 0 : i64, scratch_operands = 10 : i64, tpu.core_type = #tpu.core_type<sc_vector_subcore>, window_params = [{transform_indices = #map}, {transform_indices = #map}, {transform_indices = #map}, {transform_indices = #map}, {transform_indices = #map}]} {
    %mul3A = arith.constant 632 : i32
    %mul3A_0 = arith.muli %arg1, %mul3A : i32
    %min3A = arith.constant 9368 : i32
    %min3A_1 = arith.minsi %mul3A_0, %min3A : i32
    %mul3A_2 = arith.constant 160 : i32
    %mul3A_3 = arith.muli %arg1, %mul3A_2 : i32
    %mul3A_4 = arith.constant 1 : i32
    %mul3A_5 = arith.muli %arg0, %mul3A_4 : i32
    %add3A = arith.constant 0 : i32
    %add3A_6 = arith.addi %mul3A_5, %add3A : i32
    %mul3A_7 = arith.constant 10000 : i32
    %mul3A_8 = arith.muli %add3A_6, %mul3A_7 : i32
    "tpu.region"() ({
      %run_scoped3A = tpu.sem_alloc : memref<!tpu.dma_semaphore, #tpu.memory_space<semaphore_mem>>
      %dma_start3A = arith.constant 0 : i32
      %dma_start3A_17 = tpu.memref_slice %arg7[%min3A_1, %dma_start3A] : memref<10008x64xf32, #tpu.memory_space<vmem_shared>> -> memref<632x64xf32, #tpu.memory_space<vmem_shared>>
      tpu.enqueue_dma source(%arg5 : memref<632x64xf32, #tpu.memory_space<hbm>>) target(%dma_start3A_17 : memref<632x64xf32, #tpu.memory_space<vmem_shared>>) target_semaphore(%run_scoped3A : memref<!tpu.dma_semaphore, #tpu.memory_space<semaphore_mem>>)
      %dma_wait3A = arith.constant 0 : i32
      %dma_wait3A_18 = tpu.memref_slice %arg7[%min3A_1, %dma_wait3A] : memref<10008x64xf32, #tpu.memory_space<vmem_shared>> -> memref<632x64xf32, #tpu.memory_space<vmem_shared>>
      tpu.wait_dma2 semaphore(%run_scoped3A : memref<!tpu.dma_semaphore, #tpu.memory_space<semaphore_mem>>) src(%arg5 : memref<632x64xf32, #tpu.memory_space<hbm>>) dst(%dma_wait3A_18 : memref<632x64xf32, #tpu.memory_space<vmem_shared>>)
      tpu.yield
    }) : () -> ()
    %add3A_9 = arith.addi %mul3A_8, %min3A_1 : i32
    "tpu.region"() ({
      %run_scoped3A = tpu.sem_alloc : memref<!tpu.dma_semaphore, #tpu.memory_space<semaphore_mem>>
      %dma_start3A = arith.constant 0 : i32
      %dma_start3A_17 = tpu.memref_slice %arg8[%min3A_1, %dma_start3A] : memref<10008x64xf32, #tpu.memory_space<vmem_shared>> -> memref<632x64xf32, #tpu.memory_space<vmem_shared>>
      %dma_start3A_18 = arith.constant 0 : i32
      %dma_start3A_19 = tpu.memref_slice %arg4[%add3A_9, %dma_start3A_18] : memref<20000x64xf32, #tpu.memory_space<hbm>> -> memref<632x64xf32, #tpu.memory_space<hbm>>
      tpu.enqueue_dma source(%dma_start3A_19 : memref<632x64xf32, #tpu.memory_space<hbm>>) target(%dma_start3A_17 : memref<632x64xf32, #tpu.memory_space<vmem_shared>>) target_semaphore(%run_scoped3A : memref<!tpu.dma_semaphore, #tpu.memory_space<semaphore_mem>>)
      %dma_wait3A = arith.constant 0 : i32
      %dma_wait3A_20 = tpu.memref_slice %arg8[%min3A_1, %dma_wait3A] : memref<10008x64xf32, #tpu.memory_space<vmem_shared>> -> memref<632x64xf32, #tpu.memory_space<vmem_shared>>
      %dma_wait3A_21 = arith.constant 0 : i32
      %dma_wait3A_22 = tpu.memref_slice %arg4[%add3A_9, %dma_wait3A_21] : memref<20000x64xf32, #tpu.memory_space<hbm>> -> memref<632x64xf32, #tpu.memory_space<hbm>>
      tpu.wait_dma2 semaphore(%run_scoped3A : memref<!tpu.dma_semaphore, #tpu.memory_space<semaphore_mem>>) src(%dma_wait3A_22 : memref<632x64xf32, #tpu.memory_space<hbm>>) dst(%dma_wait3A_20 : memref<632x64xf32, #tpu.memory_space<vmem_shared>>)
      tpu.yield
    }) : () -> ()
    %barrier3A = arith.constant 0 : index
    tpu.barrier barrier_id(%barrier3A)
    %scan3A = arith.constant 0 : i32
    %scan3A_10 = arith.constant 0 : i32
    %scan3A_11 = arith.constant 4 : i32
    %scan3A_12 = arith.addi %scan3A_10, %scan3A_11 : i32
    %scan3A_13 = arith.constant 1 : i32
    scf.for %scan3A_17 = %scan3A_10 to %scan3A_12 step %scan3A_13  : i32 {
      %mul3A_18 = arith.constant 40 : i32
      %mul3A_19 = arith.muli %scan3A_17, %mul3A_18 : i32
      %add3A_20 = arith.addi %mul3A_3, %mul3A_19 : i32
      "tpu.region"() ({
        %run_scoped3A = tpu.sem_alloc : memref<!tpu.dma_semaphore, #tpu.memory_space<semaphore_mem>>
        %dma_start3A_53 = arith.constant 0 : i32
        %dma_start3A_54 = tpu.memref_slice %arg2[%add3A_20, %dma_start3A_53] : memref<2560x128xi32, #tpu.memory_space<hbm>> -> memref<40x128xi32, #tpu.memory_space<hbm>>
        %dma_start3A_55 = arith.constant 0 : i32
        %dma_start3A_56 = tpu.memref_slice %arg2[%add3A_20, %dma_start3A_55] : memref<2560x128xi32, #tpu.memory_space<hbm>> -> memref<40x128xi32, #tpu.memory_space<hbm>>
        tpu.enqueue_dma source(%dma_start3A_56 : memref<40x128xi32, #tpu.memory_space<hbm>>) target(%arg9 : memref<40x128xi32, #tpu.memory_space<vmem>>) target_semaphore(%run_scoped3A : memref<!tpu.dma_semaphore, #tpu.memory_space<semaphore_mem>>)
        %dma_wait3A_57 = arith.constant 0 : i32
        %dma_wait3A_58 = tpu.memref_slice %arg2[%add3A_20, %dma_wait3A_57] : memref<2560x128xi32, #tpu.memory_space<hbm>> -> memref<40x128xi32, #tpu.memory_space<hbm>>
        %dma_wait3A_59 = arith.constant 0 : i32
        %dma_wait3A_60 = tpu.memref_slice %arg2[%add3A_20, %dma_wait3A_59] : memref<2560x128xi32, #tpu.memory_space<hbm>> -> memref<40x128xi32, #tpu.memory_space<hbm>>
        tpu.wait_dma2 semaphore(%run_scoped3A : memref<!tpu.dma_semaphore, #tpu.memory_space<semaphore_mem>>) src(%dma_wait3A_60 : memref<40x128xi32, #tpu.memory_space<hbm>>) dst(%arg9 : memref<40x128xi32, #tpu.memory_space<vmem>>)
        tpu.yield
      }) : () -> ()
      "tpu.region"() ({
        %run_scoped3A = tpu.sem_alloc : memref<!tpu.dma_semaphore, #tpu.memory_space<semaphore_mem>>
        %dma_start3A_53 = arith.constant 0 : i32
        %dma_start3A_54 = tpu.memref_slice %arg3[%add3A_20, %dma_start3A_53] : memref<2560x128xi32, #tpu.memory_space<hbm>> -> memref<40x128xi32, #tpu.memory_space<hbm>>
        %dma_start3A_55 = arith.constant 0 : i32
        %dma_start3A_56 = tpu.memref_slice %arg3[%add3A_20, %dma_start3A_55] : memref<2560x128xi32, #tpu.memory_space<hbm>> -> memref<40x128xi32, #tpu.memory_space<hbm>>
        tpu.enqueue_dma source(%dma_start3A_56 : memref<40x128xi32, #tpu.memory_space<hbm>>) target(%arg10 : memref<40x128xi32, #tpu.memory_space<vmem>>) target_semaphore(%run_scoped3A : memref<!tpu.dma_semaphore, #tpu.memory_space<semaphore_mem>>)
        %dma_wait3A_57 = arith.constant 0 : i32
        %dma_wait3A_58 = tpu.memref_slice %arg3[%add3A_20, %dma_wait3A_57] : memref<2560x128xi32, #tpu.memory_space<hbm>> -> memref<40x128xi32, #tpu.memory_space<hbm>>
        %dma_wait3A_59 = arith.constant 0 : i32
        %dma_wait3A_60 = tpu.memref_slice %arg3[%add3A_20, %dma_wait3A_59] : memref<2560x128xi32, #tpu.memory_space<hbm>> -> memref<40x128xi32, #tpu.memory_space<hbm>>
        tpu.wait_dma2 semaphore(%run_scoped3A : memref<!tpu.dma_semaphore, #tpu.memory_space<semaphore_mem>>) src(%dma_wait3A_60 : memref<40x128xi32, #tpu.memory_space<hbm>>) dst(%arg10 : memref<40x128xi32, #tpu.memory_space<vmem>>)
        tpu.yield
      }) : () -> ()
      %dma_start3A = arith.constant 0 : i32
      %dma_start3A_21 = arith.constant 0 : i32
      %dma_start3A_22 = tpu.memref_slice %arg9[%dma_start3A, %dma_start3A_21] : memref<40x128xi32, #tpu.memory_space<vmem>> -> memref<1x128xi32, #tpu.memory_space<vmem>>
      %dma_start3A_23 = tpu.memref_squeeze %dma_start3A_22 : memref<1x128xi32, #tpu.memory_space<vmem>> -> memref<128xi32, #tpu.memory_space<vmem>>
      %dma_start3A_24 = arith.constant 0 : i32
      %dma_start3A_25 = arith.constant 0 : i32
      %dma_start3A_26 = tpu.memref_slice %arg8[%dma_start3A_24, %dma_start3A_25] : memref<10008x64xf32, #tpu.memory_space<vmem_shared>> -> memref<10008x64xf32, #tpu.memory_space<vmem_shared>>
      tpu.enqueue_indirect_dma source(%dma_start3A_26 : memref<10008x64xf32, #tpu.memory_space<vmem_shared>>) target(%arg11 : memref<128x64xf32, #tpu.memory_space<vmem>>) offsets(%dma_start3A_23 : memref<128xi32, #tpu.memory_space<vmem>>) semaphore(%arg13 : memref<!tpu.dma_semaphore, #tpu.memory_space<semaphore_mem>>)
      %dma_start3A_27 = arith.constant 1 : i32
      %dma_start3A_28 = arith.constant 0 : i32
      %dma_start3A_29 = tpu.memref_slice %arg9[%dma_start3A_27, %dma_start3A_28] : memref<40x128xi32, #tpu.memory_space<vmem>> -> memref<1x128xi32, #tpu.memory_space<vmem>>
      %dma_start3A_30 = tpu.memref_squeeze %dma_start3A_29 : memref<1x128xi32, #tpu.memory_space<vmem>> -> memref<128xi32, #tpu.memory_space<vmem>>
      %dma_start3A_31 = arith.constant 0 : i32
      %dma_start3A_32 = arith.constant 0 : i32
      %dma_start3A_33 = tpu.memref_slice %arg8[%dma_start3A_31, %dma_start3A_32] : memref<10008x64xf32, #tpu.memory_space<vmem_shared>> -> memref<10008x64xf32, #tpu.memory_space<vmem_shared>>
      tpu.enqueue_indirect_dma source(%dma_start3A_33 : memref<10008x64xf32, #tpu.memory_space<vmem_shared>>) target(%arg12 : memref<128x64xf32, #tpu.memory_space<vmem>>) offsets(%dma_start3A_30 : memref<128xi32, #tpu.memory_space<vmem>>) semaphore(%arg14 : memref<!tpu.dma_semaphore, #tpu.memory_space<semaphore_mem>>)
      %scan3A_34 = arith.constant 0 : i32
      %scan3A_35 = arith.constant 0 : i32
      %scan3A_36 = arith.constant 20 : i32
      %scan3A_37 = arith.addi %scan3A_35, %scan3A_36 : i32
      %scan3A_38 = arith.constant 1 : i32
      scf.for %scan3A_53 = %scan3A_35 to %scan3A_37 step %scan3A_38  : i32 {
        %mul3A_54 = arith.constant 2 : i32
        %mul3A_55 = arith.muli %mul3A_54, %scan3A_53 : i32
        %dma_wait3A_56 = arith.constant 0 : i32
        %dma_wait3A_57 = arith.constant 0 : i32
        %dma_wait3A_58 = tpu.memref_slice %arg9[%dma_wait3A_56, %dma_wait3A_57] : memref<40x128xi32, #tpu.memory_space<vmem>> -> memref<1x128xi32, #tpu.memory_space<vmem>>
        %dma_wait3A_59 = tpu.memref_squeeze %dma_wait3A_58 : memref<1x128xi32, #tpu.memory_space<vmem>> -> memref<128xi32, #tpu.memory_space<vmem>>
        %dma_wait3A_60 = arith.constant 0 : i32
        %dma_wait3A_61 = arith.constant 0 : i32
        %dma_wait3A_62 = tpu.memref_slice %arg8[%dma_wait3A_60, %dma_wait3A_61] : memref<10008x64xf32, #tpu.memory_space<vmem_shared>> -> memref<10008x64xf32, #tpu.memory_space<vmem_shared>>
        tpu.wait_indirect_dma semaphore(%arg13 : memref<!tpu.dma_semaphore, #tpu.memory_space<semaphore_mem>>) src(%dma_wait3A_62 : memref<10008x64xf32, #tpu.memory_space<vmem_shared>>) dst(%arg11 : memref<128x64xf32, #tpu.memory_space<vmem>>)
        %dma_start3A_63 = arith.constant 0 : i32
        %dma_start3A_64 = tpu.memref_slice %arg10[%mul3A_55, %dma_start3A_63] : memref<40x128xi32, #tpu.memory_space<vmem>> -> memref<1x128xi32, #tpu.memory_space<vmem>>
        %dma_start3A_65 = tpu.memref_squeeze %dma_start3A_64 : memref<1x128xi32, #tpu.memory_space<vmem>> -> memref<128xi32, #tpu.memory_space<vmem>>
        %dma_start3A_66 = arith.constant 0 : i32
        %dma_start3A_67 = arith.constant 0 : i32
        %dma_start3A_68 = tpu.memref_slice %arg7[%dma_start3A_66, %dma_start3A_67] : memref<10008x64xf32, #tpu.memory_space<vmem_shared>> -> memref<10008x64xf32, #tpu.memory_space<vmem_shared>>
        tpu.enqueue_indirect_dma source(%arg11 : memref<128x64xf32, #tpu.memory_space<vmem>>) target(%dma_start3A_68 : memref<10008x64xf32, #tpu.memory_space<vmem_shared>>) offsets(%dma_start3A_65 : memref<128xi32, #tpu.memory_space<vmem>>) semaphore(%arg15 : memref<!tpu.dma_semaphore, #tpu.memory_space<semaphore_mem>>) {add = true}
        %add3A_69 = arith.constant 2 : i32
        %add3A_70 = arith.addi %mul3A_55, %add3A_69 : i32
        %lt3A = arith.constant 40 : i32
        %lt3A_71 = arith.cmpi slt, %add3A_70, %lt3A : i32
        %convert_element_type3A = arith.extui %lt3A_71 : i1 to i32
        %cond3A = arith.constant 0 : i32
        %cond3A_72 = arith.cmpi ne, %convert_element_type3A, %cond3A : i32
        scf.if %cond3A_72 {
          %dma_wait3A_95 = arith.constant 0 : i32
          %dma_wait3A_96 = arith.constant 0 : i32
          %dma_wait3A_97 = tpu.memref_slice %arg10[%dma_wait3A_95, %dma_wait3A_96] : memref<40x128xi32, #tpu.memory_space<vmem>> -> memref<1x128xi32, #tpu.memory_space<vmem>>
          %dma_wait3A_98 = tpu.memref_squeeze %dma_wait3A_97 : memref<1x128xi32, #tpu.memory_space<vmem>> -> memref<128xi32, #tpu.memory_space<vmem>>
          %dma_wait3A_99 = arith.constant 0 : i32
          %dma_wait3A_100 = arith.constant 0 : i32
          %dma_wait3A_101 = tpu.memref_slice %arg7[%dma_wait3A_99, %dma_wait3A_100] : memref<10008x64xf32, #tpu.memory_space<vmem_shared>> -> memref<10008x64xf32, #tpu.memory_space<vmem_shared>>
          tpu.wait_indirect_dma semaphore(%arg15 : memref<!tpu.dma_semaphore, #tpu.memory_space<semaphore_mem>>) src(%arg11 : memref<128x64xf32, #tpu.memory_space<vmem>>) dst(%dma_wait3A_101 : memref<10008x64xf32, #tpu.memory_space<vmem_shared>>)
          %add3A_102 = arith.constant 2 : i32
          %add3A_103 = arith.addi %mul3A_55, %add3A_102 : i32
          %dma_start3A_104 = arith.constant 0 : i32
          %dma_start3A_105 = tpu.memref_slice %arg9[%add3A_103, %dma_start3A_104] : memref<40x128xi32, #tpu.memory_space<vmem>> -> memref<1x128xi32, #tpu.memory_space<vmem>>
          %dma_start3A_106 = tpu.memref_squeeze %dma_start3A_105 : memref<1x128xi32, #tpu.memory_space<vmem>> -> memref<128xi32, #tpu.memory_space<vmem>>
          %dma_start3A_107 = arith.constant 0 : i32
          %dma_start3A_108 = arith.constant 0 : i32
          %dma_start3A_109 = tpu.memref_slice %arg8[%dma_start3A_107, %dma_start3A_108] : memref<10008x64xf32, #tpu.memory_space<vmem_shared>> -> memref<10008x64xf32, #tpu.memory_space<vmem_shared>>
          tpu.enqueue_indirect_dma source(%dma_start3A_109 : memref<10008x64xf32, #tpu.memory_space<vmem_shared>>) target(%arg11 : memref<128x64xf32, #tpu.memory_space<vmem>>) offsets(%dma_start3A_106 : memref<128xi32, #tpu.memory_space<vmem>>) semaphore(%arg13 : memref<!tpu.dma_semaphore, #tpu.memory_space<semaphore_mem>>)
        } else {
        }
        %dma_wait3A_73 = arith.constant 0 : i32
        %dma_wait3A_74 = arith.constant 0 : i32
        %dma_wait3A_75 = tpu.memref_slice %arg9[%dma_wait3A_73, %dma_wait3A_74] : memref<40x128xi32, #tpu.memory_space<vmem>> -> memref<1x128xi32, #tpu.memory_space<vmem>>
        %dma_wait3A_76 = tpu.memref_squeeze %dma_wait3A_75 : memref<1x128xi32, #tpu.memory_space<vmem>> -> memref<128xi32, #tpu.memory_space<vmem>>
        %dma_wait3A_77 = arith.constant 0 : i32
        %dma_wait3A_78 = arith.constant 0 : i32
        %dma_wait3A_79 = tpu.memref_slice %arg8[%dma_wait3A_77, %dma_wait3A_78] : memref<10008x64xf32, #tpu.memory_space<vmem_shared>> -> memref<10008x64xf32, #tpu.memory_space<vmem_shared>>
        tpu.wait_indirect_dma semaphore(%arg14 : memref<!tpu.dma_semaphore, #tpu.memory_space<semaphore_mem>>) src(%dma_wait3A_79 : memref<10008x64xf32, #tpu.memory_space<vmem_shared>>) dst(%arg12 : memref<128x64xf32, #tpu.memory_space<vmem>>)
        %add3A_80 = arith.constant 1 : i32
        %add3A_81 = arith.addi %mul3A_55, %add3A_80 : i32
        %dma_start3A_82 = arith.constant 0 : i32
        %dma_start3A_83 = tpu.memref_slice %arg10[%add3A_81, %dma_start3A_82] : memref<40x128xi32, #tpu.memory_space<vmem>> -> memref<1x128xi32, #tpu.memory_space<vmem>>
        %dma_start3A_84 = tpu.memref_squeeze %dma_start3A_83 : memref<1x128xi32, #tpu.memory_space<vmem>> -> memref<128xi32, #tpu.memory_space<vmem>>
        %dma_start3A_85 = arith.constant 0 : i32
        %dma_start3A_86 = arith.constant 0 : i32
        %dma_start3A_87 = tpu.memref_slice %arg7[%dma_start3A_85, %dma_start3A_86] : memref<10008x64xf32, #tpu.memory_space<vmem_shared>> -> memref<10008x64xf32, #tpu.memory_space<vmem_shared>>
        tpu.enqueue_indirect_dma source(%arg12 : memref<128x64xf32, #tpu.memory_space<vmem>>) target(%dma_start3A_87 : memref<10008x64xf32, #tpu.memory_space<vmem_shared>>) offsets(%dma_start3A_84 : memref<128xi32, #tpu.memory_space<vmem>>) semaphore(%arg16 : memref<!tpu.dma_semaphore, #tpu.memory_space<semaphore_mem>>) {add = true}
        %add3A_88 = arith.constant 3 : i32
        %add3A_89 = arith.addi %mul3A_55, %add3A_88 : i32
        %lt3A_90 = arith.constant 40 : i32
        %lt3A_91 = arith.cmpi slt, %add3A_89, %lt3A_90 : i32
        %convert_element_type3A_92 = arith.extui %lt3A_91 : i1 to i32
        %cond3A_93 = arith.constant 0 : i32
        %cond3A_94 = arith.cmpi ne, %convert_element_type3A_92, %cond3A_93 : i32
        scf.if %cond3A_94 {
          %dma_wait3A_95 = arith.constant 0 : i32
          %dma_wait3A_96 = arith.constant 0 : i32
          %dma_wait3A_97 = tpu.memref_slice %arg10[%dma_wait3A_95, %dma_wait3A_96] : memref<40x128xi32, #tpu.memory_space<vmem>> -> memref<1x128xi32, #tpu.memory_space<vmem>>
          %dma_wait3A_98 = tpu.memref_squeeze %dma_wait3A_97 : memref<1x128xi32, #tpu.memory_space<vmem>> -> memref<128xi32, #tpu.memory_space<vmem>>
          %dma_wait3A_99 = arith.constant 0 : i32
          %dma_wait3A_100 = arith.constant 0 : i32
          %dma_wait3A_101 = tpu.memref_slice %arg7[%dma_wait3A_99, %dma_wait3A_100] : memref<10008x64xf32, #tpu.memory_space<vmem_shared>> -> memref<10008x64xf32, #tpu.memory_space<vmem_shared>>
          tpu.wait_indirect_dma semaphore(%arg16 : memref<!tpu.dma_semaphore, #tpu.memory_space<semaphore_mem>>) src(%arg12 : memref<128x64xf32, #tpu.memory_space<vmem>>) dst(%dma_wait3A_101 : memref<10008x64xf32, #tpu.memory_space<vmem_shared>>)
          %add3A_102 = arith.constant 3 : i32
          %add3A_103 = arith.addi %mul3A_55, %add3A_102 : i32
          %dma_start3A_104 = arith.constant 0 : i32
          %dma_start3A_105 = tpu.memref_slice %arg9[%add3A_103, %dma_start3A_104] : memref<40x128xi32, #tpu.memory_space<vmem>> -> memref<1x128xi32, #tpu.memory_space<vmem>>
          %dma_start3A_106 = tpu.memref_squeeze %dma_start3A_105 : memref<1x128xi32, #tpu.memory_space<vmem>> -> memref<128xi32, #tpu.memory_space<vmem>>
          %dma_start3A_107 = arith.constant 0 : i32
          %dma_start3A_108 = arith.constant 0 : i32
          %dma_start3A_109 = tpu.memref_slice %arg8[%dma_start3A_107, %dma_start3A_108] : memref<10008x64xf32, #tpu.memory_space<vmem_shared>> -> memref<10008x64xf32, #tpu.memory_space<vmem_shared>>
          tpu.enqueue_indirect_dma source(%dma_start3A_109 : memref<10008x64xf32, #tpu.memory_space<vmem_shared>>) target(%arg12 : memref<128x64xf32, #tpu.memory_space<vmem>>) offsets(%dma_start3A_106 : memref<128xi32, #tpu.memory_space<vmem>>) semaphore(%arg14 : memref<!tpu.dma_semaphore, #tpu.memory_space<semaphore_mem>>)
        } else {
        }
      }
      %scan3A_39 = arith.constant 20 : i32
      %dma_wait3A = arith.constant 0 : i32
      %dma_wait3A_40 = arith.constant 0 : i32
      %dma_wait3A_41 = tpu.memref_slice %arg10[%dma_wait3A, %dma_wait3A_40] : memref<40x128xi32, #tpu.memory_space<vmem>> -> memref<1x128xi32, #tpu.memory_space<vmem>>
      %dma_wait3A_42 = tpu.memref_squeeze %dma_wait3A_41 : memref<1x128xi32, #tpu.memory_space<vmem>> -> memref<128xi32, #tpu.memory_space<vmem>>
      %dma_wait3A_43 = arith.constant 0 : i32
      %dma_wait3A_44 = arith.constant 0 : i32
      %dma_wait3A_45 = tpu.memref_slice %arg7[%dma_wait3A_43, %dma_wait3A_44] : memref<10008x64xf32, #tpu.memory_space<vmem_shared>> -> memref<10008x64xf32, #tpu.memory_space<vmem_shared>>
      tpu.wait_indirect_dma semaphore(%arg15 : memref<!tpu.dma_semaphore, #tpu.memory_space<semaphore_mem>>) src(%arg11 : memref<128x64xf32, #tpu.memory_space<vmem>>) dst(%dma_wait3A_45 : memref<10008x64xf32, #tpu.memory_space<vmem_shared>>)
      %dma_wait3A_46 = arith.constant 0 : i32
      %dma_wait3A_47 = arith.constant 0 : i32
      %dma_wait3A_48 = tpu.memref_slice %arg10[%dma_wait3A_46, %dma_wait3A_47] : memref<40x128xi32, #tpu.memory_space<vmem>> -> memref<1x128xi32, #tpu.memory_space<vmem>>
      %dma_wait3A_49 = tpu.memref_squeeze %dma_wait3A_48 : memref<1x128xi32, #tpu.memory_space<vmem>> -> memref<128xi32, #tpu.memory_space<vmem>>
      %dma_wait3A_50 = arith.constant 0 : i32
      %dma_wait3A_51 = arith.constant 0 : i32
      %dma_wait3A_52 = tpu.memref_slice %arg7[%dma_wait3A_50, %dma_wait3A_51] : memref<10008x64xf32, #tpu.memory_space<vmem_shared>> -> memref<10008x64xf32, #tpu.memory_space<vmem_shared>>
      tpu.wait_indirect_dma semaphore(%arg16 : memref<!tpu.dma_semaphore, #tpu.memory_space<semaphore_mem>>) src(%arg12 : memref<128x64xf32, #tpu.memory_space<vmem>>) dst(%dma_wait3A_52 : memref<10008x64xf32, #tpu.memory_space<vmem_shared>>)
    }
    %scan3A_14 = arith.constant 4 : i32
    %barrier3A_15 = arith.constant 0 : index
    tpu.barrier barrier_id(%barrier3A_15)
    %add3A_16 = arith.addi %mul3A_8, %min3A_1 : i32
    "tpu.region"() ({
      %run_scoped3A = tpu.sem_alloc : memref<!tpu.dma_semaphore, #tpu.memory_space<semaphore_mem>>
      %dma_start3A = arith.constant 0 : i32
      %dma_start3A_17 = tpu.memref_slice %arg6[%add3A_16, %dma_start3A] : memref<20000x64xf32, #tpu.memory_space<hbm>> -> memref<632x64xf32, #tpu.memory_space<hbm>>
      %dma_start3A_18 = arith.constant 0 : i32
      %dma_start3A_19 = tpu.memref_slice %arg7[%min3A_1, %dma_start3A_18] : memref<10008x64xf32, #tpu.memory_space<vmem_shared>> -> memref<632x64xf32, #tpu.memory_space<vmem_shared>>
      tpu.enqueue_dma source(%dma_start3A_19 : memref<632x64xf32, #tpu.memory_space<vmem_shared>>) target(%dma_start3A_17 : memref<632x64xf32, #tpu.memory_space<hbm>>) target_semaphore(%run_scoped3A : memref<!tpu.dma_semaphore, #tpu.memory_space<semaphore_mem>>)
      %dma_wait3A = arith.constant 0 : i32
      %dma_wait3A_20 = tpu.memref_slice %arg6[%add3A_16, %dma_wait3A] : memref<20000x64xf32, #tpu.memory_space<hbm>> -> memref<632x64xf32, #tpu.memory_space<hbm>>
      %dma_wait3A_21 = arith.constant 0 : i32
      %dma_wait3A_22 = tpu.memref_slice %arg7[%min3A_1, %dma_wait3A_21] : memref<10008x64xf32, #tpu.memory_space<vmem_shared>> -> memref<632x64xf32, #tpu.memory_space<vmem_shared>>
      tpu.wait_dma2 semaphore(%run_scoped3A : memref<!tpu.dma_semaphore, #tpu.memory_space<semaphore_mem>>) src(%dma_wait3A_22 : memref<632x64xf32, #tpu.memory_space<vmem_shared>>) dst(%dma_wait3A_20 : memref<632x64xf32, #tpu.memory_space<hbm>>)
      tpu.yield
    }) : () -> ()
    return
  }
}

#map = affine_map<(d0, d1) -> (0, 0)>
module attributes {stable_mosaic.version = 14 : i64} {
  func.func @_sc_scatter(%arg0: i32, %arg1: i32, %arg2: memref<2560x128xi32, #tpu.memory_space<hbm>>, %arg3: memref<2560x128xi32, #tpu.memory_space<hbm>>, %arg4: memref<40000x64xf32, #tpu.memory_space<hbm>>, %arg5: memref<632x64xf32, #tpu.memory_space<hbm>>, %arg6: memref<40000x64xf32, #tpu.memory_space<hbm>>, %arg7: memref<10008x64xf32, #tpu.memory_space<vmem_shared>>, %arg8: memref<10008x64xf32, #tpu.memory_space<vmem_shared>>, %arg9: memref<40x128xi32, #tpu.memory_space<vmem>>, %arg10: memref<40x128xi32, #tpu.memory_space<vmem>>, %arg11: memref<128x64xf32, #tpu.memory_space<vmem>>, %arg12: memref<128x64xf32, #tpu.memory_space<vmem>>, %arg13: memref<!tpu.dma_semaphore, #tpu.memory_space<semaphore_mem>>, %arg14: memref<!tpu.dma_semaphore, #tpu.memory_space<semaphore_mem>>, %arg15: memref<!tpu.dma_semaphore, #tpu.memory_space<semaphore_mem>>, %arg16: memref<!tpu.dma_semaphore, #tpu.memory_space<semaphore_mem>>) attributes {dimension_semantics = [#tpu.dimension_semantics<core_parallel>, #tpu.dimension_semantics<subcore_parallel>], iteration_bounds = array<i64: 2, 16>, scalar_prefetch = 0 : i64, scratch_operands = 10 : i64, tpu.core_type = #tpu.core_type<sc_vector_subcore>, window_params = [{transform_indices = #map}, {transform_indices = #map}, {transform_indices = #map}, {transform_indices = #map}, {transform_indices = #map}]} {
    %mul3A = arith.constant 632 : i32
    %mul3A_0 = arith.muli %arg1, %mul3A : i32
    %min3A = arith.constant 9368 : i32
    %min3A_1 = arith.minsi %mul3A_0, %min3A : i32
    %mul3A_2 = arith.constant 160 : i32
    %mul3A_3 = arith.muli %arg1, %mul3A_2 : i32
    %mul3A_4 = arith.constant 2 : i32
    %mul3A_5 = arith.muli %arg0, %mul3A_4 : i32
    %add3A = arith.constant 0 : i32
    %add3A_6 = arith.addi %mul3A_5, %add3A : i32
    %mul3A_7 = arith.constant 10000 : i32
    %mul3A_8 = arith.muli %add3A_6, %mul3A_7 : i32
    "tpu.region"() ({
      %run_scoped3A = tpu.sem_alloc : memref<!tpu.dma_semaphore, #tpu.memory_space<semaphore_mem>>
      %dma_start3A = arith.constant 0 : i32
      %dma_start3A_34 = tpu.memref_slice %arg7[%min3A_1, %dma_start3A] : memref<10008x64xf32, #tpu.memory_space<vmem_shared>> -> memref<632x64xf32, #tpu.memory_space<vmem_shared>>
      tpu.enqueue_dma source(%arg5 : memref<632x64xf32, #tpu.memory_space<hbm>>) target(%dma_start3A_34 : memref<632x64xf32, #tpu.memory_space<vmem_shared>>) target_semaphore(%run_scoped3A : memref<!tpu.dma_semaphore, #tpu.memory_space<semaphore_mem>>)
      %dma_wait3A = arith.constant 0 : i32
      %dma_wait3A_35 = tpu.memref_slice %arg7[%min3A_1, %dma_wait3A] : memref<10008x64xf32, #tpu.memory_space<vmem_shared>> -> memref<632x64xf32, #tpu.memory_space<vmem_shared>>
      tpu.wait_dma2 semaphore(%run_scoped3A : memref<!tpu.dma_semaphore, #tpu.memory_space<semaphore_mem>>) src(%arg5 : memref<632x64xf32, #tpu.memory_space<hbm>>) dst(%dma_wait3A_35 : memref<632x64xf32, #tpu.memory_space<vmem_shared>>)
      tpu.yield
    }) : () -> ()
    %add3A_9 = arith.addi %mul3A_8, %min3A_1 : i32
    "tpu.region"() ({
      %run_scoped3A = tpu.sem_alloc : memref<!tpu.dma_semaphore, #tpu.memory_space<semaphore_mem>>
      %dma_start3A = arith.constant 0 : i32
      %dma_start3A_34 = tpu.memref_slice %arg8[%min3A_1, %dma_start3A] : memref<10008x64xf32, #tpu.memory_space<vmem_shared>> -> memref<632x64xf32, #tpu.memory_space<vmem_shared>>
      %dma_start3A_35 = arith.constant 0 : i32
      %dma_start3A_36 = tpu.memref_slice %arg4[%add3A_9, %dma_start3A_35] : memref<40000x64xf32, #tpu.memory_space<hbm>> -> memref<632x64xf32, #tpu.memory_space<hbm>>
      tpu.enqueue_dma source(%dma_start3A_36 : memref<632x64xf32, #tpu.memory_space<hbm>>) target(%dma_start3A_34 : memref<632x64xf32, #tpu.memory_space<vmem_shared>>) target_semaphore(%run_scoped3A : memref<!tpu.dma_semaphore, #tpu.memory_space<semaphore_mem>>)
      %dma_wait3A = arith.constant 0 : i32
      %dma_wait3A_37 = tpu.memref_slice %arg8[%min3A_1, %dma_wait3A] : memref<10008x64xf32, #tpu.memory_space<vmem_shared>> -> memref<632x64xf32, #tpu.memory_space<vmem_shared>>
      %dma_wait3A_38 = arith.constant 0 : i32
      %dma_wait3A_39 = tpu.memref_slice %arg4[%add3A_9, %dma_wait3A_38] : memref<40000x64xf32, #tpu.memory_space<hbm>> -> memref<632x64xf32, #tpu.memory_space<hbm>>
      tpu.wait_dma2 semaphore(%run_scoped3A : memref<!tpu.dma_semaphore, #tpu.memory_space<semaphore_mem>>) src(%dma_wait3A_39 : memref<632x64xf32, #tpu.memory_space<hbm>>) dst(%dma_wait3A_37 : memref<632x64xf32, #tpu.memory_space<vmem_shared>>)
      tpu.yield
    }) : () -> ()
    %barrier3A = arith.constant 0 : index
    tpu.barrier barrier_id(%barrier3A)
    %scan3A = arith.constant 0 : i32
    %scan3A_10 = arith.constant 0 : i32
    %scan3A_11 = arith.constant 4 : i32
    %scan3A_12 = arith.addi %scan3A_10, %scan3A_11 : i32
    %scan3A_13 = arith.constant 1 : i32
    scf.for %scan3A_34 = %scan3A_10 to %scan3A_12 step %scan3A_13  : i32 {
      %mul3A_35 = arith.constant 40 : i32
      %mul3A_36 = arith.muli %scan3A_34, %mul3A_35 : i32
      %add3A_37 = arith.addi %mul3A_3, %mul3A_36 : i32
      "tpu.region"() ({
        %run_scoped3A = tpu.sem_alloc : memref<!tpu.dma_semaphore, #tpu.memory_space<semaphore_mem>>
        %dma_start3A_70 = arith.constant 0 : i32
        %dma_start3A_71 = tpu.memref_slice %arg2[%add3A_37, %dma_start3A_70] : memref<2560x128xi32, #tpu.memory_space<hbm>> -> memref<40x128xi32, #tpu.memory_space<hbm>>
        %dma_start3A_72 = arith.constant 0 : i32
        %dma_start3A_73 = tpu.memref_slice %arg2[%add3A_37, %dma_start3A_72] : memref<2560x128xi32, #tpu.memory_space<hbm>> -> memref<40x128xi32, #tpu.memory_space<hbm>>
        tpu.enqueue_dma source(%dma_start3A_73 : memref<40x128xi32, #tpu.memory_space<hbm>>) target(%arg9 : memref<40x128xi32, #tpu.memory_space<vmem>>) target_semaphore(%run_scoped3A : memref<!tpu.dma_semaphore, #tpu.memory_space<semaphore_mem>>)
        %dma_wait3A_74 = arith.constant 0 : i32
        %dma_wait3A_75 = tpu.memref_slice %arg2[%add3A_37, %dma_wait3A_74] : memref<2560x128xi32, #tpu.memory_space<hbm>> -> memref<40x128xi32, #tpu.memory_space<hbm>>
        %dma_wait3A_76 = arith.constant 0 : i32
        %dma_wait3A_77 = tpu.memref_slice %arg2[%add3A_37, %dma_wait3A_76] : memref<2560x128xi32, #tpu.memory_space<hbm>> -> memref<40x128xi32, #tpu.memory_space<hbm>>
        tpu.wait_dma2 semaphore(%run_scoped3A : memref<!tpu.dma_semaphore, #tpu.memory_space<semaphore_mem>>) src(%dma_wait3A_77 : memref<40x128xi32, #tpu.memory_space<hbm>>) dst(%arg9 : memref<40x128xi32, #tpu.memory_space<vmem>>)
        tpu.yield
      }) : () -> ()
      "tpu.region"() ({
        %run_scoped3A = tpu.sem_alloc : memref<!tpu.dma_semaphore, #tpu.memory_space<semaphore_mem>>
        %dma_start3A_70 = arith.constant 0 : i32
        %dma_start3A_71 = tpu.memref_slice %arg3[%add3A_37, %dma_start3A_70] : memref<2560x128xi32, #tpu.memory_space<hbm>> -> memref<40x128xi32, #tpu.memory_space<hbm>>
        %dma_start3A_72 = arith.constant 0 : i32
        %dma_start3A_73 = tpu.memref_slice %arg3[%add3A_37, %dma_start3A_72] : memref<2560x128xi32, #tpu.memory_space<hbm>> -> memref<40x128xi32, #tpu.memory_space<hbm>>
        tpu.enqueue_dma source(%dma_start3A_73 : memref<40x128xi32, #tpu.memory_space<hbm>>) target(%arg10 : memref<40x128xi32, #tpu.memory_space<vmem>>) target_semaphore(%run_scoped3A : memref<!tpu.dma_semaphore, #tpu.memory_space<semaphore_mem>>)
        %dma_wait3A_74 = arith.constant 0 : i32
        %dma_wait3A_75 = tpu.memref_slice %arg3[%add3A_37, %dma_wait3A_74] : memref<2560x128xi32, #tpu.memory_space<hbm>> -> memref<40x128xi32, #tpu.memory_space<hbm>>
        %dma_wait3A_76 = arith.constant 0 : i32
        %dma_wait3A_77 = tpu.memref_slice %arg3[%add3A_37, %dma_wait3A_76] : memref<2560x128xi32, #tpu.memory_space<hbm>> -> memref<40x128xi32, #tpu.memory_space<hbm>>
        tpu.wait_dma2 semaphore(%run_scoped3A : memref<!tpu.dma_semaphore, #tpu.memory_space<semaphore_mem>>) src(%dma_wait3A_77 : memref<40x128xi32, #tpu.memory_space<hbm>>) dst(%arg10 : memref<40x128xi32, #tpu.memory_space<vmem>>)
        tpu.yield
      }) : () -> ()
      %dma_start3A = arith.constant 0 : i32
      %dma_start3A_38 = arith.constant 0 : i32
      %dma_start3A_39 = tpu.memref_slice %arg9[%dma_start3A, %dma_start3A_38] : memref<40x128xi32, #tpu.memory_space<vmem>> -> memref<1x128xi32, #tpu.memory_space<vmem>>
      %dma_start3A_40 = tpu.memref_squeeze %dma_start3A_39 : memref<1x128xi32, #tpu.memory_space<vmem>> -> memref<128xi32, #tpu.memory_space<vmem>>
      %dma_start3A_41 = arith.constant 0 : i32
      %dma_start3A_42 = arith.constant 0 : i32
      %dma_start3A_43 = tpu.memref_slice %arg8[%dma_start3A_41, %dma_start3A_42] : memref<10008x64xf32, #tpu.memory_space<vmem_shared>> -> memref<10008x64xf32, #tpu.memory_space<vmem_shared>>
      tpu.enqueue_indirect_dma source(%dma_start3A_43 : memref<10008x64xf32, #tpu.memory_space<vmem_shared>>) target(%arg11 : memref<128x64xf32, #tpu.memory_space<vmem>>) offsets(%dma_start3A_40 : memref<128xi32, #tpu.memory_space<vmem>>) semaphore(%arg13 : memref<!tpu.dma_semaphore, #tpu.memory_space<semaphore_mem>>)
      %dma_start3A_44 = arith.constant 1 : i32
      %dma_start3A_45 = arith.constant 0 : i32
      %dma_start3A_46 = tpu.memref_slice %arg9[%dma_start3A_44, %dma_start3A_45] : memref<40x128xi32, #tpu.memory_space<vmem>> -> memref<1x128xi32, #tpu.memory_space<vmem>>
      %dma_start3A_47 = tpu.memref_squeeze %dma_start3A_46 : memref<1x128xi32, #tpu.memory_space<vmem>> -> memref<128xi32, #tpu.memory_space<vmem>>
      %dma_start3A_48 = arith.constant 0 : i32
      %dma_start3A_49 = arith.constant 0 : i32
      %dma_start3A_50 = tpu.memref_slice %arg8[%dma_start3A_48, %dma_start3A_49] : memref<10008x64xf32, #tpu.memory_space<vmem_shared>> -> memref<10008x64xf32, #tpu.memory_space<vmem_shared>>
      tpu.enqueue_indirect_dma source(%dma_start3A_50 : memref<10008x64xf32, #tpu.memory_space<vmem_shared>>) target(%arg12 : memref<128x64xf32, #tpu.memory_space<vmem>>) offsets(%dma_start3A_47 : memref<128xi32, #tpu.memory_space<vmem>>) semaphore(%arg14 : memref<!tpu.dma_semaphore, #tpu.memory_space<semaphore_mem>>)
      %scan3A_51 = arith.constant 0 : i32
      %scan3A_52 = arith.constant 0 : i32
      %scan3A_53 = arith.constant 20 : i32
      %scan3A_54 = arith.addi %scan3A_52, %scan3A_53 : i32
      %scan3A_55 = arith.constant 1 : i32
      scf.for %scan3A_70 = %scan3A_52 to %scan3A_54 step %scan3A_55  : i32 {
        %mul3A_71 = arith.constant 2 : i32
        %mul3A_72 = arith.muli %mul3A_71, %scan3A_70 : i32
        %dma_wait3A_73 = arith.constant 0 : i32
        %dma_wait3A_74 = arith.constant 0 : i32
        %dma_wait3A_75 = tpu.memref_slice %arg9[%dma_wait3A_73, %dma_wait3A_74] : memref<40x128xi32, #tpu.memory_space<vmem>> -> memref<1x128xi32, #tpu.memory_space<vmem>>
        %dma_wait3A_76 = tpu.memref_squeeze %dma_wait3A_75 : memref<1x128xi32, #tpu.memory_space<vmem>> -> memref<128xi32, #tpu.memory_space<vmem>>
        %dma_wait3A_77 = arith.constant 0 : i32
        %dma_wait3A_78 = arith.constant 0 : i32
        %dma_wait3A_79 = tpu.memref_slice %arg8[%dma_wait3A_77, %dma_wait3A_78] : memref<10008x64xf32, #tpu.memory_space<vmem_shared>> -> memref<10008x64xf32, #tpu.memory_space<vmem_shared>>
        tpu.wait_indirect_dma semaphore(%arg13 : memref<!tpu.dma_semaphore, #tpu.memory_space<semaphore_mem>>) src(%dma_wait3A_79 : memref<10008x64xf32, #tpu.memory_space<vmem_shared>>) dst(%arg11 : memref<128x64xf32, #tpu.memory_space<vmem>>)
        %dma_start3A_80 = arith.constant 0 : i32
        %dma_start3A_81 = tpu.memref_slice %arg10[%mul3A_72, %dma_start3A_80] : memref<40x128xi32, #tpu.memory_space<vmem>> -> memref<1x128xi32, #tpu.memory_space<vmem>>
        %dma_start3A_82 = tpu.memref_squeeze %dma_start3A_81 : memref<1x128xi32, #tpu.memory_space<vmem>> -> memref<128xi32, #tpu.memory_space<vmem>>
        %dma_start3A_83 = arith.constant 0 : i32
        %dma_start3A_84 = arith.constant 0 : i32
        %dma_start3A_85 = tpu.memref_slice %arg7[%dma_start3A_83, %dma_start3A_84] : memref<10008x64xf32, #tpu.memory_space<vmem_shared>> -> memref<10008x64xf32, #tpu.memory_space<vmem_shared>>
        tpu.enqueue_indirect_dma source(%arg11 : memref<128x64xf32, #tpu.memory_space<vmem>>) target(%dma_start3A_85 : memref<10008x64xf32, #tpu.memory_space<vmem_shared>>) offsets(%dma_start3A_82 : memref<128xi32, #tpu.memory_space<vmem>>) semaphore(%arg15 : memref<!tpu.dma_semaphore, #tpu.memory_space<semaphore_mem>>) {add = true}
        %add3A_86 = arith.constant 2 : i32
        %add3A_87 = arith.addi %mul3A_72, %add3A_86 : i32
        %lt3A = arith.constant 40 : i32
        %lt3A_88 = arith.cmpi slt, %add3A_87, %lt3A : i32
        %convert_element_type3A = arith.extui %lt3A_88 : i1 to i32
        %cond3A = arith.constant 0 : i32
        %cond3A_89 = arith.cmpi ne, %convert_element_type3A, %cond3A : i32
        scf.if %cond3A_89 {
          %dma_wait3A_112 = arith.constant 0 : i32
          %dma_wait3A_113 = arith.constant 0 : i32
          %dma_wait3A_114 = tpu.memref_slice %arg10[%dma_wait3A_112, %dma_wait3A_113] : memref<40x128xi32, #tpu.memory_space<vmem>> -> memref<1x128xi32, #tpu.memory_space<vmem>>
          %dma_wait3A_115 = tpu.memref_squeeze %dma_wait3A_114 : memref<1x128xi32, #tpu.memory_space<vmem>> -> memref<128xi32, #tpu.memory_space<vmem>>
          %dma_wait3A_116 = arith.constant 0 : i32
          %dma_wait3A_117 = arith.constant 0 : i32
          %dma_wait3A_118 = tpu.memref_slice %arg7[%dma_wait3A_116, %dma_wait3A_117] : memref<10008x64xf32, #tpu.memory_space<vmem_shared>> -> memref<10008x64xf32, #tpu.memory_space<vmem_shared>>
          tpu.wait_indirect_dma semaphore(%arg15 : memref<!tpu.dma_semaphore, #tpu.memory_space<semaphore_mem>>) src(%arg11 : memref<128x64xf32, #tpu.memory_space<vmem>>) dst(%dma_wait3A_118 : memref<10008x64xf32, #tpu.memory_space<vmem_shared>>)
          %add3A_119 = arith.constant 2 : i32
          %add3A_120 = arith.addi %mul3A_72, %add3A_119 : i32
          %dma_start3A_121 = arith.constant 0 : i32
          %dma_start3A_122 = tpu.memref_slice %arg9[%add3A_120, %dma_start3A_121] : memref<40x128xi32, #tpu.memory_space<vmem>> -> memref<1x128xi32, #tpu.memory_space<vmem>>
          %dma_start3A_123 = tpu.memref_squeeze %dma_start3A_122 : memref<1x128xi32, #tpu.memory_space<vmem>> -> memref<128xi32, #tpu.memory_space<vmem>>
          %dma_start3A_124 = arith.constant 0 : i32
          %dma_start3A_125 = arith.constant 0 : i32
          %dma_start3A_126 = tpu.memref_slice %arg8[%dma_start3A_124, %dma_start3A_125] : memref<10008x64xf32, #tpu.memory_space<vmem_shared>> -> memref<10008x64xf32, #tpu.memory_space<vmem_shared>>
          tpu.enqueue_indirect_dma source(%dma_start3A_126 : memref<10008x64xf32, #tpu.memory_space<vmem_shared>>) target(%arg11 : memref<128x64xf32, #tpu.memory_space<vmem>>) offsets(%dma_start3A_123 : memref<128xi32, #tpu.memory_space<vmem>>) semaphore(%arg13 : memref<!tpu.dma_semaphore, #tpu.memory_space<semaphore_mem>>)
        } else {
        }
        %dma_wait3A_90 = arith.constant 0 : i32
        %dma_wait3A_91 = arith.constant 0 : i32
        %dma_wait3A_92 = tpu.memref_slice %arg9[%dma_wait3A_90, %dma_wait3A_91] : memref<40x128xi32, #tpu.memory_space<vmem>> -> memref<1x128xi32, #tpu.memory_space<vmem>>
        %dma_wait3A_93 = tpu.memref_squeeze %dma_wait3A_92 : memref<1x128xi32, #tpu.memory_space<vmem>> -> memref<128xi32, #tpu.memory_space<vmem>>
        %dma_wait3A_94 = arith.constant 0 : i32
        %dma_wait3A_95 = arith.constant 0 : i32
        %dma_wait3A_96 = tpu.memref_slice %arg8[%dma_wait3A_94, %dma_wait3A_95] : memref<10008x64xf32, #tpu.memory_space<vmem_shared>> -> memref<10008x64xf32, #tpu.memory_space<vmem_shared>>
        tpu.wait_indirect_dma semaphore(%arg14 : memref<!tpu.dma_semaphore, #tpu.memory_space<semaphore_mem>>) src(%dma_wait3A_96 : memref<10008x64xf32, #tpu.memory_space<vmem_shared>>) dst(%arg12 : memref<128x64xf32, #tpu.memory_space<vmem>>)
        %add3A_97 = arith.constant 1 : i32
        %add3A_98 = arith.addi %mul3A_72, %add3A_97 : i32
        %dma_start3A_99 = arith.constant 0 : i32
        %dma_start3A_100 = tpu.memref_slice %arg10[%add3A_98, %dma_start3A_99] : memref<40x128xi32, #tpu.memory_space<vmem>> -> memref<1x128xi32, #tpu.memory_space<vmem>>
        %dma_start3A_101 = tpu.memref_squeeze %dma_start3A_100 : memref<1x128xi32, #tpu.memory_space<vmem>> -> memref<128xi32, #tpu.memory_space<vmem>>
        %dma_start3A_102 = arith.constant 0 : i32
        %dma_start3A_103 = arith.constant 0 : i32
        %dma_start3A_104 = tpu.memref_slice %arg7[%dma_start3A_102, %dma_start3A_103] : memref<10008x64xf32, #tpu.memory_space<vmem_shared>> -> memref<10008x64xf32, #tpu.memory_space<vmem_shared>>
        tpu.enqueue_indirect_dma source(%arg12 : memref<128x64xf32, #tpu.memory_space<vmem>>) target(%dma_start3A_104 : memref<10008x64xf32, #tpu.memory_space<vmem_shared>>) offsets(%dma_start3A_101 : memref<128xi32, #tpu.memory_space<vmem>>) semaphore(%arg16 : memref<!tpu.dma_semaphore, #tpu.memory_space<semaphore_mem>>) {add = true}
        %add3A_105 = arith.constant 3 : i32
        %add3A_106 = arith.addi %mul3A_72, %add3A_105 : i32
        %lt3A_107 = arith.constant 40 : i32
        %lt3A_108 = arith.cmpi slt, %add3A_106, %lt3A_107 : i32
        %convert_element_type3A_109 = arith.extui %lt3A_108 : i1 to i32
        %cond3A_110 = arith.constant 0 : i32
        %cond3A_111 = arith.cmpi ne, %convert_element_type3A_109, %cond3A_110 : i32
        scf.if %cond3A_111 {
          %dma_wait3A_112 = arith.constant 0 : i32
          %dma_wait3A_113 = arith.constant 0 : i32
          %dma_wait3A_114 = tpu.memref_slice %arg10[%dma_wait3A_112, %dma_wait3A_113] : memref<40x128xi32, #tpu.memory_space<vmem>> -> memref<1x128xi32, #tpu.memory_space<vmem>>
          %dma_wait3A_115 = tpu.memref_squeeze %dma_wait3A_114 : memref<1x128xi32, #tpu.memory_space<vmem>> -> memref<128xi32, #tpu.memory_space<vmem>>
          %dma_wait3A_116 = arith.constant 0 : i32
          %dma_wait3A_117 = arith.constant 0 : i32
          %dma_wait3A_118 = tpu.memref_slice %arg7[%dma_wait3A_116, %dma_wait3A_117] : memref<10008x64xf32, #tpu.memory_space<vmem_shared>> -> memref<10008x64xf32, #tpu.memory_space<vmem_shared>>
          tpu.wait_indirect_dma semaphore(%arg16 : memref<!tpu.dma_semaphore, #tpu.memory_space<semaphore_mem>>) src(%arg12 : memref<128x64xf32, #tpu.memory_space<vmem>>) dst(%dma_wait3A_118 : memref<10008x64xf32, #tpu.memory_space<vmem_shared>>)
          %add3A_119 = arith.constant 3 : i32
          %add3A_120 = arith.addi %mul3A_72, %add3A_119 : i32
          %dma_start3A_121 = arith.constant 0 : i32
          %dma_start3A_122 = tpu.memref_slice %arg9[%add3A_120, %dma_start3A_121] : memref<40x128xi32, #tpu.memory_space<vmem>> -> memref<1x128xi32, #tpu.memory_space<vmem>>
          %dma_start3A_123 = tpu.memref_squeeze %dma_start3A_122 : memref<1x128xi32, #tpu.memory_space<vmem>> -> memref<128xi32, #tpu.memory_space<vmem>>
          %dma_start3A_124 = arith.constant 0 : i32
          %dma_start3A_125 = arith.constant 0 : i32
          %dma_start3A_126 = tpu.memref_slice %arg8[%dma_start3A_124, %dma_start3A_125] : memref<10008x64xf32, #tpu.memory_space<vmem_shared>> -> memref<10008x64xf32, #tpu.memory_space<vmem_shared>>
          tpu.enqueue_indirect_dma source(%dma_start3A_126 : memref<10008x64xf32, #tpu.memory_space<vmem_shared>>) target(%arg12 : memref<128x64xf32, #tpu.memory_space<vmem>>) offsets(%dma_start3A_123 : memref<128xi32, #tpu.memory_space<vmem>>) semaphore(%arg14 : memref<!tpu.dma_semaphore, #tpu.memory_space<semaphore_mem>>)
        } else {
        }
      }
      %scan3A_56 = arith.constant 20 : i32
      %dma_wait3A = arith.constant 0 : i32
      %dma_wait3A_57 = arith.constant 0 : i32
      %dma_wait3A_58 = tpu.memref_slice %arg10[%dma_wait3A, %dma_wait3A_57] : memref<40x128xi32, #tpu.memory_space<vmem>> -> memref<1x128xi32, #tpu.memory_space<vmem>>
      %dma_wait3A_59 = tpu.memref_squeeze %dma_wait3A_58 : memref<1x128xi32, #tpu.memory_space<vmem>> -> memref<128xi32, #tpu.memory_space<vmem>>
      %dma_wait3A_60 = arith.constant 0 : i32
      %dma_wait3A_61 = arith.constant 0 : i32
      %dma_wait3A_62 = tpu.memref_slice %arg7[%dma_wait3A_60, %dma_wait3A_61] : memref<10008x64xf32, #tpu.memory_space<vmem_shared>> -> memref<10008x64xf32, #tpu.memory_space<vmem_shared>>
      tpu.wait_indirect_dma semaphore(%arg15 : memref<!tpu.dma_semaphore, #tpu.memory_space<semaphore_mem>>) src(%arg11 : memref<128x64xf32, #tpu.memory_space<vmem>>) dst(%dma_wait3A_62 : memref<10008x64xf32, #tpu.memory_space<vmem_shared>>)
      %dma_wait3A_63 = arith.constant 0 : i32
      %dma_wait3A_64 = arith.constant 0 : i32
      %dma_wait3A_65 = tpu.memref_slice %arg10[%dma_wait3A_63, %dma_wait3A_64] : memref<40x128xi32, #tpu.memory_space<vmem>> -> memref<1x128xi32, #tpu.memory_space<vmem>>
      %dma_wait3A_66 = tpu.memref_squeeze %dma_wait3A_65 : memref<1x128xi32, #tpu.memory_space<vmem>> -> memref<128xi32, #tpu.memory_space<vmem>>
      %dma_wait3A_67 = arith.constant 0 : i32
      %dma_wait3A_68 = arith.constant 0 : i32
      %dma_wait3A_69 = tpu.memref_slice %arg7[%dma_wait3A_67, %dma_wait3A_68] : memref<10008x64xf32, #tpu.memory_space<vmem_shared>> -> memref<10008x64xf32, #tpu.memory_space<vmem_shared>>
      tpu.wait_indirect_dma semaphore(%arg16 : memref<!tpu.dma_semaphore, #tpu.memory_space<semaphore_mem>>) src(%arg12 : memref<128x64xf32, #tpu.memory_space<vmem>>) dst(%dma_wait3A_69 : memref<10008x64xf32, #tpu.memory_space<vmem_shared>>)
    }
    %scan3A_14 = arith.constant 4 : i32
    %barrier3A_15 = arith.constant 0 : index
    tpu.barrier barrier_id(%barrier3A_15)
    %add3A_16 = arith.addi %mul3A_8, %min3A_1 : i32
    "tpu.region"() ({
      %run_scoped3A = tpu.sem_alloc : memref<!tpu.dma_semaphore, #tpu.memory_space<semaphore_mem>>
      %dma_start3A = arith.constant 0 : i32
      %dma_start3A_34 = tpu.memref_slice %arg6[%add3A_16, %dma_start3A] : memref<40000x64xf32, #tpu.memory_space<hbm>> -> memref<632x64xf32, #tpu.memory_space<hbm>>
      %dma_start3A_35 = arith.constant 0 : i32
      %dma_start3A_36 = tpu.memref_slice %arg7[%min3A_1, %dma_start3A_35] : memref<10008x64xf32, #tpu.memory_space<vmem_shared>> -> memref<632x64xf32, #tpu.memory_space<vmem_shared>>
      tpu.enqueue_dma source(%dma_start3A_36 : memref<632x64xf32, #tpu.memory_space<vmem_shared>>) target(%dma_start3A_34 : memref<632x64xf32, #tpu.memory_space<hbm>>) target_semaphore(%run_scoped3A : memref<!tpu.dma_semaphore, #tpu.memory_space<semaphore_mem>>)
      %dma_wait3A = arith.constant 0 : i32
      %dma_wait3A_37 = tpu.memref_slice %arg6[%add3A_16, %dma_wait3A] : memref<40000x64xf32, #tpu.memory_space<hbm>> -> memref<632x64xf32, #tpu.memory_space<hbm>>
      %dma_wait3A_38 = arith.constant 0 : i32
      %dma_wait3A_39 = tpu.memref_slice %arg7[%min3A_1, %dma_wait3A_38] : memref<10008x64xf32, #tpu.memory_space<vmem_shared>> -> memref<632x64xf32, #tpu.memory_space<vmem_shared>>
      tpu.wait_dma2 semaphore(%run_scoped3A : memref<!tpu.dma_semaphore, #tpu.memory_space<semaphore_mem>>) src(%dma_wait3A_39 : memref<632x64xf32, #tpu.memory_space<vmem_shared>>) dst(%dma_wait3A_37 : memref<632x64xf32, #tpu.memory_space<hbm>>)
      tpu.yield
    }) : () -> ()
    %barrier3A_17 = arith.constant 0 : index
    tpu.barrier barrier_id(%barrier3A_17)
    %mul3A_18 = arith.constant 2 : i32
    %mul3A_19 = arith.muli %arg0, %mul3A_18 : i32
    %add3A_20 = arith.constant 1 : i32
    %add3A_21 = arith.addi %mul3A_19, %add3A_20 : i32
    %mul3A_22 = arith.constant 10000 : i32
    %mul3A_23 = arith.muli %add3A_21, %mul3A_22 : i32
    "tpu.region"() ({
      %run_scoped3A = tpu.sem_alloc : memref<!tpu.dma_semaphore, #tpu.memory_space<semaphore_mem>>
      %dma_start3A = arith.constant 0 : i32
      %dma_start3A_34 = tpu.memref_slice %arg7[%min3A_1, %dma_start3A] : memref<10008x64xf32, #tpu.memory_space<vmem_shared>> -> memref<632x64xf32, #tpu.memory_space<vmem_shared>>
      tpu.enqueue_dma source(%arg5 : memref<632x64xf32, #tpu.memory_space<hbm>>) target(%dma_start3A_34 : memref<632x64xf32, #tpu.memory_space<vmem_shared>>) target_semaphore(%run_scoped3A : memref<!tpu.dma_semaphore, #tpu.memory_space<semaphore_mem>>)
      %dma_wait3A = arith.constant 0 : i32
      %dma_wait3A_35 = tpu.memref_slice %arg7[%min3A_1, %dma_wait3A] : memref<10008x64xf32, #tpu.memory_space<vmem_shared>> -> memref<632x64xf32, #tpu.memory_space<vmem_shared>>
      tpu.wait_dma2 semaphore(%run_scoped3A : memref<!tpu.dma_semaphore, #tpu.memory_space<semaphore_mem>>) src(%arg5 : memref<632x64xf32, #tpu.memory_space<hbm>>) dst(%dma_wait3A_35 : memref<632x64xf32, #tpu.memory_space<vmem_shared>>)
      tpu.yield
    }) : () -> ()
    %add3A_24 = arith.addi %mul3A_23, %min3A_1 : i32
    "tpu.region"() ({
      %run_scoped3A = tpu.sem_alloc : memref<!tpu.dma_semaphore, #tpu.memory_space<semaphore_mem>>
      %dma_start3A = arith.constant 0 : i32
      %dma_start3A_34 = tpu.memref_slice %arg8[%min3A_1, %dma_start3A] : memref<10008x64xf32, #tpu.memory_space<vmem_shared>> -> memref<632x64xf32, #tpu.memory_space<vmem_shared>>
      %dma_start3A_35 = arith.constant 0 : i32
      %dma_start3A_36 = tpu.memref_slice %arg4[%add3A_24, %dma_start3A_35] : memref<40000x64xf32, #tpu.memory_space<hbm>> -> memref<632x64xf32, #tpu.memory_space<hbm>>
      tpu.enqueue_dma source(%dma_start3A_36 : memref<632x64xf32, #tpu.memory_space<hbm>>) target(%dma_start3A_34 : memref<632x64xf32, #tpu.memory_space<vmem_shared>>) target_semaphore(%run_scoped3A : memref<!tpu.dma_semaphore, #tpu.memory_space<semaphore_mem>>)
      %dma_wait3A = arith.constant 0 : i32
      %dma_wait3A_37 = tpu.memref_slice %arg8[%min3A_1, %dma_wait3A] : memref<10008x64xf32, #tpu.memory_space<vmem_shared>> -> memref<632x64xf32, #tpu.memory_space<vmem_shared>>
      %dma_wait3A_38 = arith.constant 0 : i32
      %dma_wait3A_39 = tpu.memref_slice %arg4[%add3A_24, %dma_wait3A_38] : memref<40000x64xf32, #tpu.memory_space<hbm>> -> memref<632x64xf32, #tpu.memory_space<hbm>>
      tpu.wait_dma2 semaphore(%run_scoped3A : memref<!tpu.dma_semaphore, #tpu.memory_space<semaphore_mem>>) src(%dma_wait3A_39 : memref<632x64xf32, #tpu.memory_space<hbm>>) dst(%dma_wait3A_37 : memref<632x64xf32, #tpu.memory_space<vmem_shared>>)
      tpu.yield
    }) : () -> ()
    %barrier3A_25 = arith.constant 0 : index
    tpu.barrier barrier_id(%barrier3A_25)
    %scan3A_26 = arith.constant 0 : i32
    %scan3A_27 = arith.constant 0 : i32
    %scan3A_28 = arith.constant 4 : i32
    %scan3A_29 = arith.addi %scan3A_27, %scan3A_28 : i32
    %scan3A_30 = arith.constant 1 : i32
    scf.for %scan3A_34 = %scan3A_27 to %scan3A_29 step %scan3A_30  : i32 {
      %mul3A_35 = arith.constant 40 : i32
      %mul3A_36 = arith.muli %scan3A_34, %mul3A_35 : i32
      %add3A_37 = arith.addi %mul3A_3, %mul3A_36 : i32
      "tpu.region"() ({
        %run_scoped3A = tpu.sem_alloc : memref<!tpu.dma_semaphore, #tpu.memory_space<semaphore_mem>>
        %dma_start3A_70 = arith.constant 0 : i32
        %dma_start3A_71 = tpu.memref_slice %arg2[%add3A_37, %dma_start3A_70] : memref<2560x128xi32, #tpu.memory_space<hbm>> -> memref<40x128xi32, #tpu.memory_space<hbm>>
        %dma_start3A_72 = arith.constant 0 : i32
        %dma_start3A_73 = tpu.memref_slice %arg2[%add3A_37, %dma_start3A_72] : memref<2560x128xi32, #tpu.memory_space<hbm>> -> memref<40x128xi32, #tpu.memory_space<hbm>>
        tpu.enqueue_dma source(%dma_start3A_73 : memref<40x128xi32, #tpu.memory_space<hbm>>) target(%arg9 : memref<40x128xi32, #tpu.memory_space<vmem>>) target_semaphore(%run_scoped3A : memref<!tpu.dma_semaphore, #tpu.memory_space<semaphore_mem>>)
        %dma_wait3A_74 = arith.constant 0 : i32
        %dma_wait3A_75 = tpu.memref_slice %arg2[%add3A_37, %dma_wait3A_74] : memref<2560x128xi32, #tpu.memory_space<hbm>> -> memref<40x128xi32, #tpu.memory_space<hbm>>
        %dma_wait3A_76 = arith.constant 0 : i32
        %dma_wait3A_77 = tpu.memref_slice %arg2[%add3A_37, %dma_wait3A_76] : memref<2560x128xi32, #tpu.memory_space<hbm>> -> memref<40x128xi32, #tpu.memory_space<hbm>>
        tpu.wait_dma2 semaphore(%run_scoped3A : memref<!tpu.dma_semaphore, #tpu.memory_space<semaphore_mem>>) src(%dma_wait3A_77 : memref<40x128xi32, #tpu.memory_space<hbm>>) dst(%arg9 : memref<40x128xi32, #tpu.memory_space<vmem>>)
        tpu.yield
      }) : () -> ()
      "tpu.region"() ({
        %run_scoped3A = tpu.sem_alloc : memref<!tpu.dma_semaphore, #tpu.memory_space<semaphore_mem>>
        %dma_start3A_70 = arith.constant 0 : i32
        %dma_start3A_71 = tpu.memref_slice %arg3[%add3A_37, %dma_start3A_70] : memref<2560x128xi32, #tpu.memory_space<hbm>> -> memref<40x128xi32, #tpu.memory_space<hbm>>
        %dma_start3A_72 = arith.constant 0 : i32
        %dma_start3A_73 = tpu.memref_slice %arg3[%add3A_37, %dma_start3A_72] : memref<2560x128xi32, #tpu.memory_space<hbm>> -> memref<40x128xi32, #tpu.memory_space<hbm>>
        tpu.enqueue_dma source(%dma_start3A_73 : memref<40x128xi32, #tpu.memory_space<hbm>>) target(%arg10 : memref<40x128xi32, #tpu.memory_space<vmem>>) target_semaphore(%run_scoped3A : memref<!tpu.dma_semaphore, #tpu.memory_space<semaphore_mem>>)
        %dma_wait3A_74 = arith.constant 0 : i32
        %dma_wait3A_75 = tpu.memref_slice %arg3[%add3A_37, %dma_wait3A_74] : memref<2560x128xi32, #tpu.memory_space<hbm>> -> memref<40x128xi32, #tpu.memory_space<hbm>>
        %dma_wait3A_76 = arith.constant 0 : i32
        %dma_wait3A_77 = tpu.memref_slice %arg3[%add3A_37, %dma_wait3A_76] : memref<2560x128xi32, #tpu.memory_space<hbm>> -> memref<40x128xi32, #tpu.memory_space<hbm>>
        tpu.wait_dma2 semaphore(%run_scoped3A : memref<!tpu.dma_semaphore, #tpu.memory_space<semaphore_mem>>) src(%dma_wait3A_77 : memref<40x128xi32, #tpu.memory_space<hbm>>) dst(%arg10 : memref<40x128xi32, #tpu.memory_space<vmem>>)
        tpu.yield
      }) : () -> ()
      %dma_start3A = arith.constant 0 : i32
      %dma_start3A_38 = arith.constant 0 : i32
      %dma_start3A_39 = tpu.memref_slice %arg9[%dma_start3A, %dma_start3A_38] : memref<40x128xi32, #tpu.memory_space<vmem>> -> memref<1x128xi32, #tpu.memory_space<vmem>>
      %dma_start3A_40 = tpu.memref_squeeze %dma_start3A_39 : memref<1x128xi32, #tpu.memory_space<vmem>> -> memref<128xi32, #tpu.memory_space<vmem>>
      %dma_start3A_41 = arith.constant 0 : i32
      %dma_start3A_42 = arith.constant 0 : i32
      %dma_start3A_43 = tpu.memref_slice %arg8[%dma_start3A_41, %dma_start3A_42] : memref<10008x64xf32, #tpu.memory_space<vmem_shared>> -> memref<10008x64xf32, #tpu.memory_space<vmem_shared>>
      tpu.enqueue_indirect_dma source(%dma_start3A_43 : memref<10008x64xf32, #tpu.memory_space<vmem_shared>>) target(%arg11 : memref<128x64xf32, #tpu.memory_space<vmem>>) offsets(%dma_start3A_40 : memref<128xi32, #tpu.memory_space<vmem>>) semaphore(%arg13 : memref<!tpu.dma_semaphore, #tpu.memory_space<semaphore_mem>>)
      %dma_start3A_44 = arith.constant 1 : i32
      %dma_start3A_45 = arith.constant 0 : i32
      %dma_start3A_46 = tpu.memref_slice %arg9[%dma_start3A_44, %dma_start3A_45] : memref<40x128xi32, #tpu.memory_space<vmem>> -> memref<1x128xi32, #tpu.memory_space<vmem>>
      %dma_start3A_47 = tpu.memref_squeeze %dma_start3A_46 : memref<1x128xi32, #tpu.memory_space<vmem>> -> memref<128xi32, #tpu.memory_space<vmem>>
      %dma_start3A_48 = arith.constant 0 : i32
      %dma_start3A_49 = arith.constant 0 : i32
      %dma_start3A_50 = tpu.memref_slice %arg8[%dma_start3A_48, %dma_start3A_49] : memref<10008x64xf32, #tpu.memory_space<vmem_shared>> -> memref<10008x64xf32, #tpu.memory_space<vmem_shared>>
      tpu.enqueue_indirect_dma source(%dma_start3A_50 : memref<10008x64xf32, #tpu.memory_space<vmem_shared>>) target(%arg12 : memref<128x64xf32, #tpu.memory_space<vmem>>) offsets(%dma_start3A_47 : memref<128xi32, #tpu.memory_space<vmem>>) semaphore(%arg14 : memref<!tpu.dma_semaphore, #tpu.memory_space<semaphore_mem>>)
      %scan3A_51 = arith.constant 0 : i32
      %scan3A_52 = arith.constant 0 : i32
      %scan3A_53 = arith.constant 20 : i32
      %scan3A_54 = arith.addi %scan3A_52, %scan3A_53 : i32
      %scan3A_55 = arith.constant 1 : i32
      scf.for %scan3A_70 = %scan3A_52 to %scan3A_54 step %scan3A_55  : i32 {
        %mul3A_71 = arith.constant 2 : i32
        %mul3A_72 = arith.muli %mul3A_71, %scan3A_70 : i32
        %dma_wait3A_73 = arith.constant 0 : i32
        %dma_wait3A_74 = arith.constant 0 : i32
        %dma_wait3A_75 = tpu.memref_slice %arg9[%dma_wait3A_73, %dma_wait3A_74] : memref<40x128xi32, #tpu.memory_space<vmem>> -> memref<1x128xi32, #tpu.memory_space<vmem>>
        %dma_wait3A_76 = tpu.memref_squeeze %dma_wait3A_75 : memref<1x128xi32, #tpu.memory_space<vmem>> -> memref<128xi32, #tpu.memory_space<vmem>>
        %dma_wait3A_77 = arith.constant 0 : i32
        %dma_wait3A_78 = arith.constant 0 : i32
        %dma_wait3A_79 = tpu.memref_slice %arg8[%dma_wait3A_77, %dma_wait3A_78] : memref<10008x64xf32, #tpu.memory_space<vmem_shared>> -> memref<10008x64xf32, #tpu.memory_space<vmem_shared>>
        tpu.wait_indirect_dma semaphore(%arg13 : memref<!tpu.dma_semaphore, #tpu.memory_space<semaphore_mem>>) src(%dma_wait3A_79 : memref<10008x64xf32, #tpu.memory_space<vmem_shared>>) dst(%arg11 : memref<128x64xf32, #tpu.memory_space<vmem>>)
        %dma_start3A_80 = arith.constant 0 : i32
        %dma_start3A_81 = tpu.memref_slice %arg10[%mul3A_72, %dma_start3A_80] : memref<40x128xi32, #tpu.memory_space<vmem>> -> memref<1x128xi32, #tpu.memory_space<vmem>>
        %dma_start3A_82 = tpu.memref_squeeze %dma_start3A_81 : memref<1x128xi32, #tpu.memory_space<vmem>> -> memref<128xi32, #tpu.memory_space<vmem>>
        %dma_start3A_83 = arith.constant 0 : i32
        %dma_start3A_84 = arith.constant 0 : i32
        %dma_start3A_85 = tpu.memref_slice %arg7[%dma_start3A_83, %dma_start3A_84] : memref<10008x64xf32, #tpu.memory_space<vmem_shared>> -> memref<10008x64xf32, #tpu.memory_space<vmem_shared>>
        tpu.enqueue_indirect_dma source(%arg11 : memref<128x64xf32, #tpu.memory_space<vmem>>) target(%dma_start3A_85 : memref<10008x64xf32, #tpu.memory_space<vmem_shared>>) offsets(%dma_start3A_82 : memref<128xi32, #tpu.memory_space<vmem>>) semaphore(%arg15 : memref<!tpu.dma_semaphore, #tpu.memory_space<semaphore_mem>>) {add = true}
        %add3A_86 = arith.constant 2 : i32
        %add3A_87 = arith.addi %mul3A_72, %add3A_86 : i32
        %lt3A = arith.constant 40 : i32
        %lt3A_88 = arith.cmpi slt, %add3A_87, %lt3A : i32
        %convert_element_type3A = arith.extui %lt3A_88 : i1 to i32
        %cond3A = arith.constant 0 : i32
        %cond3A_89 = arith.cmpi ne, %convert_element_type3A, %cond3A : i32
        scf.if %cond3A_89 {
          %dma_wait3A_112 = arith.constant 0 : i32
          %dma_wait3A_113 = arith.constant 0 : i32
          %dma_wait3A_114 = tpu.memref_slice %arg10[%dma_wait3A_112, %dma_wait3A_113] : memref<40x128xi32, #tpu.memory_space<vmem>> -> memref<1x128xi32, #tpu.memory_space<vmem>>
          %dma_wait3A_115 = tpu.memref_squeeze %dma_wait3A_114 : memref<1x128xi32, #tpu.memory_space<vmem>> -> memref<128xi32, #tpu.memory_space<vmem>>
          %dma_wait3A_116 = arith.constant 0 : i32
          %dma_wait3A_117 = arith.constant 0 : i32
          %dma_wait3A_118 = tpu.memref_slice %arg7[%dma_wait3A_116, %dma_wait3A_117] : memref<10008x64xf32, #tpu.memory_space<vmem_shared>> -> memref<10008x64xf32, #tpu.memory_space<vmem_shared>>
          tpu.wait_indirect_dma semaphore(%arg15 : memref<!tpu.dma_semaphore, #tpu.memory_space<semaphore_mem>>) src(%arg11 : memref<128x64xf32, #tpu.memory_space<vmem>>) dst(%dma_wait3A_118 : memref<10008x64xf32, #tpu.memory_space<vmem_shared>>)
          %add3A_119 = arith.constant 2 : i32
          %add3A_120 = arith.addi %mul3A_72, %add3A_119 : i32
          %dma_start3A_121 = arith.constant 0 : i32
          %dma_start3A_122 = tpu.memref_slice %arg9[%add3A_120, %dma_start3A_121] : memref<40x128xi32, #tpu.memory_space<vmem>> -> memref<1x128xi32, #tpu.memory_space<vmem>>
          %dma_start3A_123 = tpu.memref_squeeze %dma_start3A_122 : memref<1x128xi32, #tpu.memory_space<vmem>> -> memref<128xi32, #tpu.memory_space<vmem>>
          %dma_start3A_124 = arith.constant 0 : i32
          %dma_start3A_125 = arith.constant 0 : i32
          %dma_start3A_126 = tpu.memref_slice %arg8[%dma_start3A_124, %dma_start3A_125] : memref<10008x64xf32, #tpu.memory_space<vmem_shared>> -> memref<10008x64xf32, #tpu.memory_space<vmem_shared>>
          tpu.enqueue_indirect_dma source(%dma_start3A_126 : memref<10008x64xf32, #tpu.memory_space<vmem_shared>>) target(%arg11 : memref<128x64xf32, #tpu.memory_space<vmem>>) offsets(%dma_start3A_123 : memref<128xi32, #tpu.memory_space<vmem>>) semaphore(%arg13 : memref<!tpu.dma_semaphore, #tpu.memory_space<semaphore_mem>>)
        } else {
        }
        %dma_wait3A_90 = arith.constant 0 : i32
        %dma_wait3A_91 = arith.constant 0 : i32
        %dma_wait3A_92 = tpu.memref_slice %arg9[%dma_wait3A_90, %dma_wait3A_91] : memref<40x128xi32, #tpu.memory_space<vmem>> -> memref<1x128xi32, #tpu.memory_space<vmem>>
        %dma_wait3A_93 = tpu.memref_squeeze %dma_wait3A_92 : memref<1x128xi32, #tpu.memory_space<vmem>> -> memref<128xi32, #tpu.memory_space<vmem>>
        %dma_wait3A_94 = arith.constant 0 : i32
        %dma_wait3A_95 = arith.constant 0 : i32
        %dma_wait3A_96 = tpu.memref_slice %arg8[%dma_wait3A_94, %dma_wait3A_95] : memref<10008x64xf32, #tpu.memory_space<vmem_shared>> -> memref<10008x64xf32, #tpu.memory_space<vmem_shared>>
        tpu.wait_indirect_dma semaphore(%arg14 : memref<!tpu.dma_semaphore, #tpu.memory_space<semaphore_mem>>) src(%dma_wait3A_96 : memref<10008x64xf32, #tpu.memory_space<vmem_shared>>) dst(%arg12 : memref<128x64xf32, #tpu.memory_space<vmem>>)
        %add3A_97 = arith.constant 1 : i32
        %add3A_98 = arith.addi %mul3A_72, %add3A_97 : i32
        %dma_start3A_99 = arith.constant 0 : i32
        %dma_start3A_100 = tpu.memref_slice %arg10[%add3A_98, %dma_start3A_99] : memref<40x128xi32, #tpu.memory_space<vmem>> -> memref<1x128xi32, #tpu.memory_space<vmem>>
        %dma_start3A_101 = tpu.memref_squeeze %dma_start3A_100 : memref<1x128xi32, #tpu.memory_space<vmem>> -> memref<128xi32, #tpu.memory_space<vmem>>
        %dma_start3A_102 = arith.constant 0 : i32
        %dma_start3A_103 = arith.constant 0 : i32
        %dma_start3A_104 = tpu.memref_slice %arg7[%dma_start3A_102, %dma_start3A_103] : memref<10008x64xf32, #tpu.memory_space<vmem_shared>> -> memref<10008x64xf32, #tpu.memory_space<vmem_shared>>
        tpu.enqueue_indirect_dma source(%arg12 : memref<128x64xf32, #tpu.memory_space<vmem>>) target(%dma_start3A_104 : memref<10008x64xf32, #tpu.memory_space<vmem_shared>>) offsets(%dma_start3A_101 : memref<128xi32, #tpu.memory_space<vmem>>) semaphore(%arg16 : memref<!tpu.dma_semaphore, #tpu.memory_space<semaphore_mem>>) {add = true}
        %add3A_105 = arith.constant 3 : i32
        %add3A_106 = arith.addi %mul3A_72, %add3A_105 : i32
        %lt3A_107 = arith.constant 40 : i32
        %lt3A_108 = arith.cmpi slt, %add3A_106, %lt3A_107 : i32
        %convert_element_type3A_109 = arith.extui %lt3A_108 : i1 to i32
        %cond3A_110 = arith.constant 0 : i32
        %cond3A_111 = arith.cmpi ne, %convert_element_type3A_109, %cond3A_110 : i32
        scf.if %cond3A_111 {
          %dma_wait3A_112 = arith.constant 0 : i32
          %dma_wait3A_113 = arith.constant 0 : i32
          %dma_wait3A_114 = tpu.memref_slice %arg10[%dma_wait3A_112, %dma_wait3A_113] : memref<40x128xi32, #tpu.memory_space<vmem>> -> memref<1x128xi32, #tpu.memory_space<vmem>>
          %dma_wait3A_115 = tpu.memref_squeeze %dma_wait3A_114 : memref<1x128xi32, #tpu.memory_space<vmem>> -> memref<128xi32, #tpu.memory_space<vmem>>
          %dma_wait3A_116 = arith.constant 0 : i32
          %dma_wait3A_117 = arith.constant 0 : i32
          %dma_wait3A_118 = tpu.memref_slice %arg7[%dma_wait3A_116, %dma_wait3A_117] : memref<10008x64xf32, #tpu.memory_space<vmem_shared>> -> memref<10008x64xf32, #tpu.memory_space<vmem_shared>>
          tpu.wait_indirect_dma semaphore(%arg16 : memref<!tpu.dma_semaphore, #tpu.memory_space<semaphore_mem>>) src(%arg12 : memref<128x64xf32, #tpu.memory_space<vmem>>) dst(%dma_wait3A_118 : memref<10008x64xf32, #tpu.memory_space<vmem_shared>>)
          %add3A_119 = arith.constant 3 : i32
          %add3A_120 = arith.addi %mul3A_72, %add3A_119 : i32
          %dma_start3A_121 = arith.constant 0 : i32
          %dma_start3A_122 = tpu.memref_slice %arg9[%add3A_120, %dma_start3A_121] : memref<40x128xi32, #tpu.memory_space<vmem>> -> memref<1x128xi32, #tpu.memory_space<vmem>>
          %dma_start3A_123 = tpu.memref_squeeze %dma_start3A_122 : memref<1x128xi32, #tpu.memory_space<vmem>> -> memref<128xi32, #tpu.memory_space<vmem>>
          %dma_start3A_124 = arith.constant 0 : i32
          %dma_start3A_125 = arith.constant 0 : i32
          %dma_start3A_126 = tpu.memref_slice %arg8[%dma_start3A_124, %dma_start3A_125] : memref<10008x64xf32, #tpu.memory_space<vmem_shared>> -> memref<10008x64xf32, #tpu.memory_space<vmem_shared>>
          tpu.enqueue_indirect_dma source(%dma_start3A_126 : memref<10008x64xf32, #tpu.memory_space<vmem_shared>>) target(%arg12 : memref<128x64xf32, #tpu.memory_space<vmem>>) offsets(%dma_start3A_123 : memref<128xi32, #tpu.memory_space<vmem>>) semaphore(%arg14 : memref<!tpu.dma_semaphore, #tpu.memory_space<semaphore_mem>>)
        } else {
        }
      }
      %scan3A_56 = arith.constant 20 : i32
      %dma_wait3A = arith.constant 0 : i32
      %dma_wait3A_57 = arith.constant 0 : i32
      %dma_wait3A_58 = tpu.memref_slice %arg10[%dma_wait3A, %dma_wait3A_57] : memref<40x128xi32, #tpu.memory_space<vmem>> -> memref<1x128xi32, #tpu.memory_space<vmem>>
      %dma_wait3A_59 = tpu.memref_squeeze %dma_wait3A_58 : memref<1x128xi32, #tpu.memory_space<vmem>> -> memref<128xi32, #tpu.memory_space<vmem>>
      %dma_wait3A_60 = arith.constant 0 : i32
      %dma_wait3A_61 = arith.constant 0 : i32
      %dma_wait3A_62 = tpu.memref_slice %arg7[%dma_wait3A_60, %dma_wait3A_61] : memref<10008x64xf32, #tpu.memory_space<vmem_shared>> -> memref<10008x64xf32, #tpu.memory_space<vmem_shared>>
      tpu.wait_indirect_dma semaphore(%arg15 : memref<!tpu.dma_semaphore, #tpu.memory_space<semaphore_mem>>) src(%arg11 : memref<128x64xf32, #tpu.memory_space<vmem>>) dst(%dma_wait3A_62 : memref<10008x64xf32, #tpu.memory_space<vmem_shared>>)
      %dma_wait3A_63 = arith.constant 0 : i32
      %dma_wait3A_64 = arith.constant 0 : i32
      %dma_wait3A_65 = tpu.memref_slice %arg10[%dma_wait3A_63, %dma_wait3A_64] : memref<40x128xi32, #tpu.memory_space<vmem>> -> memref<1x128xi32, #tpu.memory_space<vmem>>
      %dma_wait3A_66 = tpu.memref_squeeze %dma_wait3A_65 : memref<1x128xi32, #tpu.memory_space<vmem>> -> memref<128xi32, #tpu.memory_space<vmem>>
      %dma_wait3A_67 = arith.constant 0 : i32
      %dma_wait3A_68 = arith.constant 0 : i32
      %dma_wait3A_69 = tpu.memref_slice %arg7[%dma_wait3A_67, %dma_wait3A_68] : memref<10008x64xf32, #tpu.memory_space<vmem_shared>> -> memref<10008x64xf32, #tpu.memory_space<vmem_shared>>
      tpu.wait_indirect_dma semaphore(%arg16 : memref<!tpu.dma_semaphore, #tpu.memory_space<semaphore_mem>>) src(%arg12 : memref<128x64xf32, #tpu.memory_space<vmem>>) dst(%dma_wait3A_69 : memref<10008x64xf32, #tpu.memory_space<vmem_shared>>)
    }
    %scan3A_31 = arith.constant 4 : i32
    %barrier3A_32 = arith.constant 0 : index
    tpu.barrier barrier_id(%barrier3A_32)
    %add3A_33 = arith.addi %mul3A_23, %min3A_1 : i32
    "tpu.region"() ({
      %run_scoped3A = tpu.sem_alloc : memref<!tpu.dma_semaphore, #tpu.memory_space<semaphore_mem>>
      %dma_start3A = arith.constant 0 : i32
      %dma_start3A_34 = tpu.memref_slice %arg6[%add3A_33, %dma_start3A] : memref<40000x64xf32, #tpu.memory_space<hbm>> -> memref<632x64xf32, #tpu.memory_space<hbm>>
      %dma_start3A_35 = arith.constant 0 : i32
      %dma_start3A_36 = tpu.memref_slice %arg7[%min3A_1, %dma_start3A_35] : memref<10008x64xf32, #tpu.memory_space<vmem_shared>> -> memref<632x64xf32, #tpu.memory_space<vmem_shared>>
      tpu.enqueue_dma source(%dma_start3A_36 : memref<632x64xf32, #tpu.memory_space<vmem_shared>>) target(%dma_start3A_34 : memref<632x64xf32, #tpu.memory_space<hbm>>) target_semaphore(%run_scoped3A : memref<!tpu.dma_semaphore, #tpu.memory_space<semaphore_mem>>)
      %dma_wait3A = arith.constant 0 : i32
      %dma_wait3A_37 = tpu.memref_slice %arg6[%add3A_33, %dma_wait3A] : memref<40000x64xf32, #tpu.memory_space<hbm>> -> memref<632x64xf32, #tpu.memory_space<hbm>>
      %dma_wait3A_38 = arith.constant 0 : i32
      %dma_wait3A_39 = tpu.memref_slice %arg7[%min3A_1, %dma_wait3A_38] : memref<10008x64xf32, #tpu.memory_space<vmem_shared>> -> memref<632x64xf32, #tpu.memory_space<vmem_shared>>
      tpu.wait_dma2 semaphore(%run_scoped3A : memref<!tpu.dma_semaphore, #tpu.memory_space<semaphore_mem>>) src(%dma_wait3A_39 : memref<632x64xf32, #tpu.memory_space<vmem_shared>>) dst(%dma_wait3A_37 : memref<632x64xf32, #tpu.memory_space<hbm>>)
      tpu.yield
    }) : () -> ()
    return
  }
}

#map = affine_map<(d0, d1) -> (0, 0)>
module attributes {stable_mosaic.version = 14 : i64} {
  func.func @_sc_scatter(%arg0: i32, %arg1: i32, %arg2: memref<2560x128xi32, #tpu.memory_space<hbm>>, %arg3: memref<2560x128xi32, #tpu.memory_space<hbm>>, %arg4: memref<40000x64xf32, #tpu.memory_space<hbm>>, %arg5: memref<632x64xf32, #tpu.memory_space<hbm>>, %arg6: memref<40000x64xf32, #tpu.memory_space<hbm>>, %arg7: memref<10008x64xf32, #tpu.memory_space<vmem_shared>>, %arg8: memref<10008x64xf32, #tpu.memory_space<vmem_shared>>, %arg9: memref<40x128xi32, #tpu.memory_space<vmem>>, %arg10: memref<40x128xi32, #tpu.memory_space<vmem>>, %arg11: memref<128x64xf32, #tpu.memory_space<vmem>>, %arg12: memref<128x64xf32, #tpu.memory_space<vmem>>, %arg13: memref<!tpu.dma_semaphore, #tpu.memory_space<semaphore_mem>>, %arg14: memref<!tpu.dma_semaphore, #tpu.memory_space<semaphore_mem>>, %arg15: memref<!tpu.dma_semaphore, #tpu.memory_space<semaphore_mem>>, %arg16: memref<!tpu.dma_semaphore, #tpu.memory_space<semaphore_mem>>) attributes {dimension_semantics = [#tpu.dimension_semantics<core_parallel>, #tpu.dimension_semantics<subcore_parallel>], iteration_bounds = array<i64: 2, 16>, scalar_prefetch = 0 : i64, scratch_operands = 10 : i64, tpu.core_type = #tpu.core_type<sc_vector_subcore>, window_params = [{transform_indices = #map}, {transform_indices = #map}, {transform_indices = #map}, {transform_indices = #map}, {transform_indices = #map}]} {
    %mul3A = arith.constant 632 : i32
    %mul3A_0 = arith.muli %arg1, %mul3A : i32
    %min3A = arith.constant 9368 : i32
    %min3A_1 = arith.minsi %mul3A_0, %min3A : i32
    %mul3A_2 = arith.constant 160 : i32
    %mul3A_3 = arith.muli %arg1, %mul3A_2 : i32
    %mul3A_4 = arith.constant 2 : i32
    %mul3A_5 = arith.muli %arg0, %mul3A_4 : i32
    %add3A = arith.constant 0 : i32
    %add3A_6 = arith.addi %mul3A_5, %add3A : i32
    %mul3A_7 = arith.constant 10000 : i32
    %mul3A_8 = arith.muli %add3A_6, %mul3A_7 : i32
    "tpu.region"() ({
      %run_scoped3A = tpu.sem_alloc : memref<!tpu.dma_semaphore, #tpu.memory_space<semaphore_mem>>
      %dma_start3A = arith.constant 0 : i32
      %dma_start3A_34 = tpu.memref_slice %arg7[%min3A_1, %dma_start3A] : memref<10008x64xf32, #tpu.memory_space<vmem_shared>> -> memref<632x64xf32, #tpu.memory_space<vmem_shared>>
      tpu.enqueue_dma source(%arg5 : memref<632x64xf32, #tpu.memory_space<hbm>>) target(%dma_start3A_34 : memref<632x64xf32, #tpu.memory_space<vmem_shared>>) target_semaphore(%run_scoped3A : memref<!tpu.dma_semaphore, #tpu.memory_space<semaphore_mem>>)
      %dma_wait3A = arith.constant 0 : i32
      %dma_wait3A_35 = tpu.memref_slice %arg7[%min3A_1, %dma_wait3A] : memref<10008x64xf32, #tpu.memory_space<vmem_shared>> -> memref<632x64xf32, #tpu.memory_space<vmem_shared>>
      tpu.wait_dma2 semaphore(%run_scoped3A : memref<!tpu.dma_semaphore, #tpu.memory_space<semaphore_mem>>) src(%arg5 : memref<632x64xf32, #tpu.memory_space<hbm>>) dst(%dma_wait3A_35 : memref<632x64xf32, #tpu.memory_space<vmem_shared>>)
      tpu.yield
    }) : () -> ()
    %add3A_9 = arith.addi %mul3A_8, %min3A_1 : i32
    "tpu.region"() ({
      %run_scoped3A = tpu.sem_alloc : memref<!tpu.dma_semaphore, #tpu.memory_space<semaphore_mem>>
      %dma_start3A = arith.constant 0 : i32
      %dma_start3A_34 = tpu.memref_slice %arg8[%min3A_1, %dma_start3A] : memref<10008x64xf32, #tpu.memory_space<vmem_shared>> -> memref<632x64xf32, #tpu.memory_space<vmem_shared>>
      %dma_start3A_35 = arith.constant 0 : i32
      %dma_start3A_36 = tpu.memref_slice %arg4[%add3A_9, %dma_start3A_35] : memref<40000x64xf32, #tpu.memory_space<hbm>> -> memref<632x64xf32, #tpu.memory_space<hbm>>
      tpu.enqueue_dma source(%dma_start3A_36 : memref<632x64xf32, #tpu.memory_space<hbm>>) target(%dma_start3A_34 : memref<632x64xf32, #tpu.memory_space<vmem_shared>>) target_semaphore(%run_scoped3A : memref<!tpu.dma_semaphore, #tpu.memory_space<semaphore_mem>>)
      %dma_wait3A = arith.constant 0 : i32
      %dma_wait3A_37 = tpu.memref_slice %arg8[%min3A_1, %dma_wait3A] : memref<10008x64xf32, #tpu.memory_space<vmem_shared>> -> memref<632x64xf32, #tpu.memory_space<vmem_shared>>
      %dma_wait3A_38 = arith.constant 0 : i32
      %dma_wait3A_39 = tpu.memref_slice %arg4[%add3A_9, %dma_wait3A_38] : memref<40000x64xf32, #tpu.memory_space<hbm>> -> memref<632x64xf32, #tpu.memory_space<hbm>>
      tpu.wait_dma2 semaphore(%run_scoped3A : memref<!tpu.dma_semaphore, #tpu.memory_space<semaphore_mem>>) src(%dma_wait3A_39 : memref<632x64xf32, #tpu.memory_space<hbm>>) dst(%dma_wait3A_37 : memref<632x64xf32, #tpu.memory_space<vmem_shared>>)
      tpu.yield
    }) : () -> ()
    %barrier3A = arith.constant 0 : index
    tpu.barrier barrier_id(%barrier3A)
    %scan3A = arith.constant 0 : i32
    %scan3A_10 = arith.constant 0 : i32
    %scan3A_11 = arith.constant 4 : i32
    %scan3A_12 = arith.addi %scan3A_10, %scan3A_11 : i32
    %scan3A_13 = arith.constant 1 : i32
    scf.for %scan3A_34 = %scan3A_10 to %scan3A_12 step %scan3A_13  : i32 {
      %mul3A_35 = arith.constant 40 : i32
      %mul3A_36 = arith.muli %scan3A_34, %mul3A_35 : i32
      %add3A_37 = arith.addi %mul3A_3, %mul3A_36 : i32
      "tpu.region"() ({
        %run_scoped3A = tpu.sem_alloc : memref<!tpu.dma_semaphore, #tpu.memory_space<semaphore_mem>>
        %dma_start3A_70 = arith.constant 0 : i32
        %dma_start3A_71 = tpu.memref_slice %arg2[%add3A_37, %dma_start3A_70] : memref<2560x128xi32, #tpu.memory_space<hbm>> -> memref<40x128xi32, #tpu.memory_space<hbm>>
        %dma_start3A_72 = arith.constant 0 : i32
        %dma_start3A_73 = tpu.memref_slice %arg2[%add3A_37, %dma_start3A_72] : memref<2560x128xi32, #tpu.memory_space<hbm>> -> memref<40x128xi32, #tpu.memory_space<hbm>>
        tpu.enqueue_dma source(%dma_start3A_73 : memref<40x128xi32, #tpu.memory_space<hbm>>) target(%arg9 : memref<40x128xi32, #tpu.memory_space<vmem>>) target_semaphore(%run_scoped3A : memref<!tpu.dma_semaphore, #tpu.memory_space<semaphore_mem>>)
        %dma_wait3A_74 = arith.constant 0 : i32
        %dma_wait3A_75 = tpu.memref_slice %arg2[%add3A_37, %dma_wait3A_74] : memref<2560x128xi32, #tpu.memory_space<hbm>> -> memref<40x128xi32, #tpu.memory_space<hbm>>
        %dma_wait3A_76 = arith.constant 0 : i32
        %dma_wait3A_77 = tpu.memref_slice %arg2[%add3A_37, %dma_wait3A_76] : memref<2560x128xi32, #tpu.memory_space<hbm>> -> memref<40x128xi32, #tpu.memory_space<hbm>>
        tpu.wait_dma2 semaphore(%run_scoped3A : memref<!tpu.dma_semaphore, #tpu.memory_space<semaphore_mem>>) src(%dma_wait3A_77 : memref<40x128xi32, #tpu.memory_space<hbm>>) dst(%arg9 : memref<40x128xi32, #tpu.memory_space<vmem>>)
        tpu.yield
      }) : () -> ()
      "tpu.region"() ({
        %run_scoped3A = tpu.sem_alloc : memref<!tpu.dma_semaphore, #tpu.memory_space<semaphore_mem>>
        %dma_start3A_70 = arith.constant 0 : i32
        %dma_start3A_71 = tpu.memref_slice %arg3[%add3A_37, %dma_start3A_70] : memref<2560x128xi32, #tpu.memory_space<hbm>> -> memref<40x128xi32, #tpu.memory_space<hbm>>
        %dma_start3A_72 = arith.constant 0 : i32
        %dma_start3A_73 = tpu.memref_slice %arg3[%add3A_37, %dma_start3A_72] : memref<2560x128xi32, #tpu.memory_space<hbm>> -> memref<40x128xi32, #tpu.memory_space<hbm>>
        tpu.enqueue_dma source(%dma_start3A_73 : memref<40x128xi32, #tpu.memory_space<hbm>>) target(%arg10 : memref<40x128xi32, #tpu.memory_space<vmem>>) target_semaphore(%run_scoped3A : memref<!tpu.dma_semaphore, #tpu.memory_space<semaphore_mem>>)
        %dma_wait3A_74 = arith.constant 0 : i32
        %dma_wait3A_75 = tpu.memref_slice %arg3[%add3A_37, %dma_wait3A_74] : memref<2560x128xi32, #tpu.memory_space<hbm>> -> memref<40x128xi32, #tpu.memory_space<hbm>>
        %dma_wait3A_76 = arith.constant 0 : i32
        %dma_wait3A_77 = tpu.memref_slice %arg3[%add3A_37, %dma_wait3A_76] : memref<2560x128xi32, #tpu.memory_space<hbm>> -> memref<40x128xi32, #tpu.memory_space<hbm>>
        tpu.wait_dma2 semaphore(%run_scoped3A : memref<!tpu.dma_semaphore, #tpu.memory_space<semaphore_mem>>) src(%dma_wait3A_77 : memref<40x128xi32, #tpu.memory_space<hbm>>) dst(%arg10 : memref<40x128xi32, #tpu.memory_space<vmem>>)
        tpu.yield
      }) : () -> ()
      %dma_start3A = arith.constant 0 : i32
      %dma_start3A_38 = arith.constant 0 : i32
      %dma_start3A_39 = tpu.memref_slice %arg9[%dma_start3A, %dma_start3A_38] : memref<40x128xi32, #tpu.memory_space<vmem>> -> memref<1x128xi32, #tpu.memory_space<vmem>>
      %dma_start3A_40 = tpu.memref_squeeze %dma_start3A_39 : memref<1x128xi32, #tpu.memory_space<vmem>> -> memref<128xi32, #tpu.memory_space<vmem>>
      %dma_start3A_41 = arith.constant 0 : i32
      %dma_start3A_42 = arith.constant 0 : i32
      %dma_start3A_43 = tpu.memref_slice %arg8[%dma_start3A_41, %dma_start3A_42] : memref<10008x64xf32, #tpu.memory_space<vmem_shared>> -> memref<10008x64xf32, #tpu.memory_space<vmem_shared>>
      tpu.enqueue_indirect_dma source(%dma_start3A_43 : memref<10008x64xf32, #tpu.memory_space<vmem_shared>>) target(%arg11 : memref<128x64xf32, #tpu.memory_space<vmem>>) offsets(%dma_start3A_40 : memref<128xi32, #tpu.memory_space<vmem>>) semaphore(%arg13 : memref<!tpu.dma_semaphore, #tpu.memory_space<semaphore_mem>>)
      %dma_start3A_44 = arith.constant 1 : i32
      %dma_start3A_45 = arith.constant 0 : i32
      %dma_start3A_46 = tpu.memref_slice %arg9[%dma_start3A_44, %dma_start3A_45] : memref<40x128xi32, #tpu.memory_space<vmem>> -> memref<1x128xi32, #tpu.memory_space<vmem>>
      %dma_start3A_47 = tpu.memref_squeeze %dma_start3A_46 : memref<1x128xi32, #tpu.memory_space<vmem>> -> memref<128xi32, #tpu.memory_space<vmem>>
      %dma_start3A_48 = arith.constant 0 : i32
      %dma_start3A_49 = arith.constant 0 : i32
      %dma_start3A_50 = tpu.memref_slice %arg8[%dma_start3A_48, %dma_start3A_49] : memref<10008x64xf32, #tpu.memory_space<vmem_shared>> -> memref<10008x64xf32, #tpu.memory_space<vmem_shared>>
      tpu.enqueue_indirect_dma source(%dma_start3A_50 : memref<10008x64xf32, #tpu.memory_space<vmem_shared>>) target(%arg12 : memref<128x64xf32, #tpu.memory_space<vmem>>) offsets(%dma_start3A_47 : memref<128xi32, #tpu.memory_space<vmem>>) semaphore(%arg14 : memref<!tpu.dma_semaphore, #tpu.memory_space<semaphore_mem>>)
      %scan3A_51 = arith.constant 0 : i32
      %scan3A_52 = arith.constant 0 : i32
      %scan3A_53 = arith.constant 20 : i32
      %scan3A_54 = arith.addi %scan3A_52, %scan3A_53 : i32
      %scan3A_55 = arith.constant 1 : i32
      scf.for %scan3A_70 = %scan3A_52 to %scan3A_54 step %scan3A_55  : i32 {
        %mul3A_71 = arith.constant 2 : i32
        %mul3A_72 = arith.muli %mul3A_71, %scan3A_70 : i32
        %dma_wait3A_73 = arith.constant 0 : i32
        %dma_wait3A_74 = arith.constant 0 : i32
        %dma_wait3A_75 = tpu.memref_slice %arg9[%dma_wait3A_73, %dma_wait3A_74] : memref<40x128xi32, #tpu.memory_space<vmem>> -> memref<1x128xi32, #tpu.memory_space<vmem>>
        %dma_wait3A_76 = tpu.memref_squeeze %dma_wait3A_75 : memref<1x128xi32, #tpu.memory_space<vmem>> -> memref<128xi32, #tpu.memory_space<vmem>>
        %dma_wait3A_77 = arith.constant 0 : i32
        %dma_wait3A_78 = arith.constant 0 : i32
        %dma_wait3A_79 = tpu.memref_slice %arg8[%dma_wait3A_77, %dma_wait3A_78] : memref<10008x64xf32, #tpu.memory_space<vmem_shared>> -> memref<10008x64xf32, #tpu.memory_space<vmem_shared>>
        tpu.wait_indirect_dma semaphore(%arg13 : memref<!tpu.dma_semaphore, #tpu.memory_space<semaphore_mem>>) src(%dma_wait3A_79 : memref<10008x64xf32, #tpu.memory_space<vmem_shared>>) dst(%arg11 : memref<128x64xf32, #tpu.memory_space<vmem>>)
        %dma_start3A_80 = arith.constant 0 : i32
        %dma_start3A_81 = tpu.memref_slice %arg10[%mul3A_72, %dma_start3A_80] : memref<40x128xi32, #tpu.memory_space<vmem>> -> memref<1x128xi32, #tpu.memory_space<vmem>>
        %dma_start3A_82 = tpu.memref_squeeze %dma_start3A_81 : memref<1x128xi32, #tpu.memory_space<vmem>> -> memref<128xi32, #tpu.memory_space<vmem>>
        %dma_start3A_83 = arith.constant 0 : i32
        %dma_start3A_84 = arith.constant 0 : i32
        %dma_start3A_85 = tpu.memref_slice %arg7[%dma_start3A_83, %dma_start3A_84] : memref<10008x64xf32, #tpu.memory_space<vmem_shared>> -> memref<10008x64xf32, #tpu.memory_space<vmem_shared>>
        tpu.enqueue_indirect_dma source(%arg11 : memref<128x64xf32, #tpu.memory_space<vmem>>) target(%dma_start3A_85 : memref<10008x64xf32, #tpu.memory_space<vmem_shared>>) offsets(%dma_start3A_82 : memref<128xi32, #tpu.memory_space<vmem>>) semaphore(%arg15 : memref<!tpu.dma_semaphore, #tpu.memory_space<semaphore_mem>>) {add = true}
        %add3A_86 = arith.constant 2 : i32
        %add3A_87 = arith.addi %mul3A_72, %add3A_86 : i32
        %lt3A = arith.constant 40 : i32
        %lt3A_88 = arith.cmpi slt, %add3A_87, %lt3A : i32
        %convert_element_type3A = arith.extui %lt3A_88 : i1 to i32
        %cond3A = arith.constant 0 : i32
        %cond3A_89 = arith.cmpi ne, %convert_element_type3A, %cond3A : i32
        scf.if %cond3A_89 {
          %dma_wait3A_112 = arith.constant 0 : i32
          %dma_wait3A_113 = arith.constant 0 : i32
          %dma_wait3A_114 = tpu.memref_slice %arg10[%dma_wait3A_112, %dma_wait3A_113] : memref<40x128xi32, #tpu.memory_space<vmem>> -> memref<1x128xi32, #tpu.memory_space<vmem>>
          %dma_wait3A_115 = tpu.memref_squeeze %dma_wait3A_114 : memref<1x128xi32, #tpu.memory_space<vmem>> -> memref<128xi32, #tpu.memory_space<vmem>>
          %dma_wait3A_116 = arith.constant 0 : i32
          %dma_wait3A_117 = arith.constant 0 : i32
          %dma_wait3A_118 = tpu.memref_slice %arg7[%dma_wait3A_116, %dma_wait3A_117] : memref<10008x64xf32, #tpu.memory_space<vmem_shared>> -> memref<10008x64xf32, #tpu.memory_space<vmem_shared>>
          tpu.wait_indirect_dma semaphore(%arg15 : memref<!tpu.dma_semaphore, #tpu.memory_space<semaphore_mem>>) src(%arg11 : memref<128x64xf32, #tpu.memory_space<vmem>>) dst(%dma_wait3A_118 : memref<10008x64xf32, #tpu.memory_space<vmem_shared>>)
          %add3A_119 = arith.constant 2 : i32
          %add3A_120 = arith.addi %mul3A_72, %add3A_119 : i32
          %dma_start3A_121 = arith.constant 0 : i32
          %dma_start3A_122 = tpu.memref_slice %arg9[%add3A_120, %dma_start3A_121] : memref<40x128xi32, #tpu.memory_space<vmem>> -> memref<1x128xi32, #tpu.memory_space<vmem>>
          %dma_start3A_123 = tpu.memref_squeeze %dma_start3A_122 : memref<1x128xi32, #tpu.memory_space<vmem>> -> memref<128xi32, #tpu.memory_space<vmem>>
          %dma_start3A_124 = arith.constant 0 : i32
          %dma_start3A_125 = arith.constant 0 : i32
          %dma_start3A_126 = tpu.memref_slice %arg8[%dma_start3A_124, %dma_start3A_125] : memref<10008x64xf32, #tpu.memory_space<vmem_shared>> -> memref<10008x64xf32, #tpu.memory_space<vmem_shared>>
          tpu.enqueue_indirect_dma source(%dma_start3A_126 : memref<10008x64xf32, #tpu.memory_space<vmem_shared>>) target(%arg11 : memref<128x64xf32, #tpu.memory_space<vmem>>) offsets(%dma_start3A_123 : memref<128xi32, #tpu.memory_space<vmem>>) semaphore(%arg13 : memref<!tpu.dma_semaphore, #tpu.memory_space<semaphore_mem>>)
        } else {
        }
        %dma_wait3A_90 = arith.constant 0 : i32
        %dma_wait3A_91 = arith.constant 0 : i32
        %dma_wait3A_92 = tpu.memref_slice %arg9[%dma_wait3A_90, %dma_wait3A_91] : memref<40x128xi32, #tpu.memory_space<vmem>> -> memref<1x128xi32, #tpu.memory_space<vmem>>
        %dma_wait3A_93 = tpu.memref_squeeze %dma_wait3A_92 : memref<1x128xi32, #tpu.memory_space<vmem>> -> memref<128xi32, #tpu.memory_space<vmem>>
        %dma_wait3A_94 = arith.constant 0 : i32
        %dma_wait3A_95 = arith.constant 0 : i32
        %dma_wait3A_96 = tpu.memref_slice %arg8[%dma_wait3A_94, %dma_wait3A_95] : memref<10008x64xf32, #tpu.memory_space<vmem_shared>> -> memref<10008x64xf32, #tpu.memory_space<vmem_shared>>
        tpu.wait_indirect_dma semaphore(%arg14 : memref<!tpu.dma_semaphore, #tpu.memory_space<semaphore_mem>>) src(%dma_wait3A_96 : memref<10008x64xf32, #tpu.memory_space<vmem_shared>>) dst(%arg12 : memref<128x64xf32, #tpu.memory_space<vmem>>)
        %add3A_97 = arith.constant 1 : i32
        %add3A_98 = arith.addi %mul3A_72, %add3A_97 : i32
        %dma_start3A_99 = arith.constant 0 : i32
        %dma_start3A_100 = tpu.memref_slice %arg10[%add3A_98, %dma_start3A_99] : memref<40x128xi32, #tpu.memory_space<vmem>> -> memref<1x128xi32, #tpu.memory_space<vmem>>
        %dma_start3A_101 = tpu.memref_squeeze %dma_start3A_100 : memref<1x128xi32, #tpu.memory_space<vmem>> -> memref<128xi32, #tpu.memory_space<vmem>>
        %dma_start3A_102 = arith.constant 0 : i32
        %dma_start3A_103 = arith.constant 0 : i32
        %dma_start3A_104 = tpu.memref_slice %arg7[%dma_start3A_102, %dma_start3A_103] : memref<10008x64xf32, #tpu.memory_space<vmem_shared>> -> memref<10008x64xf32, #tpu.memory_space<vmem_shared>>
        tpu.enqueue_indirect_dma source(%arg12 : memref<128x64xf32, #tpu.memory_space<vmem>>) target(%dma_start3A_104 : memref<10008x64xf32, #tpu.memory_space<vmem_shared>>) offsets(%dma_start3A_101 : memref<128xi32, #tpu.memory_space<vmem>>) semaphore(%arg16 : memref<!tpu.dma_semaphore, #tpu.memory_space<semaphore_mem>>) {add = true}
        %add3A_105 = arith.constant 3 : i32
        %add3A_106 = arith.addi %mul3A_72, %add3A_105 : i32
        %lt3A_107 = arith.constant 40 : i32
        %lt3A_108 = arith.cmpi slt, %add3A_106, %lt3A_107 : i32
        %convert_element_type3A_109 = arith.extui %lt3A_108 : i1 to i32
        %cond3A_110 = arith.constant 0 : i32
        %cond3A_111 = arith.cmpi ne, %convert_element_type3A_109, %cond3A_110 : i32
        scf.if %cond3A_111 {
          %dma_wait3A_112 = arith.constant 0 : i32
          %dma_wait3A_113 = arith.constant 0 : i32
          %dma_wait3A_114 = tpu.memref_slice %arg10[%dma_wait3A_112, %dma_wait3A_113] : memref<40x128xi32, #tpu.memory_space<vmem>> -> memref<1x128xi32, #tpu.memory_space<vmem>>
          %dma_wait3A_115 = tpu.memref_squeeze %dma_wait3A_114 : memref<1x128xi32, #tpu.memory_space<vmem>> -> memref<128xi32, #tpu.memory_space<vmem>>
          %dma_wait3A_116 = arith.constant 0 : i32
          %dma_wait3A_117 = arith.constant 0 : i32
          %dma_wait3A_118 = tpu.memref_slice %arg7[%dma_wait3A_116, %dma_wait3A_117] : memref<10008x64xf32, #tpu.memory_space<vmem_shared>> -> memref<10008x64xf32, #tpu.memory_space<vmem_shared>>
          tpu.wait_indirect_dma semaphore(%arg16 : memref<!tpu.dma_semaphore, #tpu.memory_space<semaphore_mem>>) src(%arg12 : memref<128x64xf32, #tpu.memory_space<vmem>>) dst(%dma_wait3A_118 : memref<10008x64xf32, #tpu.memory_space<vmem_shared>>)
          %add3A_119 = arith.constant 3 : i32
          %add3A_120 = arith.addi %mul3A_72, %add3A_119 : i32
          %dma_start3A_121 = arith.constant 0 : i32
          %dma_start3A_122 = tpu.memref_slice %arg9[%add3A_120, %dma_start3A_121] : memref<40x128xi32, #tpu.memory_space<vmem>> -> memref<1x128xi32, #tpu.memory_space<vmem>>
          %dma_start3A_123 = tpu.memref_squeeze %dma_start3A_122 : memref<1x128xi32, #tpu.memory_space<vmem>> -> memref<128xi32, #tpu.memory_space<vmem>>
          %dma_start3A_124 = arith.constant 0 : i32
          %dma_start3A_125 = arith.constant 0 : i32
          %dma_start3A_126 = tpu.memref_slice %arg8[%dma_start3A_124, %dma_start3A_125] : memref<10008x64xf32, #tpu.memory_space<vmem_shared>> -> memref<10008x64xf32, #tpu.memory_space<vmem_shared>>
          tpu.enqueue_indirect_dma source(%dma_start3A_126 : memref<10008x64xf32, #tpu.memory_space<vmem_shared>>) target(%arg12 : memref<128x64xf32, #tpu.memory_space<vmem>>) offsets(%dma_start3A_123 : memref<128xi32, #tpu.memory_space<vmem>>) semaphore(%arg14 : memref<!tpu.dma_semaphore, #tpu.memory_space<semaphore_mem>>)
        } else {
        }
      }
      %scan3A_56 = arith.constant 20 : i32
      %dma_wait3A = arith.constant 0 : i32
      %dma_wait3A_57 = arith.constant 0 : i32
      %dma_wait3A_58 = tpu.memref_slice %arg10[%dma_wait3A, %dma_wait3A_57] : memref<40x128xi32, #tpu.memory_space<vmem>> -> memref<1x128xi32, #tpu.memory_space<vmem>>
      %dma_wait3A_59 = tpu.memref_squeeze %dma_wait3A_58 : memref<1x128xi32, #tpu.memory_space<vmem>> -> memref<128xi32, #tpu.memory_space<vmem>>
      %dma_wait3A_60 = arith.constant 0 : i32
      %dma_wait3A_61 = arith.constant 0 : i32
      %dma_wait3A_62 = tpu.memref_slice %arg7[%dma_wait3A_60, %dma_wait3A_61] : memref<10008x64xf32, #tpu.memory_space<vmem_shared>> -> memref<10008x64xf32, #tpu.memory_space<vmem_shared>>
      tpu.wait_indirect_dma semaphore(%arg15 : memref<!tpu.dma_semaphore, #tpu.memory_space<semaphore_mem>>) src(%arg11 : memref<128x64xf32, #tpu.memory_space<vmem>>) dst(%dma_wait3A_62 : memref<10008x64xf32, #tpu.memory_space<vmem_shared>>)
      %dma_wait3A_63 = arith.constant 0 : i32
      %dma_wait3A_64 = arith.constant 0 : i32
      %dma_wait3A_65 = tpu.memref_slice %arg10[%dma_wait3A_63, %dma_wait3A_64] : memref<40x128xi32, #tpu.memory_space<vmem>> -> memref<1x128xi32, #tpu.memory_space<vmem>>
      %dma_wait3A_66 = tpu.memref_squeeze %dma_wait3A_65 : memref<1x128xi32, #tpu.memory_space<vmem>> -> memref<128xi32, #tpu.memory_space<vmem>>
      %dma_wait3A_67 = arith.constant 0 : i32
      %dma_wait3A_68 = arith.constant 0 : i32
      %dma_wait3A_69 = tpu.memref_slice %arg7[%dma_wait3A_67, %dma_wait3A_68] : memref<10008x64xf32, #tpu.memory_space<vmem_shared>> -> memref<10008x64xf32, #tpu.memory_space<vmem_shared>>
      tpu.wait_indirect_dma semaphore(%arg16 : memref<!tpu.dma_semaphore, #tpu.memory_space<semaphore_mem>>) src(%arg12 : memref<128x64xf32, #tpu.memory_space<vmem>>) dst(%dma_wait3A_69 : memref<10008x64xf32, #tpu.memory_space<vmem_shared>>)
    }
    %scan3A_14 = arith.constant 4 : i32
    %barrier3A_15 = arith.constant 0 : index
    tpu.barrier barrier_id(%barrier3A_15)
    %add3A_16 = arith.addi %mul3A_8, %min3A_1 : i32
    "tpu.region"() ({
      %run_scoped3A = tpu.sem_alloc : memref<!tpu.dma_semaphore, #tpu.memory_space<semaphore_mem>>
      %dma_start3A = arith.constant 0 : i32
      %dma_start3A_34 = tpu.memref_slice %arg6[%add3A_16, %dma_start3A] : memref<40000x64xf32, #tpu.memory_space<hbm>> -> memref<632x64xf32, #tpu.memory_space<hbm>>
      %dma_start3A_35 = arith.constant 0 : i32
      %dma_start3A_36 = tpu.memref_slice %arg7[%min3A_1, %dma_start3A_35] : memref<10008x64xf32, #tpu.memory_space<vmem_shared>> -> memref<632x64xf32, #tpu.memory_space<vmem_shared>>
      tpu.enqueue_dma source(%dma_start3A_36 : memref<632x64xf32, #tpu.memory_space<vmem_shared>>) target(%dma_start3A_34 : memref<632x64xf32, #tpu.memory_space<hbm>>) target_semaphore(%run_scoped3A : memref<!tpu.dma_semaphore, #tpu.memory_space<semaphore_mem>>)
      %dma_wait3A = arith.constant 0 : i32
      %dma_wait3A_37 = tpu.memref_slice %arg6[%add3A_16, %dma_wait3A] : memref<40000x64xf32, #tpu.memory_space<hbm>> -> memref<632x64xf32, #tpu.memory_space<hbm>>
      %dma_wait3A_38 = arith.constant 0 : i32
      %dma_wait3A_39 = tpu.memref_slice %arg7[%min3A_1, %dma_wait3A_38] : memref<10008x64xf32, #tpu.memory_space<vmem_shared>> -> memref<632x64xf32, #tpu.memory_space<vmem_shared>>
      tpu.wait_dma2 semaphore(%run_scoped3A : memref<!tpu.dma_semaphore, #tpu.memory_space<semaphore_mem>>) src(%dma_wait3A_39 : memref<632x64xf32, #tpu.memory_space<vmem_shared>>) dst(%dma_wait3A_37 : memref<632x64xf32, #tpu.memory_space<hbm>>)
      tpu.yield
    }) : () -> ()
    %barrier3A_17 = arith.constant 0 : index
    tpu.barrier barrier_id(%barrier3A_17)
    %mul3A_18 = arith.constant 2 : i32
    %mul3A_19 = arith.muli %arg0, %mul3A_18 : i32
    %add3A_20 = arith.constant 1 : i32
    %add3A_21 = arith.addi %mul3A_19, %add3A_20 : i32
    %mul3A_22 = arith.constant 10000 : i32
    %mul3A_23 = arith.muli %add3A_21, %mul3A_22 : i32
    "tpu.region"() ({
      %run_scoped3A = tpu.sem_alloc : memref<!tpu.dma_semaphore, #tpu.memory_space<semaphore_mem>>
      %dma_start3A = arith.constant 0 : i32
      %dma_start3A_34 = tpu.memref_slice %arg7[%min3A_1, %dma_start3A] : memref<10008x64xf32, #tpu.memory_space<vmem_shared>> -> memref<632x64xf32, #tpu.memory_space<vmem_shared>>
      tpu.enqueue_dma source(%arg5 : memref<632x64xf32, #tpu.memory_space<hbm>>) target(%dma_start3A_34 : memref<632x64xf32, #tpu.memory_space<vmem_shared>>) target_semaphore(%run_scoped3A : memref<!tpu.dma_semaphore, #tpu.memory_space<semaphore_mem>>)
      %dma_wait3A = arith.constant 0 : i32
      %dma_wait3A_35 = tpu.memref_slice %arg7[%min3A_1, %dma_wait3A] : memref<10008x64xf32, #tpu.memory_space<vmem_shared>> -> memref<632x64xf32, #tpu.memory_space<vmem_shared>>
      tpu.wait_dma2 semaphore(%run_scoped3A : memref<!tpu.dma_semaphore, #tpu.memory_space<semaphore_mem>>) src(%arg5 : memref<632x64xf32, #tpu.memory_space<hbm>>) dst(%dma_wait3A_35 : memref<632x64xf32, #tpu.memory_space<vmem_shared>>)
      tpu.yield
    }) : () -> ()
    %add3A_24 = arith.addi %mul3A_23, %min3A_1 : i32
    "tpu.region"() ({
      %run_scoped3A = tpu.sem_alloc : memref<!tpu.dma_semaphore, #tpu.memory_space<semaphore_mem>>
      %dma_start3A = arith.constant 0 : i32
      %dma_start3A_34 = tpu.memref_slice %arg8[%min3A_1, %dma_start3A] : memref<10008x64xf32, #tpu.memory_space<vmem_shared>> -> memref<632x64xf32, #tpu.memory_space<vmem_shared>>
      %dma_start3A_35 = arith.constant 0 : i32
      %dma_start3A_36 = tpu.memref_slice %arg4[%add3A_24, %dma_start3A_35] : memref<40000x64xf32, #tpu.memory_space<hbm>> -> memref<632x64xf32, #tpu.memory_space<hbm>>
      tpu.enqueue_dma source(%dma_start3A_36 : memref<632x64xf32, #tpu.memory_space<hbm>>) target(%dma_start3A_34 : memref<632x64xf32, #tpu.memory_space<vmem_shared>>) target_semaphore(%run_scoped3A : memref<!tpu.dma_semaphore, #tpu.memory_space<semaphore_mem>>)
      %dma_wait3A = arith.constant 0 : i32
      %dma_wait3A_37 = tpu.memref_slice %arg8[%min3A_1, %dma_wait3A] : memref<10008x64xf32, #tpu.memory_space<vmem_shared>> -> memref<632x64xf32, #tpu.memory_space<vmem_shared>>
      %dma_wait3A_38 = arith.constant 0 : i32
      %dma_wait3A_39 = tpu.memref_slice %arg4[%add3A_24, %dma_wait3A_38] : memref<40000x64xf32, #tpu.memory_space<hbm>> -> memref<632x64xf32, #tpu.memory_space<hbm>>
      tpu.wait_dma2 semaphore(%run_scoped3A : memref<!tpu.dma_semaphore, #tpu.memory_space<semaphore_mem>>) src(%dma_wait3A_39 : memref<632x64xf32, #tpu.memory_space<hbm>>) dst(%dma_wait3A_37 : memref<632x64xf32, #tpu.memory_space<vmem_shared>>)
      tpu.yield
    }) : () -> ()
    %barrier3A_25 = arith.constant 0 : index
    tpu.barrier barrier_id(%barrier3A_25)
    %scan3A_26 = arith.constant 0 : i32
    %scan3A_27 = arith.constant 0 : i32
    %scan3A_28 = arith.constant 4 : i32
    %scan3A_29 = arith.addi %scan3A_27, %scan3A_28 : i32
    %scan3A_30 = arith.constant 1 : i32
    scf.for %scan3A_34 = %scan3A_27 to %scan3A_29 step %scan3A_30  : i32 {
      %mul3A_35 = arith.constant 40 : i32
      %mul3A_36 = arith.muli %scan3A_34, %mul3A_35 : i32
      %add3A_37 = arith.addi %mul3A_3, %mul3A_36 : i32
      "tpu.region"() ({
        %run_scoped3A = tpu.sem_alloc : memref<!tpu.dma_semaphore, #tpu.memory_space<semaphore_mem>>
        %dma_start3A_70 = arith.constant 0 : i32
        %dma_start3A_71 = tpu.memref_slice %arg2[%add3A_37, %dma_start3A_70] : memref<2560x128xi32, #tpu.memory_space<hbm>> -> memref<40x128xi32, #tpu.memory_space<hbm>>
        %dma_start3A_72 = arith.constant 0 : i32
        %dma_start3A_73 = tpu.memref_slice %arg2[%add3A_37, %dma_start3A_72] : memref<2560x128xi32, #tpu.memory_space<hbm>> -> memref<40x128xi32, #tpu.memory_space<hbm>>
        tpu.enqueue_dma source(%dma_start3A_73 : memref<40x128xi32, #tpu.memory_space<hbm>>) target(%arg9 : memref<40x128xi32, #tpu.memory_space<vmem>>) target_semaphore(%run_scoped3A : memref<!tpu.dma_semaphore, #tpu.memory_space<semaphore_mem>>)
        %dma_wait3A_74 = arith.constant 0 : i32
        %dma_wait3A_75 = tpu.memref_slice %arg2[%add3A_37, %dma_wait3A_74] : memref<2560x128xi32, #tpu.memory_space<hbm>> -> memref<40x128xi32, #tpu.memory_space<hbm>>
        %dma_wait3A_76 = arith.constant 0 : i32
        %dma_wait3A_77 = tpu.memref_slice %arg2[%add3A_37, %dma_wait3A_76] : memref<2560x128xi32, #tpu.memory_space<hbm>> -> memref<40x128xi32, #tpu.memory_space<hbm>>
        tpu.wait_dma2 semaphore(%run_scoped3A : memref<!tpu.dma_semaphore, #tpu.memory_space<semaphore_mem>>) src(%dma_wait3A_77 : memref<40x128xi32, #tpu.memory_space<hbm>>) dst(%arg9 : memref<40x128xi32, #tpu.memory_space<vmem>>)
        tpu.yield
      }) : () -> ()
      "tpu.region"() ({
        %run_scoped3A = tpu.sem_alloc : memref<!tpu.dma_semaphore, #tpu.memory_space<semaphore_mem>>
        %dma_start3A_70 = arith.constant 0 : i32
        %dma_start3A_71 = tpu.memref_slice %arg3[%add3A_37, %dma_start3A_70] : memref<2560x128xi32, #tpu.memory_space<hbm>> -> memref<40x128xi32, #tpu.memory_space<hbm>>
        %dma_start3A_72 = arith.constant 0 : i32
        %dma_start3A_73 = tpu.memref_slice %arg3[%add3A_37, %dma_start3A_72] : memref<2560x128xi32, #tpu.memory_space<hbm>> -> memref<40x128xi32, #tpu.memory_space<hbm>>
        tpu.enqueue_dma source(%dma_start3A_73 : memref<40x128xi32, #tpu.memory_space<hbm>>) target(%arg10 : memref<40x128xi32, #tpu.memory_space<vmem>>) target_semaphore(%run_scoped3A : memref<!tpu.dma_semaphore, #tpu.memory_space<semaphore_mem>>)
        %dma_wait3A_74 = arith.constant 0 : i32
        %dma_wait3A_75 = tpu.memref_slice %arg3[%add3A_37, %dma_wait3A_74] : memref<2560x128xi32, #tpu.memory_space<hbm>> -> memref<40x128xi32, #tpu.memory_space<hbm>>
        %dma_wait3A_76 = arith.constant 0 : i32
        %dma_wait3A_77 = tpu.memref_slice %arg3[%add3A_37, %dma_wait3A_76] : memref<2560x128xi32, #tpu.memory_space<hbm>> -> memref<40x128xi32, #tpu.memory_space<hbm>>
        tpu.wait_dma2 semaphore(%run_scoped3A : memref<!tpu.dma_semaphore, #tpu.memory_space<semaphore_mem>>) src(%dma_wait3A_77 : memref<40x128xi32, #tpu.memory_space<hbm>>) dst(%arg10 : memref<40x128xi32, #tpu.memory_space<vmem>>)
        tpu.yield
      }) : () -> ()
      %dma_start3A = arith.constant 0 : i32
      %dma_start3A_38 = arith.constant 0 : i32
      %dma_start3A_39 = tpu.memref_slice %arg9[%dma_start3A, %dma_start3A_38] : memref<40x128xi32, #tpu.memory_space<vmem>> -> memref<1x128xi32, #tpu.memory_space<vmem>>
      %dma_start3A_40 = tpu.memref_squeeze %dma_start3A_39 : memref<1x128xi32, #tpu.memory_space<vmem>> -> memref<128xi32, #tpu.memory_space<vmem>>
      %dma_start3A_41 = arith.constant 0 : i32
      %dma_start3A_42 = arith.constant 0 : i32
      %dma_start3A_43 = tpu.memref_slice %arg8[%dma_start3A_41, %dma_start3A_42] : memref<10008x64xf32, #tpu.memory_space<vmem_shared>> -> memref<10008x64xf32, #tpu.memory_space<vmem_shared>>
      tpu.enqueue_indirect_dma source(%dma_start3A_43 : memref<10008x64xf32, #tpu.memory_space<vmem_shared>>) target(%arg11 : memref<128x64xf32, #tpu.memory_space<vmem>>) offsets(%dma_start3A_40 : memref<128xi32, #tpu.memory_space<vmem>>) semaphore(%arg13 : memref<!tpu.dma_semaphore, #tpu.memory_space<semaphore_mem>>)
      %dma_start3A_44 = arith.constant 1 : i32
      %dma_start3A_45 = arith.constant 0 : i32
      %dma_start3A_46 = tpu.memref_slice %arg9[%dma_start3A_44, %dma_start3A_45] : memref<40x128xi32, #tpu.memory_space<vmem>> -> memref<1x128xi32, #tpu.memory_space<vmem>>
      %dma_start3A_47 = tpu.memref_squeeze %dma_start3A_46 : memref<1x128xi32, #tpu.memory_space<vmem>> -> memref<128xi32, #tpu.memory_space<vmem>>
      %dma_start3A_48 = arith.constant 0 : i32
      %dma_start3A_49 = arith.constant 0 : i32
      %dma_start3A_50 = tpu.memref_slice %arg8[%dma_start3A_48, %dma_start3A_49] : memref<10008x64xf32, #tpu.memory_space<vmem_shared>> -> memref<10008x64xf32, #tpu.memory_space<vmem_shared>>
      tpu.enqueue_indirect_dma source(%dma_start3A_50 : memref<10008x64xf32, #tpu.memory_space<vmem_shared>>) target(%arg12 : memref<128x64xf32, #tpu.memory_space<vmem>>) offsets(%dma_start3A_47 : memref<128xi32, #tpu.memory_space<vmem>>) semaphore(%arg14 : memref<!tpu.dma_semaphore, #tpu.memory_space<semaphore_mem>>)
      %scan3A_51 = arith.constant 0 : i32
      %scan3A_52 = arith.constant 0 : i32
      %scan3A_53 = arith.constant 20 : i32
      %scan3A_54 = arith.addi %scan3A_52, %scan3A_53 : i32
      %scan3A_55 = arith.constant 1 : i32
      scf.for %scan3A_70 = %scan3A_52 to %scan3A_54 step %scan3A_55  : i32 {
        %mul3A_71 = arith.constant 2 : i32
        %mul3A_72 = arith.muli %mul3A_71, %scan3A_70 : i32
        %dma_wait3A_73 = arith.constant 0 : i32
        %dma_wait3A_74 = arith.constant 0 : i32
        %dma_wait3A_75 = tpu.memref_slice %arg9[%dma_wait3A_73, %dma_wait3A_74] : memref<40x128xi32, #tpu.memory_space<vmem>> -> memref<1x128xi32, #tpu.memory_space<vmem>>
        %dma_wait3A_76 = tpu.memref_squeeze %dma_wait3A_75 : memref<1x128xi32, #tpu.memory_space<vmem>> -> memref<128xi32, #tpu.memory_space<vmem>>
        %dma_wait3A_77 = arith.constant 0 : i32
        %dma_wait3A_78 = arith.constant 0 : i32
        %dma_wait3A_79 = tpu.memref_slice %arg8[%dma_wait3A_77, %dma_wait3A_78] : memref<10008x64xf32, #tpu.memory_space<vmem_shared>> -> memref<10008x64xf32, #tpu.memory_space<vmem_shared>>
        tpu.wait_indirect_dma semaphore(%arg13 : memref<!tpu.dma_semaphore, #tpu.memory_space<semaphore_mem>>) src(%dma_wait3A_79 : memref<10008x64xf32, #tpu.memory_space<vmem_shared>>) dst(%arg11 : memref<128x64xf32, #tpu.memory_space<vmem>>)
        %dma_start3A_80 = arith.constant 0 : i32
        %dma_start3A_81 = tpu.memref_slice %arg10[%mul3A_72, %dma_start3A_80] : memref<40x128xi32, #tpu.memory_space<vmem>> -> memref<1x128xi32, #tpu.memory_space<vmem>>
        %dma_start3A_82 = tpu.memref_squeeze %dma_start3A_81 : memref<1x128xi32, #tpu.memory_space<vmem>> -> memref<128xi32, #tpu.memory_space<vmem>>
        %dma_start3A_83 = arith.constant 0 : i32
        %dma_start3A_84 = arith.constant 0 : i32
        %dma_start3A_85 = tpu.memref_slice %arg7[%dma_start3A_83, %dma_start3A_84] : memref<10008x64xf32, #tpu.memory_space<vmem_shared>> -> memref<10008x64xf32, #tpu.memory_space<vmem_shared>>
        tpu.enqueue_indirect_dma source(%arg11 : memref<128x64xf32, #tpu.memory_space<vmem>>) target(%dma_start3A_85 : memref<10008x64xf32, #tpu.memory_space<vmem_shared>>) offsets(%dma_start3A_82 : memref<128xi32, #tpu.memory_space<vmem>>) semaphore(%arg15 : memref<!tpu.dma_semaphore, #tpu.memory_space<semaphore_mem>>) {add = true}
        %add3A_86 = arith.constant 2 : i32
        %add3A_87 = arith.addi %mul3A_72, %add3A_86 : i32
        %lt3A = arith.constant 40 : i32
        %lt3A_88 = arith.cmpi slt, %add3A_87, %lt3A : i32
        %convert_element_type3A = arith.extui %lt3A_88 : i1 to i32
        %cond3A = arith.constant 0 : i32
        %cond3A_89 = arith.cmpi ne, %convert_element_type3A, %cond3A : i32
        scf.if %cond3A_89 {
          %dma_wait3A_112 = arith.constant 0 : i32
          %dma_wait3A_113 = arith.constant 0 : i32
          %dma_wait3A_114 = tpu.memref_slice %arg10[%dma_wait3A_112, %dma_wait3A_113] : memref<40x128xi32, #tpu.memory_space<vmem>> -> memref<1x128xi32, #tpu.memory_space<vmem>>
          %dma_wait3A_115 = tpu.memref_squeeze %dma_wait3A_114 : memref<1x128xi32, #tpu.memory_space<vmem>> -> memref<128xi32, #tpu.memory_space<vmem>>
          %dma_wait3A_116 = arith.constant 0 : i32
          %dma_wait3A_117 = arith.constant 0 : i32
          %dma_wait3A_118 = tpu.memref_slice %arg7[%dma_wait3A_116, %dma_wait3A_117] : memref<10008x64xf32, #tpu.memory_space<vmem_shared>> -> memref<10008x64xf32, #tpu.memory_space<vmem_shared>>
          tpu.wait_indirect_dma semaphore(%arg15 : memref<!tpu.dma_semaphore, #tpu.memory_space<semaphore_mem>>) src(%arg11 : memref<128x64xf32, #tpu.memory_space<vmem>>) dst(%dma_wait3A_118 : memref<10008x64xf32, #tpu.memory_space<vmem_shared>>)
          %add3A_119 = arith.constant 2 : i32
          %add3A_120 = arith.addi %mul3A_72, %add3A_119 : i32
          %dma_start3A_121 = arith.constant 0 : i32
          %dma_start3A_122 = tpu.memref_slice %arg9[%add3A_120, %dma_start3A_121] : memref<40x128xi32, #tpu.memory_space<vmem>> -> memref<1x128xi32, #tpu.memory_space<vmem>>
          %dma_start3A_123 = tpu.memref_squeeze %dma_start3A_122 : memref<1x128xi32, #tpu.memory_space<vmem>> -> memref<128xi32, #tpu.memory_space<vmem>>
          %dma_start3A_124 = arith.constant 0 : i32
          %dma_start3A_125 = arith.constant 0 : i32
          %dma_start3A_126 = tpu.memref_slice %arg8[%dma_start3A_124, %dma_start3A_125] : memref<10008x64xf32, #tpu.memory_space<vmem_shared>> -> memref<10008x64xf32, #tpu.memory_space<vmem_shared>>
          tpu.enqueue_indirect_dma source(%dma_start3A_126 : memref<10008x64xf32, #tpu.memory_space<vmem_shared>>) target(%arg11 : memref<128x64xf32, #tpu.memory_space<vmem>>) offsets(%dma_start3A_123 : memref<128xi32, #tpu.memory_space<vmem>>) semaphore(%arg13 : memref<!tpu.dma_semaphore, #tpu.memory_space<semaphore_mem>>)
        } else {
        }
        %dma_wait3A_90 = arith.constant 0 : i32
        %dma_wait3A_91 = arith.constant 0 : i32
        %dma_wait3A_92 = tpu.memref_slice %arg9[%dma_wait3A_90, %dma_wait3A_91] : memref<40x128xi32, #tpu.memory_space<vmem>> -> memref<1x128xi32, #tpu.memory_space<vmem>>
        %dma_wait3A_93 = tpu.memref_squeeze %dma_wait3A_92 : memref<1x128xi32, #tpu.memory_space<vmem>> -> memref<128xi32, #tpu.memory_space<vmem>>
        %dma_wait3A_94 = arith.constant 0 : i32
        %dma_wait3A_95 = arith.constant 0 : i32
        %dma_wait3A_96 = tpu.memref_slice %arg8[%dma_wait3A_94, %dma_wait3A_95] : memref<10008x64xf32, #tpu.memory_space<vmem_shared>> -> memref<10008x64xf32, #tpu.memory_space<vmem_shared>>
        tpu.wait_indirect_dma semaphore(%arg14 : memref<!tpu.dma_semaphore, #tpu.memory_space<semaphore_mem>>) src(%dma_wait3A_96 : memref<10008x64xf32, #tpu.memory_space<vmem_shared>>) dst(%arg12 : memref<128x64xf32, #tpu.memory_space<vmem>>)
        %add3A_97 = arith.constant 1 : i32
        %add3A_98 = arith.addi %mul3A_72, %add3A_97 : i32
        %dma_start3A_99 = arith.constant 0 : i32
        %dma_start3A_100 = tpu.memref_slice %arg10[%add3A_98, %dma_start3A_99] : memref<40x128xi32, #tpu.memory_space<vmem>> -> memref<1x128xi32, #tpu.memory_space<vmem>>
        %dma_start3A_101 = tpu.memref_squeeze %dma_start3A_100 : memref<1x128xi32, #tpu.memory_space<vmem>> -> memref<128xi32, #tpu.memory_space<vmem>>
        %dma_start3A_102 = arith.constant 0 : i32
        %dma_start3A_103 = arith.constant 0 : i32
        %dma_start3A_104 = tpu.memref_slice %arg7[%dma_start3A_102, %dma_start3A_103] : memref<10008x64xf32, #tpu.memory_space<vmem_shared>> -> memref<10008x64xf32, #tpu.memory_space<vmem_shared>>
        tpu.enqueue_indirect_dma source(%arg12 : memref<128x64xf32, #tpu.memory_space<vmem>>) target(%dma_start3A_104 : memref<10008x64xf32, #tpu.memory_space<vmem_shared>>) offsets(%dma_start3A_101 : memref<128xi32, #tpu.memory_space<vmem>>) semaphore(%arg16 : memref<!tpu.dma_semaphore, #tpu.memory_space<semaphore_mem>>) {add = true}
        %add3A_105 = arith.constant 3 : i32
        %add3A_106 = arith.addi %mul3A_72, %add3A_105 : i32
        %lt3A_107 = arith.constant 40 : i32
        %lt3A_108 = arith.cmpi slt, %add3A_106, %lt3A_107 : i32
        %convert_element_type3A_109 = arith.extui %lt3A_108 : i1 to i32
        %cond3A_110 = arith.constant 0 : i32
        %cond3A_111 = arith.cmpi ne, %convert_element_type3A_109, %cond3A_110 : i32
        scf.if %cond3A_111 {
          %dma_wait3A_112 = arith.constant 0 : i32
          %dma_wait3A_113 = arith.constant 0 : i32
          %dma_wait3A_114 = tpu.memref_slice %arg10[%dma_wait3A_112, %dma_wait3A_113] : memref<40x128xi32, #tpu.memory_space<vmem>> -> memref<1x128xi32, #tpu.memory_space<vmem>>
          %dma_wait3A_115 = tpu.memref_squeeze %dma_wait3A_114 : memref<1x128xi32, #tpu.memory_space<vmem>> -> memref<128xi32, #tpu.memory_space<vmem>>
          %dma_wait3A_116 = arith.constant 0 : i32
          %dma_wait3A_117 = arith.constant 0 : i32
          %dma_wait3A_118 = tpu.memref_slice %arg7[%dma_wait3A_116, %dma_wait3A_117] : memref<10008x64xf32, #tpu.memory_space<vmem_shared>> -> memref<10008x64xf32, #tpu.memory_space<vmem_shared>>
          tpu.wait_indirect_dma semaphore(%arg16 : memref<!tpu.dma_semaphore, #tpu.memory_space<semaphore_mem>>) src(%arg12 : memref<128x64xf32, #tpu.memory_space<vmem>>) dst(%dma_wait3A_118 : memref<10008x64xf32, #tpu.memory_space<vmem_shared>>)
          %add3A_119 = arith.constant 3 : i32
          %add3A_120 = arith.addi %mul3A_72, %add3A_119 : i32
          %dma_start3A_121 = arith.constant 0 : i32
          %dma_start3A_122 = tpu.memref_slice %arg9[%add3A_120, %dma_start3A_121] : memref<40x128xi32, #tpu.memory_space<vmem>> -> memref<1x128xi32, #tpu.memory_space<vmem>>
          %dma_start3A_123 = tpu.memref_squeeze %dma_start3A_122 : memref<1x128xi32, #tpu.memory_space<vmem>> -> memref<128xi32, #tpu.memory_space<vmem>>
          %dma_start3A_124 = arith.constant 0 : i32
          %dma_start3A_125 = arith.constant 0 : i32
          %dma_start3A_126 = tpu.memref_slice %arg8[%dma_start3A_124, %dma_start3A_125] : memref<10008x64xf32, #tpu.memory_space<vmem_shared>> -> memref<10008x64xf32, #tpu.memory_space<vmem_shared>>
          tpu.enqueue_indirect_dma source(%dma_start3A_126 : memref<10008x64xf32, #tpu.memory_space<vmem_shared>>) target(%arg12 : memref<128x64xf32, #tpu.memory_space<vmem>>) offsets(%dma_start3A_123 : memref<128xi32, #tpu.memory_space<vmem>>) semaphore(%arg14 : memref<!tpu.dma_semaphore, #tpu.memory_space<semaphore_mem>>)
        } else {
        }
      }
      %scan3A_56 = arith.constant 20 : i32
      %dma_wait3A = arith.constant 0 : i32
      %dma_wait3A_57 = arith.constant 0 : i32
      %dma_wait3A_58 = tpu.memref_slice %arg10[%dma_wait3A, %dma_wait3A_57] : memref<40x128xi32, #tpu.memory_space<vmem>> -> memref<1x128xi32, #tpu.memory_space<vmem>>
      %dma_wait3A_59 = tpu.memref_squeeze %dma_wait3A_58 : memref<1x128xi32, #tpu.memory_space<vmem>> -> memref<128xi32, #tpu.memory_space<vmem>>
      %dma_wait3A_60 = arith.constant 0 : i32
      %dma_wait3A_61 = arith.constant 0 : i32
      %dma_wait3A_62 = tpu.memref_slice %arg7[%dma_wait3A_60, %dma_wait3A_61] : memref<10008x64xf32, #tpu.memory_space<vmem_shared>> -> memref<10008x64xf32, #tpu.memory_space<vmem_shared>>
      tpu.wait_indirect_dma semaphore(%arg15 : memref<!tpu.dma_semaphore, #tpu.memory_space<semaphore_mem>>) src(%arg11 : memref<128x64xf32, #tpu.memory_space<vmem>>) dst(%dma_wait3A_62 : memref<10008x64xf32, #tpu.memory_space<vmem_shared>>)
      %dma_wait3A_63 = arith.constant 0 : i32
      %dma_wait3A_64 = arith.constant 0 : i32
      %dma_wait3A_65 = tpu.memref_slice %arg10[%dma_wait3A_63, %dma_wait3A_64] : memref<40x128xi32, #tpu.memory_space<vmem>> -> memref<1x128xi32, #tpu.memory_space<vmem>>
      %dma_wait3A_66 = tpu.memref_squeeze %dma_wait3A_65 : memref<1x128xi32, #tpu.memory_space<vmem>> -> memref<128xi32, #tpu.memory_space<vmem>>
      %dma_wait3A_67 = arith.constant 0 : i32
      %dma_wait3A_68 = arith.constant 0 : i32
      %dma_wait3A_69 = tpu.memref_slice %arg7[%dma_wait3A_67, %dma_wait3A_68] : memref<10008x64xf32, #tpu.memory_space<vmem_shared>> -> memref<10008x64xf32, #tpu.memory_space<vmem_shared>>
      tpu.wait_indirect_dma semaphore(%arg16 : memref<!tpu.dma_semaphore, #tpu.memory_space<semaphore_mem>>) src(%arg12 : memref<128x64xf32, #tpu.memory_space<vmem>>) dst(%dma_wait3A_69 : memref<10008x64xf32, #tpu.memory_space<vmem_shared>>)
    }
    %scan3A_31 = arith.constant 4 : i32
    %barrier3A_32 = arith.constant 0 : index
    tpu.barrier barrier_id(%barrier3A_32)
    %add3A_33 = arith.addi %mul3A_23, %min3A_1 : i32
    "tpu.region"() ({
      %run_scoped3A = tpu.sem_alloc : memref<!tpu.dma_semaphore, #tpu.memory_space<semaphore_mem>>
      %dma_start3A = arith.constant 0 : i32
      %dma_start3A_34 = tpu.memref_slice %arg6[%add3A_33, %dma_start3A] : memref<40000x64xf32, #tpu.memory_space<hbm>> -> memref<632x64xf32, #tpu.memory_space<hbm>>
      %dma_start3A_35 = arith.constant 0 : i32
      %dma_start3A_36 = tpu.memref_slice %arg7[%min3A_1, %dma_start3A_35] : memref<10008x64xf32, #tpu.memory_space<vmem_shared>> -> memref<632x64xf32, #tpu.memory_space<vmem_shared>>
      tpu.enqueue_dma source(%dma_start3A_36 : memref<632x64xf32, #tpu.memory_space<vmem_shared>>) target(%dma_start3A_34 : memref<632x64xf32, #tpu.memory_space<hbm>>) target_semaphore(%run_scoped3A : memref<!tpu.dma_semaphore, #tpu.memory_space<semaphore_mem>>)
      %dma_wait3A = arith.constant 0 : i32
      %dma_wait3A_37 = tpu.memref_slice %arg6[%add3A_33, %dma_wait3A] : memref<40000x64xf32, #tpu.memory_space<hbm>> -> memref<632x64xf32, #tpu.memory_space<hbm>>
      %dma_wait3A_38 = arith.constant 0 : i32
      %dma_wait3A_39 = tpu.memref_slice %arg7[%min3A_1, %dma_wait3A_38] : memref<10008x64xf32, #tpu.memory_space<vmem_shared>> -> memref<632x64xf32, #tpu.memory_space<vmem_shared>>
      tpu.wait_dma2 semaphore(%run_scoped3A : memref<!tpu.dma_semaphore, #tpu.memory_space<semaphore_mem>>) src(%dma_wait3A_39 : memref<632x64xf32, #tpu.memory_space<vmem_shared>>) dst(%dma_wait3A_37 : memref<632x64xf32, #tpu.memory_space<hbm>>)
      tpu.yield
    }) : () -> ()
    return
  }
}

module attributes {stable_mosaic.version = 14 : i64} {
  func.func @_tc_prep_body(%arg0: i32, %arg1: memref<1000x64xf32, #tpu.memory_space<vmem>>, %arg2: memref<1000x64xf32, #tpu.memory_space<vmem>>, %arg3: memref<1000x128xf32, #tpu.memory_space<vmem>>, %arg4: memref<1000x1xi32, #tpu.memory_space<vmem>>, %arg5: memref<1000x1xf32, #tpu.memory_space<vmem>>, %arg6: memref<2x1000x64xf32, #tpu.memory_space<vmem>>, %arg7: memref<16x128xf32, #tpu.memory_space<vmem>>) attributes {dimension_semantics = [#tpu.dimension_semantics<arbitrary>], iteration_bounds = array<i64: 10>, scalar_prefetch = 0 : i64, scratch_operands = 0 : i64, tpu.core_type = #tpu.core_type<tc>, window_params = [{transform_indices = @transform_0, window_bounds = array<i64: 1000, 64>}, {transform_indices = @transform_1, window_bounds = array<i64: 1000, 64>}, {transform_indices = @transform_2, window_bounds = array<i64: 1000, 128>}, {transform_indices = @transform_3, window_bounds = array<i64: 1000, 1>}, {transform_indices = @transform_4, window_bounds = array<i64: 1000, 1>}, {transform_indices = @transform_5, window_bounds = array<i64: 2, 1000, 64>}, {pipeline_mode = #tpu.pipeline_mode<synchronous>, transform_indices = @transform_6, window_bounds = array<i64: 16, 128>}]} {
    %get3A = arith.constant 0 : index
    %get3A_0 = arith.constant 0 : index
    %get3A_1 = vector.load %arg1[%get3A, %get3A_0] : memref<1000x64xf32, #tpu.memory_space<vmem>>, vector<1000x1xf32>
    %get3A_2 = arith.constant 0 : index
    %get3A_3 = arith.constant 0 : index
    %get3A_4 = vector.load %arg2[%get3A_2, %get3A_3] : memref<1000x64xf32, #tpu.memory_space<vmem>>, vector<1000x1xf32>
    %add3A = arith.addf %get3A_1, %get3A_4 : vector<1000x1xf32>
    %add3A_5 = arith.constant 1.000000e+00 : f32
    %add3A_6 = vector.broadcast %add3A_5 : f32 to vector<1000x1xf32>
    %add3A_7 = arith.addf %add3A, %add3A_6 : vector<1000x1xf32>
    %rsqrt3A = math.rsqrt %add3A_7 : vector<1000x1xf32>
    %swap3A = arith.constant 0 : index
    %swap3A_8 = arith.constant 0 : index
    %swap3A_9 = vector.load %arg5[%swap3A, %swap3A_8] : memref<1000x1xf32, #tpu.memory_space<vmem>>, vector<1000x1xf32>
    tpu.vector_store %arg5[%swap3A, %swap3A_8], %rsqrt3A {strides = array<i32>} : memref<1000x1xf32, #tpu.memory_space<vmem>>, vector<1000x1xf32>,
    %get3A_10 = arith.constant 0 : index
    %get3A_11 = arith.constant 0 : index
    %get3A_12 = vector.load %arg3[%get3A_10, %get3A_11] : memref<1000x128xf32, #tpu.memory_space<vmem>>, vector<1000x128xf32>
    %mul3A = vector.broadcast %rsqrt3A : vector<1000x1xf32> to vector<1000x128xf32>
    %mul3A_13 = arith.mulf %mul3A, %get3A_12 : vector<1000x128xf32>
    %slice3A = vector.extract_strided_slice %mul3A_13 {offsets = [0, 0], sizes = [1000, 64], strides = [1, 1]} : vector<1000x128xf32> to vector<1000x64xf32>
    %swap3A_14 = arith.constant 0 : index
    %swap3A_15 = arith.constant 0 : index
    %swap3A_16 = arith.constant 0 : index
    %swap3A_17 = vector.load %arg6[%swap3A_14, %swap3A_15, %swap3A_16] : memref<2x1000x64xf32, #tpu.memory_space<vmem>>, vector<1x1000x64xf32>
    %swap3A_18 = vector.shape_cast %swap3A_17 : vector<1x1000x64xf32> to vector<1000x64xf32>
    %swap3A_19 = vector.shape_cast %slice3A : vector<1000x64xf32> to vector<1x1000x64xf32>
    tpu.vector_store %arg6[%swap3A_14, %swap3A_15, %swap3A_16], %swap3A_19 {strides = array<i32>} : memref<2x1000x64xf32, #tpu.memory_space<vmem>>, vector<1x1000x64xf32>,
    %slice3A_20 = vector.extract_strided_slice %mul3A_13 {offsets = [0, 64], sizes = [1000, 64], strides = [1, 1]} : vector<1000x128xf32> to vector<1000x64xf32>
    %swap3A_21 = arith.constant 1 : index
    %swap3A_22 = arith.constant 0 : index
    %swap3A_23 = arith.constant 0 : index
    %swap3A_24 = vector.load %arg6[%swap3A_21, %swap3A_22, %swap3A_23] : memref<2x1000x64xf32, #tpu.memory_space<vmem>>, vector<1x1000x64xf32>
    %swap3A_25 = vector.shape_cast %swap3A_24 : vector<1x1000x64xf32> to vector<1000x64xf32>
    %swap3A_26 = vector.shape_cast %slice3A_20 : vector<1000x64xf32> to vector<1x1000x64xf32>
    tpu.vector_store %arg6[%swap3A_21, %swap3A_22, %swap3A_23], %swap3A_26 {strides = array<i32>} : memref<2x1000x64xf32, #tpu.memory_space<vmem>>, vector<1x1000x64xf32>,
    %get3A_27 = arith.constant 0 : index
    %get3A_28 = arith.constant 0 : index
    %get3A_29 = vector.load %arg4[%get3A_27, %get3A_28] : memref<1000x1xi32, #tpu.memory_space<vmem>>, vector<1000x1xi32>
    %iota3A = tpu.iota {dimensions = array<i32: 1>} : vector<1x16xi32>
    %eq3A = vector.broadcast %get3A_29 : vector<1000x1xi32> to vector<1000x16xi32>
    %eq3A_30 = vector.broadcast %iota3A : vector<1x16xi32> to vector<1000x16xi32>
    %eq3A_31 = arith.cmpi eq, %eq3A, %eq3A_30 : vector<1000x16xi32>
    %convert_element_type3A = arith.extui %eq3A_31 : vector<1000x16xi1> to vector<1000x16xi32>
    %convert_element_type3A_32 = arith.sitofp %convert_element_type3A : vector<1000x16xi32> to vector<1000x16xf32>
    %eq3A_33 = arith.constant 0 : i32
    %eq3A_34 = arith.cmpi eq, %arg0, %eq3A_33 : i32
    %convert_element_type3A_35 = arith.extui %eq3A_34 : i1 to i32
    %cond3A = arith.constant 0 : i32
    %cond3A_36 = arith.cmpi ne, %convert_element_type3A_35, %cond3A : i32
    scf.if %cond3A_36 {
      %broadcast_in_dim3A_46 = arith.constant 0.000000e+00 : f32
      %broadcast_in_dim3A_47 = vector.broadcast %broadcast_in_dim3A_46 : f32 to vector<16x128xf32>
      %swap3A_48 = arith.constant 0 : index
      %swap3A_49 = arith.constant 0 : index
      %swap3A_50 = vector.load %arg7[%swap3A_48, %swap3A_49] : memref<16x128xf32, #tpu.memory_space<vmem>>, vector<16x128xf32>
      tpu.vector_store %arg7[%swap3A_48, %swap3A_49], %broadcast_in_dim3A_47 {strides = array<i32>} : memref<16x128xf32, #tpu.memory_space<vmem>>, vector<16x128xf32>,
    } else {
    }
    %get3A_37 = arith.constant 0 : index
    %get3A_38 = arith.constant 0 : index
    %get3A_39 = vector.load %arg7[%get3A_37, %get3A_38] : memref<16x128xf32, #tpu.memory_space<vmem>>, vector<16x128xf32>
    %broadcast_in_dim3A = arith.constant 1.000000e+00 : f32
    %broadcast_in_dim3A_40 = vector.broadcast %broadcast_in_dim3A : f32 to vector<1000x128xf32>
    %dot_general3A = arith.constant dense<0.000000e+00> : vector<16x128xf32>
    %dot_general3A_41 = tpu.matmul %convert_element_type3A_32, %broadcast_in_dim3A_40, %dot_general3A {dimension_numbers = #tpu.dot_dimension_numbers<[0], [0], [1], [1], [0, 1, 1, 1], [], []>, transpose_lhs_hint = false} : vector<1000x16xf32>, vector<1000x128xf32>, vector<16x128xf32> -> vector<16x128xf32>
    %add3A_42 = arith.addf %get3A_39, %dot_general3A_41 : vector<16x128xf32>
    %swap3A_43 = arith.constant 0 : index
    %swap3A_44 = arith.constant 0 : index
    %swap3A_45 = vector.load %arg7[%swap3A_43, %swap3A_44] : memref<16x128xf32, #tpu.memory_space<vmem>>, vector<16x128xf32>
    tpu.vector_store %arg7[%swap3A_43, %swap3A_44], %add3A_42 {strides = array<i32>} : memref<16x128xf32, #tpu.memory_space<vmem>>, vector<16x128xf32>,
    return
  }
  func.func @transform_0(%arg0: i32) -> (i32, i32) {
    %c0_i32 = arith.constant 0 : i32
    %c0_i32_0 = arith.constant 0 : i32
    return %arg0, %c0_i32 : i32, i32
  }
  func.func @transform_1(%arg0: i32) -> (i32, i32) {
    %add3A = arith.constant 10 : i32
    %add3A_0 = arith.addi %add3A, %arg0 : i32
    %c0_i32 = arith.constant 0 : i32
    %c0_i32_1 = arith.constant 0 : i32
    return %add3A_0, %c0_i32 : i32, i32
  }
  func.func @transform_2(%arg0: i32) -> (i32, i32) {
    %c0_i32 = arith.constant 0 : i32
    %c0_i32_0 = arith.constant 0 : i32
    return %arg0, %c0_i32 : i32, i32
  }
  func.func @transform_3(%arg0: i32) -> (i32, i32) {
    %c0_i32 = arith.constant 0 : i32
    %c0_i32_0 = arith.constant 0 : i32
    return %arg0, %c0_i32 : i32, i32
  }
  func.func @transform_4(%arg0: i32) -> (i32, i32) {
    %c0_i32 = arith.constant 0 : i32
    %c0_i32_0 = arith.constant 0 : i32
    return %arg0, %c0_i32 : i32, i32
  }
  func.func @transform_5(%arg0: i32) -> (i32, i32, i32) {
    %c0_i32 = arith.constant 0 : i32
    %c0_i32_0 = arith.constant 0 : i32
    %c0_i32_1 = arith.constant 0 : i32
    return %c0_i32, %arg0, %c0_i32_0 : i32, i32, i32
  }
  func.func @transform_6(%arg0: i32) -> (i32, i32) {
    %c0_i32 = arith.constant 0 : i32
    %c0_i32_0 = arith.constant 0 : i32
    %c0_i32_1 = arith.constant 0 : i32
    return %c0_i32, %c0_i32_0 : i32, i32
  }
}

module attributes {stable_mosaic.version = 14 : i64} {
  func.func @body(%arg0: i32, %arg1: memref<1000x64xf32, #tpu.memory_space<vmem>>, %arg2: memref<1000x64xf32, #tpu.memory_space<vmem>>, %arg3: memref<1000x128xf32, #tpu.memory_space<vmem>>, %arg4: memref<1000x1xf32, #tpu.memory_space<vmem>>, %arg5: memref<1000x1xi32, #tpu.memory_space<vmem>>, %arg6: memref<128x256xf32, #tpu.memory_space<vmem>>, %arg7: memref<1x256xf32, #tpu.memory_space<vmem>>, %arg8: memref<1000x256xf32, #tpu.memory_space<vmem>>, %arg9: memref<4x1000x64xf32, #tpu.memory_space<vmem>>, %arg10: memref<16x256xf32, #tpu.memory_space<vmem>>, %arg11: memref<16x256xf32, #tpu.memory_space<vmem>>) attributes {dimension_semantics = [#tpu.dimension_semantics<arbitrary>], iteration_bounds = array<i64: 10>, scalar_prefetch = 0 : i64, scratch_operands = 0 : i64, tpu.core_type = #tpu.core_type<tc>, window_params = [{transform_indices = @transform_0, window_bounds = array<i64: 1000, 64>}, {transform_indices = @transform_1, window_bounds = array<i64: 1000, 64>}, {transform_indices = @transform_2, window_bounds = array<i64: 1000, 128>}, {transform_indices = @transform_3, window_bounds = array<i64: 1000, 1>}, {transform_indices = @transform_4, window_bounds = array<i64: 1000, 1>}, {pipeline_mode = #tpu.pipeline_mode<synchronous>, transform_indices = @transform_5, window_bounds = array<i64: 128, 256>}, {pipeline_mode = #tpu.pipeline_mode<synchronous>, transform_indices = @transform_6, window_bounds = array<i64: 1, 256>}, {transform_indices = @transform_7, window_bounds = array<i64: 1000, 256>}, {transform_indices = @transform_8, window_bounds = array<i64: 4, 1000, 64>}, {pipeline_mode = #tpu.pipeline_mode<synchronous>, transform_indices = @transform_9, window_bounds = array<i64: 16, 256>}, {pipeline_mode = #tpu.pipeline_mode<synchronous>, transform_indices = @transform_10, window_bounds = array<i64: 16, 256>}]} {
    %get3A = arith.constant 0 : index
    %get3A_0 = arith.constant 0 : index
    %get3A_1 = vector.load %arg4[%get3A, %get3A_0] : memref<1000x1xf32, #tpu.memory_space<vmem>>, vector<1000x1xf32>
    %get3A_2 = arith.constant 0 : index
    %get3A_3 = arith.constant 0 : index
    %get3A_4 = vector.load %arg1[%get3A_2, %get3A_3] : memref<1000x64xf32, #tpu.memory_space<vmem>>, vector<1000x64xf32>
    %get3A_5 = arith.constant 0 : index
    %get3A_6 = arith.constant 0 : index
    %get3A_7 = vector.load %arg2[%get3A_5, %get3A_6] : memref<1000x64xf32, #tpu.memory_space<vmem>>, vector<1000x64xf32>
    %concatenate3A = tpu.concatenate %get3A_4, %get3A_7 in 1 : vector<1000x64xf32>, vector<1000x64xf32> -> vector<1000x128xf32>
    %mul3A = vector.broadcast %get3A_1 : vector<1000x1xf32> to vector<1000x128xf32>
    %mul3A_8 = arith.mulf %mul3A, %concatenate3A : vector<1000x128xf32>
    %mul3A_9 = arith.mulf %get3A_1, %get3A_1 : vector<1000x1xf32>
    %get3A_10 = arith.constant 0 : index
    %get3A_11 = arith.constant 0 : index
    %get3A_12 = vector.load %arg3[%get3A_10, %get3A_11] : memref<1000x128xf32, #tpu.memory_space<vmem>>, vector<1000x128xf32>
    %mul3A_13 = vector.broadcast %mul3A_9 : vector<1000x1xf32> to vector<1000x128xf32>
    %mul3A_14 = arith.mulf %mul3A_13, %get3A_12 : vector<1000x128xf32>
    %add3A = arith.addf %mul3A_8, %mul3A_14 : vector<1000x128xf32>
    %get3A_15 = arith.constant 0 : index
    %get3A_16 = arith.constant 0 : index
    %get3A_17 = vector.load %arg6[%get3A_15, %get3A_16] : memref<128x256xf32, #tpu.memory_space<vmem>>, vector<128x256xf32>
    %dot_general3A = arith.constant dense<0.000000e+00> : vector<1000x256xf32>
    %dot_general3A_18 = tpu.matmul %add3A, %get3A_17, %dot_general3A {dimension_numbers = #tpu.dot_dimension_numbers<[1], [0], [0], [1], [0, 0, 1, 1], [], []>, transpose_lhs_hint = false} : vector<1000x128xf32>, vector<128x256xf32>, vector<1000x256xf32> -> vector<1000x256xf32>
    %get3A_19 = arith.constant 0 : index
    %get3A_20 = arith.constant 0 : index
    %get3A_21 = vector.load %arg7[%get3A_19, %get3A_20] : memref<1x256xf32, #tpu.memory_space<vmem>>, vector<1x256xf32>
    %add3A_22 = vector.broadcast %get3A_21 : vector<1x256xf32> to vector<1000x256xf32>
    %add3A_23 = arith.addf %dot_general3A_18, %add3A_22 : vector<1000x256xf32>
    %max3A = arith.constant 0.000000e+00 : f32
    %max3A_24 = vector.broadcast %max3A : f32 to vector<1000x256xf32>
    %max3A_25 = arith.maximumf %add3A_23, %max3A_24 : vector<1000x256xf32>
    %swap3A = arith.constant 0 : index
    %swap3A_26 = arith.constant 0 : index
    %swap3A_27 = vector.load %arg8[%swap3A, %swap3A_26] : memref<1000x256xf32, #tpu.memory_space<vmem>>, vector<1000x256xf32>
    tpu.vector_store %arg8[%swap3A, %swap3A_26], %max3A_25 {strides = array<i32>} : memref<1000x256xf32, #tpu.memory_space<vmem>>, vector<1000x256xf32>,
    %mul3A_28 = vector.broadcast %get3A_1 : vector<1000x1xf32> to vector<1000x256xf32>
    %mul3A_29 = arith.mulf %mul3A_28, %max3A_25 : vector<1000x256xf32>
    %slice3A = vector.extract_strided_slice %mul3A_29 {offsets = [0, 0], sizes = [1000, 64], strides = [1, 1]} : vector<1000x256xf32> to vector<1000x64xf32>
    %swap3A_30 = arith.constant 0 : index
    %swap3A_31 = arith.constant 0 : index
    %swap3A_32 = arith.constant 0 : index
    %swap3A_33 = vector.load %arg9[%swap3A_30, %swap3A_31, %swap3A_32] : memref<4x1000x64xf32, #tpu.memory_space<vmem>>, vector<1x1000x64xf32>
    %swap3A_34 = vector.shape_cast %swap3A_33 : vector<1x1000x64xf32> to vector<1000x64xf32>
    %swap3A_35 = vector.shape_cast %slice3A : vector<1000x64xf32> to vector<1x1000x64xf32>
    tpu.vector_store %arg9[%swap3A_30, %swap3A_31, %swap3A_32], %swap3A_35 {strides = array<i32>} : memref<4x1000x64xf32, #tpu.memory_space<vmem>>, vector<1x1000x64xf32>,
    %slice3A_36 = vector.extract_strided_slice %mul3A_29 {offsets = [0, 64], sizes = [1000, 64], strides = [1, 1]} : vector<1000x256xf32> to vector<1000x64xf32>
    %swap3A_37 = arith.constant 1 : index
    %swap3A_38 = arith.constant 0 : index
    %swap3A_39 = arith.constant 0 : index
    %swap3A_40 = vector.load %arg9[%swap3A_37, %swap3A_38, %swap3A_39] : memref<4x1000x64xf32, #tpu.memory_space<vmem>>, vector<1x1000x64xf32>
    %swap3A_41 = vector.shape_cast %swap3A_40 : vector<1x1000x64xf32> to vector<1000x64xf32>
    %swap3A_42 = vector.shape_cast %slice3A_36 : vector<1000x64xf32> to vector<1x1000x64xf32>
    tpu.vector_store %arg9[%swap3A_37, %swap3A_38, %swap3A_39], %swap3A_42 {strides = array<i32>} : memref<4x1000x64xf32, #tpu.memory_space<vmem>>, vector<1x1000x64xf32>,
    %slice3A_43 = vector.extract_strided_slice %mul3A_29 {offsets = [0, 128], sizes = [1000, 64], strides = [1, 1]} : vector<1000x256xf32> to vector<1000x64xf32>
    %swap3A_44 = arith.constant 2 : index
    %swap3A_45 = arith.constant 0 : index
    %swap3A_46 = arith.constant 0 : index
    %swap3A_47 = vector.load %arg9[%swap3A_44, %swap3A_45, %swap3A_46] : memref<4x1000x64xf32, #tpu.memory_space<vmem>>, vector<1x1000x64xf32>
    %swap3A_48 = vector.shape_cast %swap3A_47 : vector<1x1000x64xf32> to vector<1000x64xf32>
    %swap3A_49 = vector.shape_cast %slice3A_43 : vector<1000x64xf32> to vector<1x1000x64xf32>
    tpu.vector_store %arg9[%swap3A_44, %swap3A_45, %swap3A_46], %swap3A_49 {strides = array<i32>} : memref<4x1000x64xf32, #tpu.memory_space<vmem>>, vector<1x1000x64xf32>,
    %slice3A_50 = vector.extract_strided_slice %mul3A_29 {offsets = [0, 192], sizes = [1000, 64], strides = [1, 1]} : vector<1000x256xf32> to vector<1000x64xf32>
    %swap3A_51 = arith.constant 3 : index
    %swap3A_52 = arith.constant 0 : index
    %swap3A_53 = arith.constant 0 : index
    %swap3A_54 = vector.load %arg9[%swap3A_51, %swap3A_52, %swap3A_53] : memref<4x1000x64xf32, #tpu.memory_space<vmem>>, vector<1x1000x64xf32>
    %swap3A_55 = vector.shape_cast %swap3A_54 : vector<1x1000x64xf32> to vector<1000x64xf32>
    %swap3A_56 = vector.shape_cast %slice3A_50 : vector<1000x64xf32> to vector<1x1000x64xf32>
    tpu.vector_store %arg9[%swap3A_51, %swap3A_52, %swap3A_53], %swap3A_56 {strides = array<i32>} : memref<4x1000x64xf32, #tpu.memory_space<vmem>>, vector<1x1000x64xf32>,
    %get3A_57 = arith.constant 0 : index
    %get3A_58 = arith.constant 0 : index
    %get3A_59 = vector.load %arg5[%get3A_57, %get3A_58] : memref<1000x1xi32, #tpu.memory_space<vmem>>, vector<1000x1xi32>
    %iota3A = tpu.iota {dimensions = array<i32: 1>} : vector<1x16xi32>
    %eq3A = vector.broadcast %get3A_59 : vector<1000x1xi32> to vector<1000x16xi32>
    %eq3A_60 = vector.broadcast %iota3A : vector<1x16xi32> to vector<1000x16xi32>
    %eq3A_61 = arith.cmpi eq, %eq3A, %eq3A_60 : vector<1000x16xi32>
    %convert_element_type3A = arith.extui %eq3A_61 : vector<1000x16xi1> to vector<1000x16xi32>
    %convert_element_type3A_62 = arith.sitofp %convert_element_type3A : vector<1000x16xi32> to vector<1000x16xf32>
    %dot_general3A_63 = arith.constant dense<0.000000e+00> : vector<16x256xf32>
    %dot_general3A_64 = tpu.matmul %convert_element_type3A_62, %max3A_25, %dot_general3A_63 {dimension_numbers = #tpu.dot_dimension_numbers<[0], [0], [1], [1], [0, 1, 1, 1], [], []>, transpose_lhs_hint = false} : vector<1000x16xf32>, vector<1000x256xf32>, vector<16x256xf32> -> vector<16x256xf32>
    %eq3A_65 = arith.constant 0 : i32
    %eq3A_66 = arith.cmpi eq, %arg0, %eq3A_65 : i32
    %convert_element_type3A_67 = arith.extui %eq3A_66 : i1 to i32
    %cond3A = arith.constant 0 : i32
    %cond3A_68 = arith.cmpi ne, %convert_element_type3A_67, %cond3A : i32
    scf.if %cond3A_68 {
      %broadcast_in_dim3A_360 = arith.constant 0.000000e+00 : f32
      %broadcast_in_dim3A_361 = vector.broadcast %broadcast_in_dim3A_360 : f32 to vector<16x256xf32>
      %swap3A_362 = arith.constant 0 : index
      %swap3A_363 = arith.constant 0 : index
      %swap3A_364 = vector.load %arg10[%swap3A_362, %swap3A_363] : memref<16x256xf32, #tpu.memory_space<vmem>>, vector<16x256xf32>
      tpu.vector_store %arg10[%swap3A_362, %swap3A_363], %broadcast_in_dim3A_361 {strides = array<i32>} : memref<16x256xf32, #tpu.memory_space<vmem>>, vector<16x256xf32>,
      %broadcast_in_dim3A_365 = arith.constant 0.000000e+00 : f32
      %broadcast_in_dim3A_366 = vector.broadcast %broadcast_in_dim3A_365 : f32 to vector<16x256xf32>
      %swap3A_367 = arith.constant 0 : index
      %swap3A_368 = arith.constant 0 : index
      %swap3A_369 = vector.load %arg11[%swap3A_367, %swap3A_368] : memref<16x256xf32, #tpu.memory_space<vmem>>, vector<16x256xf32>
      tpu.vector_store %arg11[%swap3A_367, %swap3A_368], %broadcast_in_dim3A_366 {strides = array<i32>} : memref<16x256xf32, #tpu.memory_space<vmem>>, vector<16x256xf32>,
    } else {
    }
    %get3A_69 = arith.constant 0 : index
    %get3A_70 = arith.constant 0 : index
    %get3A_71 = vector.load %arg11[%get3A_69, %get3A_70] : memref<16x256xf32, #tpu.memory_space<vmem>>, vector<16x256xf32>
    %add3A_72 = arith.addf %get3A_71, %dot_general3A_64 : vector<16x256xf32>
    %swap3A_73 = arith.constant 0 : index
    %swap3A_74 = arith.constant 0 : index
    %swap3A_75 = vector.load %arg11[%swap3A_73, %swap3A_74] : memref<16x256xf32, #tpu.memory_space<vmem>>, vector<16x256xf32>
    tpu.vector_store %arg11[%swap3A_73, %swap3A_74], %add3A_72 {strides = array<i32>} : memref<16x256xf32, #tpu.memory_space<vmem>>, vector<16x256xf32>,
    %eq3A_76 = arith.constant 0 : i32
    %eq3A_77 = vector.broadcast %eq3A_76 : i32 to vector<1000x1xi32>
    %eq3A_78 = arith.cmpi eq, %get3A_59, %eq3A_77 : vector<1000x1xi32>
    %jit3A = arith.constant 0.000000e+00 : f32
    %broadcast_in_dim3A = vector.shape_cast %eq3A_78 : vector<1000x1xi1> to vector<1000x1xi1>
    %broadcast_in_dim3A_79 = vector.broadcast %broadcast_in_dim3A : vector<1000x1xi1> to vector<1000x256xi1>
    %broadcast_in_dim3A_80 = vector.broadcast %jit3A : f32 to vector<1000x256xf32>
    %select_n3A = arith.select %broadcast_in_dim3A_79, %max3A_25, %broadcast_in_dim3A_80 : vector<1000x256xi1>, vector<1000x256xf32>
    %reduce_max3A = arith.constant dense<0xFF800000> : vector<256xf32>
    %reduce_max3A_81 = vector.multi_reduction <maximumf>, %select_n3A, %reduce_max3A [0] : vector<1000x256xf32> to vector<256xf32>
    %broadcast_in_dim3A_82 = vector.shape_cast %reduce_max3A_81 : vector<256xf32> to vector<1x256xf32>
    %get3A_83 = arith.constant 0 : index
    %get3A_84 = arith.constant 0 : index
    %get3A_85 = vector.load %arg10[%get3A_83, %get3A_84] : memref<16x256xf32, #tpu.memory_space<vmem>>, vector<1x256xf32>
    %max3A_86 = arith.maximumf %get3A_85, %broadcast_in_dim3A_82 : vector<1x256xf32>
    %swap3A_87 = arith.constant 0 : index
    %swap3A_88 = arith.constant 0 : index
    %swap3A_89 = vector.load %arg10[%swap3A_87, %swap3A_88] : memref<16x256xf32, #tpu.memory_space<vmem>>, vector<1x256xf32>
    tpu.vector_store %arg10[%swap3A_87, %swap3A_88], %max3A_86 {strides = array<i32>} : memref<16x256xf32, #tpu.memory_space<vmem>>, vector<1x256xf32>,
    %eq3A_90 = arith.constant 1 : i32
    %eq3A_91 = vector.broadcast %eq3A_90 : i32 to vector<1000x1xi32>
    %eq3A_92 = arith.cmpi eq, %get3A_59, %eq3A_91 : vector<1000x1xi32>
    %jit3A_93 = arith.constant 0.000000e+00 : f32
    %broadcast_in_dim3A_94 = vector.shape_cast %eq3A_92 : vector<1000x1xi1> to vector<1000x1xi1>
    %broadcast_in_dim3A_95 = vector.broadcast %broadcast_in_dim3A_94 : vector<1000x1xi1> to vector<1000x256xi1>
    %broadcast_in_dim3A_96 = vector.broadcast %jit3A_93 : f32 to vector<1000x256xf32>
    %select_n3A_97 = arith.select %broadcast_in_dim3A_95, %max3A_25, %broadcast_in_dim3A_96 : vector<1000x256xi1>, vector<1000x256xf32>
    %reduce_max3A_98 = arith.constant dense<0xFF800000> : vector<256xf32>
    %reduce_max3A_99 = vector.multi_reduction <maximumf>, %select_n3A_97, %reduce_max3A_98 [0] : vector<1000x256xf32> to vector<256xf32>
    %broadcast_in_dim3A_100 = vector.shape_cast %reduce_max3A_99 : vector<256xf32> to vector<1x256xf32>
    %get3A_101 = arith.constant 1 : index
    %get3A_102 = arith.constant 0 : index
    %get3A_103 = vector.load %arg10[%get3A_101, %get3A_102] : memref<16x256xf32, #tpu.memory_space<vmem>>, vector<1x256xf32>
    %max3A_104 = arith.maximumf %get3A_103, %broadcast_in_dim3A_100 : vector<1x256xf32>
    %swap3A_105 = arith.constant 1 : index
    %swap3A_106 = arith.constant 0 : index
    %swap3A_107 = vector.load %arg10[%swap3A_105, %swap3A_106] : memref<16x256xf32, #tpu.memory_space<vmem>>, vector<1x256xf32>
    tpu.vector_store %arg10[%swap3A_105, %swap3A_106], %max3A_104 {strides = array<i32>} : memref<16x256xf32, #tpu.memory_space<vmem>>, vector<1x256xf32>,
    %eq3A_108 = arith.constant 2 : i32
    %eq3A_109 = vector.broadcast %eq3A_108 : i32 to vector<1000x1xi32>
    %eq3A_110 = arith.cmpi eq, %get3A_59, %eq3A_109 : vector<1000x1xi32>
    %jit3A_111 = arith.constant 0.000000e+00 : f32
    %broadcast_in_dim3A_112 = vector.shape_cast %eq3A_110 : vector<1000x1xi1> to vector<1000x1xi1>
    %broadcast_in_dim3A_113 = vector.broadcast %broadcast_in_dim3A_112 : vector<1000x1xi1> to vector<1000x256xi1>
    %broadcast_in_dim3A_114 = vector.broadcast %jit3A_111 : f32 to vector<1000x256xf32>
    %select_n3A_115 = arith.select %broadcast_in_dim3A_113, %max3A_25, %broadcast_in_dim3A_114 : vector<1000x256xi1>, vector<1000x256xf32>
    %reduce_max3A_116 = arith.constant dense<0xFF800000> : vector<256xf32>
    %reduce_max3A_117 = vector.multi_reduction <maximumf>, %select_n3A_115, %reduce_max3A_116 [0] : vector<1000x256xf32> to vector<256xf32>
    %broadcast_in_dim3A_118 = vector.shape_cast %reduce_max3A_117 : vector<256xf32> to vector<1x256xf32>
    %get3A_119 = arith.constant 2 : index
    %get3A_120 = arith.constant 0 : index
    %get3A_121 = vector.load %arg10[%get3A_119, %get3A_120] : memref<16x256xf32, #tpu.memory_space<vmem>>, vector<1x256xf32>
    %max3A_122 = arith.maximumf %get3A_121, %broadcast_in_dim3A_118 : vector<1x256xf32>
    %swap3A_123 = arith.constant 2 : index
    %swap3A_124 = arith.constant 0 : index
    %swap3A_125 = vector.load %arg10[%swap3A_123, %swap3A_124] : memref<16x256xf32, #tpu.memory_space<vmem>>, vector<1x256xf32>
    tpu.vector_store %arg10[%swap3A_123, %swap3A_124], %max3A_122 {strides = array<i32>} : memref<16x256xf32, #tpu.memory_space<vmem>>, vector<1x256xf32>,
    %eq3A_126 = arith.constant 3 : i32
    %eq3A_127 = vector.broadcast %eq3A_126 : i32 to vector<1000x1xi32>
    %eq3A_128 = arith.cmpi eq, %get3A_59, %eq3A_127 : vector<1000x1xi32>
    %jit3A_129 = arith.constant 0.000000e+00 : f32
    %broadcast_in_dim3A_130 = vector.shape_cast %eq3A_128 : vector<1000x1xi1> to vector<1000x1xi1>
    %broadcast_in_dim3A_131 = vector.broadcast %broadcast_in_dim3A_130 : vector<1000x1xi1> to vector<1000x256xi1>
    %broadcast_in_dim3A_132 = vector.broadcast %jit3A_129 : f32 to vector<1000x256xf32>
    %select_n3A_133 = arith.select %broadcast_in_dim3A_131, %max3A_25, %broadcast_in_dim3A_132 : vector<1000x256xi1>, vector<1000x256xf32>
    %reduce_max3A_134 = arith.constant dense<0xFF800000> : vector<256xf32>
    %reduce_max3A_135 = vector.multi_reduction <maximumf>, %select_n3A_133, %reduce_max3A_134 [0] : vector<1000x256xf32> to vector<256xf32>
    %broadcast_in_dim3A_136 = vector.shape_cast %reduce_max3A_135 : vector<256xf32> to vector<1x256xf32>
    %get3A_137 = arith.constant 3 : index
    %get3A_138 = arith.constant 0 : index
    %get3A_139 = vector.load %arg10[%get3A_137, %get3A_138] : memref<16x256xf32, #tpu.memory_space<vmem>>, vector<1x256xf32>
    %max3A_140 = arith.maximumf %get3A_139, %broadcast_in_dim3A_136 : vector<1x256xf32>
    %swap3A_141 = arith.constant 3 : index
    %swap3A_142 = arith.constant 0 : index
    %swap3A_143 = vector.load %arg10[%swap3A_141, %swap3A_142] : memref<16x256xf32, #tpu.memory_space<vmem>>, vector<1x256xf32>
    tpu.vector_store %arg10[%swap3A_141, %swap3A_142], %max3A_140 {strides = array<i32>} : memref<16x256xf32, #tpu.memory_space<vmem>>, vector<1x256xf32>,
    %eq3A_144 = arith.constant 4 : i32
    %eq3A_145 = vector.broadcast %eq3A_144 : i32 to vector<1000x1xi32>
    %eq3A_146 = arith.cmpi eq, %get3A_59, %eq3A_145 : vector<1000x1xi32>
    %jit3A_147 = arith.constant 0.000000e+00 : f32
    %broadcast_in_dim3A_148 = vector.shape_cast %eq3A_146 : vector<1000x1xi1> to vector<1000x1xi1>
    %broadcast_in_dim3A_149 = vector.broadcast %broadcast_in_dim3A_148 : vector<1000x1xi1> to vector<1000x256xi1>
    %broadcast_in_dim3A_150 = vector.broadcast %jit3A_147 : f32 to vector<1000x256xf32>
    %select_n3A_151 = arith.select %broadcast_in_dim3A_149, %max3A_25, %broadcast_in_dim3A_150 : vector<1000x256xi1>, vector<1000x256xf32>
    %reduce_max3A_152 = arith.constant dense<0xFF800000> : vector<256xf32>
    %reduce_max3A_153 = vector.multi_reduction <maximumf>, %select_n3A_151, %reduce_max3A_152 [0] : vector<1000x256xf32> to vector<256xf32>
    %broadcast_in_dim3A_154 = vector.shape_cast %reduce_max3A_153 : vector<256xf32> to vector<1x256xf32>
    %get3A_155 = arith.constant 4 : index
    %get3A_156 = arith.constant 0 : index
    %get3A_157 = vector.load %arg10[%get3A_155, %get3A_156] : memref<16x256xf32, #tpu.memory_space<vmem>>, vector<1x256xf32>
    %max3A_158 = arith.maximumf %get3A_157, %broadcast_in_dim3A_154 : vector<1x256xf32>
    %swap3A_159 = arith.constant 4 : index
    %swap3A_160 = arith.constant 0 : index
    %swap3A_161 = vector.load %arg10[%swap3A_159, %swap3A_160] : memref<16x256xf32, #tpu.memory_space<vmem>>, vector<1x256xf32>
    tpu.vector_store %arg10[%swap3A_159, %swap3A_160], %max3A_158 {strides = array<i32>} : memref<16x256xf32, #tpu.memory_space<vmem>>, vector<1x256xf32>,
    %eq3A_162 = arith.constant 5 : i32
    %eq3A_163 = vector.broadcast %eq3A_162 : i32 to vector<1000x1xi32>
    %eq3A_164 = arith.cmpi eq, %get3A_59, %eq3A_163 : vector<1000x1xi32>
    %jit3A_165 = arith.constant 0.000000e+00 : f32
    %broadcast_in_dim3A_166 = vector.shape_cast %eq3A_164 : vector<1000x1xi1> to vector<1000x1xi1>
    %broadcast_in_dim3A_167 = vector.broadcast %broadcast_in_dim3A_166 : vector<1000x1xi1> to vector<1000x256xi1>
    %broadcast_in_dim3A_168 = vector.broadcast %jit3A_165 : f32 to vector<1000x256xf32>
    %select_n3A_169 = arith.select %broadcast_in_dim3A_167, %max3A_25, %broadcast_in_dim3A_168 : vector<1000x256xi1>, vector<1000x256xf32>
    %reduce_max3A_170 = arith.constant dense<0xFF800000> : vector<256xf32>
    %reduce_max3A_171 = vector.multi_reduction <maximumf>, %select_n3A_169, %reduce_max3A_170 [0] : vector<1000x256xf32> to vector<256xf32>
    %broadcast_in_dim3A_172 = vector.shape_cast %reduce_max3A_171 : vector<256xf32> to vector<1x256xf32>
    %get3A_173 = arith.constant 5 : index
    %get3A_174 = arith.constant 0 : index
    %get3A_175 = vector.load %arg10[%get3A_173, %get3A_174] : memref<16x256xf32, #tpu.memory_space<vmem>>, vector<1x256xf32>
    %max3A_176 = arith.maximumf %get3A_175, %broadcast_in_dim3A_172 : vector<1x256xf32>
    %swap3A_177 = arith.constant 5 : index
    %swap3A_178 = arith.constant 0 : index
    %swap3A_179 = vector.load %arg10[%swap3A_177, %swap3A_178] : memref<16x256xf32, #tpu.memory_space<vmem>>, vector<1x256xf32>
    tpu.vector_store %arg10[%swap3A_177, %swap3A_178], %max3A_176 {strides = array<i32>} : memref<16x256xf32, #tpu.memory_space<vmem>>, vector<1x256xf32>,
    %eq3A_180 = arith.constant 6 : i32
    %eq3A_181 = vector.broadcast %eq3A_180 : i32 to vector<1000x1xi32>
    %eq3A_182 = arith.cmpi eq, %get3A_59, %eq3A_181 : vector<1000x1xi32>
    %jit3A_183 = arith.constant 0.000000e+00 : f32
    %broadcast_in_dim3A_184 = vector.shape_cast %eq3A_182 : vector<1000x1xi1> to vector<1000x1xi1>
    %broadcast_in_dim3A_185 = vector.broadcast %broadcast_in_dim3A_184 : vector<1000x1xi1> to vector<1000x256xi1>
    %broadcast_in_dim3A_186 = vector.broadcast %jit3A_183 : f32 to vector<1000x256xf32>
    %select_n3A_187 = arith.select %broadcast_in_dim3A_185, %max3A_25, %broadcast_in_dim3A_186 : vector<1000x256xi1>, vector<1000x256xf32>
    %reduce_max3A_188 = arith.constant dense<0xFF800000> : vector<256xf32>
    %reduce_max3A_189 = vector.multi_reduction <maximumf>, %select_n3A_187, %reduce_max3A_188 [0] : vector<1000x256xf32> to vector<256xf32>
    %broadcast_in_dim3A_190 = vector.shape_cast %reduce_max3A_189 : vector<256xf32> to vector<1x256xf32>
    %get3A_191 = arith.constant 6 : index
    %get3A_192 = arith.constant 0 : index
    %get3A_193 = vector.load %arg10[%get3A_191, %get3A_192] : memref<16x256xf32, #tpu.memory_space<vmem>>, vector<1x256xf32>
    %max3A_194 = arith.maximumf %get3A_193, %broadcast_in_dim3A_190 : vector<1x256xf32>
    %swap3A_195 = arith.constant 6 : index
    %swap3A_196 = arith.constant 0 : index
    %swap3A_197 = vector.load %arg10[%swap3A_195, %swap3A_196] : memref<16x256xf32, #tpu.memory_space<vmem>>, vector<1x256xf32>
    tpu.vector_store %arg10[%swap3A_195, %swap3A_196], %max3A_194 {strides = array<i32>} : memref<16x256xf32, #tpu.memory_space<vmem>>, vector<1x256xf32>,
    %eq3A_198 = arith.constant 7 : i32
    %eq3A_199 = vector.broadcast %eq3A_198 : i32 to vector<1000x1xi32>
    %eq3A_200 = arith.cmpi eq, %get3A_59, %eq3A_199 : vector<1000x1xi32>
    %jit3A_201 = arith.constant 0.000000e+00 : f32
    %broadcast_in_dim3A_202 = vector.shape_cast %eq3A_200 : vector<1000x1xi1> to vector<1000x1xi1>
    %broadcast_in_dim3A_203 = vector.broadcast %broadcast_in_dim3A_202 : vector<1000x1xi1> to vector<1000x256xi1>
    %broadcast_in_dim3A_204 = vector.broadcast %jit3A_201 : f32 to vector<1000x256xf32>
    %select_n3A_205 = arith.select %broadcast_in_dim3A_203, %max3A_25, %broadcast_in_dim3A_204 : vector<1000x256xi1>, vector<1000x256xf32>
    %reduce_max3A_206 = arith.constant dense<0xFF800000> : vector<256xf32>
    %reduce_max3A_207 = vector.multi_reduction <maximumf>, %select_n3A_205, %reduce_max3A_206 [0] : vector<1000x256xf32> to vector<256xf32>
    %broadcast_in_dim3A_208 = vector.shape_cast %reduce_max3A_207 : vector<256xf32> to vector<1x256xf32>
    %get3A_209 = arith.constant 7 : index
    %get3A_210 = arith.constant 0 : index
    %get3A_211 = vector.load %arg10[%get3A_209, %get3A_210] : memref<16x256xf32, #tpu.memory_space<vmem>>, vector<1x256xf32>
    %max3A_212 = arith.maximumf %get3A_211, %broadcast_in_dim3A_208 : vector<1x256xf32>
    %swap3A_213 = arith.constant 7 : index
    %swap3A_214 = arith.constant 0 : index
    %swap3A_215 = vector.load %arg10[%swap3A_213, %swap3A_214] : memref<16x256xf32, #tpu.memory_space<vmem>>, vector<1x256xf32>
    tpu.vector_store %arg10[%swap3A_213, %swap3A_214], %max3A_212 {strides = array<i32>} : memref<16x256xf32, #tpu.memory_space<vmem>>, vector<1x256xf32>,
    %eq3A_216 = arith.constant 8 : i32
    %eq3A_217 = vector.broadcast %eq3A_216 : i32 to vector<1000x1xi32>
    %eq3A_218 = arith.cmpi eq, %get3A_59, %eq3A_217 : vector<1000x1xi32>
    %jit3A_219 = arith.constant 0.000000e+00 : f32
    %broadcast_in_dim3A_220 = vector.shape_cast %eq3A_218 : vector<1000x1xi1> to vector<1000x1xi1>
    %broadcast_in_dim3A_221 = vector.broadcast %broadcast_in_dim3A_220 : vector<1000x1xi1> to vector<1000x256xi1>
    %broadcast_in_dim3A_222 = vector.broadcast %jit3A_219 : f32 to vector<1000x256xf32>
    %select_n3A_223 = arith.select %broadcast_in_dim3A_221, %max3A_25, %broadcast_in_dim3A_222 : vector<1000x256xi1>, vector<1000x256xf32>
    %reduce_max3A_224 = arith.constant dense<0xFF800000> : vector<256xf32>
    %reduce_max3A_225 = vector.multi_reduction <maximumf>, %select_n3A_223, %reduce_max3A_224 [0] : vector<1000x256xf32> to vector<256xf32>
    %broadcast_in_dim3A_226 = vector.shape_cast %reduce_max3A_225 : vector<256xf32> to vector<1x256xf32>
    %get3A_227 = arith.constant 8 : index
    %get3A_228 = arith.constant 0 : index
    %get3A_229 = vector.load %arg10[%get3A_227, %get3A_228] : memref<16x256xf32, #tpu.memory_space<vmem>>, vector<1x256xf32>
    %max3A_230 = arith.maximumf %get3A_229, %broadcast_in_dim3A_226 : vector<1x256xf32>
    %swap3A_231 = arith.constant 8 : index
    %swap3A_232 = arith.constant 0 : index
    %swap3A_233 = vector.load %arg10[%swap3A_231, %swap3A_232] : memref<16x256xf32, #tpu.memory_space<vmem>>, vector<1x256xf32>
    tpu.vector_store %arg10[%swap3A_231, %swap3A_232], %max3A_230 {strides = array<i32>} : memref<16x256xf32, #tpu.memory_space<vmem>>, vector<1x256xf32>,
    %eq3A_234 = arith.constant 9 : i32
    %eq3A_235 = vector.broadcast %eq3A_234 : i32 to vector<1000x1xi32>
    %eq3A_236 = arith.cmpi eq, %get3A_59, %eq3A_235 : vector<1000x1xi32>
    %jit3A_237 = arith.constant 0.000000e+00 : f32
    %broadcast_in_dim3A_238 = vector.shape_cast %eq3A_236 : vector<1000x1xi1> to vector<1000x1xi1>
    %broadcast_in_dim3A_239 = vector.broadcast %broadcast_in_dim3A_238 : vector<1000x1xi1> to vector<1000x256xi1>
    %broadcast_in_dim3A_240 = vector.broadcast %jit3A_237 : f32 to vector<1000x256xf32>
    %select_n3A_241 = arith.select %broadcast_in_dim3A_239, %max3A_25, %broadcast_in_dim3A_240 : vector<1000x256xi1>, vector<1000x256xf32>
    %reduce_max3A_242 = arith.constant dense<0xFF800000> : vector<256xf32>
    %reduce_max3A_243 = vector.multi_reduction <maximumf>, %select_n3A_241, %reduce_max3A_242 [0] : vector<1000x256xf32> to vector<256xf32>
    %broadcast_in_dim3A_244 = vector.shape_cast %reduce_max3A_243 : vector<256xf32> to vector<1x256xf32>
    %get3A_245 = arith.constant 9 : index
    %get3A_246 = arith.constant 0 : index
    %get3A_247 = vector.load %arg10[%get3A_245, %get3A_246] : memref<16x256xf32, #tpu.memory_space<vmem>>, vector<1x256xf32>
    %max3A_248 = arith.maximumf %get3A_247, %broadcast_in_dim3A_244 : vector<1x256xf32>
    %swap3A_249 = arith.constant 9 : index
    %swap3A_250 = arith.constant 0 : index
    %swap3A_251 = vector.load %arg10[%swap3A_249, %swap3A_250] : memref<16x256xf32, #tpu.memory_space<vmem>>, vector<1x256xf32>
    tpu.vector_store %arg10[%swap3A_249, %swap3A_250], %max3A_248 {strides = array<i32>} : memref<16x256xf32, #tpu.memory_space<vmem>>, vector<1x256xf32>,
    %eq3A_252 = arith.constant 10 : i32
    %eq3A_253 = vector.broadcast %eq3A_252 : i32 to vector<1000x1xi32>
    %eq3A_254 = arith.cmpi eq, %get3A_59, %eq3A_253 : vector<1000x1xi32>
    %jit3A_255 = arith.constant 0.000000e+00 : f32
    %broadcast_in_dim3A_256 = vector.shape_cast %eq3A_254 : vector<1000x1xi1> to vector<1000x1xi1>
    %broadcast_in_dim3A_257 = vector.broadcast %broadcast_in_dim3A_256 : vector<1000x1xi1> to vector<1000x256xi1>
    %broadcast_in_dim3A_258 = vector.broadcast %jit3A_255 : f32 to vector<1000x256xf32>
    %select_n3A_259 = arith.select %broadcast_in_dim3A_257, %max3A_25, %broadcast_in_dim3A_258 : vector<1000x256xi1>, vector<1000x256xf32>
    %reduce_max3A_260 = arith.constant dense<0xFF800000> : vector<256xf32>
    %reduce_max3A_261 = vector.multi_reduction <maximumf>, %select_n3A_259, %reduce_max3A_260 [0] : vector<1000x256xf32> to vector<256xf32>
    %broadcast_in_dim3A_262 = vector.shape_cast %reduce_max3A_261 : vector<256xf32> to vector<1x256xf32>
    %get3A_263 = arith.constant 10 : index
    %get3A_264 = arith.constant 0 : index
    %get3A_265 = vector.load %arg10[%get3A_263, %get3A_264] : memref<16x256xf32, #tpu.memory_space<vmem>>, vector<1x256xf32>
    %max3A_266 = arith.maximumf %get3A_265, %broadcast_in_dim3A_262 : vector<1x256xf32>
    %swap3A_267 = arith.constant 10 : index
    %swap3A_268 = arith.constant 0 : index
    %swap3A_269 = vector.load %arg10[%swap3A_267, %swap3A_268] : memref<16x256xf32, #tpu.memory_space<vmem>>, vector<1x256xf32>
    tpu.vector_store %arg10[%swap3A_267, %swap3A_268], %max3A_266 {strides = array<i32>} : memref<16x256xf32, #tpu.memory_space<vmem>>, vector<1x256xf32>,
    %eq3A_270 = arith.constant 11 : i32
    %eq3A_271 = vector.broadcast %eq3A_270 : i32 to vector<1000x1xi32>
    %eq3A_272 = arith.cmpi eq, %get3A_59, %eq3A_271 : vector<1000x1xi32>
    %jit3A_273 = arith.constant 0.000000e+00 : f32
    %broadcast_in_dim3A_274 = vector.shape_cast %eq3A_272 : vector<1000x1xi1> to vector<1000x1xi1>
    %broadcast_in_dim3A_275 = vector.broadcast %broadcast_in_dim3A_274 : vector<1000x1xi1> to vector<1000x256xi1>
    %broadcast_in_dim3A_276 = vector.broadcast %jit3A_273 : f32 to vector<1000x256xf32>
    %select_n3A_277 = arith.select %broadcast_in_dim3A_275, %max3A_25, %broadcast_in_dim3A_276 : vector<1000x256xi1>, vector<1000x256xf32>
    %reduce_max3A_278 = arith.constant dense<0xFF800000> : vector<256xf32>
    %reduce_max3A_279 = vector.multi_reduction <maximumf>, %select_n3A_277, %reduce_max3A_278 [0] : vector<1000x256xf32> to vector<256xf32>
    %broadcast_in_dim3A_280 = vector.shape_cast %reduce_max3A_279 : vector<256xf32> to vector<1x256xf32>
    %get3A_281 = arith.constant 11 : index
    %get3A_282 = arith.constant 0 : index
    %get3A_283 = vector.load %arg10[%get3A_281, %get3A_282] : memref<16x256xf32, #tpu.memory_space<vmem>>, vector<1x256xf32>
    %max3A_284 = arith.maximumf %get3A_283, %broadcast_in_dim3A_280 : vector<1x256xf32>
    %swap3A_285 = arith.constant 11 : index
    %swap3A_286 = arith.constant 0 : index
    %swap3A_287 = vector.load %arg10[%swap3A_285, %swap3A_286] : memref<16x256xf32, #tpu.memory_space<vmem>>, vector<1x256xf32>
    tpu.vector_store %arg10[%swap3A_285, %swap3A_286], %max3A_284 {strides = array<i32>} : memref<16x256xf32, #tpu.memory_space<vmem>>, vector<1x256xf32>,
    %eq3A_288 = arith.constant 12 : i32
    %eq3A_289 = vector.broadcast %eq3A_288 : i32 to vector<1000x1xi32>
    %eq3A_290 = arith.cmpi eq, %get3A_59, %eq3A_289 : vector<1000x1xi32>
    %jit3A_291 = arith.constant 0.000000e+00 : f32
    %broadcast_in_dim3A_292 = vector.shape_cast %eq3A_290 : vector<1000x1xi1> to vector<1000x1xi1>
    %broadcast_in_dim3A_293 = vector.broadcast %broadcast_in_dim3A_292 : vector<1000x1xi1> to vector<1000x256xi1>
    %broadcast_in_dim3A_294 = vector.broadcast %jit3A_291 : f32 to vector<1000x256xf32>
    %select_n3A_295 = arith.select %broadcast_in_dim3A_293, %max3A_25, %broadcast_in_dim3A_294 : vector<1000x256xi1>, vector<1000x256xf32>
    %reduce_max3A_296 = arith.constant dense<0xFF800000> : vector<256xf32>
    %reduce_max3A_297 = vector.multi_reduction <maximumf>, %select_n3A_295, %reduce_max3A_296 [0] : vector<1000x256xf32> to vector<256xf32>
    %broadcast_in_dim3A_298 = vector.shape_cast %reduce_max3A_297 : vector<256xf32> to vector<1x256xf32>
    %get3A_299 = arith.constant 12 : index
    %get3A_300 = arith.constant 0 : index
    %get3A_301 = vector.load %arg10[%get3A_299, %get3A_300] : memref<16x256xf32, #tpu.memory_space<vmem>>, vector<1x256xf32>
    %max3A_302 = arith.maximumf %get3A_301, %broadcast_in_dim3A_298 : vector<1x256xf32>
    %swap3A_303 = arith.constant 12 : index
    %swap3A_304 = arith.constant 0 : index
    %swap3A_305 = vector.load %arg10[%swap3A_303, %swap3A_304] : memref<16x256xf32, #tpu.memory_space<vmem>>, vector<1x256xf32>
    tpu.vector_store %arg10[%swap3A_303, %swap3A_304], %max3A_302 {strides = array<i32>} : memref<16x256xf32, #tpu.memory_space<vmem>>, vector<1x256xf32>,
    %eq3A_306 = arith.constant 13 : i32
    %eq3A_307 = vector.broadcast %eq3A_306 : i32 to vector<1000x1xi32>
    %eq3A_308 = arith.cmpi eq, %get3A_59, %eq3A_307 : vector<1000x1xi32>
    %jit3A_309 = arith.constant 0.000000e+00 : f32
    %broadcast_in_dim3A_310 = vector.shape_cast %eq3A_308 : vector<1000x1xi1> to vector<1000x1xi1>
    %broadcast_in_dim3A_311 = vector.broadcast %broadcast_in_dim3A_310 : vector<1000x1xi1> to vector<1000x256xi1>
    %broadcast_in_dim3A_312 = vector.broadcast %jit3A_309 : f32 to vector<1000x256xf32>
    %select_n3A_313 = arith.select %broadcast_in_dim3A_311, %max3A_25, %broadcast_in_dim3A_312 : vector<1000x256xi1>, vector<1000x256xf32>
    %reduce_max3A_314 = arith.constant dense<0xFF800000> : vector<256xf32>
    %reduce_max3A_315 = vector.multi_reduction <maximumf>, %select_n3A_313, %reduce_max3A_314 [0] : vector<1000x256xf32> to vector<256xf32>
    %broadcast_in_dim3A_316 = vector.shape_cast %reduce_max3A_315 : vector<256xf32> to vector<1x256xf32>
    %get3A_317 = arith.constant 13 : index
    %get3A_318 = arith.constant 0 : index
    %get3A_319 = vector.load %arg10[%get3A_317, %get3A_318] : memref<16x256xf32, #tpu.memory_space<vmem>>, vector<1x256xf32>
    %max3A_320 = arith.maximumf %get3A_319, %broadcast_in_dim3A_316 : vector<1x256xf32>
    %swap3A_321 = arith.constant 13 : index
    %swap3A_322 = arith.constant 0 : index
    %swap3A_323 = vector.load %arg10[%swap3A_321, %swap3A_322] : memref<16x256xf32, #tpu.memory_space<vmem>>, vector<1x256xf32>
    tpu.vector_store %arg10[%swap3A_321, %swap3A_322], %max3A_320 {strides = array<i32>} : memref<16x256xf32, #tpu.memory_space<vmem>>, vector<1x256xf32>,
    %eq3A_324 = arith.constant 14 : i32
    %eq3A_325 = vector.broadcast %eq3A_324 : i32 to vector<1000x1xi32>
    %eq3A_326 = arith.cmpi eq, %get3A_59, %eq3A_325 : vector<1000x1xi32>
    %jit3A_327 = arith.constant 0.000000e+00 : f32
    %broadcast_in_dim3A_328 = vector.shape_cast %eq3A_326 : vector<1000x1xi1> to vector<1000x1xi1>
    %broadcast_in_dim3A_329 = vector.broadcast %broadcast_in_dim3A_328 : vector<1000x1xi1> to vector<1000x256xi1>
    %broadcast_in_dim3A_330 = vector.broadcast %jit3A_327 : f32 to vector<1000x256xf32>
    %select_n3A_331 = arith.select %broadcast_in_dim3A_329, %max3A_25, %broadcast_in_dim3A_330 : vector<1000x256xi1>, vector<1000x256xf32>
    %reduce_max3A_332 = arith.constant dense<0xFF800000> : vector<256xf32>
    %reduce_max3A_333 = vector.multi_reduction <maximumf>, %select_n3A_331, %reduce_max3A_332 [0] : vector<1000x256xf32> to vector<256xf32>
    %broadcast_in_dim3A_334 = vector.shape_cast %reduce_max3A_333 : vector<256xf32> to vector<1x256xf32>
    %get3A_335 = arith.constant 14 : index
    %get3A_336 = arith.constant 0 : index
    %get3A_337 = vector.load %arg10[%get3A_335, %get3A_336] : memref<16x256xf32, #tpu.memory_space<vmem>>, vector<1x256xf32>
    %max3A_338 = arith.maximumf %get3A_337, %broadcast_in_dim3A_334 : vector<1x256xf32>
    %swap3A_339 = arith.constant 14 : index
    %swap3A_340 = arith.constant 0 : index
    %swap3A_341 = vector.load %arg10[%swap3A_339, %swap3A_340] : memref<16x256xf32, #tpu.memory_space<vmem>>, vector<1x256xf32>
    tpu.vector_store %arg10[%swap3A_339, %swap3A_340], %max3A_338 {strides = array<i32>} : memref<16x256xf32, #tpu.memory_space<vmem>>, vector<1x256xf32>,
    %eq3A_342 = arith.constant 15 : i32
    %eq3A_343 = vector.broadcast %eq3A_342 : i32 to vector<1000x1xi32>
    %eq3A_344 = arith.cmpi eq, %get3A_59, %eq3A_343 : vector<1000x1xi32>
    %jit3A_345 = arith.constant 0.000000e+00 : f32
    %broadcast_in_dim3A_346 = vector.shape_cast %eq3A_344 : vector<1000x1xi1> to vector<1000x1xi1>
    %broadcast_in_dim3A_347 = vector.broadcast %broadcast_in_dim3A_346 : vector<1000x1xi1> to vector<1000x256xi1>
    %broadcast_in_dim3A_348 = vector.broadcast %jit3A_345 : f32 to vector<1000x256xf32>
    %select_n3A_349 = arith.select %broadcast_in_dim3A_347, %max3A_25, %broadcast_in_dim3A_348 : vector<1000x256xi1>, vector<1000x256xf32>
    %reduce_max3A_350 = arith.constant dense<0xFF800000> : vector<256xf32>
    %reduce_max3A_351 = vector.multi_reduction <maximumf>, %select_n3A_349, %reduce_max3A_350 [0] : vector<1000x256xf32> to vector<256xf32>
    %broadcast_in_dim3A_352 = vector.shape_cast %reduce_max3A_351 : vector<256xf32> to vector<1x256xf32>
    %get3A_353 = arith.constant 15 : index
    %get3A_354 = arith.constant 0 : index
    %get3A_355 = vector.load %arg10[%get3A_353, %get3A_354] : memref<16x256xf32, #tpu.memory_space<vmem>>, vector<1x256xf32>
    %max3A_356 = arith.maximumf %get3A_355, %broadcast_in_dim3A_352 : vector<1x256xf32>
    %swap3A_357 = arith.constant 15 : index
    %swap3A_358 = arith.constant 0 : index
    %swap3A_359 = vector.load %arg10[%swap3A_357, %swap3A_358] : memref<16x256xf32, #tpu.memory_space<vmem>>, vector<1x256xf32>
    tpu.vector_store %arg10[%swap3A_357, %swap3A_358], %max3A_356 {strides = array<i32>} : memref<16x256xf32, #tpu.memory_space<vmem>>, vector<1x256xf32>,
    return
  }
  func.func @transform_0(%arg0: i32) -> (i32, i32) {
    %add3A = arith.constant 0 : i32
    %add3A_0 = arith.addi %add3A, %arg0 : i32
    %c0_i32 = arith.constant 0 : i32
    %c0_i32_1 = arith.constant 0 : i32
    return %add3A_0, %c0_i32 : i32, i32
  }
  func.func @transform_1(%arg0: i32) -> (i32, i32) {
    %add3A = arith.constant 10 : i32
    %add3A_0 = arith.addi %add3A, %arg0 : i32
    %c0_i32 = arith.constant 0 : i32
    %c0_i32_1 = arith.constant 0 : i32
    return %add3A_0, %c0_i32 : i32, i32
  }
  func.func @transform_2(%arg0: i32) -> (i32, i32) {
    %c0_i32 = arith.constant 0 : i32
    %c0_i32_0 = arith.constant 0 : i32
    return %arg0, %c0_i32 : i32, i32
  }
  func.func @transform_3(%arg0: i32) -> (i32, i32) {
    %c0_i32 = arith.constant 0 : i32
    %c0_i32_0 = arith.constant 0 : i32
    return %arg0, %c0_i32 : i32, i32
  }
  func.func @transform_4(%arg0: i32) -> (i32, i32) {
    %c0_i32 = arith.constant 0 : i32
    %c0_i32_0 = arith.constant 0 : i32
    return %arg0, %c0_i32 : i32, i32
  }
  func.func @transform_5(%arg0: i32) -> (i32, i32) {
    %c0_i32 = arith.constant 0 : i32
    %c0_i32_0 = arith.constant 0 : i32
    %c0_i32_1 = arith.constant 0 : i32
    return %c0_i32, %c0_i32_0 : i32, i32
  }
  func.func @transform_6(%arg0: i32) -> (i32, i32) {
    %c0_i32 = arith.constant 0 : i32
    %c0_i32_0 = arith.constant 0 : i32
    %c0_i32_1 = arith.constant 0 : i32
    return %c0_i32, %c0_i32_0 : i32, i32
  }
  func.func @transform_7(%arg0: i32) -> (i32, i32) {
    %c0_i32 = arith.constant 0 : i32
    %c0_i32_0 = arith.constant 0 : i32
    return %arg0, %c0_i32 : i32, i32
  }
  func.func @transform_8(%arg0: i32) -> (i32, i32, i32) {
    %c0_i32 = arith.constant 0 : i32
    %c0_i32_0 = arith.constant 0 : i32
    %c0_i32_1 = arith.constant 0 : i32
    return %c0_i32, %arg0, %c0_i32_0 : i32, i32, i32
  }
  func.func @transform_9(%arg0: i32) -> (i32, i32) {
    %c0_i32 = arith.constant 0 : i32
    %c0_i32_0 = arith.constant 0 : i32
    %c0_i32_1 = arith.constant 0 : i32
    return %c0_i32, %c0_i32_0 : i32, i32
  }
  func.func @transform_10(%arg0: i32) -> (i32, i32) {
    %c0_i32 = arith.constant 0 : i32
    %c0_i32_0 = arith.constant 0 : i32
    %c0_i32_1 = arith.constant 0 : i32
    return %c0_i32, %c0_i32_0 : i32, i32
  }
}

module attributes {stable_mosaic.version = 14 : i64} {
  func.func @body(%arg0: i32, %arg1: memref<1000x64xf32, #tpu.memory_space<vmem>>, %arg2: memref<1000x64xf32, #tpu.memory_space<vmem>>, %arg3: memref<1000x64xf32, #tpu.memory_space<vmem>>, %arg4: memref<1000x64xf32, #tpu.memory_space<vmem>>, %arg5: memref<1000x256xf32, #tpu.memory_space<vmem>>, %arg6: memref<1000x1xf32, #tpu.memory_space<vmem>>, %arg7: memref<1000x1xi32, #tpu.memory_space<vmem>>, %arg8: memref<256x256xf32, #tpu.memory_space<vmem>>, %arg9: memref<1x256xf32, #tpu.memory_space<vmem>>, %arg10: memref<1000x256xf32, #tpu.memory_space<vmem>>, %arg11: memref<4x1000x64xf32, #tpu.memory_space<vmem>>, %arg12: memref<16x256xf32, #tpu.memory_space<vmem>>, %arg13: memref<16x256xf32, #tpu.memory_space<vmem>>) attributes {dimension_semantics = [#tpu.dimension_semantics<arbitrary>], iteration_bounds = array<i64: 10>, scalar_prefetch = 0 : i64, scratch_operands = 0 : i64, tpu.core_type = #tpu.core_type<tc>, window_params = [{transform_indices = @transform_0, window_bounds = array<i64: 1000, 64>}, {transform_indices = @transform_1, window_bounds = array<i64: 1000, 64>}, {transform_indices = @transform_2, window_bounds = array<i64: 1000, 64>}, {transform_indices = @transform_3, window_bounds = array<i64: 1000, 64>}, {transform_indices = @transform_4, window_bounds = array<i64: 1000, 256>}, {transform_indices = @transform_5, window_bounds = array<i64: 1000, 1>}, {transform_indices = @transform_6, window_bounds = array<i64: 1000, 1>}, {pipeline_mode = #tpu.pipeline_mode<synchronous>, transform_indices = @transform_7, window_bounds = array<i64: 256, 256>}, {pipeline_mode = #tpu.pipeline_mode<synchronous>, transform_indices = @transform_8, window_bounds = array<i64: 1, 256>}, {transform_indices = @transform_9, window_bounds = array<i64: 1000, 256>}, {transform_indices = @transform_10, window_bounds = array<i64: 4, 1000, 64>}, {pipeline_mode = #tpu.pipeline_mode<synchronous>, transform_indices = @transform_11, window_bounds = array<i64: 16, 256>}, {pipeline_mode = #tpu.pipeline_mode<synchronous>, transform_indices = @transform_12, window_bounds = array<i64: 16, 256>}]} {
    %get3A = arith.constant 0 : index
    %get3A_0 = arith.constant 0 : index
    %get3A_1 = vector.load %arg6[%get3A, %get3A_0] : memref<1000x1xf32, #tpu.memory_space<vmem>>, vector<1000x1xf32>
    %get3A_2 = arith.constant 0 : index
    %get3A_3 = arith.constant 0 : index
    %get3A_4 = vector.load %arg1[%get3A_2, %get3A_3] : memref<1000x64xf32, #tpu.memory_space<vmem>>, vector<1000x64xf32>
    %get3A_5 = arith.constant 0 : index
    %get3A_6 = arith.constant 0 : index
    %get3A_7 = vector.load %arg2[%get3A_5, %get3A_6] : memref<1000x64xf32, #tpu.memory_space<vmem>>, vector<1000x64xf32>
    %get3A_8 = arith.constant 0 : index
    %get3A_9 = arith.constant 0 : index
    %get3A_10 = vector.load %arg3[%get3A_8, %get3A_9] : memref<1000x64xf32, #tpu.memory_space<vmem>>, vector<1000x64xf32>
    %get3A_11 = arith.constant 0 : index
    %get3A_12 = arith.constant 0 : index
    %get3A_13 = vector.load %arg4[%get3A_11, %get3A_12] : memref<1000x64xf32, #tpu.memory_space<vmem>>, vector<1000x64xf32>
    %concatenate3A = tpu.concatenate %get3A_4, %get3A_7, %get3A_10, %get3A_13 in 1 : vector<1000x64xf32>, vector<1000x64xf32>, vector<1000x64xf32>, vector<1000x64xf32> -> vector<1000x256xf32>
    %mul3A = vector.broadcast %get3A_1 : vector<1000x1xf32> to vector<1000x256xf32>
    %mul3A_14 = arith.mulf %mul3A, %concatenate3A : vector<1000x256xf32>
    %mul3A_15 = arith.mulf %get3A_1, %get3A_1 : vector<1000x1xf32>
    %get3A_16 = arith.constant 0 : index
    %get3A_17 = arith.constant 0 : index
    %get3A_18 = vector.load %arg5[%get3A_16, %get3A_17] : memref<1000x256xf32, #tpu.memory_space<vmem>>, vector<1000x256xf32>
    %mul3A_19 = vector.broadcast %mul3A_15 : vector<1000x1xf32> to vector<1000x256xf32>
    %mul3A_20 = arith.mulf %mul3A_19, %get3A_18 : vector<1000x256xf32>
    %add3A = arith.addf %mul3A_14, %mul3A_20 : vector<1000x256xf32>
    %get3A_21 = arith.constant 0 : index
    %get3A_22 = arith.constant 0 : index
    %get3A_23 = vector.load %arg8[%get3A_21, %get3A_22] : memref<256x256xf32, #tpu.memory_space<vmem>>, vector<256x256xf32>
    %dot_general3A = arith.constant dense<0.000000e+00> : vector<1000x256xf32>
    %dot_general3A_24 = tpu.matmul %add3A, %get3A_23, %dot_general3A {dimension_numbers = #tpu.dot_dimension_numbers<[1], [0], [0], [1], [0, 0, 1, 1], [], []>, transpose_lhs_hint = false} : vector<1000x256xf32>, vector<256x256xf32>, vector<1000x256xf32> -> vector<1000x256xf32>
    %get3A_25 = arith.constant 0 : index
    %get3A_26 = arith.constant 0 : index
    %get3A_27 = vector.load %arg9[%get3A_25, %get3A_26] : memref<1x256xf32, #tpu.memory_space<vmem>>, vector<1x256xf32>
    %add3A_28 = vector.broadcast %get3A_27 : vector<1x256xf32> to vector<1000x256xf32>
    %add3A_29 = arith.addf %dot_general3A_24, %add3A_28 : vector<1000x256xf32>
    %max3A = arith.constant 0.000000e+00 : f32
    %max3A_30 = vector.broadcast %max3A : f32 to vector<1000x256xf32>
    %max3A_31 = arith.maximumf %add3A_29, %max3A_30 : vector<1000x256xf32>
    %swap3A = arith.constant 0 : index
    %swap3A_32 = arith.constant 0 : index
    %swap3A_33 = vector.load %arg10[%swap3A, %swap3A_32] : memref<1000x256xf32, #tpu.memory_space<vmem>>, vector<1000x256xf32>
    tpu.vector_store %arg10[%swap3A, %swap3A_32], %max3A_31 {strides = array<i32>} : memref<1000x256xf32, #tpu.memory_space<vmem>>, vector<1000x256xf32>,
    %mul3A_34 = vector.broadcast %get3A_1 : vector<1000x1xf32> to vector<1000x256xf32>
    %mul3A_35 = arith.mulf %mul3A_34, %max3A_31 : vector<1000x256xf32>
    %slice3A = vector.extract_strided_slice %mul3A_35 {offsets = [0, 0], sizes = [1000, 64], strides = [1, 1]} : vector<1000x256xf32> to vector<1000x64xf32>
    %swap3A_36 = arith.constant 0 : index
    %swap3A_37 = arith.constant 0 : index
    %swap3A_38 = arith.constant 0 : index
    %swap3A_39 = vector.load %arg11[%swap3A_36, %swap3A_37, %swap3A_38] : memref<4x1000x64xf32, #tpu.memory_space<vmem>>, vector<1x1000x64xf32>
    %swap3A_40 = vector.shape_cast %swap3A_39 : vector<1x1000x64xf32> to vector<1000x64xf32>
    %swap3A_41 = vector.shape_cast %slice3A : vector<1000x64xf32> to vector<1x1000x64xf32>
    tpu.vector_store %arg11[%swap3A_36, %swap3A_37, %swap3A_38], %swap3A_41 {strides = array<i32>} : memref<4x1000x64xf32, #tpu.memory_space<vmem>>, vector<1x1000x64xf32>,
    %slice3A_42 = vector.extract_strided_slice %mul3A_35 {offsets = [0, 64], sizes = [1000, 64], strides = [1, 1]} : vector<1000x256xf32> to vector<1000x64xf32>
    %swap3A_43 = arith.constant 1 : index
    %swap3A_44 = arith.constant 0 : index
    %swap3A_45 = arith.constant 0 : index
    %swap3A_46 = vector.load %arg11[%swap3A_43, %swap3A_44, %swap3A_45] : memref<4x1000x64xf32, #tpu.memory_space<vmem>>, vector<1x1000x64xf32>
    %swap3A_47 = vector.shape_cast %swap3A_46 : vector<1x1000x64xf32> to vector<1000x64xf32>
    %swap3A_48 = vector.shape_cast %slice3A_42 : vector<1000x64xf32> to vector<1x1000x64xf32>
    tpu.vector_store %arg11[%swap3A_43, %swap3A_44, %swap3A_45], %swap3A_48 {strides = array<i32>} : memref<4x1000x64xf32, #tpu.memory_space<vmem>>, vector<1x1000x64xf32>,
    %slice3A_49 = vector.extract_strided_slice %mul3A_35 {offsets = [0, 128], sizes = [1000, 64], strides = [1, 1]} : vector<1000x256xf32> to vector<1000x64xf32>
    %swap3A_50 = arith.constant 2 : index
    %swap3A_51 = arith.constant 0 : index
    %swap3A_52 = arith.constant 0 : index
    %swap3A_53 = vector.load %arg11[%swap3A_50, %swap3A_51, %swap3A_52] : memref<4x1000x64xf32, #tpu.memory_space<vmem>>, vector<1x1000x64xf32>
    %swap3A_54 = vector.shape_cast %swap3A_53 : vector<1x1000x64xf32> to vector<1000x64xf32>
    %swap3A_55 = vector.shape_cast %slice3A_49 : vector<1000x64xf32> to vector<1x1000x64xf32>
    tpu.vector_store %arg11[%swap3A_50, %swap3A_51, %swap3A_52], %swap3A_55 {strides = array<i32>} : memref<4x1000x64xf32, #tpu.memory_space<vmem>>, vector<1x1000x64xf32>,
    %slice3A_56 = vector.extract_strided_slice %mul3A_35 {offsets = [0, 192], sizes = [1000, 64], strides = [1, 1]} : vector<1000x256xf32> to vector<1000x64xf32>
    %swap3A_57 = arith.constant 3 : index
    %swap3A_58 = arith.constant 0 : index
    %swap3A_59 = arith.constant 0 : index
    %swap3A_60 = vector.load %arg11[%swap3A_57, %swap3A_58, %swap3A_59] : memref<4x1000x64xf32, #tpu.memory_space<vmem>>, vector<1x1000x64xf32>
    %swap3A_61 = vector.shape_cast %swap3A_60 : vector<1x1000x64xf32> to vector<1000x64xf32>
    %swap3A_62 = vector.shape_cast %slice3A_56 : vector<1000x64xf32> to vector<1x1000x64xf32>
    tpu.vector_store %arg11[%swap3A_57, %swap3A_58, %swap3A_59], %swap3A_62 {strides = array<i32>} : memref<4x1000x64xf32, #tpu.memory_space<vmem>>, vector<1x1000x64xf32>,
    %get3A_63 = arith.constant 0 : index
    %get3A_64 = arith.constant 0 : index
    %get3A_65 = vector.load %arg7[%get3A_63, %get3A_64] : memref<1000x1xi32, #tpu.memory_space<vmem>>, vector<1000x1xi32>
    %iota3A = tpu.iota {dimensions = array<i32: 1>} : vector<1x16xi32>
    %eq3A = vector.broadcast %get3A_65 : vector<1000x1xi32> to vector<1000x16xi32>
    %eq3A_66 = vector.broadcast %iota3A : vector<1x16xi32> to vector<1000x16xi32>
    %eq3A_67 = arith.cmpi eq, %eq3A, %eq3A_66 : vector<1000x16xi32>
    %convert_element_type3A = arith.extui %eq3A_67 : vector<1000x16xi1> to vector<1000x16xi32>
    %convert_element_type3A_68 = arith.sitofp %convert_element_type3A : vector<1000x16xi32> to vector<1000x16xf32>
    %dot_general3A_69 = arith.constant dense<0.000000e+00> : vector<16x256xf32>
    %dot_general3A_70 = tpu.matmul %convert_element_type3A_68, %max3A_31, %dot_general3A_69 {dimension_numbers = #tpu.dot_dimension_numbers<[0], [0], [1], [1], [0, 1, 1, 1], [], []>, transpose_lhs_hint = false} : vector<1000x16xf32>, vector<1000x256xf32>, vector<16x256xf32> -> vector<16x256xf32>
    %eq3A_71 = arith.constant 0 : i32
    %eq3A_72 = arith.cmpi eq, %arg0, %eq3A_71 : i32
    %convert_element_type3A_73 = arith.extui %eq3A_72 : i1 to i32
    %cond3A = arith.constant 0 : i32
    %cond3A_74 = arith.cmpi ne, %convert_element_type3A_73, %cond3A : i32
    scf.if %cond3A_74 {
      %broadcast_in_dim3A_366 = arith.constant 0.000000e+00 : f32
      %broadcast_in_dim3A_367 = vector.broadcast %broadcast_in_dim3A_366 : f32 to vector<16x256xf32>
      %swap3A_368 = arith.constant 0 : index
      %swap3A_369 = arith.constant 0 : index
      %swap3A_370 = vector.load %arg12[%swap3A_368, %swap3A_369] : memref<16x256xf32, #tpu.memory_space<vmem>>, vector<16x256xf32>
      tpu.vector_store %arg12[%swap3A_368, %swap3A_369], %broadcast_in_dim3A_367 {strides = array<i32>} : memref<16x256xf32, #tpu.memory_space<vmem>>, vector<16x256xf32>,
      %broadcast_in_dim3A_371 = arith.constant 0.000000e+00 : f32
      %broadcast_in_dim3A_372 = vector.broadcast %broadcast_in_dim3A_371 : f32 to vector<16x256xf32>
      %swap3A_373 = arith.constant 0 : index
      %swap3A_374 = arith.constant 0 : index
      %swap3A_375 = vector.load %arg13[%swap3A_373, %swap3A_374] : memref<16x256xf32, #tpu.memory_space<vmem>>, vector<16x256xf32>
      tpu.vector_store %arg13[%swap3A_373, %swap3A_374], %broadcast_in_dim3A_372 {strides = array<i32>} : memref<16x256xf32, #tpu.memory_space<vmem>>, vector<16x256xf32>,
    } else {
    }
    %get3A_75 = arith.constant 0 : index
    %get3A_76 = arith.constant 0 : index
    %get3A_77 = vector.load %arg13[%get3A_75, %get3A_76] : memref<16x256xf32, #tpu.memory_space<vmem>>, vector<16x256xf32>
    %add3A_78 = arith.addf %get3A_77, %dot_general3A_70 : vector<16x256xf32>
    %swap3A_79 = arith.constant 0 : index
    %swap3A_80 = arith.constant 0 : index
    %swap3A_81 = vector.load %arg13[%swap3A_79, %swap3A_80] : memref<16x256xf32, #tpu.memory_space<vmem>>, vector<16x256xf32>
    tpu.vector_store %arg13[%swap3A_79, %swap3A_80], %add3A_78 {strides = array<i32>} : memref<16x256xf32, #tpu.memory_space<vmem>>, vector<16x256xf32>,
    %eq3A_82 = arith.constant 0 : i32
    %eq3A_83 = vector.broadcast %eq3A_82 : i32 to vector<1000x1xi32>
    %eq3A_84 = arith.cmpi eq, %get3A_65, %eq3A_83 : vector<1000x1xi32>
    %jit3A = arith.constant 0.000000e+00 : f32
    %broadcast_in_dim3A = vector.shape_cast %eq3A_84 : vector<1000x1xi1> to vector<1000x1xi1>
    %broadcast_in_dim3A_85 = vector.broadcast %broadcast_in_dim3A : vector<1000x1xi1> to vector<1000x256xi1>
    %broadcast_in_dim3A_86 = vector.broadcast %jit3A : f32 to vector<1000x256xf32>
    %select_n3A = arith.select %broadcast_in_dim3A_85, %max3A_31, %broadcast_in_dim3A_86 : vector<1000x256xi1>, vector<1000x256xf32>
    %reduce_max3A = arith.constant dense<0xFF800000> : vector<256xf32>
    %reduce_max3A_87 = vector.multi_reduction <maximumf>, %select_n3A, %reduce_max3A [0] : vector<1000x256xf32> to vector<256xf32>
    %broadcast_in_dim3A_88 = vector.shape_cast %reduce_max3A_87 : vector<256xf32> to vector<1x256xf32>
    %get3A_89 = arith.constant 0 : index
    %get3A_90 = arith.constant 0 : index
    %get3A_91 = vector.load %arg12[%get3A_89, %get3A_90] : memref<16x256xf32, #tpu.memory_space<vmem>>, vector<1x256xf32>
    %max3A_92 = arith.maximumf %get3A_91, %broadcast_in_dim3A_88 : vector<1x256xf32>
    %swap3A_93 = arith.constant 0 : index
    %swap3A_94 = arith.constant 0 : index
    %swap3A_95 = vector.load %arg12[%swap3A_93, %swap3A_94] : memref<16x256xf32, #tpu.memory_space<vmem>>, vector<1x256xf32>
    tpu.vector_store %arg12[%swap3A_93, %swap3A_94], %max3A_92 {strides = array<i32>} : memref<16x256xf32, #tpu.memory_space<vmem>>, vector<1x256xf32>,
    %eq3A_96 = arith.constant 1 : i32
    %eq3A_97 = vector.broadcast %eq3A_96 : i32 to vector<1000x1xi32>
    %eq3A_98 = arith.cmpi eq, %get3A_65, %eq3A_97 : vector<1000x1xi32>
    %jit3A_99 = arith.constant 0.000000e+00 : f32
    %broadcast_in_dim3A_100 = vector.shape_cast %eq3A_98 : vector<1000x1xi1> to vector<1000x1xi1>
    %broadcast_in_dim3A_101 = vector.broadcast %broadcast_in_dim3A_100 : vector<1000x1xi1> to vector<1000x256xi1>
    %broadcast_in_dim3A_102 = vector.broadcast %jit3A_99 : f32 to vector<1000x256xf32>
    %select_n3A_103 = arith.select %broadcast_in_dim3A_101, %max3A_31, %broadcast_in_dim3A_102 : vector<1000x256xi1>, vector<1000x256xf32>
    %reduce_max3A_104 = arith.constant dense<0xFF800000> : vector<256xf32>
    %reduce_max3A_105 = vector.multi_reduction <maximumf>, %select_n3A_103, %reduce_max3A_104 [0] : vector<1000x256xf32> to vector<256xf32>
    %broadcast_in_dim3A_106 = vector.shape_cast %reduce_max3A_105 : vector<256xf32> to vector<1x256xf32>
    %get3A_107 = arith.constant 1 : index
    %get3A_108 = arith.constant 0 : index
    %get3A_109 = vector.load %arg12[%get3A_107, %get3A_108] : memref<16x256xf32, #tpu.memory_space<vmem>>, vector<1x256xf32>
    %max3A_110 = arith.maximumf %get3A_109, %broadcast_in_dim3A_106 : vector<1x256xf32>
    %swap3A_111 = arith.constant 1 : index
    %swap3A_112 = arith.constant 0 : index
    %swap3A_113 = vector.load %arg12[%swap3A_111, %swap3A_112] : memref<16x256xf32, #tpu.memory_space<vmem>>, vector<1x256xf32>
    tpu.vector_store %arg12[%swap3A_111, %swap3A_112], %max3A_110 {strides = array<i32>} : memref<16x256xf32, #tpu.memory_space<vmem>>, vector<1x256xf32>,
    %eq3A_114 = arith.constant 2 : i32
    %eq3A_115 = vector.broadcast %eq3A_114 : i32 to vector<1000x1xi32>
    %eq3A_116 = arith.cmpi eq, %get3A_65, %eq3A_115 : vector<1000x1xi32>
    %jit3A_117 = arith.constant 0.000000e+00 : f32
    %broadcast_in_dim3A_118 = vector.shape_cast %eq3A_116 : vector<1000x1xi1> to vector<1000x1xi1>
    %broadcast_in_dim3A_119 = vector.broadcast %broadcast_in_dim3A_118 : vector<1000x1xi1> to vector<1000x256xi1>
    %broadcast_in_dim3A_120 = vector.broadcast %jit3A_117 : f32 to vector<1000x256xf32>
    %select_n3A_121 = arith.select %broadcast_in_dim3A_119, %max3A_31, %broadcast_in_dim3A_120 : vector<1000x256xi1>, vector<1000x256xf32>
    %reduce_max3A_122 = arith.constant dense<0xFF800000> : vector<256xf32>
    %reduce_max3A_123 = vector.multi_reduction <maximumf>, %select_n3A_121, %reduce_max3A_122 [0] : vector<1000x256xf32> to vector<256xf32>
    %broadcast_in_dim3A_124 = vector.shape_cast %reduce_max3A_123 : vector<256xf32> to vector<1x256xf32>
    %get3A_125 = arith.constant 2 : index
    %get3A_126 = arith.constant 0 : index
    %get3A_127 = vector.load %arg12[%get3A_125, %get3A_126] : memref<16x256xf32, #tpu.memory_space<vmem>>, vector<1x256xf32>
    %max3A_128 = arith.maximumf %get3A_127, %broadcast_in_dim3A_124 : vector<1x256xf32>
    %swap3A_129 = arith.constant 2 : index
    %swap3A_130 = arith.constant 0 : index
    %swap3A_131 = vector.load %arg12[%swap3A_129, %swap3A_130] : memref<16x256xf32, #tpu.memory_space<vmem>>, vector<1x256xf32>
    tpu.vector_store %arg12[%swap3A_129, %swap3A_130], %max3A_128 {strides = array<i32>} : memref<16x256xf32, #tpu.memory_space<vmem>>, vector<1x256xf32>,
    %eq3A_132 = arith.constant 3 : i32
    %eq3A_133 = vector.broadcast %eq3A_132 : i32 to vector<1000x1xi32>
    %eq3A_134 = arith.cmpi eq, %get3A_65, %eq3A_133 : vector<1000x1xi32>
    %jit3A_135 = arith.constant 0.000000e+00 : f32
    %broadcast_in_dim3A_136 = vector.shape_cast %eq3A_134 : vector<1000x1xi1> to vector<1000x1xi1>
    %broadcast_in_dim3A_137 = vector.broadcast %broadcast_in_dim3A_136 : vector<1000x1xi1> to vector<1000x256xi1>
    %broadcast_in_dim3A_138 = vector.broadcast %jit3A_135 : f32 to vector<1000x256xf32>
    %select_n3A_139 = arith.select %broadcast_in_dim3A_137, %max3A_31, %broadcast_in_dim3A_138 : vector<1000x256xi1>, vector<1000x256xf32>
    %reduce_max3A_140 = arith.constant dense<0xFF800000> : vector<256xf32>
    %reduce_max3A_141 = vector.multi_reduction <maximumf>, %select_n3A_139, %reduce_max3A_140 [0] : vector<1000x256xf32> to vector<256xf32>
    %broadcast_in_dim3A_142 = vector.shape_cast %reduce_max3A_141 : vector<256xf32> to vector<1x256xf32>
    %get3A_143 = arith.constant 3 : index
    %get3A_144 = arith.constant 0 : index
    %get3A_145 = vector.load %arg12[%get3A_143, %get3A_144] : memref<16x256xf32, #tpu.memory_space<vmem>>, vector<1x256xf32>
    %max3A_146 = arith.maximumf %get3A_145, %broadcast_in_dim3A_142 : vector<1x256xf32>
    %swap3A_147 = arith.constant 3 : index
    %swap3A_148 = arith.constant 0 : index
    %swap3A_149 = vector.load %arg12[%swap3A_147, %swap3A_148] : memref<16x256xf32, #tpu.memory_space<vmem>>, vector<1x256xf32>
    tpu.vector_store %arg12[%swap3A_147, %swap3A_148], %max3A_146 {strides = array<i32>} : memref<16x256xf32, #tpu.memory_space<vmem>>, vector<1x256xf32>,
    %eq3A_150 = arith.constant 4 : i32
    %eq3A_151 = vector.broadcast %eq3A_150 : i32 to vector<1000x1xi32>
    %eq3A_152 = arith.cmpi eq, %get3A_65, %eq3A_151 : vector<1000x1xi32>
    %jit3A_153 = arith.constant 0.000000e+00 : f32
    %broadcast_in_dim3A_154 = vector.shape_cast %eq3A_152 : vector<1000x1xi1> to vector<1000x1xi1>
    %broadcast_in_dim3A_155 = vector.broadcast %broadcast_in_dim3A_154 : vector<1000x1xi1> to vector<1000x256xi1>
    %broadcast_in_dim3A_156 = vector.broadcast %jit3A_153 : f32 to vector<1000x256xf32>
    %select_n3A_157 = arith.select %broadcast_in_dim3A_155, %max3A_31, %broadcast_in_dim3A_156 : vector<1000x256xi1>, vector<1000x256xf32>
    %reduce_max3A_158 = arith.constant dense<0xFF800000> : vector<256xf32>
    %reduce_max3A_159 = vector.multi_reduction <maximumf>, %select_n3A_157, %reduce_max3A_158 [0] : vector<1000x256xf32> to vector<256xf32>
    %broadcast_in_dim3A_160 = vector.shape_cast %reduce_max3A_159 : vector<256xf32> to vector<1x256xf32>
    %get3A_161 = arith.constant 4 : index
    %get3A_162 = arith.constant 0 : index
    %get3A_163 = vector.load %arg12[%get3A_161, %get3A_162] : memref<16x256xf32, #tpu.memory_space<vmem>>, vector<1x256xf32>
    %max3A_164 = arith.maximumf %get3A_163, %broadcast_in_dim3A_160 : vector<1x256xf32>
    %swap3A_165 = arith.constant 4 : index
    %swap3A_166 = arith.constant 0 : index
    %swap3A_167 = vector.load %arg12[%swap3A_165, %swap3A_166] : memref<16x256xf32, #tpu.memory_space<vmem>>, vector<1x256xf32>
    tpu.vector_store %arg12[%swap3A_165, %swap3A_166], %max3A_164 {strides = array<i32>} : memref<16x256xf32, #tpu.memory_space<vmem>>, vector<1x256xf32>,
    %eq3A_168 = arith.constant 5 : i32
    %eq3A_169 = vector.broadcast %eq3A_168 : i32 to vector<1000x1xi32>
    %eq3A_170 = arith.cmpi eq, %get3A_65, %eq3A_169 : vector<1000x1xi32>
    %jit3A_171 = arith.constant 0.000000e+00 : f32
    %broadcast_in_dim3A_172 = vector.shape_cast %eq3A_170 : vector<1000x1xi1> to vector<1000x1xi1>
    %broadcast_in_dim3A_173 = vector.broadcast %broadcast_in_dim3A_172 : vector<1000x1xi1> to vector<1000x256xi1>
    %broadcast_in_dim3A_174 = vector.broadcast %jit3A_171 : f32 to vector<1000x256xf32>
    %select_n3A_175 = arith.select %broadcast_in_dim3A_173, %max3A_31, %broadcast_in_dim3A_174 : vector<1000x256xi1>, vector<1000x256xf32>
    %reduce_max3A_176 = arith.constant dense<0xFF800000> : vector<256xf32>
    %reduce_max3A_177 = vector.multi_reduction <maximumf>, %select_n3A_175, %reduce_max3A_176 [0] : vector<1000x256xf32> to vector<256xf32>
    %broadcast_in_dim3A_178 = vector.shape_cast %reduce_max3A_177 : vector<256xf32> to vector<1x256xf32>
    %get3A_179 = arith.constant 5 : index
    %get3A_180 = arith.constant 0 : index
    %get3A_181 = vector.load %arg12[%get3A_179, %get3A_180] : memref<16x256xf32, #tpu.memory_space<vmem>>, vector<1x256xf32>
    %max3A_182 = arith.maximumf %get3A_181, %broadcast_in_dim3A_178 : vector<1x256xf32>
    %swap3A_183 = arith.constant 5 : index
    %swap3A_184 = arith.constant 0 : index
    %swap3A_185 = vector.load %arg12[%swap3A_183, %swap3A_184] : memref<16x256xf32, #tpu.memory_space<vmem>>, vector<1x256xf32>
    tpu.vector_store %arg12[%swap3A_183, %swap3A_184], %max3A_182 {strides = array<i32>} : memref<16x256xf32, #tpu.memory_space<vmem>>, vector<1x256xf32>,
    %eq3A_186 = arith.constant 6 : i32
    %eq3A_187 = vector.broadcast %eq3A_186 : i32 to vector<1000x1xi32>
    %eq3A_188 = arith.cmpi eq, %get3A_65, %eq3A_187 : vector<1000x1xi32>
    %jit3A_189 = arith.constant 0.000000e+00 : f32
    %broadcast_in_dim3A_190 = vector.shape_cast %eq3A_188 : vector<1000x1xi1> to vector<1000x1xi1>
    %broadcast_in_dim3A_191 = vector.broadcast %broadcast_in_dim3A_190 : vector<1000x1xi1> to vector<1000x256xi1>
    %broadcast_in_dim3A_192 = vector.broadcast %jit3A_189 : f32 to vector<1000x256xf32>
    %select_n3A_193 = arith.select %broadcast_in_dim3A_191, %max3A_31, %broadcast_in_dim3A_192 : vector<1000x256xi1>, vector<1000x256xf32>
    %reduce_max3A_194 = arith.constant dense<0xFF800000> : vector<256xf32>
    %reduce_max3A_195 = vector.multi_reduction <maximumf>, %select_n3A_193, %reduce_max3A_194 [0] : vector<1000x256xf32> to vector<256xf32>
    %broadcast_in_dim3A_196 = vector.shape_cast %reduce_max3A_195 : vector<256xf32> to vector<1x256xf32>
    %get3A_197 = arith.constant 6 : index
    %get3A_198 = arith.constant 0 : index
    %get3A_199 = vector.load %arg12[%get3A_197, %get3A_198] : memref<16x256xf32, #tpu.memory_space<vmem>>, vector<1x256xf32>
    %max3A_200 = arith.maximumf %get3A_199, %broadcast_in_dim3A_196 : vector<1x256xf32>
    %swap3A_201 = arith.constant 6 : index
    %swap3A_202 = arith.constant 0 : index
    %swap3A_203 = vector.load %arg12[%swap3A_201, %swap3A_202] : memref<16x256xf32, #tpu.memory_space<vmem>>, vector<1x256xf32>
    tpu.vector_store %arg12[%swap3A_201, %swap3A_202], %max3A_200 {strides = array<i32>} : memref<16x256xf32, #tpu.memory_space<vmem>>, vector<1x256xf32>,
    %eq3A_204 = arith.constant 7 : i32
    %eq3A_205 = vector.broadcast %eq3A_204 : i32 to vector<1000x1xi32>
    %eq3A_206 = arith.cmpi eq, %get3A_65, %eq3A_205 : vector<1000x1xi32>
    %jit3A_207 = arith.constant 0.000000e+00 : f32
    %broadcast_in_dim3A_208 = vector.shape_cast %eq3A_206 : vector<1000x1xi1> to vector<1000x1xi1>
    %broadcast_in_dim3A_209 = vector.broadcast %broadcast_in_dim3A_208 : vector<1000x1xi1> to vector<1000x256xi1>
    %broadcast_in_dim3A_210 = vector.broadcast %jit3A_207 : f32 to vector<1000x256xf32>
    %select_n3A_211 = arith.select %broadcast_in_dim3A_209, %max3A_31, %broadcast_in_dim3A_210 : vector<1000x256xi1>, vector<1000x256xf32>
    %reduce_max3A_212 = arith.constant dense<0xFF800000> : vector<256xf32>
    %reduce_max3A_213 = vector.multi_reduction <maximumf>, %select_n3A_211, %reduce_max3A_212 [0] : vector<1000x256xf32> to vector<256xf32>
    %broadcast_in_dim3A_214 = vector.shape_cast %reduce_max3A_213 : vector<256xf32> to vector<1x256xf32>
    %get3A_215 = arith.constant 7 : index
    %get3A_216 = arith.constant 0 : index
    %get3A_217 = vector.load %arg12[%get3A_215, %get3A_216] : memref<16x256xf32, #tpu.memory_space<vmem>>, vector<1x256xf32>
    %max3A_218 = arith.maximumf %get3A_217, %broadcast_in_dim3A_214 : vector<1x256xf32>
    %swap3A_219 = arith.constant 7 : index
    %swap3A_220 = arith.constant 0 : index
    %swap3A_221 = vector.load %arg12[%swap3A_219, %swap3A_220] : memref<16x256xf32, #tpu.memory_space<vmem>>, vector<1x256xf32>
    tpu.vector_store %arg12[%swap3A_219, %swap3A_220], %max3A_218 {strides = array<i32>} : memref<16x256xf32, #tpu.memory_space<vmem>>, vector<1x256xf32>,
    %eq3A_222 = arith.constant 8 : i32
    %eq3A_223 = vector.broadcast %eq3A_222 : i32 to vector<1000x1xi32>
    %eq3A_224 = arith.cmpi eq, %get3A_65, %eq3A_223 : vector<1000x1xi32>
    %jit3A_225 = arith.constant 0.000000e+00 : f32
    %broadcast_in_dim3A_226 = vector.shape_cast %eq3A_224 : vector<1000x1xi1> to vector<1000x1xi1>
    %broadcast_in_dim3A_227 = vector.broadcast %broadcast_in_dim3A_226 : vector<1000x1xi1> to vector<1000x256xi1>
    %broadcast_in_dim3A_228 = vector.broadcast %jit3A_225 : f32 to vector<1000x256xf32>
    %select_n3A_229 = arith.select %broadcast_in_dim3A_227, %max3A_31, %broadcast_in_dim3A_228 : vector<1000x256xi1>, vector<1000x256xf32>
    %reduce_max3A_230 = arith.constant dense<0xFF800000> : vector<256xf32>
    %reduce_max3A_231 = vector.multi_reduction <maximumf>, %select_n3A_229, %reduce_max3A_230 [0] : vector<1000x256xf32> to vector<256xf32>
    %broadcast_in_dim3A_232 = vector.shape_cast %reduce_max3A_231 : vector<256xf32> to vector<1x256xf32>
    %get3A_233 = arith.constant 8 : index
    %get3A_234 = arith.constant 0 : index
    %get3A_235 = vector.load %arg12[%get3A_233, %get3A_234] : memref<16x256xf32, #tpu.memory_space<vmem>>, vector<1x256xf32>
    %max3A_236 = arith.maximumf %get3A_235, %broadcast_in_dim3A_232 : vector<1x256xf32>
    %swap3A_237 = arith.constant 8 : index
    %swap3A_238 = arith.constant 0 : index
    %swap3A_239 = vector.load %arg12[%swap3A_237, %swap3A_238] : memref<16x256xf32, #tpu.memory_space<vmem>>, vector<1x256xf32>
    tpu.vector_store %arg12[%swap3A_237, %swap3A_238], %max3A_236 {strides = array<i32>} : memref<16x256xf32, #tpu.memory_space<vmem>>, vector<1x256xf32>,
    %eq3A_240 = arith.constant 9 : i32
    %eq3A_241 = vector.broadcast %eq3A_240 : i32 to vector<1000x1xi32>
    %eq3A_242 = arith.cmpi eq, %get3A_65, %eq3A_241 : vector<1000x1xi32>
    %jit3A_243 = arith.constant 0.000000e+00 : f32
    %broadcast_in_dim3A_244 = vector.shape_cast %eq3A_242 : vector<1000x1xi1> to vector<1000x1xi1>
    %broadcast_in_dim3A_245 = vector.broadcast %broadcast_in_dim3A_244 : vector<1000x1xi1> to vector<1000x256xi1>
    %broadcast_in_dim3A_246 = vector.broadcast %jit3A_243 : f32 to vector<1000x256xf32>
    %select_n3A_247 = arith.select %broadcast_in_dim3A_245, %max3A_31, %broadcast_in_dim3A_246 : vector<1000x256xi1>, vector<1000x256xf32>
    %reduce_max3A_248 = arith.constant dense<0xFF800000> : vector<256xf32>
    %reduce_max3A_249 = vector.multi_reduction <maximumf>, %select_n3A_247, %reduce_max3A_248 [0] : vector<1000x256xf32> to vector<256xf32>
    %broadcast_in_dim3A_250 = vector.shape_cast %reduce_max3A_249 : vector<256xf32> to vector<1x256xf32>
    %get3A_251 = arith.constant 9 : index
    %get3A_252 = arith.constant 0 : index
    %get3A_253 = vector.load %arg12[%get3A_251, %get3A_252] : memref<16x256xf32, #tpu.memory_space<vmem>>, vector<1x256xf32>
    %max3A_254 = arith.maximumf %get3A_253, %broadcast_in_dim3A_250 : vector<1x256xf32>
    %swap3A_255 = arith.constant 9 : index
    %swap3A_256 = arith.constant 0 : index
    %swap3A_257 = vector.load %arg12[%swap3A_255, %swap3A_256] : memref<16x256xf32, #tpu.memory_space<vmem>>, vector<1x256xf32>
    tpu.vector_store %arg12[%swap3A_255, %swap3A_256], %max3A_254 {strides = array<i32>} : memref<16x256xf32, #tpu.memory_space<vmem>>, vector<1x256xf32>,
    %eq3A_258 = arith.constant 10 : i32
    %eq3A_259 = vector.broadcast %eq3A_258 : i32 to vector<1000x1xi32>
    %eq3A_260 = arith.cmpi eq, %get3A_65, %eq3A_259 : vector<1000x1xi32>
    %jit3A_261 = arith.constant 0.000000e+00 : f32
    %broadcast_in_dim3A_262 = vector.shape_cast %eq3A_260 : vector<1000x1xi1> to vector<1000x1xi1>
    %broadcast_in_dim3A_263 = vector.broadcast %broadcast_in_dim3A_262 : vector<1000x1xi1> to vector<1000x256xi1>
    %broadcast_in_dim3A_264 = vector.broadcast %jit3A_261 : f32 to vector<1000x256xf32>
    %select_n3A_265 = arith.select %broadcast_in_dim3A_263, %max3A_31, %broadcast_in_dim3A_264 : vector<1000x256xi1>, vector<1000x256xf32>
    %reduce_max3A_266 = arith.constant dense<0xFF800000> : vector<256xf32>
    %reduce_max3A_267 = vector.multi_reduction <maximumf>, %select_n3A_265, %reduce_max3A_266 [0] : vector<1000x256xf32> to vector<256xf32>
    %broadcast_in_dim3A_268 = vector.shape_cast %reduce_max3A_267 : vector<256xf32> to vector<1x256xf32>
    %get3A_269 = arith.constant 10 : index
    %get3A_270 = arith.constant 0 : index
    %get3A_271 = vector.load %arg12[%get3A_269, %get3A_270] : memref<16x256xf32, #tpu.memory_space<vmem>>, vector<1x256xf32>
    %max3A_272 = arith.maximumf %get3A_271, %broadcast_in_dim3A_268 : vector<1x256xf32>
    %swap3A_273 = arith.constant 10 : index
    %swap3A_274 = arith.constant 0 : index
    %swap3A_275 = vector.load %arg12[%swap3A_273, %swap3A_274] : memref<16x256xf32, #tpu.memory_space<vmem>>, vector<1x256xf32>
    tpu.vector_store %arg12[%swap3A_273, %swap3A_274], %max3A_272 {strides = array<i32>} : memref<16x256xf32, #tpu.memory_space<vmem>>, vector<1x256xf32>,
    %eq3A_276 = arith.constant 11 : i32
    %eq3A_277 = vector.broadcast %eq3A_276 : i32 to vector<1000x1xi32>
    %eq3A_278 = arith.cmpi eq, %get3A_65, %eq3A_277 : vector<1000x1xi32>
    %jit3A_279 = arith.constant 0.000000e+00 : f32
    %broadcast_in_dim3A_280 = vector.shape_cast %eq3A_278 : vector<1000x1xi1> to vector<1000x1xi1>
    %broadcast_in_dim3A_281 = vector.broadcast %broadcast_in_dim3A_280 : vector<1000x1xi1> to vector<1000x256xi1>
    %broadcast_in_dim3A_282 = vector.broadcast %jit3A_279 : f32 to vector<1000x256xf32>
    %select_n3A_283 = arith.select %broadcast_in_dim3A_281, %max3A_31, %broadcast_in_dim3A_282 : vector<1000x256xi1>, vector<1000x256xf32>
    %reduce_max3A_284 = arith.constant dense<0xFF800000> : vector<256xf32>
    %reduce_max3A_285 = vector.multi_reduction <maximumf>, %select_n3A_283, %reduce_max3A_284 [0] : vector<1000x256xf32> to vector<256xf32>
    %broadcast_in_dim3A_286 = vector.shape_cast %reduce_max3A_285 : vector<256xf32> to vector<1x256xf32>
    %get3A_287 = arith.constant 11 : index
    %get3A_288 = arith.constant 0 : index
    %get3A_289 = vector.load %arg12[%get3A_287, %get3A_288] : memref<16x256xf32, #tpu.memory_space<vmem>>, vector<1x256xf32>
    %max3A_290 = arith.maximumf %get3A_289, %broadcast_in_dim3A_286 : vector<1x256xf32>
    %swap3A_291 = arith.constant 11 : index
    %swap3A_292 = arith.constant 0 : index
    %swap3A_293 = vector.load %arg12[%swap3A_291, %swap3A_292] : memref<16x256xf32, #tpu.memory_space<vmem>>, vector<1x256xf32>
    tpu.vector_store %arg12[%swap3A_291, %swap3A_292], %max3A_290 {strides = array<i32>} : memref<16x256xf32, #tpu.memory_space<vmem>>, vector<1x256xf32>,
    %eq3A_294 = arith.constant 12 : i32
    %eq3A_295 = vector.broadcast %eq3A_294 : i32 to vector<1000x1xi32>
    %eq3A_296 = arith.cmpi eq, %get3A_65, %eq3A_295 : vector<1000x1xi32>
    %jit3A_297 = arith.constant 0.000000e+00 : f32
    %broadcast_in_dim3A_298 = vector.shape_cast %eq3A_296 : vector<1000x1xi1> to vector<1000x1xi1>
    %broadcast_in_dim3A_299 = vector.broadcast %broadcast_in_dim3A_298 : vector<1000x1xi1> to vector<1000x256xi1>
    %broadcast_in_dim3A_300 = vector.broadcast %jit3A_297 : f32 to vector<1000x256xf32>
    %select_n3A_301 = arith.select %broadcast_in_dim3A_299, %max3A_31, %broadcast_in_dim3A_300 : vector<1000x256xi1>, vector<1000x256xf32>
    %reduce_max3A_302 = arith.constant dense<0xFF800000> : vector<256xf32>
    %reduce_max3A_303 = vector.multi_reduction <maximumf>, %select_n3A_301, %reduce_max3A_302 [0] : vector<1000x256xf32> to vector<256xf32>
    %broadcast_in_dim3A_304 = vector.shape_cast %reduce_max3A_303 : vector<256xf32> to vector<1x256xf32>
    %get3A_305 = arith.constant 12 : index
    %get3A_306 = arith.constant 0 : index
    %get3A_307 = vector.load %arg12[%get3A_305, %get3A_306] : memref<16x256xf32, #tpu.memory_space<vmem>>, vector<1x256xf32>
    %max3A_308 = arith.maximumf %get3A_307, %broadcast_in_dim3A_304 : vector<1x256xf32>
    %swap3A_309 = arith.constant 12 : index
    %swap3A_310 = arith.constant 0 : index
    %swap3A_311 = vector.load %arg12[%swap3A_309, %swap3A_310] : memref<16x256xf32, #tpu.memory_space<vmem>>, vector<1x256xf32>
    tpu.vector_store %arg12[%swap3A_309, %swap3A_310], %max3A_308 {strides = array<i32>} : memref<16x256xf32, #tpu.memory_space<vmem>>, vector<1x256xf32>,
    %eq3A_312 = arith.constant 13 : i32
    %eq3A_313 = vector.broadcast %eq3A_312 : i32 to vector<1000x1xi32>
    %eq3A_314 = arith.cmpi eq, %get3A_65, %eq3A_313 : vector<1000x1xi32>
    %jit3A_315 = arith.constant 0.000000e+00 : f32
    %broadcast_in_dim3A_316 = vector.shape_cast %eq3A_314 : vector<1000x1xi1> to vector<1000x1xi1>
    %broadcast_in_dim3A_317 = vector.broadcast %broadcast_in_dim3A_316 : vector<1000x1xi1> to vector<1000x256xi1>
    %broadcast_in_dim3A_318 = vector.broadcast %jit3A_315 : f32 to vector<1000x256xf32>
    %select_n3A_319 = arith.select %broadcast_in_dim3A_317, %max3A_31, %broadcast_in_dim3A_318 : vector<1000x256xi1>, vector<1000x256xf32>
    %reduce_max3A_320 = arith.constant dense<0xFF800000> : vector<256xf32>
    %reduce_max3A_321 = vector.multi_reduction <maximumf>, %select_n3A_319, %reduce_max3A_320 [0] : vector<1000x256xf32> to vector<256xf32>
    %broadcast_in_dim3A_322 = vector.shape_cast %reduce_max3A_321 : vector<256xf32> to vector<1x256xf32>
    %get3A_323 = arith.constant 13 : index
    %get3A_324 = arith.constant 0 : index
    %get3A_325 = vector.load %arg12[%get3A_323, %get3A_324] : memref<16x256xf32, #tpu.memory_space<vmem>>, vector<1x256xf32>
    %max3A_326 = arith.maximumf %get3A_325, %broadcast_in_dim3A_322 : vector<1x256xf32>
    %swap3A_327 = arith.constant 13 : index
    %swap3A_328 = arith.constant 0 : index
    %swap3A_329 = vector.load %arg12[%swap3A_327, %swap3A_328] : memref<16x256xf32, #tpu.memory_space<vmem>>, vector<1x256xf32>
    tpu.vector_store %arg12[%swap3A_327, %swap3A_328], %max3A_326 {strides = array<i32>} : memref<16x256xf32, #tpu.memory_space<vmem>>, vector<1x256xf32>,
    %eq3A_330 = arith.constant 14 : i32
    %eq3A_331 = vector.broadcast %eq3A_330 : i32 to vector<1000x1xi32>
    %eq3A_332 = arith.cmpi eq, %get3A_65, %eq3A_331 : vector<1000x1xi32>
    %jit3A_333 = arith.constant 0.000000e+00 : f32
    %broadcast_in_dim3A_334 = vector.shape_cast %eq3A_332 : vector<1000x1xi1> to vector<1000x1xi1>
    %broadcast_in_dim3A_335 = vector.broadcast %broadcast_in_dim3A_334 : vector<1000x1xi1> to vector<1000x256xi1>
    %broadcast_in_dim3A_336 = vector.broadcast %jit3A_333 : f32 to vector<1000x256xf32>
    %select_n3A_337 = arith.select %broadcast_in_dim3A_335, %max3A_31, %broadcast_in_dim3A_336 : vector<1000x256xi1>, vector<1000x256xf32>
    %reduce_max3A_338 = arith.constant dense<0xFF800000> : vector<256xf32>
    %reduce_max3A_339 = vector.multi_reduction <maximumf>, %select_n3A_337, %reduce_max3A_338 [0] : vector<1000x256xf32> to vector<256xf32>
    %broadcast_in_dim3A_340 = vector.shape_cast %reduce_max3A_339 : vector<256xf32> to vector<1x256xf32>
    %get3A_341 = arith.constant 14 : index
    %get3A_342 = arith.constant 0 : index
    %get3A_343 = vector.load %arg12[%get3A_341, %get3A_342] : memref<16x256xf32, #tpu.memory_space<vmem>>, vector<1x256xf32>
    %max3A_344 = arith.maximumf %get3A_343, %broadcast_in_dim3A_340 : vector<1x256xf32>
    %swap3A_345 = arith.constant 14 : index
    %swap3A_346 = arith.constant 0 : index
    %swap3A_347 = vector.load %arg12[%swap3A_345, %swap3A_346] : memref<16x256xf32, #tpu.memory_space<vmem>>, vector<1x256xf32>
    tpu.vector_store %arg12[%swap3A_345, %swap3A_346], %max3A_344 {strides = array<i32>} : memref<16x256xf32, #tpu.memory_space<vmem>>, vector<1x256xf32>,
    %eq3A_348 = arith.constant 15 : i32
    %eq3A_349 = vector.broadcast %eq3A_348 : i32 to vector<1000x1xi32>
    %eq3A_350 = arith.cmpi eq, %get3A_65, %eq3A_349 : vector<1000x1xi32>
    %jit3A_351 = arith.constant 0.000000e+00 : f32
    %broadcast_in_dim3A_352 = vector.shape_cast %eq3A_350 : vector<1000x1xi1> to vector<1000x1xi1>
    %broadcast_in_dim3A_353 = vector.broadcast %broadcast_in_dim3A_352 : vector<1000x1xi1> to vector<1000x256xi1>
    %broadcast_in_dim3A_354 = vector.broadcast %jit3A_351 : f32 to vector<1000x256xf32>
    %select_n3A_355 = arith.select %broadcast_in_dim3A_353, %max3A_31, %broadcast_in_dim3A_354 : vector<1000x256xi1>, vector<1000x256xf32>
    %reduce_max3A_356 = arith.constant dense<0xFF800000> : vector<256xf32>
    %reduce_max3A_357 = vector.multi_reduction <maximumf>, %select_n3A_355, %reduce_max3A_356 [0] : vector<1000x256xf32> to vector<256xf32>
    %broadcast_in_dim3A_358 = vector.shape_cast %reduce_max3A_357 : vector<256xf32> to vector<1x256xf32>
    %get3A_359 = arith.constant 15 : index
    %get3A_360 = arith.constant 0 : index
    %get3A_361 = vector.load %arg12[%get3A_359, %get3A_360] : memref<16x256xf32, #tpu.memory_space<vmem>>, vector<1x256xf32>
    %max3A_362 = arith.maximumf %get3A_361, %broadcast_in_dim3A_358 : vector<1x256xf32>
    %swap3A_363 = arith.constant 15 : index
    %swap3A_364 = arith.constant 0 : index
    %swap3A_365 = vector.load %arg12[%swap3A_363, %swap3A_364] : memref<16x256xf32, #tpu.memory_space<vmem>>, vector<1x256xf32>
    tpu.vector_store %arg12[%swap3A_363, %swap3A_364], %max3A_362 {strides = array<i32>} : memref<16x256xf32, #tpu.memory_space<vmem>>, vector<1x256xf32>,
    return
  }
  func.func @transform_0(%arg0: i32) -> (i32, i32) {
    %add3A = arith.constant 0 : i32
    %add3A_0 = arith.addi %add3A, %arg0 : i32
    %c0_i32 = arith.constant 0 : i32
    %c0_i32_1 = arith.constant 0 : i32
    return %add3A_0, %c0_i32 : i32, i32
  }
  func.func @transform_1(%arg0: i32) -> (i32, i32) {
    %add3A = arith.constant 10 : i32
    %add3A_0 = arith.addi %add3A, %arg0 : i32
    %c0_i32 = arith.constant 0 : i32
    %c0_i32_1 = arith.constant 0 : i32
    return %add3A_0, %c0_i32 : i32, i32
  }
  func.func @transform_2(%arg0: i32) -> (i32, i32) {
    %add3A = arith.constant 20 : i32
    %add3A_0 = arith.addi %add3A, %arg0 : i32
    %c0_i32 = arith.constant 0 : i32
    %c0_i32_1 = arith.constant 0 : i32
    return %add3A_0, %c0_i32 : i32, i32
  }
  func.func @transform_3(%arg0: i32) -> (i32, i32) {
    %add3A = arith.constant 30 : i32
    %add3A_0 = arith.addi %add3A, %arg0 : i32
    %c0_i32 = arith.constant 0 : i32
    %c0_i32_1 = arith.constant 0 : i32
    return %add3A_0, %c0_i32 : i32, i32
  }
  func.func @transform_4(%arg0: i32) -> (i32, i32) {
    %c0_i32 = arith.constant 0 : i32
    %c0_i32_0 = arith.constant 0 : i32
    return %arg0, %c0_i32 : i32, i32
  }
  func.func @transform_5(%arg0: i32) -> (i32, i32) {
    %c0_i32 = arith.constant 0 : i32
    %c0_i32_0 = arith.constant 0 : i32
    return %arg0, %c0_i32 : i32, i32
  }
  func.func @transform_6(%arg0: i32) -> (i32, i32) {
    %c0_i32 = arith.constant 0 : i32
    %c0_i32_0 = arith.constant 0 : i32
    return %arg0, %c0_i32 : i32, i32
  }
  func.func @transform_7(%arg0: i32) -> (i32, i32) {
    %c0_i32 = arith.constant 0 : i32
    %c0_i32_0 = arith.constant 0 : i32
    %c0_i32_1 = arith.constant 0 : i32
    return %c0_i32, %c0_i32_0 : i32, i32
  }
  func.func @transform_8(%arg0: i32) -> (i32, i32) {
    %c0_i32 = arith.constant 0 : i32
    %c0_i32_0 = arith.constant 0 : i32
    %c0_i32_1 = arith.constant 0 : i32
    return %c0_i32, %c0_i32_0 : i32, i32
  }
  func.func @transform_9(%arg0: i32) -> (i32, i32) {
    %c0_i32 = arith.constant 0 : i32
    %c0_i32_0 = arith.constant 0 : i32
    return %arg0, %c0_i32 : i32, i32
  }
  func.func @transform_10(%arg0: i32) -> (i32, i32, i32) {
    %c0_i32 = arith.constant 0 : i32
    %c0_i32_0 = arith.constant 0 : i32
    %c0_i32_1 = arith.constant 0 : i32
    return %c0_i32, %arg0, %c0_i32_0 : i32, i32, i32
  }
  func.func @transform_11(%arg0: i32) -> (i32, i32) {
    %c0_i32 = arith.constant 0 : i32
    %c0_i32_0 = arith.constant 0 : i32
    %c0_i32_1 = arith.constant 0 : i32
    return %c0_i32, %c0_i32_0 : i32, i32
  }
  func.func @transform_12(%arg0: i32) -> (i32, i32) {
    %c0_i32 = arith.constant 0 : i32
    %c0_i32_0 = arith.constant 0 : i32
    %c0_i32_1 = arith.constant 0 : i32
    return %c0_i32, %c0_i32_0 : i32, i32
  }
}

module attributes {stable_mosaic.version = 14 : i64} {
  func.func @_tc_final_body(%arg0: i32, %arg1: memref<1000x64xf32, #tpu.memory_space<vmem>>, %arg2: memref<1000x64xf32, #tpu.memory_space<vmem>>, %arg3: memref<1000x64xf32, #tpu.memory_space<vmem>>, %arg4: memref<1000x64xf32, #tpu.memory_space<vmem>>, %arg5: memref<1000x256xf32, #tpu.memory_space<vmem>>, %arg6: memref<1000x1xf32, #tpu.memory_space<vmem>>, %arg7: memref<1000x1xi32, #tpu.memory_space<vmem>>, %arg8: memref<256x256xf32, #tpu.memory_space<vmem>>, %arg9: memref<1x256xf32, #tpu.memory_space<vmem>>, %arg10: memref<16x256xf32, #tpu.memory_space<vmem>>, %arg11: memref<16x256xf32, #tpu.memory_space<vmem>>, %arg12: memref<16x256xf32, #tpu.memory_space<vmem>>, %arg13: memref<16x256xf32, #tpu.memory_space<vmem>>, %arg14: memref<16x128xf32, #tpu.memory_space<vmem>>, %arg15: memref<512x256xf32, #tpu.memory_space<vmem>>, %arg16: memref<1x256xf32, #tpu.memory_space<vmem>>, %arg17: memref<256x128xf32, #tpu.memory_space<vmem>>, %arg18: memref<1x128xf32, #tpu.memory_space<vmem>>, %arg19: memref<128x10xf32, #tpu.memory_space<vmem>>, %arg20: memref<1x10xf32, #tpu.memory_space<vmem>>, %arg21: memref<16x10xf32, #tpu.memory_space<vmem>>, %arg22: memref<16x256xf32, #tpu.memory_space<vmem>>, %arg23: memref<16x256xf32, #tpu.memory_space<vmem>>) attributes {dimension_semantics = [#tpu.dimension_semantics<arbitrary>], iteration_bounds = array<i64: 10>, scalar_prefetch = 0 : i64, scratch_operands = 0 : i64, tpu.core_type = #tpu.core_type<tc>, window_params = [{transform_indices = @transform_0, window_bounds = array<i64: 1000, 64>}, {transform_indices = @transform_1, window_bounds = array<i64: 1000, 64>}, {transform_indices = @transform_2, window_bounds = array<i64: 1000, 64>}, {transform_indices = @transform_3, window_bounds = array<i64: 1000, 64>}, {transform_indices = @transform_4, window_bounds = array<i64: 1000, 256>}, {transform_indices = @transform_5, window_bounds = array<i64: 1000, 1>}, {transform_indices = @transform_6, window_bounds = array<i64: 1000, 1>}, {pipeline_mode = #tpu.pipeline_mode<synchronous>, transform_indices = @transform_7, window_bounds = array<i64: 256, 256>}, {pipeline_mode = #tpu.pipeline_mode<synchronous>, transform_indices = @transform_8, window_bounds = array<i64: 1, 256>}, {pipeline_mode = #tpu.pipeline_mode<synchronous>, transform_indices = @transform_9, window_bounds = array<i64: 16, 256>}, {pipeline_mode = #tpu.pipeline_mode<synchronous>, transform_indices = @transform_10, window_bounds = array<i64: 16, 256>}, {pipeline_mode = #tpu.pipeline_mode<synchronous>, transform_indices = @transform_11, window_bounds = array<i64: 16, 256>}, {pipeline_mode = #tpu.pipeline_mode<synchronous>, transform_indices = @transform_12, window_bounds = array<i64: 16, 256>}, {pipeline_mode = #tpu.pipeline_mode<synchronous>, transform_indices = @transform_13, window_bounds = array<i64: 16, 128>}, {pipeline_mode = #tpu.pipeline_mode<synchronous>, transform_indices = @transform_14, window_bounds = array<i64: 512, 256>}, {pipeline_mode = #tpu.pipeline_mode<synchronous>, transform_indices = @transform_15, window_bounds = array<i64: 1, 256>}, {pipeline_mode = #tpu.pipeline_mode<synchronous>, transform_indices = @transform_16, window_bounds = array<i64: 256, 128>}, {pipeline_mode = #tpu.pipeline_mode<synchronous>, transform_indices = @transform_17, window_bounds = array<i64: 1, 128>}, {pipeline_mode = #tpu.pipeline_mode<synchronous>, transform_indices = @transform_18, window_bounds = array<i64: 128, 10>}, {pipeline_mode = #tpu.pipeline_mode<synchronous>, transform_indices = @transform_19, window_bounds = array<i64: 1, 10>}, {pipeline_mode = #tpu.pipeline_mode<synchronous>, transform_indices = @transform_20, window_bounds = array<i64: 16, 10>}, {pipeline_mode = #tpu.pipeline_mode<synchronous>, transform_indices = @transform_21, window_bounds = array<i64: 16, 256>}, {pipeline_mode = #tpu.pipeline_mode<synchronous>, transform_indices = @transform_22, window_bounds = array<i64: 16, 256>}]} {
    %get3A = arith.constant 0 : index
    %get3A_0 = arith.constant 0 : index
    %get3A_1 = vector.load %arg6[%get3A, %get3A_0] : memref<1000x1xf32, #tpu.memory_space<vmem>>, vector<1000x1xf32>
    %get3A_2 = arith.constant 0 : index
    %get3A_3 = arith.constant 0 : index
    %get3A_4 = vector.load %arg1[%get3A_2, %get3A_3] : memref<1000x64xf32, #tpu.memory_space<vmem>>, vector<1000x64xf32>
    %get3A_5 = arith.constant 0 : index
    %get3A_6 = arith.constant 0 : index
    %get3A_7 = vector.load %arg2[%get3A_5, %get3A_6] : memref<1000x64xf32, #tpu.memory_space<vmem>>, vector<1000x64xf32>
    %get3A_8 = arith.constant 0 : index
    %get3A_9 = arith.constant 0 : index
    %get3A_10 = vector.load %arg3[%get3A_8, %get3A_9] : memref<1000x64xf32, #tpu.memory_space<vmem>>, vector<1000x64xf32>
    %get3A_11 = arith.constant 0 : index
    %get3A_12 = arith.constant 0 : index
    %get3A_13 = vector.load %arg4[%get3A_11, %get3A_12] : memref<1000x64xf32, #tpu.memory_space<vmem>>, vector<1000x64xf32>
    %concatenate3A = tpu.concatenate %get3A_4, %get3A_7, %get3A_10, %get3A_13 in 1 : vector<1000x64xf32>, vector<1000x64xf32>, vector<1000x64xf32>, vector<1000x64xf32> -> vector<1000x256xf32>
    %mul3A = vector.broadcast %get3A_1 : vector<1000x1xf32> to vector<1000x256xf32>
    %mul3A_14 = arith.mulf %mul3A, %concatenate3A : vector<1000x256xf32>
    %mul3A_15 = arith.mulf %get3A_1, %get3A_1 : vector<1000x1xf32>
    %get3A_16 = arith.constant 0 : index
    %get3A_17 = arith.constant 0 : index
    %get3A_18 = vector.load %arg5[%get3A_16, %get3A_17] : memref<1000x256xf32, #tpu.memory_space<vmem>>, vector<1000x256xf32>
    %mul3A_19 = vector.broadcast %mul3A_15 : vector<1000x1xf32> to vector<1000x256xf32>
    %mul3A_20 = arith.mulf %mul3A_19, %get3A_18 : vector<1000x256xf32>
    %add3A = arith.addf %mul3A_14, %mul3A_20 : vector<1000x256xf32>
    %get3A_21 = arith.constant 0 : index
    %get3A_22 = arith.constant 0 : index
    %get3A_23 = vector.load %arg8[%get3A_21, %get3A_22] : memref<256x256xf32, #tpu.memory_space<vmem>>, vector<256x256xf32>
    %dot_general3A = arith.constant dense<0.000000e+00> : vector<1000x256xf32>
    %dot_general3A_24 = tpu.matmul %add3A, %get3A_23, %dot_general3A {dimension_numbers = #tpu.dot_dimension_numbers<[1], [0], [0], [1], [0, 0, 1, 1], [], []>, transpose_lhs_hint = false} : vector<1000x256xf32>, vector<256x256xf32>, vector<1000x256xf32> -> vector<1000x256xf32>
    %get3A_25 = arith.constant 0 : index
    %get3A_26 = arith.constant 0 : index
    %get3A_27 = vector.load %arg9[%get3A_25, %get3A_26] : memref<1x256xf32, #tpu.memory_space<vmem>>, vector<1x256xf32>
    %add3A_28 = vector.broadcast %get3A_27 : vector<1x256xf32> to vector<1000x256xf32>
    %add3A_29 = arith.addf %dot_general3A_24, %add3A_28 : vector<1000x256xf32>
    %max3A = arith.constant 0.000000e+00 : f32
    %max3A_30 = vector.broadcast %max3A : f32 to vector<1000x256xf32>
    %max3A_31 = arith.maximumf %add3A_29, %max3A_30 : vector<1000x256xf32>
    %get3A_32 = arith.constant 0 : index
    %get3A_33 = arith.constant 0 : index
    %get3A_34 = vector.load %arg7[%get3A_32, %get3A_33] : memref<1000x1xi32, #tpu.memory_space<vmem>>, vector<1000x1xi32>
    %iota3A = tpu.iota {dimensions = array<i32: 1>} : vector<1x16xi32>
    %eq3A = vector.broadcast %get3A_34 : vector<1000x1xi32> to vector<1000x16xi32>
    %eq3A_35 = vector.broadcast %iota3A : vector<1x16xi32> to vector<1000x16xi32>
    %eq3A_36 = arith.cmpi eq, %eq3A, %eq3A_35 : vector<1000x16xi32>
    %convert_element_type3A = arith.extui %eq3A_36 : vector<1000x16xi1> to vector<1000x16xi32>
    %convert_element_type3A_37 = arith.sitofp %convert_element_type3A : vector<1000x16xi32> to vector<1000x16xf32>
    %dot_general3A_38 = arith.constant dense<0.000000e+00> : vector<16x256xf32>
    %dot_general3A_39 = tpu.matmul %convert_element_type3A_37, %max3A_31, %dot_general3A_38 {dimension_numbers = #tpu.dot_dimension_numbers<[0], [0], [1], [1], [0, 1, 1, 1], [], []>, transpose_lhs_hint = false} : vector<1000x16xf32>, vector<1000x256xf32>, vector<16x256xf32> -> vector<16x256xf32>
    %eq3A_40 = arith.constant 0 : i32
    %eq3A_41 = arith.cmpi eq, %arg0, %eq3A_40 : i32
    %convert_element_type3A_42 = arith.extui %eq3A_41 : i1 to i32
    %cond3A = arith.constant 0 : i32
    %cond3A_43 = arith.cmpi ne, %convert_element_type3A_42, %cond3A : i32
    scf.if %cond3A_43 {
      %broadcast_in_dim3A_339 = arith.constant 0.000000e+00 : f32
      %broadcast_in_dim3A_340 = vector.broadcast %broadcast_in_dim3A_339 : f32 to vector<16x256xf32>
      %swap3A_341 = arith.constant 0 : index
      %swap3A_342 = arith.constant 0 : index
      %swap3A_343 = vector.load %arg22[%swap3A_341, %swap3A_342] : memref<16x256xf32, #tpu.memory_space<vmem>>, vector<16x256xf32>
      tpu.vector_store %arg22[%swap3A_341, %swap3A_342], %broadcast_in_dim3A_340 {strides = array<i32>} : memref<16x256xf32, #tpu.memory_space<vmem>>, vector<16x256xf32>,
      %broadcast_in_dim3A_344 = arith.constant 0.000000e+00 : f32
      %broadcast_in_dim3A_345 = vector.broadcast %broadcast_in_dim3A_344 : f32 to vector<16x256xf32>
      %swap3A_346 = arith.constant 0 : index
      %swap3A_347 = arith.constant 0 : index
      %swap3A_348 = vector.load %arg23[%swap3A_346, %swap3A_347] : memref<16x256xf32, #tpu.memory_space<vmem>>, vector<16x256xf32>
      tpu.vector_store %arg23[%swap3A_346, %swap3A_347], %broadcast_in_dim3A_345 {strides = array<i32>} : memref<16x256xf32, #tpu.memory_space<vmem>>, vector<16x256xf32>,
    } else {
    }
    %get3A_44 = arith.constant 0 : index
    %get3A_45 = arith.constant 0 : index
    %get3A_46 = vector.load %arg23[%get3A_44, %get3A_45] : memref<16x256xf32, #tpu.memory_space<vmem>>, vector<16x256xf32>
    %add3A_47 = arith.addf %get3A_46, %dot_general3A_39 : vector<16x256xf32>
    %swap3A = arith.constant 0 : index
    %swap3A_48 = arith.constant 0 : index
    %swap3A_49 = vector.load %arg23[%swap3A, %swap3A_48] : memref<16x256xf32, #tpu.memory_space<vmem>>, vector<16x256xf32>
    tpu.vector_store %arg23[%swap3A, %swap3A_48], %add3A_47 {strides = array<i32>} : memref<16x256xf32, #tpu.memory_space<vmem>>, vector<16x256xf32>,
    %eq3A_50 = arith.constant 0 : i32
    %eq3A_51 = vector.broadcast %eq3A_50 : i32 to vector<1000x1xi32>
    %eq3A_52 = arith.cmpi eq, %get3A_34, %eq3A_51 : vector<1000x1xi32>
    %jit3A = arith.constant 0.000000e+00 : f32
    %broadcast_in_dim3A = vector.shape_cast %eq3A_52 : vector<1000x1xi1> to vector<1000x1xi1>
    %broadcast_in_dim3A_53 = vector.broadcast %broadcast_in_dim3A : vector<1000x1xi1> to vector<1000x256xi1>
    %broadcast_in_dim3A_54 = vector.broadcast %jit3A : f32 to vector<1000x256xf32>
    %select_n3A = arith.select %broadcast_in_dim3A_53, %max3A_31, %broadcast_in_dim3A_54 : vector<1000x256xi1>, vector<1000x256xf32>
    %reduce_max3A = arith.constant dense<0xFF800000> : vector<256xf32>
    %reduce_max3A_55 = vector.multi_reduction <maximumf>, %select_n3A, %reduce_max3A [0] : vector<1000x256xf32> to vector<256xf32>
    %broadcast_in_dim3A_56 = vector.shape_cast %reduce_max3A_55 : vector<256xf32> to vector<1x256xf32>
    %get3A_57 = arith.constant 0 : index
    %get3A_58 = arith.constant 0 : index
    %get3A_59 = vector.load %arg22[%get3A_57, %get3A_58] : memref<16x256xf32, #tpu.memory_space<vmem>>, vector<1x256xf32>
    %max3A_60 = arith.maximumf %get3A_59, %broadcast_in_dim3A_56 : vector<1x256xf32>
    %swap3A_61 = arith.constant 0 : index
    %swap3A_62 = arith.constant 0 : index
    %swap3A_63 = vector.load %arg22[%swap3A_61, %swap3A_62] : memref<16x256xf32, #tpu.memory_space<vmem>>, vector<1x256xf32>
    tpu.vector_store %arg22[%swap3A_61, %swap3A_62], %max3A_60 {strides = array<i32>} : memref<16x256xf32, #tpu.memory_space<vmem>>, vector<1x256xf32>,
    %eq3A_64 = arith.constant 1 : i32
    %eq3A_65 = vector.broadcast %eq3A_64 : i32 to vector<1000x1xi32>
    %eq3A_66 = arith.cmpi eq, %get3A_34, %eq3A_65 : vector<1000x1xi32>
    %jit3A_67 = arith.constant 0.000000e+00 : f32
    %broadcast_in_dim3A_68 = vector.shape_cast %eq3A_66 : vector<1000x1xi1> to vector<1000x1xi1>
    %broadcast_in_dim3A_69 = vector.broadcast %broadcast_in_dim3A_68 : vector<1000x1xi1> to vector<1000x256xi1>
    %broadcast_in_dim3A_70 = vector.broadcast %jit3A_67 : f32 to vector<1000x256xf32>
    %select_n3A_71 = arith.select %broadcast_in_dim3A_69, %max3A_31, %broadcast_in_dim3A_70 : vector<1000x256xi1>, vector<1000x256xf32>
    %reduce_max3A_72 = arith.constant dense<0xFF800000> : vector<256xf32>
    %reduce_max3A_73 = vector.multi_reduction <maximumf>, %select_n3A_71, %reduce_max3A_72 [0] : vector<1000x256xf32> to vector<256xf32>
    %broadcast_in_dim3A_74 = vector.shape_cast %reduce_max3A_73 : vector<256xf32> to vector<1x256xf32>
    %get3A_75 = arith.constant 1 : index
    %get3A_76 = arith.constant 0 : index
    %get3A_77 = vector.load %arg22[%get3A_75, %get3A_76] : memref<16x256xf32, #tpu.memory_space<vmem>>, vector<1x256xf32>
    %max3A_78 = arith.maximumf %get3A_77, %broadcast_in_dim3A_74 : vector<1x256xf32>
    %swap3A_79 = arith.constant 1 : index
    %swap3A_80 = arith.constant 0 : index
    %swap3A_81 = vector.load %arg22[%swap3A_79, %swap3A_80] : memref<16x256xf32, #tpu.memory_space<vmem>>, vector<1x256xf32>
    tpu.vector_store %arg22[%swap3A_79, %swap3A_80], %max3A_78 {strides = array<i32>} : memref<16x256xf32, #tpu.memory_space<vmem>>, vector<1x256xf32>,
    %eq3A_82 = arith.constant 2 : i32
    %eq3A_83 = vector.broadcast %eq3A_82 : i32 to vector<1000x1xi32>
    %eq3A_84 = arith.cmpi eq, %get3A_34, %eq3A_83 : vector<1000x1xi32>
    %jit3A_85 = arith.constant 0.000000e+00 : f32
    %broadcast_in_dim3A_86 = vector.shape_cast %eq3A_84 : vector<1000x1xi1> to vector<1000x1xi1>
    %broadcast_in_dim3A_87 = vector.broadcast %broadcast_in_dim3A_86 : vector<1000x1xi1> to vector<1000x256xi1>
    %broadcast_in_dim3A_88 = vector.broadcast %jit3A_85 : f32 to vector<1000x256xf32>
    %select_n3A_89 = arith.select %broadcast_in_dim3A_87, %max3A_31, %broadcast_in_dim3A_88 : vector<1000x256xi1>, vector<1000x256xf32>
    %reduce_max3A_90 = arith.constant dense<0xFF800000> : vector<256xf32>
    %reduce_max3A_91 = vector.multi_reduction <maximumf>, %select_n3A_89, %reduce_max3A_90 [0] : vector<1000x256xf32> to vector<256xf32>
    %broadcast_in_dim3A_92 = vector.shape_cast %reduce_max3A_91 : vector<256xf32> to vector<1x256xf32>
    %get3A_93 = arith.constant 2 : index
    %get3A_94 = arith.constant 0 : index
    %get3A_95 = vector.load %arg22[%get3A_93, %get3A_94] : memref<16x256xf32, #tpu.memory_space<vmem>>, vector<1x256xf32>
    %max3A_96 = arith.maximumf %get3A_95, %broadcast_in_dim3A_92 : vector<1x256xf32>
    %swap3A_97 = arith.constant 2 : index
    %swap3A_98 = arith.constant 0 : index
    %swap3A_99 = vector.load %arg22[%swap3A_97, %swap3A_98] : memref<16x256xf32, #tpu.memory_space<vmem>>, vector<1x256xf32>
    tpu.vector_store %arg22[%swap3A_97, %swap3A_98], %max3A_96 {strides = array<i32>} : memref<16x256xf32, #tpu.memory_space<vmem>>, vector<1x256xf32>,
    %eq3A_100 = arith.constant 3 : i32
    %eq3A_101 = vector.broadcast %eq3A_100 : i32 to vector<1000x1xi32>
    %eq3A_102 = arith.cmpi eq, %get3A_34, %eq3A_101 : vector<1000x1xi32>
    %jit3A_103 = arith.constant 0.000000e+00 : f32
    %broadcast_in_dim3A_104 = vector.shape_cast %eq3A_102 : vector<1000x1xi1> to vector<1000x1xi1>
    %broadcast_in_dim3A_105 = vector.broadcast %broadcast_in_dim3A_104 : vector<1000x1xi1> to vector<1000x256xi1>
    %broadcast_in_dim3A_106 = vector.broadcast %jit3A_103 : f32 to vector<1000x256xf32>
    %select_n3A_107 = arith.select %broadcast_in_dim3A_105, %max3A_31, %broadcast_in_dim3A_106 : vector<1000x256xi1>, vector<1000x256xf32>
    %reduce_max3A_108 = arith.constant dense<0xFF800000> : vector<256xf32>
    %reduce_max3A_109 = vector.multi_reduction <maximumf>, %select_n3A_107, %reduce_max3A_108 [0] : vector<1000x256xf32> to vector<256xf32>
    %broadcast_in_dim3A_110 = vector.shape_cast %reduce_max3A_109 : vector<256xf32> to vector<1x256xf32>
    %get3A_111 = arith.constant 3 : index
    %get3A_112 = arith.constant 0 : index
    %get3A_113 = vector.load %arg22[%get3A_111, %get3A_112] : memref<16x256xf32, #tpu.memory_space<vmem>>, vector<1x256xf32>
    %max3A_114 = arith.maximumf %get3A_113, %broadcast_in_dim3A_110 : vector<1x256xf32>
    %swap3A_115 = arith.constant 3 : index
    %swap3A_116 = arith.constant 0 : index
    %swap3A_117 = vector.load %arg22[%swap3A_115, %swap3A_116] : memref<16x256xf32, #tpu.memory_space<vmem>>, vector<1x256xf32>
    tpu.vector_store %arg22[%swap3A_115, %swap3A_116], %max3A_114 {strides = array<i32>} : memref<16x256xf32, #tpu.memory_space<vmem>>, vector<1x256xf32>,
    %eq3A_118 = arith.constant 4 : i32
    %eq3A_119 = vector.broadcast %eq3A_118 : i32 to vector<1000x1xi32>
    %eq3A_120 = arith.cmpi eq, %get3A_34, %eq3A_119 : vector<1000x1xi32>
    %jit3A_121 = arith.constant 0.000000e+00 : f32
    %broadcast_in_dim3A_122 = vector.shape_cast %eq3A_120 : vector<1000x1xi1> to vector<1000x1xi1>
    %broadcast_in_dim3A_123 = vector.broadcast %broadcast_in_dim3A_122 : vector<1000x1xi1> to vector<1000x256xi1>
    %broadcast_in_dim3A_124 = vector.broadcast %jit3A_121 : f32 to vector<1000x256xf32>
    %select_n3A_125 = arith.select %broadcast_in_dim3A_123, %max3A_31, %broadcast_in_dim3A_124 : vector<1000x256xi1>, vector<1000x256xf32>
    %reduce_max3A_126 = arith.constant dense<0xFF800000> : vector<256xf32>
    %reduce_max3A_127 = vector.multi_reduction <maximumf>, %select_n3A_125, %reduce_max3A_126 [0] : vector<1000x256xf32> to vector<256xf32>
    %broadcast_in_dim3A_128 = vector.shape_cast %reduce_max3A_127 : vector<256xf32> to vector<1x256xf32>
    %get3A_129 = arith.constant 4 : index
    %get3A_130 = arith.constant 0 : index
    %get3A_131 = vector.load %arg22[%get3A_129, %get3A_130] : memref<16x256xf32, #tpu.memory_space<vmem>>, vector<1x256xf32>
    %max3A_132 = arith.maximumf %get3A_131, %broadcast_in_dim3A_128 : vector<1x256xf32>
    %swap3A_133 = arith.constant 4 : index
    %swap3A_134 = arith.constant 0 : index
    %swap3A_135 = vector.load %arg22[%swap3A_133, %swap3A_134] : memref<16x256xf32, #tpu.memory_space<vmem>>, vector<1x256xf32>
    tpu.vector_store %arg22[%swap3A_133, %swap3A_134], %max3A_132 {strides = array<i32>} : memref<16x256xf32, #tpu.memory_space<vmem>>, vector<1x256xf32>,
    %eq3A_136 = arith.constant 5 : i32
    %eq3A_137 = vector.broadcast %eq3A_136 : i32 to vector<1000x1xi32>
    %eq3A_138 = arith.cmpi eq, %get3A_34, %eq3A_137 : vector<1000x1xi32>
    %jit3A_139 = arith.constant 0.000000e+00 : f32
    %broadcast_in_dim3A_140 = vector.shape_cast %eq3A_138 : vector<1000x1xi1> to vector<1000x1xi1>
    %broadcast_in_dim3A_141 = vector.broadcast %broadcast_in_dim3A_140 : vector<1000x1xi1> to vector<1000x256xi1>
    %broadcast_in_dim3A_142 = vector.broadcast %jit3A_139 : f32 to vector<1000x256xf32>
    %select_n3A_143 = arith.select %broadcast_in_dim3A_141, %max3A_31, %broadcast_in_dim3A_142 : vector<1000x256xi1>, vector<1000x256xf32>
    %reduce_max3A_144 = arith.constant dense<0xFF800000> : vector<256xf32>
    %reduce_max3A_145 = vector.multi_reduction <maximumf>, %select_n3A_143, %reduce_max3A_144 [0] : vector<1000x256xf32> to vector<256xf32>
    %broadcast_in_dim3A_146 = vector.shape_cast %reduce_max3A_145 : vector<256xf32> to vector<1x256xf32>
    %get3A_147 = arith.constant 5 : index
    %get3A_148 = arith.constant 0 : index
    %get3A_149 = vector.load %arg22[%get3A_147, %get3A_148] : memref<16x256xf32, #tpu.memory_space<vmem>>, vector<1x256xf32>
    %max3A_150 = arith.maximumf %get3A_149, %broadcast_in_dim3A_146 : vector<1x256xf32>
    %swap3A_151 = arith.constant 5 : index
    %swap3A_152 = arith.constant 0 : index
    %swap3A_153 = vector.load %arg22[%swap3A_151, %swap3A_152] : memref<16x256xf32, #tpu.memory_space<vmem>>, vector<1x256xf32>
    tpu.vector_store %arg22[%swap3A_151, %swap3A_152], %max3A_150 {strides = array<i32>} : memref<16x256xf32, #tpu.memory_space<vmem>>, vector<1x256xf32>,
    %eq3A_154 = arith.constant 6 : i32
    %eq3A_155 = vector.broadcast %eq3A_154 : i32 to vector<1000x1xi32>
    %eq3A_156 = arith.cmpi eq, %get3A_34, %eq3A_155 : vector<1000x1xi32>
    %jit3A_157 = arith.constant 0.000000e+00 : f32
    %broadcast_in_dim3A_158 = vector.shape_cast %eq3A_156 : vector<1000x1xi1> to vector<1000x1xi1>
    %broadcast_in_dim3A_159 = vector.broadcast %broadcast_in_dim3A_158 : vector<1000x1xi1> to vector<1000x256xi1>
    %broadcast_in_dim3A_160 = vector.broadcast %jit3A_157 : f32 to vector<1000x256xf32>
    %select_n3A_161 = arith.select %broadcast_in_dim3A_159, %max3A_31, %broadcast_in_dim3A_160 : vector<1000x256xi1>, vector<1000x256xf32>
    %reduce_max3A_162 = arith.constant dense<0xFF800000> : vector<256xf32>
    %reduce_max3A_163 = vector.multi_reduction <maximumf>, %select_n3A_161, %reduce_max3A_162 [0] : vector<1000x256xf32> to vector<256xf32>
    %broadcast_in_dim3A_164 = vector.shape_cast %reduce_max3A_163 : vector<256xf32> to vector<1x256xf32>
    %get3A_165 = arith.constant 6 : index
    %get3A_166 = arith.constant 0 : index
    %get3A_167 = vector.load %arg22[%get3A_165, %get3A_166] : memref<16x256xf32, #tpu.memory_space<vmem>>, vector<1x256xf32>
    %max3A_168 = arith.maximumf %get3A_167, %broadcast_in_dim3A_164 : vector<1x256xf32>
    %swap3A_169 = arith.constant 6 : index
    %swap3A_170 = arith.constant 0 : index
    %swap3A_171 = vector.load %arg22[%swap3A_169, %swap3A_170] : memref<16x256xf32, #tpu.memory_space<vmem>>, vector<1x256xf32>
    tpu.vector_store %arg22[%swap3A_169, %swap3A_170], %max3A_168 {strides = array<i32>} : memref<16x256xf32, #tpu.memory_space<vmem>>, vector<1x256xf32>,
    %eq3A_172 = arith.constant 7 : i32
    %eq3A_173 = vector.broadcast %eq3A_172 : i32 to vector<1000x1xi32>
    %eq3A_174 = arith.cmpi eq, %get3A_34, %eq3A_173 : vector<1000x1xi32>
    %jit3A_175 = arith.constant 0.000000e+00 : f32
    %broadcast_in_dim3A_176 = vector.shape_cast %eq3A_174 : vector<1000x1xi1> to vector<1000x1xi1>
    %broadcast_in_dim3A_177 = vector.broadcast %broadcast_in_dim3A_176 : vector<1000x1xi1> to vector<1000x256xi1>
    %broadcast_in_dim3A_178 = vector.broadcast %jit3A_175 : f32 to vector<1000x256xf32>
    %select_n3A_179 = arith.select %broadcast_in_dim3A_177, %max3A_31, %broadcast_in_dim3A_178 : vector<1000x256xi1>, vector<1000x256xf32>
    %reduce_max3A_180 = arith.constant dense<0xFF800000> : vector<256xf32>
    %reduce_max3A_181 = vector.multi_reduction <maximumf>, %select_n3A_179, %reduce_max3A_180 [0] : vector<1000x256xf32> to vector<256xf32>
    %broadcast_in_dim3A_182 = vector.shape_cast %reduce_max3A_181 : vector<256xf32> to vector<1x256xf32>
    %get3A_183 = arith.constant 7 : index
    %get3A_184 = arith.constant 0 : index
    %get3A_185 = vector.load %arg22[%get3A_183, %get3A_184] : memref<16x256xf32, #tpu.memory_space<vmem>>, vector<1x256xf32>
    %max3A_186 = arith.maximumf %get3A_185, %broadcast_in_dim3A_182 : vector<1x256xf32>
    %swap3A_187 = arith.constant 7 : index
    %swap3A_188 = arith.constant 0 : index
    %swap3A_189 = vector.load %arg22[%swap3A_187, %swap3A_188] : memref<16x256xf32, #tpu.memory_space<vmem>>, vector<1x256xf32>
    tpu.vector_store %arg22[%swap3A_187, %swap3A_188], %max3A_186 {strides = array<i32>} : memref<16x256xf32, #tpu.memory_space<vmem>>, vector<1x256xf32>,
    %eq3A_190 = arith.constant 8 : i32
    %eq3A_191 = vector.broadcast %eq3A_190 : i32 to vector<1000x1xi32>
    %eq3A_192 = arith.cmpi eq, %get3A_34, %eq3A_191 : vector<1000x1xi32>
    %jit3A_193 = arith.constant 0.000000e+00 : f32
    %broadcast_in_dim3A_194 = vector.shape_cast %eq3A_192 : vector<1000x1xi1> to vector<1000x1xi1>
    %broadcast_in_dim3A_195 = vector.broadcast %broadcast_in_dim3A_194 : vector<1000x1xi1> to vector<1000x256xi1>
    %broadcast_in_dim3A_196 = vector.broadcast %jit3A_193 : f32 to vector<1000x256xf32>
    %select_n3A_197 = arith.select %broadcast_in_dim3A_195, %max3A_31, %broadcast_in_dim3A_196 : vector<1000x256xi1>, vector<1000x256xf32>
    %reduce_max3A_198 = arith.constant dense<0xFF800000> : vector<256xf32>
    %reduce_max3A_199 = vector.multi_reduction <maximumf>, %select_n3A_197, %reduce_max3A_198 [0] : vector<1000x256xf32> to vector<256xf32>
    %broadcast_in_dim3A_200 = vector.shape_cast %reduce_max3A_199 : vector<256xf32> to vector<1x256xf32>
    %get3A_201 = arith.constant 8 : index
    %get3A_202 = arith.constant 0 : index
    %get3A_203 = vector.load %arg22[%get3A_201, %get3A_202] : memref<16x256xf32, #tpu.memory_space<vmem>>, vector<1x256xf32>
    %max3A_204 = arith.maximumf %get3A_203, %broadcast_in_dim3A_200 : vector<1x256xf32>
    %swap3A_205 = arith.constant 8 : index
    %swap3A_206 = arith.constant 0 : index
    %swap3A_207 = vector.load %arg22[%swap3A_205, %swap3A_206] : memref<16x256xf32, #tpu.memory_space<vmem>>, vector<1x256xf32>
    tpu.vector_store %arg22[%swap3A_205, %swap3A_206], %max3A_204 {strides = array<i32>} : memref<16x256xf32, #tpu.memory_space<vmem>>, vector<1x256xf32>,
    %eq3A_208 = arith.constant 9 : i32
    %eq3A_209 = vector.broadcast %eq3A_208 : i32 to vector<1000x1xi32>
    %eq3A_210 = arith.cmpi eq, %get3A_34, %eq3A_209 : vector<1000x1xi32>
    %jit3A_211 = arith.constant 0.000000e+00 : f32
    %broadcast_in_dim3A_212 = vector.shape_cast %eq3A_210 : vector<1000x1xi1> to vector<1000x1xi1>
    %broadcast_in_dim3A_213 = vector.broadcast %broadcast_in_dim3A_212 : vector<1000x1xi1> to vector<1000x256xi1>
    %broadcast_in_dim3A_214 = vector.broadcast %jit3A_211 : f32 to vector<1000x256xf32>
    %select_n3A_215 = arith.select %broadcast_in_dim3A_213, %max3A_31, %broadcast_in_dim3A_214 : vector<1000x256xi1>, vector<1000x256xf32>
    %reduce_max3A_216 = arith.constant dense<0xFF800000> : vector<256xf32>
    %reduce_max3A_217 = vector.multi_reduction <maximumf>, %select_n3A_215, %reduce_max3A_216 [0] : vector<1000x256xf32> to vector<256xf32>
    %broadcast_in_dim3A_218 = vector.shape_cast %reduce_max3A_217 : vector<256xf32> to vector<1x256xf32>
    %get3A_219 = arith.constant 9 : index
    %get3A_220 = arith.constant 0 : index
    %get3A_221 = vector.load %arg22[%get3A_219, %get3A_220] : memref<16x256xf32, #tpu.memory_space<vmem>>, vector<1x256xf32>
    %max3A_222 = arith.maximumf %get3A_221, %broadcast_in_dim3A_218 : vector<1x256xf32>
    %swap3A_223 = arith.constant 9 : index
    %swap3A_224 = arith.constant 0 : index
    %swap3A_225 = vector.load %arg22[%swap3A_223, %swap3A_224] : memref<16x256xf32, #tpu.memory_space<vmem>>, vector<1x256xf32>
    tpu.vector_store %arg22[%swap3A_223, %swap3A_224], %max3A_222 {strides = array<i32>} : memref<16x256xf32, #tpu.memory_space<vmem>>, vector<1x256xf32>,
    %eq3A_226 = arith.constant 10 : i32
    %eq3A_227 = vector.broadcast %eq3A_226 : i32 to vector<1000x1xi32>
    %eq3A_228 = arith.cmpi eq, %get3A_34, %eq3A_227 : vector<1000x1xi32>
    %jit3A_229 = arith.constant 0.000000e+00 : f32
    %broadcast_in_dim3A_230 = vector.shape_cast %eq3A_228 : vector<1000x1xi1> to vector<1000x1xi1>
    %broadcast_in_dim3A_231 = vector.broadcast %broadcast_in_dim3A_230 : vector<1000x1xi1> to vector<1000x256xi1>
    %broadcast_in_dim3A_232 = vector.broadcast %jit3A_229 : f32 to vector<1000x256xf32>
    %select_n3A_233 = arith.select %broadcast_in_dim3A_231, %max3A_31, %broadcast_in_dim3A_232 : vector<1000x256xi1>, vector<1000x256xf32>
    %reduce_max3A_234 = arith.constant dense<0xFF800000> : vector<256xf32>
    %reduce_max3A_235 = vector.multi_reduction <maximumf>, %select_n3A_233, %reduce_max3A_234 [0] : vector<1000x256xf32> to vector<256xf32>
    %broadcast_in_dim3A_236 = vector.shape_cast %reduce_max3A_235 : vector<256xf32> to vector<1x256xf32>
    %get3A_237 = arith.constant 10 : index
    %get3A_238 = arith.constant 0 : index
    %get3A_239 = vector.load %arg22[%get3A_237, %get3A_238] : memref<16x256xf32, #tpu.memory_space<vmem>>, vector<1x256xf32>
    %max3A_240 = arith.maximumf %get3A_239, %broadcast_in_dim3A_236 : vector<1x256xf32>
    %swap3A_241 = arith.constant 10 : index
    %swap3A_242 = arith.constant 0 : index
    %swap3A_243 = vector.load %arg22[%swap3A_241, %swap3A_242] : memref<16x256xf32, #tpu.memory_space<vmem>>, vector<1x256xf32>
    tpu.vector_store %arg22[%swap3A_241, %swap3A_242], %max3A_240 {strides = array<i32>} : memref<16x256xf32, #tpu.memory_space<vmem>>, vector<1x256xf32>,
    %eq3A_244 = arith.constant 11 : i32
    %eq3A_245 = vector.broadcast %eq3A_244 : i32 to vector<1000x1xi32>
    %eq3A_246 = arith.cmpi eq, %get3A_34, %eq3A_245 : vector<1000x1xi32>
    %jit3A_247 = arith.constant 0.000000e+00 : f32
    %broadcast_in_dim3A_248 = vector.shape_cast %eq3A_246 : vector<1000x1xi1> to vector<1000x1xi1>
    %broadcast_in_dim3A_249 = vector.broadcast %broadcast_in_dim3A_248 : vector<1000x1xi1> to vector<1000x256xi1>
    %broadcast_in_dim3A_250 = vector.broadcast %jit3A_247 : f32 to vector<1000x256xf32>
    %select_n3A_251 = arith.select %broadcast_in_dim3A_249, %max3A_31, %broadcast_in_dim3A_250 : vector<1000x256xi1>, vector<1000x256xf32>
    %reduce_max3A_252 = arith.constant dense<0xFF800000> : vector<256xf32>
    %reduce_max3A_253 = vector.multi_reduction <maximumf>, %select_n3A_251, %reduce_max3A_252 [0] : vector<1000x256xf32> to vector<256xf32>
    %broadcast_in_dim3A_254 = vector.shape_cast %reduce_max3A_253 : vector<256xf32> to vector<1x256xf32>
    %get3A_255 = arith.constant 11 : index
    %get3A_256 = arith.constant 0 : index
    %get3A_257 = vector.load %arg22[%get3A_255, %get3A_256] : memref<16x256xf32, #tpu.memory_space<vmem>>, vector<1x256xf32>
    %max3A_258 = arith.maximumf %get3A_257, %broadcast_in_dim3A_254 : vector<1x256xf32>
    %swap3A_259 = arith.constant 11 : index
    %swap3A_260 = arith.constant 0 : index
    %swap3A_261 = vector.load %arg22[%swap3A_259, %swap3A_260] : memref<16x256xf32, #tpu.memory_space<vmem>>, vector<1x256xf32>
    tpu.vector_store %arg22[%swap3A_259, %swap3A_260], %max3A_258 {strides = array<i32>} : memref<16x256xf32, #tpu.memory_space<vmem>>, vector<1x256xf32>,
    %eq3A_262 = arith.constant 12 : i32
    %eq3A_263 = vector.broadcast %eq3A_262 : i32 to vector<1000x1xi32>
    %eq3A_264 = arith.cmpi eq, %get3A_34, %eq3A_263 : vector<1000x1xi32>
    %jit3A_265 = arith.constant 0.000000e+00 : f32
    %broadcast_in_dim3A_266 = vector.shape_cast %eq3A_264 : vector<1000x1xi1> to vector<1000x1xi1>
    %broadcast_in_dim3A_267 = vector.broadcast %broadcast_in_dim3A_266 : vector<1000x1xi1> to vector<1000x256xi1>
    %broadcast_in_dim3A_268 = vector.broadcast %jit3A_265 : f32 to vector<1000x256xf32>
    %select_n3A_269 = arith.select %broadcast_in_dim3A_267, %max3A_31, %broadcast_in_dim3A_268 : vector<1000x256xi1>, vector<1000x256xf32>
    %reduce_max3A_270 = arith.constant dense<0xFF800000> : vector<256xf32>
    %reduce_max3A_271 = vector.multi_reduction <maximumf>, %select_n3A_269, %reduce_max3A_270 [0] : vector<1000x256xf32> to vector<256xf32>
    %broadcast_in_dim3A_272 = vector.shape_cast %reduce_max3A_271 : vector<256xf32> to vector<1x256xf32>
    %get3A_273 = arith.constant 12 : index
    %get3A_274 = arith.constant 0 : index
    %get3A_275 = vector.load %arg22[%get3A_273, %get3A_274] : memref<16x256xf32, #tpu.memory_space<vmem>>, vector<1x256xf32>
    %max3A_276 = arith.maximumf %get3A_275, %broadcast_in_dim3A_272 : vector<1x256xf32>
    %swap3A_277 = arith.constant 12 : index
    %swap3A_278 = arith.constant 0 : index
    %swap3A_279 = vector.load %arg22[%swap3A_277, %swap3A_278] : memref<16x256xf32, #tpu.memory_space<vmem>>, vector<1x256xf32>
    tpu.vector_store %arg22[%swap3A_277, %swap3A_278], %max3A_276 {strides = array<i32>} : memref<16x256xf32, #tpu.memory_space<vmem>>, vector<1x256xf32>,
    %eq3A_280 = arith.constant 13 : i32
    %eq3A_281 = vector.broadcast %eq3A_280 : i32 to vector<1000x1xi32>
    %eq3A_282 = arith.cmpi eq, %get3A_34, %eq3A_281 : vector<1000x1xi32>
    %jit3A_283 = arith.constant 0.000000e+00 : f32
    %broadcast_in_dim3A_284 = vector.shape_cast %eq3A_282 : vector<1000x1xi1> to vector<1000x1xi1>
    %broadcast_in_dim3A_285 = vector.broadcast %broadcast_in_dim3A_284 : vector<1000x1xi1> to vector<1000x256xi1>
    %broadcast_in_dim3A_286 = vector.broadcast %jit3A_283 : f32 to vector<1000x256xf32>
    %select_n3A_287 = arith.select %broadcast_in_dim3A_285, %max3A_31, %broadcast_in_dim3A_286 : vector<1000x256xi1>, vector<1000x256xf32>
    %reduce_max3A_288 = arith.constant dense<0xFF800000> : vector<256xf32>
    %reduce_max3A_289 = vector.multi_reduction <maximumf>, %select_n3A_287, %reduce_max3A_288 [0] : vector<1000x256xf32> to vector<256xf32>
    %broadcast_in_dim3A_290 = vector.shape_cast %reduce_max3A_289 : vector<256xf32> to vector<1x256xf32>
    %get3A_291 = arith.constant 13 : index
    %get3A_292 = arith.constant 0 : index
    %get3A_293 = vector.load %arg22[%get3A_291, %get3A_292] : memref<16x256xf32, #tpu.memory_space<vmem>>, vector<1x256xf32>
    %max3A_294 = arith.maximumf %get3A_293, %broadcast_in_dim3A_290 : vector<1x256xf32>
    %swap3A_295 = arith.constant 13 : index
    %swap3A_296 = arith.constant 0 : index
    %swap3A_297 = vector.load %arg22[%swap3A_295, %swap3A_296] : memref<16x256xf32, #tpu.memory_space<vmem>>, vector<1x256xf32>
    tpu.vector_store %arg22[%swap3A_295, %swap3A_296], %max3A_294 {strides = array<i32>} : memref<16x256xf32, #tpu.memory_space<vmem>>, vector<1x256xf32>,
    %eq3A_298 = arith.constant 14 : i32
    %eq3A_299 = vector.broadcast %eq3A_298 : i32 to vector<1000x1xi32>
    %eq3A_300 = arith.cmpi eq, %get3A_34, %eq3A_299 : vector<1000x1xi32>
    %jit3A_301 = arith.constant 0.000000e+00 : f32
    %broadcast_in_dim3A_302 = vector.shape_cast %eq3A_300 : vector<1000x1xi1> to vector<1000x1xi1>
    %broadcast_in_dim3A_303 = vector.broadcast %broadcast_in_dim3A_302 : vector<1000x1xi1> to vector<1000x256xi1>
    %broadcast_in_dim3A_304 = vector.broadcast %jit3A_301 : f32 to vector<1000x256xf32>
    %select_n3A_305 = arith.select %broadcast_in_dim3A_303, %max3A_31, %broadcast_in_dim3A_304 : vector<1000x256xi1>, vector<1000x256xf32>
    %reduce_max3A_306 = arith.constant dense<0xFF800000> : vector<256xf32>
    %reduce_max3A_307 = vector.multi_reduction <maximumf>, %select_n3A_305, %reduce_max3A_306 [0] : vector<1000x256xf32> to vector<256xf32>
    %broadcast_in_dim3A_308 = vector.shape_cast %reduce_max3A_307 : vector<256xf32> to vector<1x256xf32>
    %get3A_309 = arith.constant 14 : index
    %get3A_310 = arith.constant 0 : index
    %get3A_311 = vector.load %arg22[%get3A_309, %get3A_310] : memref<16x256xf32, #tpu.memory_space<vmem>>, vector<1x256xf32>
    %max3A_312 = arith.maximumf %get3A_311, %broadcast_in_dim3A_308 : vector<1x256xf32>
    %swap3A_313 = arith.constant 14 : index
    %swap3A_314 = arith.constant 0 : index
    %swap3A_315 = vector.load %arg22[%swap3A_313, %swap3A_314] : memref<16x256xf32, #tpu.memory_space<vmem>>, vector<1x256xf32>
    tpu.vector_store %arg22[%swap3A_313, %swap3A_314], %max3A_312 {strides = array<i32>} : memref<16x256xf32, #tpu.memory_space<vmem>>, vector<1x256xf32>,
    %eq3A_316 = arith.constant 15 : i32
    %eq3A_317 = vector.broadcast %eq3A_316 : i32 to vector<1000x1xi32>
    %eq3A_318 = arith.cmpi eq, %get3A_34, %eq3A_317 : vector<1000x1xi32>
    %jit3A_319 = arith.constant 0.000000e+00 : f32
    %broadcast_in_dim3A_320 = vector.shape_cast %eq3A_318 : vector<1000x1xi1> to vector<1000x1xi1>
    %broadcast_in_dim3A_321 = vector.broadcast %broadcast_in_dim3A_320 : vector<1000x1xi1> to vector<1000x256xi1>
    %broadcast_in_dim3A_322 = vector.broadcast %jit3A_319 : f32 to vector<1000x256xf32>
    %select_n3A_323 = arith.select %broadcast_in_dim3A_321, %max3A_31, %broadcast_in_dim3A_322 : vector<1000x256xi1>, vector<1000x256xf32>
    %reduce_max3A_324 = arith.constant dense<0xFF800000> : vector<256xf32>
    %reduce_max3A_325 = vector.multi_reduction <maximumf>, %select_n3A_323, %reduce_max3A_324 [0] : vector<1000x256xf32> to vector<256xf32>
    %broadcast_in_dim3A_326 = vector.shape_cast %reduce_max3A_325 : vector<256xf32> to vector<1x256xf32>
    %get3A_327 = arith.constant 15 : index
    %get3A_328 = arith.constant 0 : index
    %get3A_329 = vector.load %arg22[%get3A_327, %get3A_328] : memref<16x256xf32, #tpu.memory_space<vmem>>, vector<1x256xf32>
    %max3A_330 = arith.maximumf %get3A_329, %broadcast_in_dim3A_326 : vector<1x256xf32>
    %swap3A_331 = arith.constant 15 : index
    %swap3A_332 = arith.constant 0 : index
    %swap3A_333 = vector.load %arg22[%swap3A_331, %swap3A_332] : memref<16x256xf32, #tpu.memory_space<vmem>>, vector<1x256xf32>
    tpu.vector_store %arg22[%swap3A_331, %swap3A_332], %max3A_330 {strides = array<i32>} : memref<16x256xf32, #tpu.memory_space<vmem>>, vector<1x256xf32>,
    %eq3A_334 = arith.constant 9 : i32
    %eq3A_335 = arith.cmpi eq, %arg0, %eq3A_334 : i32
    %convert_element_type3A_336 = arith.extui %eq3A_335 : i1 to i32
    %cond3A_337 = arith.constant 0 : i32
    %cond3A_338 = arith.cmpi ne, %convert_element_type3A_336, %cond3A_337 : i32
    scf.if %cond3A_338 {
      %get3A_339 = arith.constant 0 : index
      %get3A_340 = arith.constant 0 : index
      %get3A_341 = vector.load %arg14[%get3A_339, %get3A_340] : memref<16x128xf32, #tpu.memory_space<vmem>>, vector<16x128xf32>
      %slice3A = vector.extract_strided_slice %get3A_341 {offsets = [0, 0], sizes = [16, 1], strides = [1, 1]} : vector<16x128xf32> to vector<16x1xf32>
      %max3A_342 = arith.constant 1.000000e+00 : f32
      %max3A_343 = vector.broadcast %max3A_342 : f32 to vector<16x1xf32>
      %max3A_344 = arith.maximumf %slice3A, %max3A_343 : vector<16x1xf32>
      %get3A_345 = arith.constant 0 : index
      %get3A_346 = arith.constant 0 : index
      %get3A_347 = vector.load %arg10[%get3A_345, %get3A_346] : memref<16x256xf32, #tpu.memory_space<vmem>>, vector<16x256xf32>
      %get3A_348 = arith.constant 0 : index
      %get3A_349 = arith.constant 0 : index
      %get3A_350 = vector.load %arg11[%get3A_348, %get3A_349] : memref<16x256xf32, #tpu.memory_space<vmem>>, vector<16x256xf32>
      %div3A = vector.broadcast %max3A_344 : vector<16x1xf32> to vector<16x256xf32>
      %div3A_351 = arith.divf %get3A_350, %div3A : vector<16x256xf32>
      %concatenate3A_352 = tpu.concatenate %get3A_347, %div3A_351 in 1 : vector<16x256xf32>, vector<16x256xf32> -> vector<16x512xf32>
      %max3A_353 = arith.constant 0.000000e+00 : f32
      %max3A_354 = vector.broadcast %max3A_353 : f32 to vector<16x512xf32>
      %max3A_355 = arith.maximumf %concatenate3A_352, %max3A_354 : vector<16x512xf32>
      %get3A_356 = arith.constant 0 : index
      %get3A_357 = arith.constant 0 : index
      %get3A_358 = vector.load %arg12[%get3A_356, %get3A_357] : memref<16x256xf32, #tpu.memory_space<vmem>>, vector<16x256xf32>
      %get3A_359 = arith.constant 0 : index
      %get3A_360 = arith.constant 0 : index
      %get3A_361 = vector.load %arg13[%get3A_359, %get3A_360] : memref<16x256xf32, #tpu.memory_space<vmem>>, vector<16x256xf32>
      %div3A_362 = vector.broadcast %max3A_344 : vector<16x1xf32> to vector<16x256xf32>
      %div3A_363 = arith.divf %get3A_361, %div3A_362 : vector<16x256xf32>
      %concatenate3A_364 = tpu.concatenate %get3A_358, %div3A_363 in 1 : vector<16x256xf32>, vector<16x256xf32> -> vector<16x512xf32>
      %max3A_365 = arith.constant 0.000000e+00 : f32
      %max3A_366 = vector.broadcast %max3A_365 : f32 to vector<16x512xf32>
      %max3A_367 = arith.maximumf %concatenate3A_364, %max3A_366 : vector<16x512xf32>
      %add3A_368 = arith.addf %max3A_355, %max3A_367 : vector<16x512xf32>
      %get3A_369 = arith.constant 0 : index
      %get3A_370 = arith.constant 0 : index
      %get3A_371 = vector.load %arg22[%get3A_369, %get3A_370] : memref<16x256xf32, #tpu.memory_space<vmem>>, vector<16x256xf32>
      %get3A_372 = arith.constant 0 : index
      %get3A_373 = arith.constant 0 : index
      %get3A_374 = vector.load %arg23[%get3A_372, %get3A_373] : memref<16x256xf32, #tpu.memory_space<vmem>>, vector<16x256xf32>
      %div3A_375 = vector.broadcast %max3A_344 : vector<16x1xf32> to vector<16x256xf32>
      %div3A_376 = arith.divf %get3A_374, %div3A_375 : vector<16x256xf32>
      %concatenate3A_377 = tpu.concatenate %get3A_371, %div3A_376 in 1 : vector<16x256xf32>, vector<16x256xf32> -> vector<16x512xf32>
      %max3A_378 = arith.constant 0.000000e+00 : f32
      %max3A_379 = vector.broadcast %max3A_378 : f32 to vector<16x512xf32>
      %max3A_380 = arith.maximumf %concatenate3A_377, %max3A_379 : vector<16x512xf32>
      %add3A_381 = arith.addf %add3A_368, %max3A_380 : vector<16x512xf32>
      %get3A_382 = arith.constant 0 : index
      %get3A_383 = arith.constant 0 : index
      %get3A_384 = vector.load %arg15[%get3A_382, %get3A_383] : memref<512x256xf32, #tpu.memory_space<vmem>>, vector<512x256xf32>
      %dot_general3A_385 = arith.constant dense<0.000000e+00> : vector<16x256xf32>
      %dot_general3A_386 = tpu.matmul %add3A_381, %get3A_384, %dot_general3A_385 {dimension_numbers = #tpu.dot_dimension_numbers<[1], [0], [0], [1], [0, 0, 1, 1], [], []>, transpose_lhs_hint = false} : vector<16x512xf32>, vector<512x256xf32>, vector<16x256xf32> -> vector<16x256xf32>
      %get3A_387 = arith.constant 0 : index
      %get3A_388 = arith.constant 0 : index
      %get3A_389 = vector.load %arg16[%get3A_387, %get3A_388] : memref<1x256xf32, #tpu.memory_space<vmem>>, vector<1x256xf32>
      %add3A_390 = vector.broadcast %get3A_389 : vector<1x256xf32> to vector<16x256xf32>
      %add3A_391 = arith.addf %dot_general3A_386, %add3A_390 : vector<16x256xf32>
      %max3A_392 = arith.constant 0.000000e+00 : f32
      %max3A_393 = vector.broadcast %max3A_392 : f32 to vector<16x256xf32>
      %max3A_394 = arith.maximumf %add3A_391, %max3A_393 : vector<16x256xf32>
      %get3A_395 = arith.constant 0 : index
      %get3A_396 = arith.constant 0 : index
      %get3A_397 = vector.load %arg17[%get3A_395, %get3A_396] : memref<256x128xf32, #tpu.memory_space<vmem>>, vector<256x128xf32>
      %dot_general3A_398 = arith.constant dense<0.000000e+00> : vector<16x128xf32>
      %dot_general3A_399 = tpu.matmul %max3A_394, %get3A_397, %dot_general3A_398 {dimension_numbers = #tpu.dot_dimension_numbers<[1], [0], [0], [1], [0, 0, 1, 1], [], []>, transpose_lhs_hint = false} : vector<16x256xf32>, vector<256x128xf32>, vector<16x128xf32> -> vector<16x128xf32>
      %get3A_400 = arith.constant 0 : index
      %get3A_401 = arith.constant 0 : index
      %get3A_402 = vector.load %arg18[%get3A_400, %get3A_401] : memref<1x128xf32, #tpu.memory_space<vmem>>, vector<1x128xf32>
      %add3A_403 = vector.broadcast %get3A_402 : vector<1x128xf32> to vector<16x128xf32>
      %add3A_404 = arith.addf %dot_general3A_399, %add3A_403 : vector<16x128xf32>
      %max3A_405 = arith.constant 0.000000e+00 : f32
      %max3A_406 = vector.broadcast %max3A_405 : f32 to vector<16x128xf32>
      %max3A_407 = arith.maximumf %add3A_404, %max3A_406 : vector<16x128xf32>
      %get3A_408 = arith.constant 0 : index
      %get3A_409 = arith.constant 0 : index
      %get3A_410 = vector.load %arg19[%get3A_408, %get3A_409] : memref<128x10xf32, #tpu.memory_space<vmem>>, vector<128x10xf32>
      %dot_general3A_411 = arith.constant dense<0.000000e+00> : vector<16x10xf32>
      %dot_general3A_412 = tpu.matmul %max3A_407, %get3A_410, %dot_general3A_411 {dimension_numbers = #tpu.dot_dimension_numbers<[1], [0], [0], [1], [0, 0, 1, 1], [], []>, transpose_lhs_hint = false} : vector<16x128xf32>, vector<128x10xf32>, vector<16x10xf32> -> vector<16x10xf32>
      %get3A_413 = arith.constant 0 : index
      %get3A_414 = arith.constant 0 : index
      %get3A_415 = vector.load %arg20[%get3A_413, %get3A_414] : memref<1x10xf32, #tpu.memory_space<vmem>>, vector<1x10xf32>
      %add3A_416 = vector.broadcast %get3A_415 : vector<1x10xf32> to vector<16x10xf32>
      %add3A_417 = arith.addf %dot_general3A_412, %add3A_416 : vector<16x10xf32>
      %reduce_max3A_418 = arith.constant dense<0xFF800000> : vector<16xf32>
      %reduce_max3A_419 = vector.multi_reduction <maximumf>, %add3A_417, %reduce_max3A_418 [1] : vector<16x10xf32> to vector<16xf32>
      %broadcast_in_dim3A_420 = vector.shape_cast %reduce_max3A_419 : vector<16xf32> to vector<16x1xf32>
      %sub3A = vector.broadcast %broadcast_in_dim3A_420 : vector<16x1xf32> to vector<16x10xf32>
      %sub3A_421 = arith.subf %add3A_417, %sub3A : vector<16x10xf32>
      %exp3A = math.exp %sub3A_421 : vector<16x10xf32>
      %reduce_sum3A = arith.constant dense<0.000000e+00> : vector<16xf32>
      %reduce_sum3A_422 = vector.multi_reduction <add>, %exp3A, %reduce_sum3A [1] : vector<16x10xf32> to vector<16xf32>
      %broadcast_in_dim3A_423 = vector.shape_cast %reduce_sum3A_422 : vector<16xf32> to vector<16x1xf32>
      %log3A = math.log %broadcast_in_dim3A_423 : vector<16x1xf32>
      %sub3A_424 = vector.broadcast %log3A : vector<16x1xf32> to vector<16x10xf32>
      %sub3A_425 = arith.subf %sub3A_421, %sub3A_424 : vector<16x10xf32>
      %swap3A_426 = arith.constant 0 : index
      %swap3A_427 = arith.constant 0 : index
      %swap3A_428 = vector.load %arg21[%swap3A_426, %swap3A_427] : memref<16x10xf32, #tpu.memory_space<vmem>>, vector<16x10xf32>
      tpu.vector_store %arg21[%swap3A_426, %swap3A_427], %sub3A_425 {strides = array<i32>} : memref<16x10xf32, #tpu.memory_space<vmem>>, vector<16x10xf32>,
    } else {
    }
    return
  }
  func.func @transform_0(%arg0: i32) -> (i32, i32) {
    %add3A = arith.constant 0 : i32
    %add3A_0 = arith.addi %add3A, %arg0 : i32
    %c0_i32 = arith.constant 0 : i32
    %c0_i32_1 = arith.constant 0 : i32
    return %add3A_0, %c0_i32 : i32, i32
  }
  func.func @transform_1(%arg0: i32) -> (i32, i32) {
    %add3A = arith.constant 10 : i32
    %add3A_0 = arith.addi %add3A, %arg0 : i32
    %c0_i32 = arith.constant 0 : i32
    %c0_i32_1 = arith.constant 0 : i32
    return %add3A_0, %c0_i32 : i32, i32
  }
  func.func @transform_2(%arg0: i32) -> (i32, i32) {
    %add3A = arith.constant 20 : i32
    %add3A_0 = arith.addi %add3A, %arg0 : i32
    %c0_i32 = arith.constant 0 : i32
    %c0_i32_1 = arith.constant 0 : i32
    return %add3A_0, %c0_i32 : i32, i32
  }
  func.func @transform_3(%arg0: i32) -> (i32, i32) {
    %add3A = arith.constant 30 : i32
    %add3A_0 = arith.addi %add3A, %arg0 : i32
    %c0_i32 = arith.constant 0 : i32
    %c0_i32_1 = arith.constant 0 : i32
    return %add3A_0, %c0_i32 : i32, i32
  }
  func.func @transform_4(%arg0: i32) -> (i32, i32) {
    %c0_i32 = arith.constant 0 : i32
    %c0_i32_0 = arith.constant 0 : i32
    return %arg0, %c0_i32 : i32, i32
  }
  func.func @transform_5(%arg0: i32) -> (i32, i32) {
    %c0_i32 = arith.constant 0 : i32
    %c0_i32_0 = arith.constant 0 : i32
    return %arg0, %c0_i32 : i32, i32
  }
  func.func @transform_6(%arg0: i32) -> (i32, i32) {
    %c0_i32 = arith.constant 0 : i32
    %c0_i32_0 = arith.constant 0 : i32
    return %arg0, %c0_i32 : i32, i32
  }
  func.func @transform_7(%arg0: i32) -> (i32, i32) {
    %c0_i32 = arith.constant 0 : i32
    %c0_i32_0 = arith.constant 0 : i32
    %c0_i32_1 = arith.constant 0 : i32
    return %c0_i32, %c0_i32_0 : i32, i32
  }
  func.func @transform_8(%arg0: i32) -> (i32, i32) {
    %c0_i32 = arith.constant 0 : i32
    %c0_i32_0 = arith.constant 0 : i32
    %c0_i32_1 = arith.constant 0 : i32
    return %c0_i32, %c0_i32_0 : i32, i32
  }
  func.func @transform_9(%arg0: i32) -> (i32, i32) {
    %c0_i32 = arith.constant 0 : i32
    %c0_i32_0 = arith.constant 0 : i32
    %c0_i32_1 = arith.constant 0 : i32
    return %c0_i32, %c0_i32_0 : i32, i32
  }
  func.func @transform_10(%arg0: i32) -> (i32, i32) {
    %c0_i32 = arith.constant 0 : i32
    %c0_i32_0 = arith.constant 0 : i32
    %c0_i32_1 = arith.constant 0 : i32
    return %c0_i32, %c0_i32_0 : i32, i32
  }
  func.func @transform_11(%arg0: i32) -> (i32, i32) {
    %c0_i32 = arith.constant 0 : i32
    %c0_i32_0 = arith.constant 0 : i32
    %c0_i32_1 = arith.constant 0 : i32
    return %c0_i32, %c0_i32_0 : i32, i32
  }
  func.func @transform_12(%arg0: i32) -> (i32, i32) {
    %c0_i32 = arith.constant 0 : i32
    %c0_i32_0 = arith.constant 0 : i32
    %c0_i32_1 = arith.constant 0 : i32
    return %c0_i32, %c0_i32_0 : i32, i32
  }
  func.func @transform_13(%arg0: i32) -> (i32, i32) {
    %c0_i32 = arith.constant 0 : i32
    %c0_i32_0 = arith.constant 0 : i32
    %c0_i32_1 = arith.constant 0 : i32
    return %c0_i32, %c0_i32_0 : i32, i32
  }
  func.func @transform_14(%arg0: i32) -> (i32, i32) {
    %c0_i32 = arith.constant 0 : i32
    %c0_i32_0 = arith.constant 0 : i32
    %c0_i32_1 = arith.constant 0 : i32
    return %c0_i32, %c0_i32_0 : i32, i32
  }
  func.func @transform_15(%arg0: i32) -> (i32, i32) {
    %c0_i32 = arith.constant 0 : i32
    %c0_i32_0 = arith.constant 0 : i32
    %c0_i32_1 = arith.constant 0 : i32
    return %c0_i32, %c0_i32_0 : i32, i32
  }
  func.func @transform_16(%arg0: i32) -> (i32, i32) {
    %c0_i32 = arith.constant 0 : i32
    %c0_i32_0 = arith.constant 0 : i32
    %c0_i32_1 = arith.constant 0 : i32
    return %c0_i32, %c0_i32_0 : i32, i32
  }
  func.func @transform_17(%arg0: i32) -> (i32, i32) {
    %c0_i32 = arith.constant 0 : i32
    %c0_i32_0 = arith.constant 0 : i32
    %c0_i32_1 = arith.constant 0 : i32
    return %c0_i32, %c0_i32_0 : i32, i32
  }
  func.func @transform_18(%arg0: i32) -> (i32, i32) {
    %c0_i32 = arith.constant 0 : i32
    %c0_i32_0 = arith.constant 0 : i32
    %c0_i32_1 = arith.constant 0 : i32
    return %c0_i32, %c0_i32_0 : i32, i32
  }
  func.func @transform_19(%arg0: i32) -> (i32, i32) {
    %c0_i32 = arith.constant 0 : i32
    %c0_i32_0 = arith.constant 0 : i32
    %c0_i32_1 = arith.constant 0 : i32
    return %c0_i32, %c0_i32_0 : i32, i32
  }
  func.func @transform_20(%arg0: i32) -> (i32, i32) {
    %c0_i32 = arith.constant 0 : i32
    %c0_i32_0 = arith.constant 0 : i32
    %c0_i32_1 = arith.constant 0 : i32
    return %c0_i32, %c0_i32_0 : i32, i32
  }
  func.func @transform_21(%arg0: i32) -> (i32, i32) {
    %c0_i32 = arith.constant 0 : i32
    %c0_i32_0 = arith.constant 0 : i32
    %c0_i32_1 = arith.constant 0 : i32
    return %c0_i32, %c0_i32_0 : i32, i32
  }
  func.func @transform_22(%arg0: i32) -> (i32, i32) {
    %c0_i32 = arith.constant 0 : i32
    %c0_i32_0 = arith.constant 0 : i32
    %c0_i32_1 = arith.constant 0 : i32
    return %c0_i32, %c0_i32_0 : i32, i32
  }
}

</mosaic_0001>

<sc_bundles>
// kernel: kernel.10.cloned.1.call-start
scs
__scs_entry_jumppad:
0x0: {  	(pc) =	sbr.rel $0x88, $3  }
0x1: {  	(tag) =	ssettag $0x0;
	lr =	simm.s32 $0x1  }
0x2: {  	[smem:$0x3F92] =	sst lr;
	_ =	strace $0xD0000000  }
0x3: {  	_ = 	snop  }
0x4: {  	_ = 	snop  }
0x5: {  	_ = 	snop  }
0x6: {  	_ = 	snop  }
0x7: {  	_ = 	snop  }
__scs_overlays_trampoline_lowered:
0x8: {  	[smem:$0x3FA1] =	sst s0  }
0x9: {  	[smem:$0x3FA2] =	sst s1  }
0xa: {  	[smem:$0x3FA3] =	sst s2  }
0xb: {  	[smem:$0x3FA4] =	sst s3  }
0xc: {  	[smem:$0x3FA5] =	sst s4  }
0xd: {  	[smem:$0x3FA6] =	sst s5  }
0xe: {  	[smem:$0x3FA7] =	sst s6  }
0xf: {  	[smem:$0x3FA8] =	sst s7  }
0x10: {  	[smem:$0x3FA9] =	sst s8  }
0x11: {  	[smem:$0x3FAA] =	sst s9;
	s0 =	simm.s32 @!p0 $0x0  }
0x12: {  	s1 =	sld [smem:$0x3F90];
	s0 =	simm.s32 @p0 $0x1  }
0x13: {  	[smem:$0x3FAB] =	sst s0;
	s0 =	simm.s32 @!p1 $0x0  }
0x14: {  	s2 =	sld [smem:$0x3F8F];
	s0 =	simm.s32 @p1 $0x1  }
0x15: {  	[smem:$0x3FAC] =	sst s0;
	s0 =	simm.s32 @!p2 $0x0  }
0x16: {  	s3 =	sld [smem:$0x3FDB];
	s0 =	simm.s32 @p2 $0x1  }
0x17: {  	s4 =	simm.s32 $0x1BF5;
	[smem:$0x3FAE] =	sst s0  }
0x18: {  	s0 =	sld [smem:$0x3F91];
	_ =	swait.ge [sflag:s4], $0x0  }
0x19: {  	s7 =	sld [smem:$0x3F92]  }
0x1a: {  	s8 =	sadd.s32 $0xFFFFE003, lr  }
0x1b: {  	s9 =	sadd.s32 $0xFFFFFEF7, lr;
	s5 =	simm.s32 $0xFFFFFFFF;
	p2 =	slt.u32 s8, $0xFFFFF086  }
0x1c: {  	p1 =	slt.u32 s9, $0xF7A;
	s5 =	simm.s32 @!p2 $0x0  }
0x1d: {  	s5 =	simm.s32 @p1 $0x1;
	p0 =	seq.s32 s7, s2  }
0x1e: {  	s7 =	smul.u32 @!p0 $0xF7A, s2;
	p2 =	seq.s32 @!p0 s5, $0x0  }
0x1f: {  	s9 =	smul.u32 $0xF7A, s1;
	s8 =	simm.s32 @!p0 $0x1BF5;
	p2 =	por !p2, p0  }
0x20: {  	[sflag:s8] =	ssyncset.s32 @!p0 $0xFFFFF086;
	s6 =	sadd.s32 @!p0 s3, s7;
	s7 =	simm.s32 @!p0 $0x108  }
0x21: {  	s3 =	sadd.s32 s3, s9;
	s6 =	sadd.s32 @!p0 $0x88, s6;
	s7 =	simm.s32 @p2 $0x1082  }
0x22: {  	[simem:s7], [sflag:s8] =	dma.local @!p0 [hbm:s6], $0xF7A  }
0x23: {  	s9 =	sor.u32 $0xD0000000, s2;
	s6 =	simm.s32 $0x108;
	_ =	swait.ge @!p0 [sflag:s8], $0x0  }
0x24: {  	s3 =	sadd.s32 $0x88, s3;
	s6 =	simm.s32 @!p1 $0x1082;
	[sflag:s4] =	ssyncset.s32 $0xFFFFF086  }
0x25: {  	[simem:s6], [sflag:s4] =	dma.local [hbm:s3], $0xF7A  }
0x26: {  	[smem:$0x3F92] =	sst s1;
	(tag) =	ssettag s2;
	_ =	strace s9  }
0x27: {  	s1 =	sld [smem:$0x3FA2]  }
0x28: {  	s2 =	sld [smem:$0x3FA3]  }
0x29: {  	s4 =	sld [smem:$0x3FA5]  }
0x2a: {  	p0 =	seq.s32 s5, $0x0;
	s5 =	sld [smem:$0x3FA6]  }
0x2b: {  	s6 =	sld [smem:$0x3FA7]  }
0x2c: {  	s7 =	sld [smem:$0x3FA8]  }
0x2d: {  	s3 =	simm.s32 $0x108;
	s8 =	sld [smem:$0x3FA9]  }
0x2e: {  	s3 =	simm.s32 @!p0 $0x1082;
	s9 =	sld [smem:$0x3FAA]  }
0x2f: {  	lr =	sadd.s32 s0, s3;
	s0 =	sld [smem:$0x3FA1]  }
0x30: {  	s3 =	sld [smem:$0x3FA4]  }
0x31: {  	[smem:$0x3FAD] =	sst s10  }
0x32: {  	s10 =	sld [smem:$0x3FAB];
	_ =	sdelay $0x3  }
0x33: {  	p0 =	seq.s32 s10, $0x1;
	s10 =	sld [smem:$0x3FAD];
	_ =	sdelay $0x3  }
0x34: {  	[smem:$0x3FAD] =	sst s10  }
0x35: {  	s10 =	sld [smem:$0x3FAC];
	_ =	sdelay $0x3  }
0x36: {  	p1 =	seq.s32 s10, $0x1;
	s10 =	sld [smem:$0x3FAD];
	_ =	sdelay $0x3  }
0x37: {  	[smem:$0x3FAD] =	sst s10  }
0x38: {  	s10 =	sld [smem:$0x3FAE]  }
0x39: {  	_ = 	snop;
	(pc) =	sbr.ind lr, $3  }
0x3a: {  	_ = 	snop  }
0x3b: {  	_ = 	snop  }
0x3c: {  	p2 =	seq.s32 s10, $0x1;
	s10 =	sld [smem:$0x3FAD]  }
0x3d: {  	_ =	shalt  }
0x3e: {  	_ =	shalt  }
0x3f: {  	_ =	shalt  }
0x40: {  	_ =	shalt  }
0x41: {  	_ =	shalt  }
0x42: {  	_ =	shalt  }
0x43: {  	_ =	shalt  }
0x44: {  	_ =	shalt  }
0x45: {  	_ =	shalt  }
0x46: {  	_ =	shalt  }
0x47: {  	_ =	shalt  }
0x48: {  	_ =	shalt  }
0x49: {  	_ =	shalt  }
0x4a: {  	_ =	shalt  }
0x4b: {  	_ =	shalt  }
0x4c: {  	_ =	shalt  }
0x4d: {  	_ =	shalt  }
0x4e: {  	_ =	shalt  }
0x4f: {  	_ =	shalt  }
0x50: {  	_ =	shalt  }
0x51: {  	_ =	shalt  }
0x52: {  	_ =	shalt  }
0x53: {  	_ =	shalt  }
0x54: {  	_ =	shalt  }
0x55: {  	_ =	shalt  }
0x56: {  	_ =	shalt  }
0x57: {  	_ =	shalt  }
0x58: {  	_ =	shalt  }
0x59: {  	_ =	shalt  }
0x5a: {  	_ =	shalt  }
0x5b: {  	_ =	shalt  }
0x5c: {  	_ =	shalt  }
0x5d: {  	_ =	shalt  }
0x5e: {  	_ =	shalt  }
0x5f: {  	_ =	shalt  }
0x60: {  	_ =	shalt  }
0x61: {  	_ =	shalt  }
0x62: {  	_ =	shalt  }
0x63: {  	_ =	shalt  }
0x64: {  	_ =	shalt  }
0x65: {  	_ =	shalt  }
0x66: {  	_ =	shalt  }
0x67: {  	_ =	shalt  }
0x68: {  	_ =	shalt  }
0x69: {  	_ =	shalt  }
0x6a: {  	_ =	shalt  }
0x6b: {  	_ =	shalt  }
0x6c: {  	_ =	shalt  }
0x6d: {  	_ =	shalt  }
0x6e: {  	_ =	shalt  }
0x6f: {  	_ =	shalt  }
0x70: {  	_ =	shalt  }
0x71: {  	_ =	shalt  }
0x72: {  	_ =	shalt  }
0x73: {  	_ =	shalt  }
0x74: {  	_ =	shalt  }
0x75: {  	_ =	shalt  }
0x76: {  	_ =	shalt  }
0x77: {  	_ =	shalt  }
0x78: {  	_ =	shalt  }
0x79: {  	_ =	shalt  }
0x7a: {  	_ =	shalt  }
0x7b: {  	_ =	shalt  }
0x7c: {  	_ =	shalt  }
0x7d: {  	_ =	shalt  }
0x7e: {  	_ =	shalt  }
0x7f: {  	_ =	shalt  }
0x80: {  	_ =	shalt  }
0x81: {  	_ =	shalt  }
0x82: {  	_ =	shalt  }
0x83: {  	_ =	shalt  }
0x84: {  	_ =	shalt  }
0x85: {  	_ =	shalt  }
0x86: {  	_ =	shalt  }
0x87: {  	_ =	shalt  }
.Lfunc_end0:
.L_simem_size_0:
called_computation_lowered:
.L_overlay_start_0:
0x88: {  	s2 =	sld [smem:$0x3FD9]  }
0x89: {  	s3 =	sld [smem:$0x3FFE];
	_ =	sdelay $0x1  }
0x8a: {  	s1 =	srdreg.scid  }
0x8b: {  	s0 =	sand.u32 $0x1, s1  }
0x8c: {  	s16 =	sshll.u32 s0, $0xA;
	s2 =	sadd.s32 s3, s2  }
0x8d: {  	s2 =	sadd.s32 s2, s16  }
0x8e: {  	[smem:$0x3FB9] =	sst s2  }
0x8f: {  	_ = 	snop  }
0x90: {  	(tm) =	ssettm $0x1  }
0x91: {  	s17 =	sld [smem:$0x3FFB];
	_ =	sdelay $0x3  }
0x92: {  	_ =	strace s17  }
0x93: {  	s2 =	sld [smem:$0x3FFC];
	_ =	sdelay $0x3  }
0x94: {  	_ =	strace s2  }
0x95: {  	s2 =	sld [smem:$0x3FFD];
	_ =	sdelay $0x3  }
0x96: {  	_ =	strace s2  }
0x97: {  	_ =	strace $0x8FFFFFFF  }
0x98: {  	s18 =	sld [smem:$0x3FDB];
	_ =	sdelay $0x1  }
0x99: {  	s19 =	simm.s32 $_scs_section_size  }
0x9a: {  	s4 =	simm.s32 $_size__tile_overlayer_lowered;
	s5 =	simm.s32 $_tile_overlayer_lowered  }
0x9b: {  	s22 =	simm.s32 $0x1BFF;
	s21 =	sshll.u32 s5, $0x1;
	s2 =	sadd.s32 s19, s18  }
0x9c: {  	s6 =	simm.s32 $0x0;
	s20 =	sshll.u32 s4, $0x1;
	s4 =	sadd.s32 s21, s2  }
0x9d: {  	[timem:s6], [sflag:s22] =	dma.local [hbm:s4], s20  }
0x9e: {  	_ =	swait.ge [sflag:s22], s20  }
0x9f: {  	s3 =	ssub.s32 $0x0, s20;
	[sflag:s22] =	ssyncset.done $0x0  }
0xa0: {  	[sflag:s22] =	ssyncadd.s32 s3;
	_ =	sdelay $0x1  }
0xa1: {  	s23 =	simm.s32 $0x1B8B  }
0xa2: {  	_ =	swait.ge [sflag:s23], $0x1  }
0xa3: {  	[sflag:s23] =	ssyncset.done $0x0  }
0xa4: {  	s25 =	simm.s32 $0x1B8E;
	s24 =	sld [smem:$0x3FFE];
	[sflag:s23] =	ssyncadd.s32 $0xFFFFFFFF  }
0xa5: {  	s26 =	simm.s32 $execute0_lowered;
	[smem:$0x3FD2] =	sst s25  }
0xa6: {  	s4 =	sshll.u32 s26, $0x1;
	_ =	strace $0x80000046;
	[dreg:$0x1] =	wrdreg $0xFFFFFFFF  }
0xa7: {  	s28 =	simm.s32 $_size_execute0_lowered;
	s2 =	sadd.s32 s2, s4;
	[dreg:$0x0] =	wrdreg $0x0  }
0xa8: {  	s4 =	sshll.u32 s28, $0x1;
	[dreg:$0x2] =	wrdreg s2  }
0xa9: {  	[dreg:$0x3] =	wrdreg s4  }
0xaa: {  	[dreg:$0x4] =	wrdreg $0xC0  }
0xab: {  	_ =	task [dreg:s6], $0x5FFFF  }
0xac: {  	[dreg:$0x1] =	wrdreg $0xFFFFFFFF  }
0xad: {  	[dreg:$0x0] =	wrdreg $0x60  }
0xae: {  	[dreg:$0x2] =	wrdreg s24  }
0xaf: {  	[dreg:$0x3] =	wrdreg $0x0  }
0xb0: {  	[dreg:$0x4] =	wrdreg $0x9  }
0xb1: {  	_ =	task.clear_ibuf [dreg:s6], $0x5FFFF;
	_ =	strace $0x90000046  }
0xb2: {  	s29 =	simm.s32 $0x9;
	_ =	strace $0x80000048  }
0xb3: {  	_ =	swait.ge [sflag:s29], $0x1  }
0xb4: {  	[sflag:s29] =	ssyncadd.s32 $0xFFFFFFFF  }
0xb5: {  	_ =	strace $0x90000048  }
0xb6: {  	_ =	sfence  }
0xb7: {  	s30 =	sld [smem:$0x0];
	_ =	sdelay $0x2  }
0xb8: {  	s31 =	sshll.u32 s1, $0xD;
	s1 =	sshrl.u32 s1, $0x2  }
0xb9: {  	s3 =	sand.u32 $0x4000, s31;
	s1 =	sadd.s32 s1, s30  }
0xba: {  	s0 =	sor.u32 s3, s0;
	s1 =	sshll.u32 s1, $0x11  }
0xbb: {  	s0 =	sor.u32 s1, s0  }
0xbc: {  	s0 =	sadd.s32 $0x8F2B, s0  }
0xbd: {  	[sflag:s0] =	ssyncadd.remote.s32 $0x1  }
0xbe: {  	_ =	sfence.sel $0xFFFF  }
0xbf: {  	[dreg:$0x0] =	wrdreg $0xFFFFFFFF;
	(pc) =	sbr.abs _section_cstart, $3  }
0xc0: {  	[dreg:$0x1] =	wrdreg $0xFFFFFFFF  }
0xc1: {  	_ =	task.clear_ibuf [dreg:s6], $0x2FFFF;
	_ =	strace $0x9FFFFFFF  }
0xc2: {  	(tm) =	ssettm $0x7FFFFFFF  }
0xc3: {  	_ =	shalt  }
tec
execute0_lowered:
.L_overlay_start_1:
0x0: {  	(tag) =	ssettag $0x1  }
0x1: {  	s6 =	rddreg [dreg:$0x0];
	s0 =	srdreg.scid  }
0x2: {  	s2 =	rddreg [dreg:$0x1];
	s1 =	stileid.u32  }
0x3: {  	s3 =	simm.s32 $0x0;
	s14 =	simm.s32 $0x80;
	s15 =	simm.s32 $0x9CE0  }
0x4: {  	s16 =	simm.s32 $0x1;
	s17 =	simm.s32 $0x2;
	s18 =	simm.s32 $0x0  }
0x5: {  	s7 =	sand.u32 $0x1, s0;
	s0 =	rddreg [dreg:$0x2];
	s5 =	smul.u32 $0x278, s1  }
0x6: {  	[smem:$0x7FF] =	sst s3;
	s11 =	sshll.u32 s1, $0x6;
	s4 =	sshll.u32 s7, $0x4  }
0x7: {  	s8 =	smul.u32 $0x2710, s7;
	_ =	strace $0x80000047;
	s31 =	ssub.s32 $0x2, s7  }
0x8: {  	s4 =	sor.u32 s1, s4;
	s9 =	smin.u32 s5, $0x2498;
	s7 =	sshrl.u32 s31, $0x1  }
0x9: {  	s4 =	smul.u32 $0x500, s4;
	s5 =	sadd.s32 s8, s9;
	s9 =	sshll.u32 s9, $0x7  }
0xa: {  	s12 =	ssub.s32 s31, s7;
	s10 =	sshll.u32 s5, $0x4;
	s5 =	sadd.s32 $0x19C00, s6  }
0xb: {  	s13 =	sadd.s32 s9, s2;
	s9 =	smax.u32 s12, $0x1;
	s12 =	simm.s32 $0xC460  }
0xc: {  	s30 =	sadd.s32 s4, s6;
	s4 =	sadd.s32 $0x17400, s6;
	s10 =	sadd.s32 s10, s6  }
0xd: {  	s6 =	sor.u32 $0x1C03, s11;
	s11 =	simm.s32 $0x3;
	s7 =	sadd.s32 $0x3400, s30  }
0xe: {  	s8 =	sadd.s32 $0x1A400, s10;
	s10 =	sshrl.u32 s13, $0x3;
	s13 =	simm.s32 $0x9C60  }
.LBB2_1:
0xf: {  	[spmem:s10], [sflag:s6] =	dma.local [hbm:s4], $0x2780  }
0x10: {  	_ =	swait.ge [sflag:s11], $0x2780  }
0x11: {  	[sflag:s11] =	ssyncset.done $0x0  }
0x12: {  	[sflag:s11] =	ssyncadd.s32 $0xFFFFD880  }
0x13: {  	[tilespmem:s12], [sflag:$0x3] =	stream.linear.gather [hbm4b:s5+s3], $0x4000, $0x38;
	[tilespmem:$0x10460] =	vst v63  }
0x14: {  	_ =	swait.ge [sflag:s11], $0x4000  }
0x15: {  	[sflag:s11] =	ssyncset.done $0x0  }
0x16: {  	[sflag:s11] =	ssyncadd.s32 $0xFFFFC000  }
0x17: {  	[tilespmem:s13], [sflag:$0x3] =	stream.linear.gather [hbm4b:s7+s3], $0x2800, $0x38;
	[tilespmem:$0x10460] =	vst v63  }
0x18: {  	_ =	swait.ge [sflag:s11], $0x2800  }
0x19: {  	[sflag:s11] =	ssyncset.done $0x0  }
0x1a: {  	[sflag:s11] =	ssyncadd.s32 $0xFFFFD800  }
0x1b: {  	[bflag:$0x0] =	sbarrier.arrive $0xFFFF  }
0x1c: {  	[spmem:s2] =	stream.indirect.scatter.add.f32 [tilespmem:s12], [sflag:$0x1], $0x40, s13, s14, $0xb8;
	[tilespmem:$0x10460] =	vst v63  }
0x1d: {  	_ = 	snop  }
0x1e: {  	[spmem:s2] =	stream.indirect.scatter.add.f32 [tilespmem:s12], [sflag:$0x2], $0x40, s15, s14, $0xb8;
	[tilespmem:$0x10460] =	vst v63  }
0x1f: {  	_ =	swait.ge [sflag:s16], $0x2000  }
0x20: {  	[sflag:s16] =	ssyncset.done $0x0  }
0x21: {  	s19 =	simm.s32 $0x9D60;
	[sflag:s16] =	ssyncadd.s32 $0xFFFFE000  }
0x22: {  	[spmem:s2] =	stream.indirect.scatter.add.f32 [tilespmem:s12], [sflag:$0x1], $0x40, s19, s14, $0xb8;
	[tilespmem:$0x10460] =	vst v63  }
0x23: {  	_ =	swait.ge [sflag:s17], $0x2000  }
0x24: {  	[sflag:s17] =	ssyncset.done $0x0  }
0x25: {  	s20 =	simm.s32 $0x9DE0;
	s19 =	simm.s32 $0xFFFF6800;
	[sflag:s17] =	ssyncadd.s32 $0xFFFFE000  }
.LBB2_2:
0x26: {  	[spmem:s2] =	stream.indirect.scatter.add.f32 [tilespmem:s12], [sflag:$0x2], $0x40, s20, s14, $0xb8;
	[tilespmem:$0x10460] =	vst v63  }
0x27: {  	s20 =	smov.u32 s19  }
0x28: {  	p0 =	sne.s32 s19, $0xFFFFFC00;
	s19 =	sadd.s32 $0x400, s19;
	_ =	swait.ge [sflag:s16], $0x2000  }
0x29: {  	s20 =	sshra.s32 s20, $0x2;
	[sflag:s16] =	ssyncset.done $0x0  }
.Ltmp0:
0x2a: {  	s21 =	sadd.s32 $0xC460, s20;
	[sflag:s16] =	ssyncadd.s32 $0xFFFFE000;
	(pc) =	sbr.rel @p0 .LBB2_2-.Ltmp0, $4  }
0x2b: {  	[spmem:s2] =	stream.indirect.scatter.add.f32 [tilespmem:s12], [sflag:$0x1], $0x40, s21, s14, $0xb8;
	[tilespmem:$0x10460] =	vst v63  }
0x2c: {  	_ =	swait.ge [sflag:s17], $0x2000  }
0x2d: {  	[sflag:s17] =	ssyncset.done $0x0  }
0x2e: {  	s20 =	sadd.s32 $0xC4E0, s20;
	[sflag:s17] =	ssyncadd.s32 $0xFFFFE000  }
0x2f: {  	[spmem:s2] =	stream.indirect.scatter.add.f32 [tilespmem:s12], [sflag:$0x2], $0x40, s20, s14, $0xb8;
	[tilespmem:$0x10460] =	vst v63  }
0x30: {  	_ =	swait.ge [sflag:s16], $0x2000  }
0x31: {  	[sflag:s16] =	ssyncset.done $0x0  }
0x32: {  	[sflag:s16] =	ssyncadd.s32 $0xFFFFE000  }
0x33: {  	_ =	swait.ge [sflag:s17], $0x2000  }
0x34: {  	s18 =	sadd.s32 $0x1, s18;
	[sflag:s17] =	ssyncset.done $0x0  }
0x35: {  	p0 =	sne.s32 s18, s9;
	[sflag:s17] =	ssyncadd.s32 $0xFFFFE000  }
.Ltmp1:
0x36: {  	[bflag:$0x0] =	sbarrier.arrive $0xFFFF;
	(pc) =	sbr.rel @p0 .LBB2_1-.Ltmp1, $4  }
0x37: {  	[hbm:s8], [sflag:s6] =	dma.local [spmem:s10], $0x2780  }
0x38: {  	_ =	swait.ge [sflag:s11], $0x2780  }
0x39: {  	[sflag:s11] =	ssyncset.done $0x0  }
0x3a: {  	[sflag:s11] =	ssyncadd.s32 $0xFFFFD880  }
0x3b: {  	_ =	sfence.sel $0x180000  }
0x3c: {  	[bflag:$0x0] =	sbarrier.arrive $0xFFFF  }
0x3d: {  	p0 =	sne.s32 s1, $0x0;
	_ =	strace $0x90000047  }
0x3e: {  	s0 =	sadd.s32 @!p0 $0x100000, s0;
	[bflag:$0x2] =	sbarrier.arrive $0xFFFF  }
0x3f: {  	[sflag:s0] =	ssyncadd.tile.s32 @!p0 $0x1;
	_ =	shalt  }
.Lfunc_end2:
_tile_overlayer_lowered:
.L_overlay_start_2:
0x40: {  	(tag) =	ssettag $0x2  }
0x41: {  	s0 =	rddreg [dreg:$0x0];
	s2 =	stileid.u32  }
0x42: {  	s1 =	rddreg [dreg:$0x1];
	p0 =	sne.s32 s2, $0x0  }
0x43: {  	s3 =	rddreg [dreg:$0x2];
	[bflag:$0x3] =	sbarrier.arrive $0xFFFF;
	s2 =	simm.s32 @!p0 $0x1C03  }
0x44: {  	[timem:s3], [sflag:s2] =	dma.local @!p0 [hbm:s0], s1  }
0x45: {  	s0 =	simm.s32 @!p0 $0x3  }
0x46: {  	_ =	swait.ge @!p0 [sflag:s0], s1  }
0x47: {  	s1 =	ssub.s32 @!p0 $0x0, s1;
	[sflag:s0] =	ssyncset.done @!p0 $0x0  }
0x48: {  	[sflag:s0] =	ssyncadd.s32 @!p0 s1  }
0x49: {  	[bflag:$0x3] =	sbarrier.arrive $0xFFFF  }
0x4a: {  	_ =	shalt  }

// kernel: kernel.13.cloned.1.call-start
scs
__scs_entry_jumppad:
0x0: {  	(pc) =	sbr.rel $0x88, $3  }
0x1: {  	(tag) =	ssettag $0x0;
	lr =	simm.s32 $0x1  }
0x2: {  	[smem:$0x3F92] =	sst lr;
	_ =	strace $0xD0000000  }
0x3: {  	_ = 	snop  }
0x4: {  	_ = 	snop  }
0x5: {  	_ = 	snop  }
0x6: {  	_ = 	snop  }
0x7: {  	_ = 	snop  }
__scs_overlays_trampoline_lowered:
0x8: {  	[smem:$0x3FA1] =	sst s0  }
0x9: {  	[smem:$0x3FA2] =	sst s1  }
0xa: {  	[smem:$0x3FA3] =	sst s2  }
0xb: {  	[smem:$0x3FA4] =	sst s3  }
0xc: {  	[smem:$0x3FA5] =	sst s4  }
0xd: {  	[smem:$0x3FA6] =	sst s5  }
0xe: {  	[smem:$0x3FA7] =	sst s6  }
0xf: {  	[smem:$0x3FA8] =	sst s7  }
0x10: {  	[smem:$0x3FA9] =	sst s8  }
0x11: {  	[smem:$0x3FAA] =	sst s9;
	s0 =	simm.s32 @!p0 $0x0  }
0x12: {  	s1 =	sld [smem:$0x3F90];
	s0 =	simm.s32 @p0 $0x1  }
0x13: {  	[smem:$0x3FAB] =	sst s0;
	s0 =	simm.s32 @!p1 $0x0  }
0x14: {  	s2 =	sld [smem:$0x3F8F];
	s0 =	simm.s32 @p1 $0x1  }
0x15: {  	[smem:$0x3FAC] =	sst s0;
	s0 =	simm.s32 @!p2 $0x0  }
0x16: {  	s3 =	sld [smem:$0x3FDB];
	s0 =	simm.s32 @p2 $0x1  }
0x17: {  	s4 =	simm.s32 $0x1BF5;
	[smem:$0x3FAE] =	sst s0  }
0x18: {  	s0 =	sld [smem:$0x3F91];
	_ =	swait.ge [sflag:s4], $0x0  }
0x19: {  	s7 =	sld [smem:$0x3F92]  }
0x1a: {  	s8 =	sadd.s32 $0xFFFFE003, lr  }
0x1b: {  	s9 =	sadd.s32 $0xFFFFFEF7, lr;
	s5 =	simm.s32 $0xFFFFFFFF;
	p2 =	slt.u32 s8, $0xFFFFF086  }
0x1c: {  	p1 =	slt.u32 s9, $0xF7A;
	s5 =	simm.s32 @!p2 $0x0  }
0x1d: {  	s5 =	simm.s32 @p1 $0x1;
	p0 =	seq.s32 s7, s2  }
0x1e: {  	s7 =	smul.u32 @!p0 $0xF7A, s2;
	p2 =	seq.s32 @!p0 s5, $0x0  }
0x1f: {  	s9 =	smul.u32 $0xF7A, s1;
	s8 =	simm.s32 @!p0 $0x1BF5;
	p2 =	por !p2, p0  }
0x20: {  	[sflag:s8] =	ssyncset.s32 @!p0 $0xFFFFF086;
	s6 =	sadd.s32 @!p0 s3, s7;
	s7 =	simm.s32 @!p0 $0x108  }
0x21: {  	s3 =	sadd.s32 s3, s9;
	s6 =	sadd.s32 @!p0 $0x88, s6;
	s7 =	simm.s32 @p2 $0x1082  }
0x22: {  	[simem:s7], [sflag:s8] =	dma.local @!p0 [hbm:s6], $0xF7A  }
0x23: {  	s9 =	sor.u32 $0xD0000000, s2;
	s6 =	simm.s32 $0x108;
	_ =	swait.ge @!p0 [sflag:s8], $0x0  }
0x24: {  	s3 =	sadd.s32 $0x88, s3;
	s6 =	simm.s32 @!p1 $0x1082;
	[sflag:s4] =	ssyncset.s32 $0xFFFFF086  }
0x25: {  	[simem:s6], [sflag:s4] =	dma.local [hbm:s3], $0xF7A  }
0x26: {  	[smem:$0x3F92] =	sst s1;
	(tag) =	ssettag s2;
	_ =	strace s9  }
0x27: {  	s1 =	sld [smem:$0x3FA2]  }
0x28: {  	s2 =	sld [smem:$0x3FA3]  }
0x29: {  	s4 =	sld [smem:$0x3FA5]  }
0x2a: {  	p0 =	seq.s32 s5, $0x0;
	s5 =	sld [smem:$0x3FA6]  }
0x2b: {  	s6 =	sld [smem:$0x3FA7]  }
0x2c: {  	s7 =	sld [smem:$0x3FA8]  }
0x2d: {  	s3 =	simm.s32 $0x108;
	s8 =	sld [smem:$0x3FA9]  }
0x2e: {  	s3 =	simm.s32 @!p0 $0x1082;
	s9 =	sld [smem:$0x3FAA]  }
0x2f: {  	lr =	sadd.s32 s0, s3;
	s0 =	sld [smem:$0x3FA1]  }
0x30: {  	s3 =	sld [smem:$0x3FA4]  }
0x31: {  	[smem:$0x3FAD] =	sst s10  }
0x32: {  	s10 =	sld [smem:$0x3FAB];
	_ =	sdelay $0x3  }
0x33: {  	p0 =	seq.s32 s10, $0x1;
	s10 =	sld [smem:$0x3FAD];
	_ =	sdelay $0x3  }
0x34: {  	[smem:$0x3FAD] =	sst s10  }
0x35: {  	s10 =	sld [smem:$0x3FAC];
	_ =	sdelay $0x3  }
0x36: {  	p1 =	seq.s32 s10, $0x1;
	s10 =	sld [smem:$0x3FAD];
	_ =	sdelay $0x3  }
0x37: {  	[smem:$0x3FAD] =	sst s10  }
0x38: {  	s10 =	sld [smem:$0x3FAE]  }
0x39: {  	_ = 	snop;
	(pc) =	sbr.ind lr, $3  }
0x3a: {  	_ = 	snop  }
0x3b: {  	_ = 	snop  }
0x3c: {  	p2 =	seq.s32 s10, $0x1;
	s10 =	sld [smem:$0x3FAD]  }
0x3d: {  	_ =	shalt  }
0x3e: {  	_ =	shalt  }
0x3f: {  	_ =	shalt  }
0x40: {  	_ =	shalt  }
0x41: {  	_ =	shalt  }
0x42: {  	_ =	shalt  }
0x43: {  	_ =	shalt  }
0x44: {  	_ =	shalt  }
0x45: {  	_ =	shalt  }
0x46: {  	_ =	shalt  }
0x47: {  	_ =	shalt  }
0x48: {  	_ =	shalt  }
0x49: {  	_ =	shalt  }
0x4a: {  	_ =	shalt  }
0x4b: {  	_ =	shalt  }
0x4c: {  	_ =	shalt  }
0x4d: {  	_ =	shalt  }
0x4e: {  	_ =	shalt  }
0x4f: {  	_ =	shalt  }
0x50: {  	_ =	shalt  }
0x51: {  	_ =	shalt  }
0x52: {  	_ =	shalt  }
0x53: {  	_ =	shalt  }
0x54: {  	_ =	shalt  }
0x55: {  	_ =	shalt  }
0x56: {  	_ =	shalt  }
0x57: {  	_ =	shalt  }
0x58: {  	_ =	shalt  }
0x59: {  	_ =	shalt  }
0x5a: {  	_ =	shalt  }
0x5b: {  	_ =	shalt  }
0x5c: {  	_ =	shalt  }
0x5d: {  	_ =	shalt  }
0x5e: {  	_ =	shalt  }
0x5f: {  	_ =	shalt  }
0x60: {  	_ =	shalt  }
0x61: {  	_ =	shalt  }
0x62: {  	_ =	shalt  }
0x63: {  	_ =	shalt  }
0x64: {  	_ =	shalt  }
0x65: {  	_ =	shalt  }
0x66: {  	_ =	shalt  }
0x67: {  	_ =	shalt  }
0x68: {  	_ =	shalt  }
0x69: {  	_ =	shalt  }
0x6a: {  	_ =	shalt  }
0x6b: {  	_ =	shalt  }
0x6c: {  	_ =	shalt  }
0x6d: {  	_ =	shalt  }
0x6e: {  	_ =	shalt  }
0x6f: {  	_ =	shalt  }
0x70: {  	_ =	shalt  }
0x71: {  	_ =	shalt  }
0x72: {  	_ =	shalt  }
0x73: {  	_ =	shalt  }
0x74: {  	_ =	shalt  }
0x75: {  	_ =	shalt  }
0x76: {  	_ =	shalt  }
0x77: {  	_ =	shalt  }
0x78: {  	_ =	shalt  }
0x79: {  	_ =	shalt  }
0x7a: {  	_ =	shalt  }
0x7b: {  	_ =	shalt  }
0x7c: {  	_ =	shalt  }
0x7d: {  	_ =	shalt  }
0x7e: {  	_ =	shalt  }
0x7f: {  	_ =	shalt  }
0x80: {  	_ =	shalt  }
0x81: {  	_ =	shalt  }
0x82: {  	_ =	shalt  }
0x83: {  	_ =	shalt  }
0x84: {  	_ =	shalt  }
0x85: {  	_ =	shalt  }
0x86: {  	_ =	shalt  }
0x87: {  	_ =	shalt  }
.Lfunc_end0:
.L_simem_size_0:
called_computation.1_lowered:
.L_overlay_start_0:
0x88: {  	s2 =	sld [smem:$0x3FD9]  }
0x89: {  	s3 =	sld [smem:$0x3FFE];
	_ =	sdelay $0x1  }
0x8a: {  	s1 =	srdreg.scid  }
0x8b: {  	s0 =	sand.u32 $0x1, s1  }
0x8c: {  	s16 =	sshll.u32 s0, $0xA;
	s2 =	sadd.s32 s3, s2  }
0x8d: {  	s2 =	sadd.s32 s2, s16  }
0x8e: {  	[smem:$0x3FB9] =	sst s2  }
0x8f: {  	_ = 	snop  }
0x90: {  	(tm) =	ssettm $0x1  }
0x91: {  	s17 =	sld [smem:$0x3FFB];
	_ =	sdelay $0x3  }
0x92: {  	_ =	strace s17  }
0x93: {  	s2 =	sld [smem:$0x3FFC];
	_ =	sdelay $0x3  }
0x94: {  	_ =	strace s2  }
0x95: {  	s2 =	sld [smem:$0x3FFD];
	_ =	sdelay $0x3  }
0x96: {  	_ =	strace s2  }
0x97: {  	_ =	strace $0x8FFFFFFF  }
0x98: {  	s18 =	sld [smem:$0x3FDB];
	_ =	sdelay $0x1  }
0x99: {  	s19 =	simm.s32 $_scs_section_size  }
0x9a: {  	s4 =	simm.s32 $_size__tile_overlayer_lowered;
	s5 =	simm.s32 $_tile_overlayer_lowered  }
0x9b: {  	s22 =	simm.s32 $0x1BFF;
	s21 =	sshll.u32 s5, $0x1;
	s2 =	sadd.s32 s19, s18  }
0x9c: {  	s6 =	simm.s32 $0x0;
	s20 =	sshll.u32 s4, $0x1;
	s4 =	sadd.s32 s21, s2  }
0x9d: {  	[timem:s6], [sflag:s22] =	dma.local [hbm:s4], s20  }
0x9e: {  	_ =	swait.ge [sflag:s22], s20  }
0x9f: {  	s3 =	ssub.s32 $0x0, s20;
	[sflag:s22] =	ssyncset.done $0x0  }
0xa0: {  	[sflag:s22] =	ssyncadd.s32 s3;
	_ =	sdelay $0x1  }
0xa1: {  	s23 =	simm.s32 $0x1B8B  }
0xa2: {  	_ =	swait.ge [sflag:s23], $0x1  }
0xa3: {  	[sflag:s23] =	ssyncset.done $0x0  }
0xa4: {  	s25 =	simm.s32 $0x1B8E;
	s24 =	sld [smem:$0x3FFE];
	[sflag:s23] =	ssyncadd.s32 $0xFFFFFFFF  }
0xa5: {  	s26 =	simm.s32 $execute0_lowered;
	[smem:$0x3FD2] =	sst s25  }
0xa6: {  	s4 =	sshll.u32 s26, $0x1;
	_ =	strace $0x80000049;
	[dreg:$0x1] =	wrdreg $0xFFFFFFFF  }
0xa7: {  	s28 =	simm.s32 $_size_execute0_lowered;
	s2 =	sadd.s32 s2, s4;
	[dreg:$0x0] =	wrdreg $0x0  }
0xa8: {  	s4 =	sshll.u32 s28, $0x1;
	[dreg:$0x2] =	wrdreg s2  }
0xa9: {  	[dreg:$0x3] =	wrdreg s4  }
0xaa: {  	[dreg:$0x4] =	wrdreg $0xC0  }
0xab: {  	_ =	task [dreg:s6], $0x5FFFF  }
0xac: {  	[dreg:$0x1] =	wrdreg $0xFFFFFFFF  }
0xad: {  	[dreg:$0x0] =	wrdreg $0x60  }
0xae: {  	[dreg:$0x2] =	wrdreg s24  }
0xaf: {  	[dreg:$0x3] =	wrdreg $0x0  }
0xb0: {  	[dreg:$0x4] =	wrdreg $0x9C600  }
0xb1: {  	[dreg:$0x5] =	wrdreg $0x9  }
0xb2: {  	_ =	task.clear_ibuf [dreg:s6], $0x6FFFF;
	_ =	strace $0x90000049  }
0xb3: {  	s29 =	simm.s32 $0x9;
	_ =	strace $0x8000004B  }
0xb4: {  	_ =	swait.ge [sflag:s29], $0x1  }
0xb5: {  	[sflag:s29] =	ssyncadd.s32 $0xFFFFFFFF  }
0xb6: {  	_ =	strace $0x9000004B  }
0xb7: {  	_ =	sfence  }
0xb8: {  	s30 =	sld [smem:$0x0];
	_ =	sdelay $0x2  }
0xb9: {  	s31 =	sshll.u32 s1, $0xD;
	s1 =	sshrl.u32 s1, $0x2  }
0xba: {  	s3 =	sand.u32 $0x4000, s31;
	s1 =	sadd.s32 s1, s30  }
0xbb: {  	s0 =	sor.u32 s3, s0;
	s1 =	sshll.u32 s1, $0x11  }
0xbc: {  	s0 =	sor.u32 s1, s0  }
0xbd: {  	s0 =	sadd.s32 $0x8F2B, s0  }
0xbe: {  	[sflag:s0] =	ssyncadd.remote.s32 $0x1  }
0xbf: {  	_ =	sfence.sel $0xFFFF  }
0xc0: {  	[dreg:$0x0] =	wrdreg $0xFFFFFFFF;
	(pc) =	sbr.abs _section_cstart, $3  }
0xc1: {  	[dreg:$0x1] =	wrdreg $0xFFFFFFFF  }
0xc2: {  	_ =	task.clear_ibuf [dreg:s6], $0x2FFFF;
	_ =	strace $0x9FFFFFFF  }
0xc3: {  	(tm) =	ssettm $0x7FFFFFFF  }
tec
execute0_lowered:
.L_overlay_start_1:
0x0: {  	(tag) =	ssettag $0x1  }
0x1: {  	s8 =	rddreg [dreg:$0x0]  }
0x2: {  	s2 =	rddreg [dreg:$0x1]  }
0x3: {  	s3 =	rddreg [dreg:$0x2]  }
0x4: {  	s5 =	srdreg.scid;
	s1 =	stileid.u32;
	s4 =	simm.s32 $0x0  }
0x5: {  	s14 =	simm.s32 $0x5;
	s16 =	simm.s32 $0x138C0;
	s17 =	simm.s32 $0x14CC0  }
0x6: {  	s18 =	simm.s32 $0x80;
	s19 =	simm.s32 $0x160C0;
	s20 =	simm.s32 $0x13940  }
0x7: {  	s21 =	simm.s32 $0x1A0C0;
	s22 =	simm.s32 $0x1;
	s23 =	simm.s32 $0x3  }
0x8: {  	s24 =	simm.s32 $0x2;
	s25 =	simm.s32 $0x4;
	s26 =	simm.s32 $0x15FC0  }
0x9: {  	s28 =	simm.s32 $0x16040;
	s6 =	sand.u32 $0x1, s5;
	s29 =	smul.u32 $0x278, s1  }
0xa: {  	[smem:$0x7FF] =	sst s4;
	s5 =	sadd.s32 $0xD400, s8;
	s31 =	sshll.u32 s1, $0x6  }
0xb: {  	s7 =	smul.u32 $0x2710, s6;
	_ =	strace $0x8000004A;
	s10 =	ssub.s32 $0x2, s6  }
0xc: {  	s6 =	sadd.s32 $0x3400, s8;
	s9 =	smin.u32 s29, $0x2498;
	s12 =	sshrl.u32 s10, $0x1  }
0xd: {  	s7 =	sadd.s32 s7, s9;
	s12 =	ssub.s32 s10, s12;
	s30 =	sshll.u32 s9, $0x7  }
0xe: {  	s9 =	sor.u32 $0x1C05, s31;
	s11 =	sshll.u32 s7, $0x4;
	s7 =	sadd.s32 $0x17400, s8  }
0xf: {  	s13 =	sadd.s32 s30, s2;
	s15 =	sadd.s32 s30, s3;
	s12 =	smax.u32 s12, $0x1  }
0x10: {  	s11 =	sadd.s32 s11, s8;
	s8 =	smul.u32 $0xA0, s1;
	s13 =	sshrl.u32 s13, $0x3  }
0x11: {  	s15 =	sshrl.u32 s15, $0x3;
	s10 =	sadd.s32 $0x68600, s11;
	s11 =	sadd.s32 $0x19C00, s11  }
.LBB2_1:
0x12: {  	[spmem:s13], [sflag:s9] =	dma.local [hbm:s7], $0x2780  }
0x13: {  	_ =	swait.ge [sflag:s14], $0x2780  }
0x14: {  	[sflag:s14] =	ssyncset.done $0x0  }
0x15: {  	[sflag:s14] =	ssyncadd.s32 $0xFFFFD880  }
0x16: {  	[spmem:s15], [sflag:s9] =	dma.local [hbm:s10], $0x2780  }
0x17: {  	_ =	swait.ge [sflag:s14], $0x2780  }
0x18: {  	[sflag:s14] =	ssyncset.done $0x0  }
0x19: {  	[sflag:s14] =	ssyncadd.s32 $0xFFFFD880  }
0x1a: {  	s29 =	simm.s32 $0x0;
	[bflag:$0x0] =	sbarrier.arrive $0xFFFF  }
.LBB2_2:
0x1b: {  	s30 =	smul.u32 $0x28, s29;
	_ =	sdelay $0x1  }
0x1c: {  	s30 =	sadd.s32 s8, s30  }
0x1d: {  	s30 =	sshll.u32 s30, $0x4  }
0x1e: {  	s0 =	simm.s32 $0x0;
	s31 =	sadd.s32 s5, s30  }
0x1f: {  	[tilespmem:s16], [sflag:$0x5] =	stream.linear.gather [hbm4b:s31+s0], $0x1400, $0x38;
	[tilespmem:$0x1E0C0] =	vst v63  }
0x20: {  	_ =	swait.ge [sflag:s14], $0x1400  }
0x21: {  	[sflag:s14] =	ssyncset.done $0x0  }
0x22: {  	s30 =	sadd.s32 s6, s30;
	[sflag:s14] =	ssyncadd.s32 $0xFFFFEC00  }
0x23: {  	[tilespmem:s17], [sflag:$0x5] =	stream.linear.gather [hbm4b:s30+s0], $0x1400, $0x38;
	[tilespmem:$0x1E0C0] =	vst v63  }
0x24: {  	_ =	swait.ge [sflag:s14], $0x1400  }
0x25: {  	[sflag:s14] =	ssyncset.done $0x0  }
0x26: {  	[sflag:s14] =	ssyncadd.s32 $0xFFFFEC00  }
0x27: {  	[tilespmem:s19], [sflag:$0x1] =	stream.indirect.gather [spmem:s3], $0x40, s16, s18, $0xb8;
	[tilespmem:$0x1E0C0] =	vst v63  }
0x28: {  	_ = 	snop  }
0x29: {  	[tilespmem:s21], [sflag:$0x2] =	stream.indirect.gather [spmem:s3], $0x40, s20, s18, $0xb8;
	[tilespmem:$0x1E0C0] =	vst v63  }
0x2a: {  	_ =	swait.ge [sflag:s22], $0x2000  }
0x2b: {  	[sflag:s22] =	ssyncset.done $0x0  }
0x2c: {  	s0 =	simm.s32 $0x14CC0;
	[sflag:s22] =	ssyncadd.s32 $0xFFFFE000  }
0x2d: {  	[spmem:s2] =	stream.indirect.scatter.add.f32 [tilespmem:s19], [sflag:$0x3], $0x40, s0, s18, $0xb8;
	[tilespmem:$0x1E0C0] =	vst v63  }
0x2e: {  	_ =	swait.ge [sflag:s23], $0x2000  }
0x2f: {  	[sflag:s23] =	ssyncset.done $0x0  }
0x30: {  	s0 =	simm.s32 $0x139C0;
	[sflag:s23] =	ssyncadd.s32 $0xFFFFE000  }
0x31: {  	[tilespmem:s19], [sflag:$0x1] =	stream.indirect.gather [spmem:s3], $0x40, s0, s18, $0xb8;
	[tilespmem:$0x1E0C0] =	vst v63  }
0x32: {  	_ =	swait.ge [sflag:s24], $0x2000  }
0x33: {  	[sflag:s24] =	ssyncset.done $0x0  }
0x34: {  	s0 =	simm.s32 $0x14D40;
	[sflag:s24] =	ssyncadd.s32 $0xFFFFE000  }
0x35: {  	[spmem:s2] =	stream.indirect.scatter.add.f32 [tilespmem:s21], [sflag:$0x4], $0x40, s0, s18, $0xb8;
	[tilespmem:$0x1E0C0] =	vst v63  }
0x36: {  	_ =	swait.ge [sflag:s25], $0x2000  }
0x37: {  	[sflag:s25] =	ssyncset.done $0x0  }
0x38: {  	s31 =	simm.s32 $0x13A40;
	s30 =	simm.s32 $0x400;
	[sflag:s25] =	ssyncadd.s32 $0xFFFFE000  }
.LBB2_3:
0x39: {  	[tilespmem:s21], [sflag:$0x2] =	stream.indirect.gather [spmem:s3], $0x40, s31, s18, $0xb8;
	[tilespmem:$0x1E0C0] =	vst v63  }
0x3a: {  	s0 =	smov.u32 s30  }
0x3b: {  	p0 =	sne.s32 s30, $0x4800;
	s30 =	sadd.s32 $0x400, s30;
	_ =	swait.ge [sflag:s22], $0x2000  }
0x3c: {  	s0 =	sshra.s32 s0, $0x2;
	[sflag:s22] =	ssyncset.done $0x0  }
0x3d: {  	s31 =	sadd.s32 $0x14CC0, s0;
	[sflag:s22] =	ssyncadd.s32 $0xFFFFE000  }
0x3e: {  	[spmem:s2] =	stream.indirect.scatter.add.f32 [tilespmem:s19], [sflag:$0x3], $0x40, s31, s18, $0xb8;
	[tilespmem:$0x1E0C0] =	vst v63  }
0x3f: {  	_ =	swait.ge [sflag:s23], $0x2000  }
0x40: {  	[sflag:s23] =	ssyncset.done $0x0  }
0x41: {  	s31 =	sadd.s32 $0x139C0, s0;
	[sflag:s23] =	ssyncadd.s32 $0xFFFFE000  }
0x42: {  	[tilespmem:s19], [sflag:$0x1] =	stream.indirect.gather [spmem:s3], $0x40, s31, s18, $0xb8;
	[tilespmem:$0x1E0C0] =	vst v63  }
0x43: {  	_ =	swait.ge [sflag:s24], $0x2000  }
0x44: {  	[sflag:s24] =	ssyncset.done $0x0  }
.Ltmp0:
0x45: {  	s31 =	sadd.s32 $0x14D40, s0;
	[sflag:s24] =	ssyncadd.s32 $0xFFFFE000;
	(pc) =	sbr.rel @p0 .LBB2_3-.Ltmp0, $4  }
0x46: {  	[spmem:s2] =	stream.indirect.scatter.add.f32 [tilespmem:s21], [sflag:$0x4], $0x40, s31, s18, $0xb8;
	[tilespmem:$0x1E0C0] =	vst v63  }
0x47: {  	_ =	swait.ge [sflag:s25], $0x2000  }
0x48: {  	[sflag:s25] =	ssyncset.done $0x0  }
0x49: {  	s31 =	sadd.s32 $0x13A40, s0;
	[sflag:s25] =	ssyncadd.s32 $0xFFFFE000  }
0x4a: {  	[tilespmem:s21], [sflag:$0x2] =	stream.indirect.gather [spmem:s3], $0x40, s31, s18, $0xb8;
	[tilespmem:$0x1E0C0] =	vst v63  }
0x4b: {  	_ =	swait.ge [sflag:s22], $0x2000  }
0x4c: {  	[sflag:s22] =	ssyncset.done $0x0  }
0x4d: {  	[sflag:s22] =	ssyncadd.s32 $0xFFFFE000  }
0x4e: {  	[spmem:s2] =	stream.indirect.scatter.add.f32 [tilespmem:s19], [sflag:$0x3], $0x40, s26, s18, $0xb8;
	[tilespmem:$0x1E0C0] =	vst v63  }
0x4f: {  	_ =	swait.ge [sflag:s24], $0x2000  }
0x50: {  	[sflag:s24] =	ssyncset.done $0x0  }
0x51: {  	s29 =	sadd.s32 $0x1, s29;
	[sflag:s24] =	ssyncadd.s32 $0xFFFFE000  }
0x52: {  	[spmem:s2] =	stream.indirect.scatter.add.f32 [tilespmem:s21], [sflag:$0x4], $0x40, s28, s18, $0xb8;
	[tilespmem:$0x1E0C0] =	vst v63  }
0x53: {  	p0 =	sne.s32 s29, $0x4;
	_ =	swait.ge [sflag:s23], $0x2000  }
.Ltmp1:
0x54: {  	[sflag:s23] =	ssyncset.done $0x0;
	(pc) =	sbr.rel @p0 .LBB2_2-.Ltmp1, $4  }
0x55: {  	[sflag:s23] =	ssyncadd.s32 $0xFFFFE000  }
0x56: {  	_ =	swait.ge [sflag:s25], $0x2000  }
0x57: {  	[sflag:s25] =	ssyncset.done $0x0  }
0x58: {  	[sflag:s25] =	ssyncadd.s32 $0xFFFFE000  }
0x59: {  	s4 =	sadd.s32 $0x1, s4  }
0x5a: {  	p0 =	sne.s32 s4, s12  }
.Ltmp2:
0x5b: {  	[bflag:$0x0] =	sbarrier.arrive $0xFFFF;
	(pc) =	sbr.rel @p0 .LBB2_1-.Ltmp2, $4  }
0x5c: {  	[hbm:s11], [sflag:s9] =	dma.local [spmem:s13], $0x2780  }
0x5d: {  	_ =	swait.ge [sflag:s14], $0x2780  }
0x5e: {  	[sflag:s14] =	ssyncset.done $0x0  }
0x5f: {  	[sflag:s14] =	ssyncadd.s32 $0xFFFFD880  }
0x60: {  	_ =	sfence.sel $0x180000  }
0x61: {  	[bflag:$0x0] =	sbarrier.arrive $0xFFFF  }
0x62: {  	_ =	strace $0x9000004A  }
0x63: {  	[bflag:$0x2] =	sbarrier.arrive $0xFFFF  }
0x64: {  	p0 =	sne.s32 s1, $0x0;
	s0 =	rddreg [dreg:$0x3]  }
0x65: {  	s0 =	sadd.s32 @!p0 $0x100000, s0  }
0x66: {  	[sflag:s0] =	ssyncadd.tile.s32 @!p0 $0x1;
	_ =	shalt  }
.Lfunc_end2:
_tile_overlayer_lowered:
.L_overlay_start_2:
0x67: {  	(tag) =	ssettag $0x2  }
0x68: {  	s0 =	rddreg [dreg:$0x0];
	s2 =	stileid.u32  }
0x69: {  	s1 =	rddreg [dreg:$0x1];
	p0 =	sne.s32 s2, $0x0  }
0x6a: {  	s3 =	rddreg [dreg:$0x2];
	[bflag:$0x3] =	sbarrier.arrive $0xFFFF;
	s2 =	simm.s32 @!p0 $0x1C05  }
0x6b: {  	[timem:s3], [sflag:s2] =	dma.local @!p0 [hbm:s0], s1  }
0x6c: {  	s0 =	simm.s32 @!p0 $0x5  }
0x6d: {  	_ =	swait.ge @!p0 [sflag:s0], s1  }
0x6e: {  	s1 =	ssub.s32 @!p0 $0x0, s1;
	[sflag:s0] =	ssyncset.done @!p0 $0x0  }
0x6f: {  	[sflag:s0] =	ssyncadd.s32 @!p0 s1  }
0x70: {  	[bflag:$0x3] =	sbarrier.arrive $0xFFFF  }
0x71: {  	_ =	shalt  }

// kernel: kernel.16.cloned.1.call-start
scs
__scs_entry_jumppad:
0x0: {  	(pc) =	sbr.rel $0x88, $3  }
0x1: {  	(tag) =	ssettag $0x0;
	lr =	simm.s32 $0x1  }
0x2: {  	[smem:$0x3F92] =	sst lr;
	_ =	strace $0xD0000000  }
0x3: {  	_ = 	snop  }
0x4: {  	_ = 	snop  }
0x5: {  	_ = 	snop  }
0x6: {  	_ = 	snop  }
0x7: {  	_ = 	snop  }
__scs_overlays_trampoline_lowered:
0x8: {  	[smem:$0x3FA1] =	sst s0  }
0x9: {  	[smem:$0x3FA2] =	sst s1  }
0xa: {  	[smem:$0x3FA3] =	sst s2  }
0xb: {  	[smem:$0x3FA4] =	sst s3  }
0xc: {  	[smem:$0x3FA5] =	sst s4  }
0xd: {  	[smem:$0x3FA6] =	sst s5  }
0xe: {  	[smem:$0x3FA7] =	sst s6  }
0xf: {  	[smem:$0x3FA8] =	sst s7  }
0x10: {  	[smem:$0x3FA9] =	sst s8  }
0x11: {  	[smem:$0x3FAA] =	sst s9;
	s0 =	simm.s32 @!p0 $0x0  }
0x12: {  	s1 =	sld [smem:$0x3F90];
	s0 =	simm.s32 @p0 $0x1  }
0x13: {  	[smem:$0x3FAB] =	sst s0;
	s0 =	simm.s32 @!p1 $0x0  }
0x14: {  	s2 =	sld [smem:$0x3F8F];
	s0 =	simm.s32 @p1 $0x1  }
0x15: {  	[smem:$0x3FAC] =	sst s0;
	s0 =	simm.s32 @!p2 $0x0  }
0x16: {  	s3 =	sld [smem:$0x3FDB];
	s0 =	simm.s32 @p2 $0x1  }
0x17: {  	s4 =	simm.s32 $0x1BF5;
	[smem:$0x3FAE] =	sst s0  }
0x18: {  	s0 =	sld [smem:$0x3F91];
	_ =	swait.ge [sflag:s4], $0x0  }
0x19: {  	s7 =	sld [smem:$0x3F92]  }
0x1a: {  	s8 =	sadd.s32 $0xFFFFE003, lr  }
0x1b: {  	s9 =	sadd.s32 $0xFFFFFEF7, lr;
	s5 =	simm.s32 $0xFFFFFFFF;
	p2 =	slt.u32 s8, $0xFFFFF086  }
0x1c: {  	p1 =	slt.u32 s9, $0xF7A;
	s5 =	simm.s32 @!p2 $0x0  }
0x1d: {  	s5 =	simm.s32 @p1 $0x1;
	p0 =	seq.s32 s7, s2  }
0x1e: {  	s7 =	smul.u32 @!p0 $0xF7A, s2;
	p2 =	seq.s32 @!p0 s5, $0x0  }
0x1f: {  	s9 =	smul.u32 $0xF7A, s1;
	s8 =	simm.s32 @!p0 $0x1BF5;
	p2 =	por !p2, p0  }
0x20: {  	[sflag:s8] =	ssyncset.s32 @!p0 $0xFFFFF086;
	s6 =	sadd.s32 @!p0 s3, s7;
	s7 =	simm.s32 @!p0 $0x108  }
0x21: {  	s3 =	sadd.s32 s3, s9;
	s6 =	sadd.s32 @!p0 $0x88, s6;
	s7 =	simm.s32 @p2 $0x1082  }
0x22: {  	[simem:s7], [sflag:s8] =	dma.local @!p0 [hbm:s6], $0xF7A  }
0x23: {  	s9 =	sor.u32 $0xD0000000, s2;
	s6 =	simm.s32 $0x108;
	_ =	swait.ge @!p0 [sflag:s8], $0x0  }
0x24: {  	s3 =	sadd.s32 $0x88, s3;
	s6 =	simm.s32 @!p1 $0x1082;
	[sflag:s4] =	ssyncset.s32 $0xFFFFF086  }
0x25: {  	[simem:s6], [sflag:s4] =	dma.local [hbm:s3], $0xF7A  }
0x26: {  	[smem:$0x3F92] =	sst s1;
	(tag) =	ssettag s2;
	_ =	strace s9  }
0x27: {  	s1 =	sld [smem:$0x3FA2]  }
0x28: {  	s2 =	sld [smem:$0x3FA3]  }
0x29: {  	s4 =	sld [smem:$0x3FA5]  }
0x2a: {  	p0 =	seq.s32 s5, $0x0;
	s5 =	sld [smem:$0x3FA6]  }
0x2b: {  	s6 =	sld [smem:$0x3FA7]  }
0x2c: {  	s7 =	sld [smem:$0x3FA8]  }
0x2d: {  	s3 =	simm.s32 $0x108;
	s8 =	sld [smem:$0x3FA9]  }
0x2e: {  	s3 =	simm.s32 @!p0 $0x1082;
	s9 =	sld [smem:$0x3FAA]  }
0x2f: {  	lr =	sadd.s32 s0, s3;
	s0 =	sld [smem:$0x3FA1]  }
0x30: {  	s3 =	sld [smem:$0x3FA4]  }
0x31: {  	[smem:$0x3FAD] =	sst s10  }
0x32: {  	s10 =	sld [smem:$0x3FAB];
	_ =	sdelay $0x3  }
0x33: {  	p0 =	seq.s32 s10, $0x1;
	s10 =	sld [smem:$0x3FAD];
	_ =	sdelay $0x3  }
0x34: {  	[smem:$0x3FAD] =	sst s10  }
0x35: {  	s10 =	sld [smem:$0x3FAC];
	_ =	sdelay $0x3  }
0x36: {  	p1 =	seq.s32 s10, $0x1;
	s10 =	sld [smem:$0x3FAD];
	_ =	sdelay $0x3  }
0x37: {  	[smem:$0x3FAD] =	sst s10  }
0x38: {  	s10 =	sld [smem:$0x3FAE]  }
0x39: {  	_ = 	snop;
	(pc) =	sbr.ind lr, $3  }
0x3a: {  	_ = 	snop  }
0x3b: {  	_ = 	snop  }
0x3c: {  	p2 =	seq.s32 s10, $0x1;
	s10 =	sld [smem:$0x3FAD]  }
0x3d: {  	_ =	shalt  }
0x3e: {  	_ =	shalt  }
0x3f: {  	_ =	shalt  }
0x40: {  	_ =	shalt  }
0x41: {  	_ =	shalt  }
0x42: {  	_ =	shalt  }
0x43: {  	_ =	shalt  }
0x44: {  	_ =	shalt  }
0x45: {  	_ =	shalt  }
0x46: {  	_ =	shalt  }
0x47: {  	_ =	shalt  }
0x48: {  	_ =	shalt  }
0x49: {  	_ =	shalt  }
0x4a: {  	_ =	shalt  }
0x4b: {  	_ =	shalt  }
0x4c: {  	_ =	shalt  }
0x4d: {  	_ =	shalt  }
0x4e: {  	_ =	shalt  }
0x4f: {  	_ =	shalt  }
0x50: {  	_ =	shalt  }
0x51: {  	_ =	shalt  }
0x52: {  	_ =	shalt  }
0x53: {  	_ =	shalt  }
0x54: {  	_ =	shalt  }
0x55: {  	_ =	shalt  }
0x56: {  	_ =	shalt  }
0x57: {  	_ =	shalt  }
0x58: {  	_ =	shalt  }
0x59: {  	_ =	shalt  }
0x5a: {  	_ =	shalt  }
0x5b: {  	_ =	shalt  }
0x5c: {  	_ =	shalt  }
0x5d: {  	_ =	shalt  }
0x5e: {  	_ =	shalt  }
0x5f: {  	_ =	shalt  }
0x60: {  	_ =	shalt  }
0x61: {  	_ =	shalt  }
0x62: {  	_ =	shalt  }
0x63: {  	_ =	shalt  }
0x64: {  	_ =	shalt  }
0x65: {  	_ =	shalt  }
0x66: {  	_ =	shalt  }
0x67: {  	_ =	shalt  }
0x68: {  	_ =	shalt  }
0x69: {  	_ =	shalt  }
0x6a: {  	_ =	shalt  }
0x6b: {  	_ =	shalt  }
0x6c: {  	_ =	shalt  }
0x6d: {  	_ =	shalt  }
0x6e: {  	_ =	shalt  }
0x6f: {  	_ =	shalt  }
0x70: {  	_ =	shalt  }
0x71: {  	_ =	shalt  }
0x72: {  	_ =	shalt  }
0x73: {  	_ =	shalt  }
0x74: {  	_ =	shalt  }
0x75: {  	_ =	shalt  }
0x76: {  	_ =	shalt  }
0x77: {  	_ =	shalt  }
0x78: {  	_ =	shalt  }
0x79: {  	_ =	shalt  }
0x7a: {  	_ =	shalt  }
0x7b: {  	_ =	shalt  }
0x7c: {  	_ =	shalt  }
0x7d: {  	_ =	shalt  }
0x7e: {  	_ =	shalt  }
0x7f: {  	_ =	shalt  }
0x80: {  	_ =	shalt  }
0x81: {  	_ =	shalt  }
0x82: {  	_ =	shalt  }
0x83: {  	_ =	shalt  }
0x84: {  	_ =	shalt  }
0x85: {  	_ =	shalt  }
0x86: {  	_ =	shalt  }
0x87: {  	_ =	shalt  }
.Lfunc_end0:
.L_simem_size_0:
called_computation.2_lowered:
.L_overlay_start_0:
0x88: {  	s2 =	sld [smem:$0x3FD9]  }
0x89: {  	s3 =	sld [smem:$0x3FFE];
	_ =	sdelay $0x1  }
0x8a: {  	s1 =	srdreg.scid  }
0x8b: {  	s0 =	sand.u32 $0x1, s1  }
0x8c: {  	s16 =	sshll.u32 s0, $0xA;
	s2 =	sadd.s32 s3, s2  }
0x8d: {  	s2 =	sadd.s32 s2, s16  }
0x8e: {  	[smem:$0x3FB9] =	sst s2  }
0x8f: {  	_ = 	snop  }
0x90: {  	(tm) =	ssettm $0x1  }
0x91: {  	s17 =	sld [smem:$0x3FFB];
	_ =	sdelay $0x3  }
0x92: {  	_ =	strace s17  }
0x93: {  	s2 =	sld [smem:$0x3FFC];
	_ =	sdelay $0x3  }
0x94: {  	_ =	strace s2  }
0x95: {  	s2 =	sld [smem:$0x3FFD];
	_ =	sdelay $0x3  }
0x96: {  	_ =	strace s2  }
0x97: {  	_ =	strace $0x8FFFFFFF  }
0x98: {  	s18 =	sld [smem:$0x3FDB];
	_ =	sdelay $0x1  }
0x99: {  	s19 =	simm.s32 $_scs_section_size  }
0x9a: {  	s4 =	simm.s32 $_size__tile_overlayer_lowered;
	s5 =	simm.s32 $_tile_overlayer_lowered  }
0x9b: {  	s22 =	simm.s32 $0x1BFF;
	s21 =	sshll.u32 s5, $0x1;
	s2 =	sadd.s32 s19, s18  }
0x9c: {  	s6 =	simm.s32 $0x0;
	s20 =	sshll.u32 s4, $0x1;
	s4 =	sadd.s32 s21, s2  }
0x9d: {  	[timem:s6], [sflag:s22] =	dma.local [hbm:s4], s20  }
0x9e: {  	_ =	swait.ge [sflag:s22], s20  }
0x9f: {  	s3 =	ssub.s32 $0x0, s20;
	[sflag:s22] =	ssyncset.done $0x0  }
0xa0: {  	[sflag:s22] =	ssyncadd.s32 s3;
	_ =	sdelay $0x1  }
0xa1: {  	s23 =	simm.s32 $0x1B8B  }
0xa2: {  	_ =	swait.ge [sflag:s23], $0x1  }
0xa3: {  	[sflag:s23] =	ssyncset.done $0x0  }
0xa4: {  	s25 =	simm.s32 $0x1B8E;
	s24 =	sld [smem:$0x3FFE];
	[sflag:s23] =	ssyncadd.s32 $0xFFFFFFFF  }
0xa5: {  	s26 =	simm.s32 $execute0_lowered;
	[smem:$0x3FD2] =	sst s25  }
0xa6: {  	s4 =	sshll.u32 s26, $0x1;
	_ =	strace $0x8000004C;
	[dreg:$0x1] =	wrdreg $0xFFFFFFFF  }
0xa7: {  	s28 =	simm.s32 $_size_execute0_lowered;
	s2 =	sadd.s32 s2, s4;
	[dreg:$0x0] =	wrdreg $0x0  }
0xa8: {  	s4 =	sshll.u32 s28, $0x1;
	[dreg:$0x2] =	wrdreg s2  }
0xa9: {  	[dreg:$0x3] =	wrdreg s4  }
0xaa: {  	[dreg:$0x4] =	wrdreg $0xC0  }
0xab: {  	_ =	task [dreg:s6], $0x5FFFF  }
0xac: {  	[dreg:$0x1] =	wrdreg $0xFFFFFFFF  }
0xad: {  	[dreg:$0x0] =	wrdreg $0x60  }
0xae: {  	[dreg:$0x2] =	wrdreg s24  }
0xaf: {  	[dreg:$0x3] =	wrdreg $0x0  }
0xb0: {  	[dreg:$0x4] =	wrdreg $0x9C600  }
0xb1: {  	[dreg:$0x5] =	wrdreg $0x9  }
0xb2: {  	_ =	task.clear_ibuf [dreg:s6], $0x6FFFF;
	_ =	strace $0x9000004C  }
0xb3: {  	s29 =	simm.s32 $0x9;
	_ =	strace $0x8000004E  }
0xb4: {  	_ =	swait.ge [sflag:s29], $0x1  }
0xb5: {  	[sflag:s29] =	ssyncadd.s32 $0xFFFFFFFF  }
0xb6: {  	_ =	strace $0x9000004E  }
0xb7: {  	_ =	sfence  }
0xb8: {  	s30 =	sld [smem:$0x0];
	_ =	sdelay $0x2  }
0xb9: {  	s31 =	sshll.u32 s1, $0xD;
	s1 =	sshrl.u32 s1, $0x2  }
0xba: {  	s3 =	sand.u32 $0x4000, s31;
	s1 =	sadd.s32 s1, s30  }
0xbb: {  	s0 =	sor.u32 s3, s0;
	s1 =	sshll.u32 s1, $0x11  }
0xbc: {  	s0 =	sor.u32 s1, s0  }
0xbd: {  	s0 =	sadd.s32 $0x8F2B, s0  }
0xbe: {  	[sflag:s0] =	ssyncadd.remote.s32 $0x1  }
0xbf: {  	_ =	sfence.sel $0xFFFF  }
0xc0: {  	[dreg:$0x0] =	wrdreg $0xFFFFFFFF;
	(pc) =	sbr.abs _section_cstart, $3  }
0xc1: {  	[dreg:$0x1] =	wrdreg $0xFFFFFFFF  }
0xc2: {  	_ =	task.clear_ibuf [dreg:s6], $0x2FFFF;
	_ =	strace $0x9FFFFFFF  }
0xc3: {  	(tm) =	ssettm $0x7FFFFFFF  }
tec
execute0_lowered:
.L_overlay_start_1:
0x0: {  	(tag) =	ssettag $0x1  }
0x1: {  	s0 =	rddreg [dreg:$0x0]  }
0x2: {  	s1 =	rddreg [dreg:$0x1]  }
0x3: {  	s2 =	rddreg [dreg:$0x2]  }
0x4: {  	s3 =	simm.s32 $0x0;
	s4 =	srdreg.scid;
	s13 =	stileid.u32  }
0x5: {  	s16 =	simm.s32 $0x5;
	s18 =	simm.s32 $0x138C0;
	s19 =	simm.s32 $0x14CC0  }
0x6: {  	s20 =	simm.s32 $0x80;
	s21 =	simm.s32 $0x160C0;
	s22 =	simm.s32 $0x13940  }
0x7: {  	s23 =	simm.s32 $0x1A0C0;
	s28 =	simm.s32 $0x4;
	s29 =	simm.s32 $0x15FC0  }
0x8: {  	s30 =	simm.s32 $0x16040;
	[smem:$0x7FF] =	sst s3;
	s5 =	sadd.s32 $0xD400, s0  }
0x9: {  	s6 =	sadd.s32 $0x3400, s0;
	s10 =	sadd.s32 $0x67E00, s0;
	s4 =	sand.u32 $0x1, s4  }
0xa: {  	s8 =	smul.u32 $0x278, s13;
	s7 =	sadd.s32 $0x17400, s0;
	s0 =	sadd.s32 $0x152400, s0  }
0xb: {  	s25 =	sshll.u32 s13, $0x6;
	_ =	strace $0x8000004D;
	s9 =	ssub.s32 $0x2, s4  }
0xc: {  	s4 =	smul.u32 $0x4E20, s4;
	s11 =	sshrl.u32 s9, $0x1;
	s12 =	smin.u32 s8, $0x2498  }
0xd: {  	s8 =	smul.u32 $0xA0, s13;
	s14 =	ssub.s32 s9, s11;
	s24 =	sshll.u32 s12, $0x7  }
0xe: {  	s4 =	sadd.s32 s4, s12;
	s9 =	sor.u32 $0x1C05, s25;
	s25 =	simm.s32 $0x3  }
0xf: {  	s15 =	sadd.s32 s24, s1;
	s17 =	sadd.s32 s24, s2;
	s4 =	sshll.u32 s4, $0x4  }
0x10: {  	s14 =	smax.u32 s14, $0x1;
	s24 =	simm.s32 $0x1;
	s26 =	sadd.s32 s10, s4  }
0x11: {  	s31 =	sadd.s32 s0, s4;
	s4 =	sadd.s32 $0x27100, s4;
	[dreg:$0x4] =	wrdreg s26  }
0x12: {  	s15 =	sshrl.u32 s15, $0x3;
	s17 =	sshrl.u32 s17, $0x3;
	[dreg:$0x5] =	wrdreg s31  }
0x13: {  	s12 =	sadd.s32 s10, s4;
	s13 =	sadd.s32 s0, s4;
	s26 =	simm.s32 $0x2  }
.LBB2_1:
0x14: {  	[spmem:s15], [sflag:s9] =	dma.local [hbm:s7], $0x2780  }
0x15: {  	_ =	swait.ge [sflag:s16], $0x2780  }
0x16: {  	[sflag:s16] =	ssyncset.done $0x0  }
0x17: {  	s0 =	rddreg [dreg:$0x4];
	[sflag:s16] =	ssyncadd.s32 $0xFFFFD880  }
0x18: {  	[spmem:s17], [sflag:s9] =	dma.local [hbm:s0], $0x2780  }
0x19: {  	_ =	swait.ge [sflag:s16], $0x2780  }
0x1a: {  	[sflag:s16] =	ssyncset.done $0x0  }
0x1b: {  	[sflag:s16] =	ssyncadd.s32 $0xFFFFD880  }
0x1c: {  	s31 =	simm.s32 $0x0;
	[bflag:$0x0] =	sbarrier.arrive $0xFFFF  }
.LBB2_2:
0x1d: {  	s0 =	smul.u32 $0x28, s31;
	_ =	sdelay $0x1  }
0x1e: {  	s0 =	sadd.s32 s8, s0  }
0x1f: {  	s0 =	sshll.u32 s0, $0x4  }
0x20: {  	s10 =	simm.s32 $0x0;
	s4 =	sadd.s32 s5, s0  }
0x21: {  	[tilespmem:s18], [sflag:$0x5] =	stream.linear.gather [hbm4b:s4+s10], $0x1400, $0x38;
	[tilespmem:$0x1E0C0] =	vst v63  }
0x22: {  	_ =	swait.ge [sflag:s16], $0x1400  }
0x23: {  	[sflag:s16] =	ssyncset.done $0x0  }
0x24: {  	s0 =	sadd.s32 s6, s0;
	[sflag:s16] =	ssyncadd.s32 $0xFFFFEC00  }
0x25: {  	[tilespmem:s19], [sflag:$0x5] =	stream.linear.gather [hbm4b:s0+s10], $0x1400, $0x38;
	[tilespmem:$0x1E0C0] =	vst v63  }
0x26: {  	_ =	swait.ge [sflag:s16], $0x1400  }
0x27: {  	[sflag:s16] =	ssyncset.done $0x0  }
0x28: {  	[sflag:s16] =	ssyncadd.s32 $0xFFFFEC00  }
0x29: {  	[tilespmem:s21], [sflag:$0x1] =	stream.indirect.gather [spmem:s2], $0x40, s18, s20, $0xb8;
	[tilespmem:$0x1E0C0] =	vst v63  }
0x2a: {  	_ = 	snop  }
0x2b: {  	[tilespmem:s23], [sflag:$0x2] =	stream.indirect.gather [spmem:s2], $0x40, s22, s20, $0xb8;
	[tilespmem:$0x1E0C0] =	vst v63  }
0x2c: {  	_ =	swait.ge [sflag:s24], $0x2000  }
0x2d: {  	[sflag:s24] =	ssyncset.done $0x0  }
0x2e: {  	s4 =	simm.s32 $0x14CC0;
	[sflag:s24] =	ssyncadd.s32 $0xFFFFE000  }
0x2f: {  	[spmem:s1] =	stream.indirect.scatter.add.f32 [tilespmem:s21], [sflag:$0x3], $0x40, s4, s20, $0xb8;
	[tilespmem:$0x1E0C0] =	vst v63  }
0x30: {  	_ =	swait.ge [sflag:s25], $0x2000  }
0x31: {  	[sflag:s25] =	ssyncset.done $0x0  }
0x32: {  	s10 =	simm.s32 $0x139C0;
	[sflag:s25] =	ssyncadd.s32 $0xFFFFE000  }
0x33: {  	[tilespmem:s21], [sflag:$0x1] =	stream.indirect.gather [spmem:s2], $0x40, s10, s20, $0xb8;
	[tilespmem:$0x1E0C0] =	vst v63  }
0x34: {  	_ =	swait.ge [sflag:s26], $0x2000  }
0x35: {  	[sflag:s26] =	ssyncset.done $0x0  }
0x36: {  	s11 =	simm.s32 $0x14D40;
	[sflag:s26] =	ssyncadd.s32 $0xFFFFE000  }
0x37: {  	[spmem:s1] =	stream.indirect.scatter.add.f32 [tilespmem:s23], [sflag:$0x4], $0x40, s11, s20, $0xb8;
	[tilespmem:$0x1E0C0] =	vst v63  }
0x38: {  	_ =	swait.ge [sflag:s28], $0x2000  }
0x39: {  	[sflag:s28] =	ssyncset.done $0x0  }
0x3a: {  	s0 =	simm.s32 $0x400;
	s4 =	simm.s32 $0x13A40;
	[sflag:s28] =	ssyncadd.s32 $0xFFFFE000  }
.LBB2_3:
0x3b: {  	[tilespmem:s23], [sflag:$0x2] =	stream.indirect.gather [spmem:s2], $0x40, s4, s20, $0xb8;
	[tilespmem:$0x1E0C0] =	vst v63  }
0x3c: {  	s4 =	smov.u32 s0  }
0x3d: {  	p0 =	sne.s32 s0, $0x4800;
	s0 =	sadd.s32 $0x400, s0;
	_ =	swait.ge [sflag:s24], $0x2000  }
0x3e: {  	s4 =	sshra.s32 s4, $0x2;
	[sflag:s24] =	ssyncset.done $0x0  }
0x3f: {  	s10 =	sadd.s32 $0x14CC0, s4;
	[sflag:s24] =	ssyncadd.s32 $0xFFFFE000  }
0x40: {  	[spmem:s1] =	stream.indirect.scatter.add.f32 [tilespmem:s21], [sflag:$0x3], $0x40, s10, s20, $0xb8;
	[tilespmem:$0x1E0C0] =	vst v63  }
0x41: {  	_ =	swait.ge [sflag:s25], $0x2000  }
0x42: {  	[sflag:s25] =	ssyncset.done $0x0  }
0x43: {  	s10 =	sadd.s32 $0x139C0, s4;
	[sflag:s25] =	ssyncadd.s32 $0xFFFFE000  }
0x44: {  	[tilespmem:s21], [sflag:$0x1] =	stream.indirect.gather [spmem:s2], $0x40, s10, s20, $0xb8;
	[tilespmem:$0x1E0C0] =	vst v63  }
0x45: {  	_ =	swait.ge [sflag:s26], $0x2000  }
0x46: {  	[sflag:s26] =	ssyncset.done $0x0  }
.Ltmp0:
0x47: {  	s10 =	sadd.s32 $0x14D40, s4;
	[sflag:s26] =	ssyncadd.s32 $0xFFFFE000;
	(pc) =	sbr.rel @p0 .LBB2_3-.Ltmp0, $4  }
0x48: {  	[spmem:s1] =	stream.indirect.scatter.add.f32 [tilespmem:s23], [sflag:$0x4], $0x40, s10, s20, $0xb8;
	[tilespmem:$0x1E0C0] =	vst v63  }
0x49: {  	_ =	swait.ge [sflag:s28], $0x2000  }
0x4a: {  	[sflag:s28] =	ssyncset.done $0x0  }
0x4b: {  	s4 =	sadd.s32 $0x13A40, s4;
	[sflag:s28] =	ssyncadd.s32 $0xFFFFE000  }
0x4c: {  	[tilespmem:s23], [sflag:$0x2] =	stream.indirect.gather [spmem:s2], $0x40, s4, s20, $0xb8;
	[tilespmem:$0x1E0C0] =	vst v63  }
0x4d: {  	_ =	swait.ge [sflag:s24], $0x2000  }
0x4e: {  	[sflag:s24] =	ssyncset.done $0x0  }
0x4f: {  	[sflag:s24] =	ssyncadd.s32 $0xFFFFE000  }
0x50: {  	[spmem:s1] =	stream.indirect.scatter.add.f32 [tilespmem:s21], [sflag:$0x3], $0x40, s29, s20, $0xb8;
	[tilespmem:$0x1E0C0] =	vst v63  }
0x51: {  	_ =	swait.ge [sflag:s26], $0x2000  }
0x52: {  	[sflag:s26] =	ssyncset.done $0x0  }
0x53: {  	s31 =	sadd.s32 $0x1, s31;
	[sflag:s26] =	ssyncadd.s32 $0xFFFFE000  }
0x54: {  	[spmem:s1] =	stream.indirect.scatter.add.f32 [tilespmem:s23], [sflag:$0x4], $0x40, s30, s20, $0xb8;
	[tilespmem:$0x1E0C0] =	vst v63  }
0x55: {  	p0 =	sne.s32 s31, $0x4;
	_ =	swait.ge [sflag:s25], $0x2000  }
.Ltmp1:
0x56: {  	[sflag:s25] =	ssyncset.done $0x0;
	(pc) =	sbr.rel @p0 .LBB2_2-.Ltmp1, $4  }
0x57: {  	[sflag:s25] =	ssyncadd.s32 $0xFFFFE000  }
0x58: {  	_ =	swait.ge [sflag:s28], $0x2000  }
0x59: {  	[sflag:s28] =	ssyncset.done $0x0  }
0x5a: {  	[sflag:s28] =	ssyncadd.s32 $0xFFFFE000  }
0x5b: {  	[bflag:$0x0] =	sbarrier.arrive $0xFFFF  }
0x5c: {  	s0 =	rddreg [dreg:$0x5]  }
0x5d: {  	[hbm:s0], [sflag:s9] =	dma.local [spmem:s15], $0x2780  }
0x5e: {  	_ =	swait.ge [sflag:s16], $0x2780  }
0x5f: {  	[sflag:s16] =	ssyncset.done $0x0  }
0x60: {  	[sflag:s16] =	ssyncadd.s32 $0xFFFFD880  }
0x61: {  	[bflag:$0x0] =	sbarrier.arrive $0xFFFF  }
0x62: {  	[spmem:s15], [sflag:s9] =	dma.local [hbm:s7], $0x2780  }
0x63: {  	_ =	swait.ge [sflag:s16], $0x2780  }
0x64: {  	[sflag:s16] =	ssyncset.done $0x0  }
0x65: {  	[sflag:s16] =	ssyncadd.s32 $0xFFFFD880  }
0x66: {  	[spmem:s17], [sflag:s9] =	dma.local [hbm:s12], $0x2780  }
0x67: {  	_ =	swait.ge [sflag:s16], $0x2780  }
0x68: {  	[sflag:s16] =	ssyncset.done $0x0  }
0x69: {  	[sflag:s16] =	ssyncadd.s32 $0xFFFFD880  }
0x6a: {  	s31 =	simm.s32 $0x0;
	s0 =	simm.s32 $0x0;
	[bflag:$0x0] =	sbarrier.arrive $0xFFFF  }
.LBB2_6:
0x6b: {  	s4 =	smul.u32 $0x28, s0;
	_ =	sdelay $0x1  }
0x6c: {  	s4 =	sadd.s32 s8, s4  }
0x6d: {  	s4 =	sshll.u32 s4, $0x4  }
0x6e: {  	s10 =	sadd.s32 s5, s4  }
0x6f: {  	[tilespmem:s18], [sflag:$0x5] =	stream.linear.gather [hbm4b:s10+s31], $0x1400, $0x38;
	[tilespmem:$0x1E0C0] =	vst v63  }
0x70: {  	_ =	swait.ge [sflag:s16], $0x1400  }
0x71: {  	[sflag:s16] =	ssyncset.done $0x0  }
0x72: {  	s4 =	sadd.s32 s6, s4;
	[sflag:s16] =	ssyncadd.s32 $0xFFFFEC00  }
0x73: {  	[tilespmem:s19], [sflag:$0x5] =	stream.linear.gather [hbm4b:s4+s31], $0x1400, $0x38;
	[tilespmem:$0x1E0C0] =	vst v63  }
0x74: {  	_ =	swait.ge [sflag:s16], $0x1400  }
0x75: {  	[sflag:s16] =	ssyncset.done $0x0  }
0x76: {  	[sflag:s16] =	ssyncadd.s32 $0xFFFFEC00  }
0x77: {  	[tilespmem:s21], [sflag:$0x1] =	stream.indirect.gather [spmem:s2], $0x40, s18, s20, $0xb8;
	[tilespmem:$0x1E0C0] =	vst v63  }
0x78: {  	_ = 	snop  }
0x79: {  	[tilespmem:s23], [sflag:$0x2] =	stream.indirect.gather [spmem:s2], $0x40, s22, s20, $0xb8;
	[tilespmem:$0x1E0C0] =	vst v63  }
0x7a: {  	_ =	swait.ge [sflag:s24], $0x2000  }
0x7b: {  	[sflag:s24] =	ssyncset.done $0x0  }
0x7c: {  	s11 =	simm.s32 $0x14CC0;
	[sflag:s24] =	ssyncadd.s32 $0xFFFFE000  }
0x7d: {  	[spmem:s1] =	stream.indirect.scatter.add.f32 [tilespmem:s21], [sflag:$0x3], $0x40, s11, s20, $0xb8;
	[tilespmem:$0x1E0C0] =	vst v63  }
0x7e: {  	_ =	swait.ge [sflag:s25], $0x2000  }
0x7f: {  	[sflag:s25] =	ssyncset.done $0x0  }
0x80: {  	s10 =	simm.s32 $0x139C0;
	[sflag:s25] =	ssyncadd.s32 $0xFFFFE000  }
0x81: {  	[tilespmem:s21], [sflag:$0x1] =	stream.indirect.gather [spmem:s2], $0x40, s10, s20, $0xb8;
	[tilespmem:$0x1E0C0] =	vst v63  }
0x82: {  	_ =	swait.ge [sflag:s26], $0x2000  }
0x83: {  	[sflag:s26] =	ssyncset.done $0x0  }
0x84: {  	s11 =	simm.s32 $0x14D40;
	[sflag:s26] =	ssyncadd.s32 $0xFFFFE000  }
0x85: {  	[spmem:s1] =	stream.indirect.scatter.add.f32 [tilespmem:s23], [sflag:$0x4], $0x40, s11, s20, $0xb8;
	[tilespmem:$0x1E0C0] =	vst v63  }
0x86: {  	_ =	swait.ge [sflag:s28], $0x2000  }
0x87: {  	[sflag:s28] =	ssyncset.done $0x0  }
0x88: {  	s4 =	simm.s32 $0x400;
	s10 =	simm.s32 $0x13A40;
	[sflag:s28] =	ssyncadd.s32 $0xFFFFE000  }
.LBB2_7:
0x89: {  	[tilespmem:s23], [sflag:$0x2] =	stream.indirect.gather [spmem:s2], $0x40, s10, s20, $0xb8;
	[tilespmem:$0x1E0C0] =	vst v63  }
0x8a: {  	s10 =	smov.u32 s4  }
0x8b: {  	p0 =	sne.s32 s4, $0x4800;
	s4 =	sadd.s32 $0x400, s4;
	_ =	swait.ge [sflag:s24], $0x2000  }
0x8c: {  	s10 =	sshra.s32 s10, $0x2;
	[sflag:s24] =	ssyncset.done $0x0  }
0x8d: {  	s11 =	sadd.s32 $0x14CC0, s10;
	[sflag:s24] =	ssyncadd.s32 $0xFFFFE000  }
0x8e: {  	[spmem:s1] =	stream.indirect.scatter.add.f32 [tilespmem:s21], [sflag:$0x3], $0x40, s11, s20, $0xb8;
	[tilespmem:$0x1E0C0] =	vst v63  }
0x8f: {  	_ =	swait.ge [sflag:s25], $0x2000  }
0x90: {  	[sflag:s25] =	ssyncset.done $0x0  }
0x91: {  	s11 =	sadd.s32 $0x139C0, s10;
	[sflag:s25] =	ssyncadd.s32 $0xFFFFE000  }
0x92: {  	[tilespmem:s21], [sflag:$0x1] =	stream.indirect.gather [spmem:s2], $0x40, s11, s20, $0xb8;
	[tilespmem:$0x1E0C0] =	vst v63  }
0x93: {  	_ =	swait.ge [sflag:s26], $0x2000  }
0x94: {  	[sflag:s26] =	ssyncset.done $0x0  }
.Ltmp2:
0x95: {  	s11 =	sadd.s32 $0x14D40, s10;
	[sflag:s26] =	ssyncadd.s32 $0xFFFFE000;
	(pc) =	sbr.rel @p0 .LBB2_7-.Ltmp2, $4  }
0x96: {  	[spmem:s1] =	stream.indirect.scatter.add.f32 [tilespmem:s23], [sflag:$0x4], $0x40, s11, s20, $0xb8;
	[tilespmem:$0x1E0C0] =	vst v63  }
0x97: {  	_ =	swait.ge [sflag:s28], $0x2000  }
0x98: {  	[sflag:s28] =	ssyncset.done $0x0  }
0x99: {  	s10 =	sadd.s32 $0x13A40, s10;
	[sflag:s28] =	ssyncadd.s32 $0xFFFFE000  }
0x9a: {  	[tilespmem:s23], [sflag:$0x2] =	stream.indirect.gather [spmem:s2], $0x40, s10, s20, $0xb8;
	[tilespmem:$0x1E0C0] =	vst v63  }
0x9b: {  	_ =	swait.ge [sflag:s24], $0x2000  }
0x9c: {  	[sflag:s24] =	ssyncset.done $0x0  }
0x9d: {  	[sflag:s24] =	ssyncadd.s32 $0xFFFFE000  }
0x9e: {  	[spmem:s1] =	stream.indirect.scatter.add.f32 [tilespmem:s21], [sflag:$0x3], $0x40, s29, s20, $0xb8;
	[tilespmem:$0x1E0C0] =	vst v63  }
0x9f: {  	_ =	swait.ge [sflag:s26], $0x2000  }
0xa0: {  	[sflag:s26] =	ssyncset.done $0x0  }
0xa1: {  	s0 =	sadd.s32 $0x1, s0;
	[sflag:s26] =	ssyncadd.s32 $0xFFFFE000  }
0xa2: {  	[spmem:s1] =	stream.indirect.scatter.add.f32 [tilespmem:s23], [sflag:$0x4], $0x40, s30, s20, $0xb8;
	[tilespmem:$0x1E0C0] =	vst v63  }
0xa3: {  	p0 =	sne.s32 s0, $0x4;
	_ =	swait.ge [sflag:s25], $0x2000  }
.Ltmp3:
0xa4: {  	[sflag:s25] =	ssyncset.done $0x0;
	(pc) =	sbr.rel @p0 .LBB2_6-.Ltmp3, $4  }
0xa5: {  	[sflag:s25] =	ssyncadd.s32 $0xFFFFE000  }
0xa6: {  	_ =	swait.ge [sflag:s28], $0x2000  }
0xa7: {  	[sflag:s28] =	ssyncset.done $0x0  }
0xa8: {  	[sflag:s28] =	ssyncadd.s32 $0xFFFFE000  }
0xa9: {  	s3 =	sadd.s32 $0x1, s3  }
0xaa: {  	p0 =	sne.s32 s3, s14  }
.Ltmp4:
0xab: {  	[bflag:$0x0] =	sbarrier.arrive $0xFFFF;
	(pc) =	sbr.rel @p0 .LBB2_1-.Ltmp4, $4  }
0xac: {  	[hbm:s13], [sflag:s9] =	dma.local [spmem:s15], $0x2780  }
0xad: {  	_ =	swait.ge [sflag:s16], $0x2780  }
0xae: {  	[sflag:s16] =	ssyncset.done $0x0  }
0xaf: {  	[sflag:s16] =	ssyncadd.s32 $0xFFFFD880  }
0xb0: {  	_ =	sfence.sel $0x180000  }
0xb1: {  	[bflag:$0x0] =	sbarrier.arrive $0xFFFF  }
0xb2: {  	_ =	strace $0x9000004D  }
0xb3: {  	s0 =	stileid.u32;
	[bflag:$0x2] =	sbarrier.arrive $0xFFFF  }
0xb4: {  	p0 =	sne.s32 s0, $0x0;
	s0 =	rddreg [dreg:$0x3]  }
0xb5: {  	s0 =	sadd.s32 @!p0 $0x100000, s0  }
0xb6: {  	[sflag:s0] =	ssyncadd.tile.s32 @!p0 $0x1;
	_ =	shalt  }
.Lfunc_end2:
_tile_overlayer_lowered:
.L_overlay_start_2:
0xb7: {  	(tag) =	ssettag $0x2  }
0xb8: {  	s0 =	rddreg [dreg:$0x0];
	s2 =	stileid.u32  }
0xb9: {  	s1 =	rddreg [dreg:$0x1];
	p0 =	sne.s32 s2, $0x0  }
0xba: {  	s3 =	rddreg [dreg:$0x2];
	[bflag:$0x3] =	sbarrier.arrive $0xFFFF;
	s2 =	simm.s32 @!p0 $0x1C05  }
0xbb: {  	[timem:s3], [sflag:s2] =	dma.local @!p0 [hbm:s0], s1  }
0xbc: {  	s0 =	simm.s32 @!p0 $0x5  }
0xbd: {  	_ =	swait.ge @!p0 [sflag:s0], s1  }
0xbe: {  	s1 =	ssub.s32 @!p0 $0x0, s1;
	[sflag:s0] =	ssyncset.done @!p0 $0x0  }
0xbf: {  	[sflag:s0] =	ssyncadd.s32 @!p0 s1  }
0xc0: {  	[bflag:$0x3] =	sbarrier.arrive $0xFFFF  }
0xc1: {  	_ =	shalt  }

// kernel: kernel.19.cloned.1.call-start
scs
__scs_entry_jumppad:
0x0: {  	(pc) =	sbr.rel $0x88, $3  }
0x1: {  	(tag) =	ssettag $0x0;
	lr =	simm.s32 $0x1  }
0x2: {  	[smem:$0x3F92] =	sst lr;
	_ =	strace $0xD0000000  }
0x3: {  	_ = 	snop  }
0x4: {  	_ = 	snop  }
0x5: {  	_ = 	snop  }
0x6: {  	_ = 	snop  }
0x7: {  	_ = 	snop  }
__scs_overlays_trampoline_lowered:
0x8: {  	[smem:$0x3FA1] =	sst s0  }
0x9: {  	[smem:$0x3FA2] =	sst s1  }
0xa: {  	[smem:$0x3FA3] =	sst s2  }
0xb: {  	[smem:$0x3FA4] =	sst s3  }
0xc: {  	[smem:$0x3FA5] =	sst s4  }
0xd: {  	[smem:$0x3FA6] =	sst s5  }
0xe: {  	[smem:$0x3FA7] =	sst s6  }
0xf: {  	[smem:$0x3FA8] =	sst s7  }
0x10: {  	[smem:$0x3FA9] =	sst s8  }
0x11: {  	[smem:$0x3FAA] =	sst s9;
	s0 =	simm.s32 @!p0 $0x0  }
0x12: {  	s1 =	sld [smem:$0x3F90];
	s0 =	simm.s32 @p0 $0x1  }
0x13: {  	[smem:$0x3FAB] =	sst s0;
	s0 =	simm.s32 @!p1 $0x0  }
0x14: {  	s2 =	sld [smem:$0x3F8F];
	s0 =	simm.s32 @p1 $0x1  }
0x15: {  	[smem:$0x3FAC] =	sst s0;
	s0 =	simm.s32 @!p2 $0x0  }
0x16: {  	s3 =	sld [smem:$0x3FDB];
	s0 =	simm.s32 @p2 $0x1  }
0x17: {  	s4 =	simm.s32 $0x1BF5;
	[smem:$0x3FAE] =	sst s0  }
0x18: {  	s0 =	sld [smem:$0x3F91];
	_ =	swait.ge [sflag:s4], $0x0  }
0x19: {  	s7 =	sld [smem:$0x3F92]  }
0x1a: {  	s8 =	sadd.s32 $0xFFFFE003, lr  }
0x1b: {  	s9 =	sadd.s32 $0xFFFFFEF7, lr;
	s5 =	simm.s32 $0xFFFFFFFF;
	p2 =	slt.u32 s8, $0xFFFFF086  }
0x1c: {  	p1 =	slt.u32 s9, $0xF7A;
	s5 =	simm.s32 @!p2 $0x0  }
0x1d: {  	s5 =	simm.s32 @p1 $0x1;
	p0 =	seq.s32 s7, s2  }
0x1e: {  	s7 =	smul.u32 @!p0 $0xF7A, s2;
	p2 =	seq.s32 @!p0 s5, $0x0  }
0x1f: {  	s9 =	smul.u32 $0xF7A, s1;
	s8 =	simm.s32 @!p0 $0x1BF5;
	p2 =	por !p2, p0  }
0x20: {  	[sflag:s8] =	ssyncset.s32 @!p0 $0xFFFFF086;
	s6 =	sadd.s32 @!p0 s3, s7;
	s7 =	simm.s32 @!p0 $0x108  }
0x21: {  	s3 =	sadd.s32 s3, s9;
	s6 =	sadd.s32 @!p0 $0x88, s6;
	s7 =	simm.s32 @p2 $0x1082  }
0x22: {  	[simem:s7], [sflag:s8] =	dma.local @!p0 [hbm:s6], $0xF7A  }
0x23: {  	s9 =	sor.u32 $0xD0000000, s2;
	s6 =	simm.s32 $0x108;
	_ =	swait.ge @!p0 [sflag:s8], $0x0  }
0x24: {  	s3 =	sadd.s32 $0x88, s3;
	s6 =	simm.s32 @!p1 $0x1082;
	[sflag:s4] =	ssyncset.s32 $0xFFFFF086  }
0x25: {  	[simem:s6], [sflag:s4] =	dma.local [hbm:s3], $0xF7A  }
0x26: {  	[smem:$0x3F92] =	sst s1;
	(tag) =	ssettag s2;
	_ =	strace s9  }
0x27: {  	s1 =	sld [smem:$0x3FA2]  }
0x28: {  	s2 =	sld [smem:$0x3FA3]  }
0x29: {  	s4 =	sld [smem:$0x3FA5]  }
0x2a: {  	p0 =	seq.s32 s5, $0x0;
	s5 =	sld [smem:$0x3FA6]  }
0x2b: {  	s6 =	sld [smem:$0x3FA7]  }
0x2c: {  	s7 =	sld [smem:$0x3FA8]  }
0x2d: {  	s3 =	simm.s32 $0x108;
	s8 =	sld [smem:$0x3FA9]  }
0x2e: {  	s3 =	simm.s32 @!p0 $0x1082;
	s9 =	sld [smem:$0x3FAA]  }
0x2f: {  	lr =	sadd.s32 s0, s3;
	s0 =	sld [smem:$0x3FA1]  }
0x30: {  	s3 =	sld [smem:$0x3FA4]  }
0x31: {  	[smem:$0x3FAD] =	sst s10  }
0x32: {  	s10 =	sld [smem:$0x3FAB];
	_ =	sdelay $0x3  }
0x33: {  	p0 =	seq.s32 s10, $0x1;
	s10 =	sld [smem:$0x3FAD];
	_ =	sdelay $0x3  }
0x34: {  	[smem:$0x3FAD] =	sst s10  }
0x35: {  	s10 =	sld [smem:$0x3FAC];
	_ =	sdelay $0x3  }
0x36: {  	p1 =	seq.s32 s10, $0x1;
	s10 =	sld [smem:$0x3FAD];
	_ =	sdelay $0x3  }
0x37: {  	[smem:$0x3FAD] =	sst s10  }
0x38: {  	s10 =	sld [smem:$0x3FAE]  }
0x39: {  	_ = 	snop;
	(pc) =	sbr.ind lr, $3  }
0x3a: {  	_ = 	snop  }
0x3b: {  	_ = 	snop  }
0x3c: {  	p2 =	seq.s32 s10, $0x1;
	s10 =	sld [smem:$0x3FAD]  }
0x3d: {  	_ =	shalt  }
0x3e: {  	_ =	shalt  }
0x3f: {  	_ =	shalt  }
0x40: {  	_ =	shalt  }
0x41: {  	_ =	shalt  }
0x42: {  	_ =	shalt  }
0x43: {  	_ =	shalt  }
0x44: {  	_ =	shalt  }
0x45: {  	_ =	shalt  }
0x46: {  	_ =	shalt  }
0x47: {  	_ =	shalt  }
0x48: {  	_ =	shalt  }
0x49: {  	_ =	shalt  }
0x4a: {  	_ =	shalt  }
0x4b: {  	_ =	shalt  }
0x4c: {  	_ =	shalt  }
0x4d: {  	_ =	shalt  }
0x4e: {  	_ =	shalt  }
0x4f: {  	_ =	shalt  }
0x50: {  	_ =	shalt  }
0x51: {  	_ =	shalt  }
0x52: {  	_ =	shalt  }
0x53: {  	_ =	shalt  }
0x54: {  	_ =	shalt  }
0x55: {  	_ =	shalt  }
0x56: {  	_ =	shalt  }
0x57: {  	_ =	shalt  }
0x58: {  	_ =	shalt  }
0x59: {  	_ =	shalt  }
0x5a: {  	_ =	shalt  }
0x5b: {  	_ =	shalt  }
0x5c: {  	_ =	shalt  }
0x5d: {  	_ =	shalt  }
0x5e: {  	_ =	shalt  }
0x5f: {  	_ =	shalt  }
0x60: {  	_ =	shalt  }
0x61: {  	_ =	shalt  }
0x62: {  	_ =	shalt  }
0x63: {  	_ =	shalt  }
0x64: {  	_ =	shalt  }
0x65: {  	_ =	shalt  }
0x66: {  	_ =	shalt  }
0x67: {  	_ =	shalt  }
0x68: {  	_ =	shalt  }
0x69: {  	_ =	shalt  }
0x6a: {  	_ =	shalt  }
0x6b: {  	_ =	shalt  }
0x6c: {  	_ =	shalt  }
0x6d: {  	_ =	shalt  }
0x6e: {  	_ =	shalt  }
0x6f: {  	_ =	shalt  }
0x70: {  	_ =	shalt  }
0x71: {  	_ =	shalt  }
0x72: {  	_ =	shalt  }
0x73: {  	_ =	shalt  }
0x74: {  	_ =	shalt  }
0x75: {  	_ =	shalt  }
0x76: {  	_ =	shalt  }
0x77: {  	_ =	shalt  }
0x78: {  	_ =	shalt  }
0x79: {  	_ =	shalt  }
0x7a: {  	_ =	shalt  }
0x7b: {  	_ =	shalt  }
0x7c: {  	_ =	shalt  }
0x7d: {  	_ =	shalt  }
0x7e: {  	_ =	shalt  }
0x7f: {  	_ =	shalt  }
0x80: {  	_ =	shalt  }
0x81: {  	_ =	shalt  }
0x82: {  	_ =	shalt  }
0x83: {  	_ =	shalt  }
0x84: {  	_ =	shalt  }
0x85: {  	_ =	shalt  }
0x86: {  	_ =	shalt  }
0x87: {  	_ =	shalt  }
.Lfunc_end0:
.L_simem_size_0:
called_computation.3_lowered:
.L_overlay_start_0:
0x88: {  	s2 =	sld [smem:$0x3FD9]  }
0x89: {  	s3 =	sld [smem:$0x3FFE];
	_ =	sdelay $0x1  }
0x8a: {  	s1 =	srdreg.scid  }
0x8b: {  	s0 =	sand.u32 $0x1, s1  }
0x8c: {  	s16 =	sshll.u32 s0, $0xA;
	s2 =	sadd.s32 s3, s2  }
0x8d: {  	s2 =	sadd.s32 s2, s16  }
0x8e: {  	[smem:$0x3FB9] =	sst s2  }
0x8f: {  	_ = 	snop  }
0x90: {  	(tm) =	ssettm $0x1  }
0x91: {  	s17 =	sld [smem:$0x3FFB];
	_ =	sdelay $0x3  }
0x92: {  	_ =	strace s17  }
0x93: {  	s2 =	sld [smem:$0x3FFC];
	_ =	sdelay $0x3  }
0x94: {  	_ =	strace s2  }
0x95: {  	s2 =	sld [smem:$0x3FFD];
	_ =	sdelay $0x3  }
0x96: {  	_ =	strace s2  }
0x97: {  	_ =	strace $0x8FFFFFFF  }
0x98: {  	s18 =	sld [smem:$0x3FDB];
	_ =	sdelay $0x1  }
0x99: {  	s19 =	simm.s32 $_scs_section_size  }
0x9a: {  	s4 =	simm.s32 $_size__tile_overlayer_lowered;
	s5 =	simm.s32 $_tile_overlayer_lowered  }
0x9b: {  	s22 =	simm.s32 $0x1BFF;
	s21 =	sshll.u32 s5, $0x1;
	s2 =	sadd.s32 s19, s18  }
0x9c: {  	s6 =	simm.s32 $0x0;
	s20 =	sshll.u32 s4, $0x1;
	s4 =	sadd.s32 s21, s2  }
0x9d: {  	[timem:s6], [sflag:s22] =	dma.local [hbm:s4], s20  }
0x9e: {  	_ =	swait.ge [sflag:s22], s20  }
0x9f: {  	s3 =	ssub.s32 $0x0, s20;
	[sflag:s22] =	ssyncset.done $0x0  }
0xa0: {  	[sflag:s22] =	ssyncadd.s32 s3;
	_ =	sdelay $0x1  }
0xa1: {  	s23 =	simm.s32 $0x1B8B  }
0xa2: {  	_ =	swait.ge [sflag:s23], $0x1  }
0xa3: {  	[sflag:s23] =	ssyncset.done $0x0  }
0xa4: {  	s25 =	simm.s32 $0x1B8E;
	s24 =	sld [smem:$0x3FFE];
	[sflag:s23] =	ssyncadd.s32 $0xFFFFFFFF  }
0xa5: {  	s26 =	simm.s32 $execute0_lowered;
	[smem:$0x3FD2] =	sst s25  }
0xa6: {  	s4 =	sshll.u32 s26, $0x1;
	_ =	strace $0x8000004F;
	[dreg:$0x1] =	wrdreg $0xFFFFFFFF  }
0xa7: {  	s28 =	simm.s32 $_size_execute0_lowered;
	s2 =	sadd.s32 s2, s4;
	[dreg:$0x0] =	wrdreg $0x0  }
0xa8: {  	s4 =	sshll.u32 s28, $0x1;
	[dreg:$0x2] =	wrdreg s2  }
0xa9: {  	[dreg:$0x3] =	wrdreg s4  }
0xaa: {  	[dreg:$0x4] =	wrdreg $0xC0  }
0xab: {  	_ =	task [dreg:s6], $0x5FFFF  }
0xac: {  	[dreg:$0x1] =	wrdreg $0xFFFFFFFF  }
0xad: {  	[dreg:$0x0] =	wrdreg $0x60  }
0xae: {  	[dreg:$0x2] =	wrdreg s24  }
0xaf: {  	[dreg:$0x3] =	wrdreg $0x0  }
0xb0: {  	[dreg:$0x4] =	wrdreg $0x9C600  }
0xb1: {  	[dreg:$0x5] =	wrdreg $0x9  }
0xb2: {  	_ =	task.clear_ibuf [dreg:s6], $0x6FFFF;
	_ =	strace $0x9000004F  }
0xb3: {  	s29 =	simm.s32 $0x9;
	_ =	strace $0x80000051  }
0xb4: {  	_ =	swait.ge [sflag:s29], $0x1  }
0xb5: {  	[sflag:s29] =	ssyncadd.s32 $0xFFFFFFFF  }
0xb6: {  	_ =	strace $0x90000051  }
0xb7: {  	_ =	sfence  }
0xb8: {  	s30 =	sld [smem:$0x0];
	_ =	sdelay $0x2  }
0xb9: {  	s31 =	sshll.u32 s1, $0xD;
	s1 =	sshrl.u32 s1, $0x2  }
0xba: {  	s3 =	sand.u32 $0x4000, s31;
	s1 =	sadd.s32 s1, s30  }
0xbb: {  	s0 =	sor.u32 s3, s0;
	s1 =	sshll.u32 s1, $0x11  }
0xbc: {  	s0 =	sor.u32 s1, s0  }
0xbd: {  	s0 =	sadd.s32 $0x8F2B, s0  }
0xbe: {  	[sflag:s0] =	ssyncadd.remote.s32 $0x1  }
0xbf: {  	_ =	sfence.sel $0xFFFF  }
0xc0: {  	[dreg:$0x0] =	wrdreg $0xFFFFFFFF;
	(pc) =	sbr.abs _section_cstart, $3  }
0xc1: {  	[dreg:$0x1] =	wrdreg $0xFFFFFFFF  }
0xc2: {  	_ =	task.clear_ibuf [dreg:s6], $0x2FFFF;
	_ =	strace $0x9FFFFFFF  }
0xc3: {  	(tm) =	ssettm $0x7FFFFFFF  }
tec
execute0_lowered:
.L_overlay_start_1:
0x0: {  	(tag) =	ssettag $0x1  }
0x1: {  	s0 =	rddreg [dreg:$0x0]  }
0x2: {  	s1 =	rddreg [dreg:$0x1]  }
0x3: {  	s2 =	rddreg [dreg:$0x2]  }
0x4: {  	s3 =	simm.s32 $0x0;
	s4 =	srdreg.scid;
	s13 =	stileid.u32  }
0x5: {  	s16 =	simm.s32 $0x5;
	s18 =	simm.s32 $0x138C0;
	s19 =	simm.s32 $0x14CC0  }
0x6: {  	s20 =	simm.s32 $0x80;
	s21 =	simm.s32 $0x160C0;
	s22 =	simm.s32 $0x13940  }
0x7: {  	s23 =	simm.s32 $0x1A0C0;
	s28 =	simm.s32 $0x4;
	s29 =	simm.s32 $0x15FC0  }
0x8: {  	s30 =	simm.s32 $0x16040;
	[smem:$0x7FF] =	sst s3;
	s5 =	sadd.s32 $0xD400, s0  }
0x9: {  	s6 =	sadd.s32 $0x3400, s0;
	s10 =	sadd.s32 $0x19C00, s0;
	s4 =	sand.u32 $0x1, s4  }
0xa: {  	s8 =	smul.u32 $0x278, s13;
	s7 =	sadd.s32 $0x17400, s0;
	s0 =	sadd.s32 $0xB6000, s0  }
0xb: {  	s25 =	sshll.u32 s13, $0x6;
	_ =	strace $0x80000050;
	s9 =	ssub.s32 $0x2, s4  }
0xc: {  	s4 =	smul.u32 $0x4E20, s4;
	s11 =	sshrl.u32 s9, $0x1;
	s12 =	smin.u32 s8, $0x2498  }
0xd: {  	s8 =	smul.u32 $0xA0, s13;
	s14 =	ssub.s32 s9, s11;
	s24 =	sshll.u32 s12, $0x7  }
0xe: {  	s4 =	sadd.s32 s4, s12;
	s9 =	sor.u32 $0x1C05, s25;
	s25 =	simm.s32 $0x3  }
0xf: {  	s15 =	sadd.s32 s24, s1;
	s17 =	sadd.s32 s24, s2;
	s4 =	sshll.u32 s4, $0x4  }
0x10: {  	s14 =	smax.u32 s14, $0x1;
	s24 =	simm.s32 $0x1;
	s26 =	sadd.s32 s10, s4  }
0x11: {  	s31 =	sadd.s32 s0, s4;
	s4 =	sadd.s32 $0x27100, s4;
	[dreg:$0x4] =	wrdreg s26  }
0x12: {  	s15 =	sshrl.u32 s15, $0x3;
	s17 =	sshrl.u32 s17, $0x3;
	[dreg:$0x5] =	wrdreg s31  }
0x13: {  	s12 =	sadd.s32 s10, s4;
	s13 =	sadd.s32 s0, s4;
	s26 =	simm.s32 $0x2  }
.LBB2_1:
0x14: {  	[spmem:s15], [sflag:s9] =	dma.local [hbm:s7], $0x2780  }
0x15: {  	_ =	swait.ge [sflag:s16], $0x2780  }
0x16: {  	[sflag:s16] =	ssyncset.done $0x0  }
0x17: {  	s0 =	rddreg [dreg:$0x4];
	[sflag:s16] =	ssyncadd.s32 $0xFFFFD880  }
0x18: {  	[spmem:s17], [sflag:s9] =	dma.local [hbm:s0], $0x2780  }
0x19: {  	_ =	swait.ge [sflag:s16], $0x2780  }
0x1a: {  	[sflag:s16] =	ssyncset.done $0x0  }
0x1b: {  	[sflag:s16] =	ssyncadd.s32 $0xFFFFD880  }
0x1c: {  	s31 =	simm.s32 $0x0;
	[bflag:$0x0] =	sbarrier.arrive $0xFFFF  }
.LBB2_2:
0x1d: {  	s0 =	smul.u32 $0x28, s31;
	_ =	sdelay $0x1  }
0x1e: {  	s0 =	sadd.s32 s8, s0  }
0x1f: {  	s0 =	sshll.u32 s0, $0x4  }
0x20: {  	s10 =	simm.s32 $0x0;
	s4 =	sadd.s32 s5, s0  }
0x21: {  	[tilespmem:s18], [sflag:$0x5] =	stream.linear.gather [hbm4b:s4+s10], $0x1400, $0x38;
	[tilespmem:$0x1E0C0] =	vst v63  }
0x22: {  	_ =	swait.ge [sflag:s16], $0x1400  }
0x23: {  	[sflag:s16] =	ssyncset.done $0x0  }
0x24: {  	s0 =	sadd.s32 s6, s0;
	[sflag:s16] =	ssyncadd.s32 $0xFFFFEC00  }
0x25: {  	[tilespmem:s19], [sflag:$0x5] =	stream.linear.gather [hbm4b:s0+s10], $0x1400, $0x38;
	[tilespmem:$0x1E0C0] =	vst v63  }
0x26: {  	_ =	swait.ge [sflag:s16], $0x1400  }
0x27: {  	[sflag:s16] =	ssyncset.done $0x0  }
0x28: {  	[sflag:s16] =	ssyncadd.s32 $0xFFFFEC00  }
0x29: {  	[tilespmem:s21], [sflag:$0x1] =	stream.indirect.gather [spmem:s2], $0x40, s18, s20, $0xb8;
	[tilespmem:$0x1E0C0] =	vst v63  }
0x2a: {  	_ = 	snop  }
0x2b: {  	[tilespmem:s23], [sflag:$0x2] =	stream.indirect.gather [spmem:s2], $0x40, s22, s20, $0xb8;
	[tilespmem:$0x1E0C0] =	vst v63  }
0x2c: {  	_ =	swait.ge [sflag:s24], $0x2000  }
0x2d: {  	[sflag:s24] =	ssyncset.done $0x0  }
0x2e: {  	s4 =	simm.s32 $0x14CC0;
	[sflag:s24] =	ssyncadd.s32 $0xFFFFE000  }
0x2f: {  	[spmem:s1] =	stream.indirect.scatter.add.f32 [tilespmem:s21], [sflag:$0x3], $0x40, s4, s20, $0xb8;
	[tilespmem:$0x1E0C0] =	vst v63  }
0x30: {  	_ =	swait.ge [sflag:s25], $0x2000  }
0x31: {  	[sflag:s25] =	ssyncset.done $0x0  }
0x32: {  	s10 =	simm.s32 $0x139C0;
	[sflag:s25] =	ssyncadd.s32 $0xFFFFE000  }
0x33: {  	[tilespmem:s21], [sflag:$0x1] =	stream.indirect.gather [spmem:s2], $0x40, s10, s20, $0xb8;
	[tilespmem:$0x1E0C0] =	vst v63  }
0x34: {  	_ =	swait.ge [sflag:s26], $0x2000  }
0x35: {  	[sflag:s26] =	ssyncset.done $0x0  }
0x36: {  	s11 =	simm.s32 $0x14D40;
	[sflag:s26] =	ssyncadd.s32 $0xFFFFE000  }
0x37: {  	[spmem:s1] =	stream.indirect.scatter.add.f32 [tilespmem:s23], [sflag:$0x4], $0x40, s11, s20, $0xb8;
	[tilespmem:$0x1E0C0] =	vst v63  }
0x38: {  	_ =	swait.ge [sflag:s28], $0x2000  }
0x39: {  	[sflag:s28] =	ssyncset.done $0x0  }
0x3a: {  	s0 =	simm.s32 $0x400;
	s4 =	simm.s32 $0x13A40;
	[sflag:s28] =	ssyncadd.s32 $0xFFFFE000  }
.LBB2_3:
0x3b: {  	[tilespmem:s23], [sflag:$0x2] =	stream.indirect.gather [spmem:s2], $0x40, s4, s20, $0xb8;
	[tilespmem:$0x1E0C0] =	vst v63  }
0x3c: {  	s4 =	smov.u32 s0  }
0x3d: {  	p0 =	sne.s32 s0, $0x4800;
	s0 =	sadd.s32 $0x400, s0;
	_ =	swait.ge [sflag:s24], $0x2000  }
0x3e: {  	s4 =	sshra.s32 s4, $0x2;
	[sflag:s24] =	ssyncset.done $0x0  }
0x3f: {  	s10 =	sadd.s32 $0x14CC0, s4;
	[sflag:s24] =	ssyncadd.s32 $0xFFFFE000  }
0x40: {  	[spmem:s1] =	stream.indirect.scatter.add.f32 [tilespmem:s21], [sflag:$0x3], $0x40, s10, s20, $0xb8;
	[tilespmem:$0x1E0C0] =	vst v63  }
0x41: {  	_ =	swait.ge [sflag:s25], $0x2000  }
0x42: {  	[sflag:s25] =	ssyncset.done $0x0  }
0x43: {  	s10 =	sadd.s32 $0x139C0, s4;
	[sflag:s25] =	ssyncadd.s32 $0xFFFFE000  }
0x44: {  	[tilespmem:s21], [sflag:$0x1] =	stream.indirect.gather [spmem:s2], $0x40, s10, s20, $0xb8;
	[tilespmem:$0x1E0C0] =	vst v63  }
0x45: {  	_ =	swait.ge [sflag:s26], $0x2000  }
0x46: {  	[sflag:s26] =	ssyncset.done $0x0  }
.Ltmp0:
0x47: {  	s10 =	sadd.s32 $0x14D40, s4;
	[sflag:s26] =	ssyncadd.s32 $0xFFFFE000;
	(pc) =	sbr.rel @p0 .LBB2_3-.Ltmp0, $4  }
0x48: {  	[spmem:s1] =	stream.indirect.scatter.add.f32 [tilespmem:s23], [sflag:$0x4], $0x40, s10, s20, $0xb8;
	[tilespmem:$0x1E0C0] =	vst v63  }
0x49: {  	_ =	swait.ge [sflag:s28], $0x2000  }
0x4a: {  	[sflag:s28] =	ssyncset.done $0x0  }
0x4b: {  	s4 =	sadd.s32 $0x13A40, s4;
	[sflag:s28] =	ssyncadd.s32 $0xFFFFE000  }
0x4c: {  	[tilespmem:s23], [sflag:$0x2] =	stream.indirect.gather [spmem:s2], $0x40, s4, s20, $0xb8;
	[tilespmem:$0x1E0C0] =	vst v63  }
0x4d: {  	_ =	swait.ge [sflag:s24], $0x2000  }
0x4e: {  	[sflag:s24] =	ssyncset.done $0x0  }
0x4f: {  	[sflag:s24] =	ssyncadd.s32 $0xFFFFE000  }
0x50: {  	[spmem:s1] =	stream.indirect.scatter.add.f32 [tilespmem:s21], [sflag:$0x3], $0x40, s29, s20, $0xb8;
	[tilespmem:$0x1E0C0] =	vst v63  }
0x51: {  	_ =	swait.ge [sflag:s26], $0x2000  }
0x52: {  	[sflag:s26] =	ssyncset.done $0x0  }
0x53: {  	s31 =	sadd.s32 $0x1, s31;
	[sflag:s26] =	ssyncadd.s32 $0xFFFFE000  }
0x54: {  	[spmem:s1] =	stream.indirect.scatter.add.f32 [tilespmem:s23], [sflag:$0x4], $0x40, s30, s20, $0xb8;
	[tilespmem:$0x1E0C0] =	vst v63  }
0x55: {  	p0 =	sne.s32 s31, $0x4;
	_ =	swait.ge [sflag:s25], $0x2000  }
.Ltmp1:
0x56: {  	[sflag:s25] =	ssyncset.done $0x0;
	(pc) =	sbr.rel @p0 .LBB2_2-.Ltmp1, $4  }
0x57: {  	[sflag:s25] =	ssyncadd.s32 $0xFFFFE000  }
0x58: {  	_ =	swait.ge [sflag:s28], $0x2000  }
0x59: {  	[sflag:s28] =	ssyncset.done $0x0  }
0x5a: {  	[sflag:s28] =	ssyncadd.s32 $0xFFFFE000  }
0x5b: {  	[bflag:$0x0] =	sbarrier.arrive $0xFFFF  }
0x5c: {  	s0 =	rddreg [dreg:$0x5]  }
0x5d: {  	[hbm:s0], [sflag:s9] =	dma.local [spmem:s15], $0x2780  }
0x5e: {  	_ =	swait.ge [sflag:s16], $0x2780  }
0x5f: {  	[sflag:s16] =	ssyncset.done $0x0  }
0x60: {  	[sflag:s16] =	ssyncadd.s32 $0xFFFFD880  }
0x61: {  	[bflag:$0x0] =	sbarrier.arrive $0xFFFF  }
0x62: {  	[spmem:s15], [sflag:s9] =	dma.local [hbm:s7], $0x2780  }
0x63: {  	_ =	swait.ge [sflag:s16], $0x2780  }
0x64: {  	[sflag:s16] =	ssyncset.done $0x0  }
0x65: {  	[sflag:s16] =	ssyncadd.s32 $0xFFFFD880  }
0x66: {  	[spmem:s17], [sflag:s9] =	dma.local [hbm:s12], $0x2780  }
0x67: {  	_ =	swait.ge [sflag:s16], $0x2780  }
0x68: {  	[sflag:s16] =	ssyncset.done $0x0  }
0x69: {  	[sflag:s16] =	ssyncadd.s32 $0xFFFFD880  }
0x6a: {  	s31 =	simm.s32 $0x0;
	s0 =	simm.s32 $0x0;
	[bflag:$0x0] =	sbarrier.arrive $0xFFFF  }
.LBB2_6:
0x6b: {  	s4 =	smul.u32 $0x28, s0;
	_ =	sdelay $0x1  }
0x6c: {  	s4 =	sadd.s32 s8, s4  }
0x6d: {  	s4 =	sshll.u32 s4, $0x4  }
0x6e: {  	s10 =	sadd.s32 s5, s4  }
0x6f: {  	[tilespmem:s18], [sflag:$0x5] =	stream.linear.gather [hbm4b:s10+s31], $0x1400, $0x38;
	[tilespmem:$0x1E0C0] =	vst v63  }
0x70: {  	_ =	swait.ge [sflag:s16], $0x1400  }
0x71: {  	[sflag:s16] =	ssyncset.done $0x0  }
0x72: {  	s4 =	sadd.s32 s6, s4;
	[sflag:s16] =	ssyncadd.s32 $0xFFFFEC00  }
0x73: {  	[tilespmem:s19], [sflag:$0x5] =	stream.linear.gather [hbm4b:s4+s31], $0x1400, $0x38;
	[tilespmem:$0x1E0C0] =	vst v63  }
0x74: {  	_ =	swait.ge [sflag:s16], $0x1400  }
0x75: {  	[sflag:s16] =	ssyncset.done $0x0  }
0x76: {  	[sflag:s16] =	ssyncadd.s32 $0xFFFFEC00  }
0x77: {  	[tilespmem:s21], [sflag:$0x1] =	stream.indirect.gather [spmem:s2], $0x40, s18, s20, $0xb8;
	[tilespmem:$0x1E0C0] =	vst v63  }
0x78: {  	_ = 	snop  }
0x79: {  	[tilespmem:s23], [sflag:$0x2] =	stream.indirect.gather [spmem:s2], $0x40, s22, s20, $0xb8;
	[tilespmem:$0x1E0C0] =	vst v63  }
0x7a: {  	_ =	swait.ge [sflag:s24], $0x2000  }
0x7b: {  	[sflag:s24] =	ssyncset.done $0x0  }
0x7c: {  	s11 =	simm.s32 $0x14CC0;
	[sflag:s24] =	ssyncadd.s32 $0xFFFFE000  }
0x7d: {  	[spmem:s1] =	stream.indirect.scatter.add.f32 [tilespmem:s21], [sflag:$0x3], $0x40, s11, s20, $0xb8;
	[tilespmem:$0x1E0C0] =	vst v63  }
0x7e: {  	_ =	swait.ge [sflag:s25], $0x2000  }
0x7f: {  	[sflag:s25] =	ssyncset.done $0x0  }
0x80: {  	s10 =	simm.s32 $0x139C0;
	[sflag:s25] =	ssyncadd.s32 $0xFFFFE000  }
0x81: {  	[tilespmem:s21], [sflag:$0x1] =	stream.indirect.gather [spmem:s2], $0x40, s10, s20, $0xb8;
	[tilespmem:$0x1E0C0] =	vst v63  }
0x82: {  	_ =	swait.ge [sflag:s26], $0x2000  }
0x83: {  	[sflag:s26] =	ssyncset.done $0x0  }
0x84: {  	s11 =	simm.s32 $0x14D40;
	[sflag:s26] =	ssyncadd.s32 $0xFFFFE000  }
0x85: {  	[spmem:s1] =	stream.indirect.scatter.add.f32 [tilespmem:s23], [sflag:$0x4], $0x40, s11, s20, $0xb8;
	[tilespmem:$0x1E0C0] =	vst v63  }
0x86: {  	_ =	swait.ge [sflag:s28], $0x2000  }
0x87: {  	[sflag:s28] =	ssyncset.done $0x0  }
0x88: {  	s4 =	simm.s32 $0x400;
	s10 =	simm.s32 $0x13A40;
	[sflag:s28] =	ssyncadd.s32 $0xFFFFE000  }
.LBB2_7:
0x89: {  	[tilespmem:s23], [sflag:$0x2] =	stream.indirect.gather [spmem:s2], $0x40, s10, s20, $0xb8;
	[tilespmem:$0x1E0C0] =	vst v63  }
0x8a: {  	s10 =	smov.u32 s4  }
0x8b: {  	p0 =	sne.s32 s4, $0x4800;
	s4 =	sadd.s32 $0x400, s4;
	_ =	swait.ge [sflag:s24], $0x2000  }
0x8c: {  	s10 =	sshra.s32 s10, $0x2;
	[sflag:s24] =	ssyncset.done $0x0  }
0x8d: {  	s11 =	sadd.s32 $0x14CC0, s10;
	[sflag:s24] =	ssyncadd.s32 $0xFFFFE000  }
0x8e: {  	[spmem:s1] =	stream.indirect.scatter.add.f32 [tilespmem:s21], [sflag:$0x3], $0x40, s11, s20, $0xb8;
	[tilespmem:$0x1E0C0] =	vst v63  }
0x8f: {  	_ =	swait.ge [sflag:s25], $0x2000  }
0x90: {  	[sflag:s25] =	ssyncset.done $0x0  }
0x91: {  	s11 =	sadd.s32 $0x139C0, s10;
	[sflag:s25] =	ssyncadd.s32 $0xFFFFE000  }
0x92: {  	[tilespmem:s21], [sflag:$0x1] =	stream.indirect.gather [spmem:s2], $0x40, s11, s20, $0xb8;
	[tilespmem:$0x1E0C0] =	vst v63  }
0x93: {  	_ =	swait.ge [sflag:s26], $0x2000  }
0x94: {  	[sflag:s26] =	ssyncset.done $0x0  }
.Ltmp2:
0x95: {  	s11 =	sadd.s32 $0x14D40, s10;
	[sflag:s26] =	ssyncadd.s32 $0xFFFFE000;
	(pc) =	sbr.rel @p0 .LBB2_7-.Ltmp2, $4  }
0x96: {  	[spmem:s1] =	stream.indirect.scatter.add.f32 [tilespmem:s23], [sflag:$0x4], $0x40, s11, s20, $0xb8;
	[tilespmem:$0x1E0C0] =	vst v63  }
0x97: {  	_ =	swait.ge [sflag:s28], $0x2000  }
0x98: {  	[sflag:s28] =	ssyncset.done $0x0  }
0x99: {  	s10 =	sadd.s32 $0x13A40, s10;
	[sflag:s28] =	ssyncadd.s32 $0xFFFFE000  }
0x9a: {  	[tilespmem:s23], [sflag:$0x2] =	stream.indirect.gather [spmem:s2], $0x40, s10, s20, $0xb8;
	[tilespmem:$0x1E0C0] =	vst v63  }
0x9b: {  	_ =	swait.ge [sflag:s24], $0x2000  }
0x9c: {  	[sflag:s24] =	ssyncset.done $0x0  }
0x9d: {  	[sflag:s24] =	ssyncadd.s32 $0xFFFFE000  }
0x9e: {  	[spmem:s1] =	stream.indirect.scatter.add.f32 [tilespmem:s21], [sflag:$0x3], $0x40, s29, s20, $0xb8;
	[tilespmem:$0x1E0C0] =	vst v63  }
0x9f: {  	_ =	swait.ge [sflag:s26], $0x2000  }
0xa0: {  	[sflag:s26] =	ssyncset.done $0x0  }
0xa1: {  	s0 =	sadd.s32 $0x1, s0;
	[sflag:s26] =	ssyncadd.s32 $0xFFFFE000  }
0xa2: {  	[spmem:s1] =	stream.indirect.scatter.add.f32 [tilespmem:s23], [sflag:$0x4], $0x40, s30, s20, $0xb8;
	[tilespmem:$0x1E0C0] =	vst v63  }
0xa3: {  	p0 =	sne.s32 s0, $0x4;
	_ =	swait.ge [sflag:s25], $0x2000  }
.Ltmp3:
0xa4: {  	[sflag:s25] =	ssyncset.done $0x0;
	(pc) =	sbr.rel @p0 .LBB2_6-.Ltmp3, $4  }
0xa5: {  	[sflag:s25] =	ssyncadd.s32 $0xFFFFE000  }
0xa6: {  	_ =	swait.ge [sflag:s28], $0x2000  }
0xa7: {  	[sflag:s28] =	ssyncset.done $0x0  }
0xa8: {  	[sflag:s28] =	ssyncadd.s32 $0xFFFFE000  }
0xa9: {  	s3 =	sadd.s32 $0x1, s3  }
0xaa: {  	p0 =	sne.s32 s3, s14  }
.Ltmp4:
0xab: {  	[bflag:$0x0] =	sbarrier.arrive $0xFFFF;
	(pc) =	sbr.rel @p0 .LBB2_1-.Ltmp4, $4  }
0xac: {  	[hbm:s13], [sflag:s9] =	dma.local [spmem:s15], $0x2780  }
0xad: {  	_ =	swait.ge [sflag:s16], $0x2780  }
0xae: {  	[sflag:s16] =	ssyncset.done $0x0  }
0xaf: {  	[sflag:s16] =	ssyncadd.s32 $0xFFFFD880  }
0xb0: {  	_ =	sfence.sel $0x180000  }
0xb1: {  	[bflag:$0x0] =	sbarrier.arrive $0xFFFF  }
0xb2: {  	_ =	strace $0x90000050  }
0xb3: {  	s0 =	stileid.u32;
	[bflag:$0x2] =	sbarrier.arrive $0xFFFF  }
0xb4: {  	p0 =	sne.s32 s0, $0x0;
	s0 =	rddreg [dreg:$0x3]  }
0xb5: {  	s0 =	sadd.s32 @!p0 $0x100000, s0  }
0xb6: {  	[sflag:s0] =	ssyncadd.tile.s32 @!p0 $0x1;
	_ =	shalt  }
.Lfunc_end2:
_tile_overlayer_lowered:
.L_overlay_start_2:
0xb7: {  	(tag) =	ssettag $0x2  }
0xb8: {  	s0 =	rddreg [dreg:$0x0];
	s2 =	stileid.u32  }
0xb9: {  	s1 =	rddreg [dreg:$0x1];
	p0 =	sne.s32 s2, $0x0  }
0xba: {  	s3 =	rddreg [dreg:$0x2];
	[bflag:$0x3] =	sbarrier.arrive $0xFFFF;
	s2 =	simm.s32 @!p0 $0x1C05  }
0xbb: {  	[timem:s3], [sflag:s2] =	dma.local @!p0 [hbm:s0], s1  }
0xbc: {  	s0 =	simm.s32 @!p0 $0x5  }
0xbd: {  	_ =	swait.ge @!p0 [sflag:s0], s1  }
0xbe: {  	s1 =	ssub.s32 @!p0 $0x0, s1;
	[sflag:s0] =	ssyncset.done @!p0 $0x0  }
0xbf: {  	[sflag:s0] =	ssyncadd.s32 @!p0 s1  }
0xc0: {  	[bflag:$0x3] =	sbarrier.arrive $0xFFFF  }
0xc1: {  	_ =	shalt  }

</sc_bundles>
